<compile_context>
chip_gen: v7x
topology: tpu7x:2x2x1
jax: 0.10.2.dev20260603
libtpu: 0.0.44.dev20260713+nightly
codegen_flags: <defaults>
</compile_context>

<pallas_src>
import functools

import jax
import jax.numpy as jnp
from jax import lax
from jax.experimental import pallas as pl
from jax.experimental.pallas import tpu as pltpu
from jax.experimental.pallas import tpu_sc as plsc

from jax._src.pallas.mosaic import core as _tpu_core
from jax._src.pallas.mosaic import lowering as _tpu_lowering

for _p, _rule in (
    (lax.sqrt_p, _tpu_lowering._sqrt_lowering_rule),
    (lax.rsqrt_p, _tpu_lowering._rsqrt_lowering_rule),
):
    _tpu_lowering.lowering_rules[_tpu_core.CoreType.SC_VECTOR_SUBCORE].setdefault(
        _p, _rule)

EPS = 1e-06

B = 32
L = 16384
N = 16384
CH = 1024
LB = CH // 128
GROUPS = CH // 16
NCHUNK = L // CH


def _inv_den(s):
    return 1.0 / (lax.sqrt(s) + EPS)


def _frame_body(idx_hbm, pts_hbm, mask_hbm, f_hbm, m_hbm,
                tbl_v, idx_v, msk_v, out_v, mout_v,
                sem_in0, sem_in1, sem_out0, sem_out1):
    nc = 2
    wid = lax.axis_index("s") * nc + lax.axis_index("c")
    bb = wid // 8
    bi = wid % 8
    sem_in = (sem_in0, sem_in1)
    sem_out = (sem_out0, sem_out1)

    pltpu.sync_copy(pts_hbm.at[:, bb, :, bi, :], tbl_v)
    tbl2 = tbl_v.reshape(3, N)
    c0v = jnp.zeros((16,), jnp.int32)
    c1v = jnp.full((16,), 1, jnp.int32)
    c2v = jnp.full((16,), 2, jnp.int32)

    def start_in(t, s):
        return (
            pltpu.make_async_copy(
                idx_hbm.at[:, bb, pl.ds(t * LB, LB), bi, :],
                idx_v.at[s], sem_in[s]),
            pltpu.make_async_copy(
                mask_hbm.at[bb, pl.ds(t * LB, LB), bi, :],
                msk_v.at[s], sem_in[s]),
        )

    def start_out(t, s):
        return (
            pltpu.make_async_copy(
                out_v.at[s], f_hbm.at[wid, :, pl.ds(t * 4 * LB, 4 * LB), :],
                sem_out[s]),
            pltpu.make_async_copy(
                mout_v.at[s], m_hbm.at[wid, pl.ds(t * 4 * LB, 4 * LB), :],
                sem_out[s]),
        )

    def do_chunk(s):
        idx2 = idx_v.at[s].reshape(3, CH)
        msk2 = msk_v.at[s].reshape(1, CH)
        out2 = out_v.at[s].reshape(3, 4 * CH)
        mout2 = mout_v.at[s].reshape(1, 4 * CH)

        @plsc.parallel_loop(0, GROUPS, unroll=4)
        def group(g):
            lbl = lax.shift_right_logical(g, 3)
            fbase = lbl * 128 + (g & 7) * 16
            i0 = idx2[0, pl.ds(fbase, 16)]
            i1 = idx2[1, pl.ds(fbase, 16)]
            i2 = idx2[2, pl.ds(fbase, 16)]
            mv = msk2[0, pl.ds(fbase, 16)]

            p0x = plsc.load_gather(tbl2, [c0v, i0])
            p0y = plsc.load_gather(tbl2, [c1v, i0])
            p0z = plsc.load_gather(tbl2, [c2v, i0])
            p1x = plsc.load_gather(tbl2, [c0v, i1])
            p1y = plsc.load_gather(tbl2, [c1v, i1])
            p1z = plsc.load_gather(tbl2, [c2v, i1])
            p2x = plsc.load_gather(tbl2, [c0v, i2])
            p2y = plsc.load_gather(tbl2, [c1v, i2])
            p2z = plsc.load_gather(tbl2, [c2v, i2])

            dx, dy, dz = p1x - p0x, p1y - p0y, p1z - p0z
            ex, ey, ez = p2x - p0x, p2y - p0y, p2z - p0z

            inv = _inv_den(dx * dx + dy * dy + dz * dz)
            azx = dx * inv
            azy = dy * inv
            azz = (dz + EPS) * inv

            cxx = azy * ez - azz * ey
            cxy = azz * ex - azx * ez
            cxz = azx * ey - azy * ex
            inv = _inv_den(cxx * cxx + cxy * cxy + cxz * cxz)
            ayx = cxx * inv
            ayy = (cxy + EPS) * inv
            ayz = cxz * inv

            bxx = ayy * azz - ayz * azy
            bxy = ayz * azx - ayx * azz
            bxz = ayx * azy - ayy * azx
            inv = _inv_den(bxx * bxx + bxy * bxy + bxz * bxz)
            axx = (bxx + EPS) * inv
            axy = bxy * inv
            axz = bxz * inv

            ob = lbl * 512 + (g & 7) * 16
            out2[0, pl.ds(ob, 16)] = p0x
            out2[0, pl.ds(ob + 128, 16)] = axx
            out2[0, pl.ds(ob + 256, 16)] = ayx
            out2[0, pl.ds(ob + 384, 16)] = azx
            out2[1, pl.ds(ob, 16)] = p0y
            out2[1, pl.ds(ob + 128, 16)] = axy
            out2[1, pl.ds(ob + 256, 16)] = ayy
            out2[1, pl.ds(ob + 384, 16)] = azy
            out2[2, pl.ds(ob, 16)] = p0z
            out2[2, pl.ds(ob + 128, 16)] = axz
            out2[2, pl.ds(ob + 256, 16)] = ayz
            out2[2, pl.ds(ob + 384, 16)] = azz

            mout2[0, pl.ds(ob, 16)] = mv
            mout2[0, pl.ds(ob + 128, 16)] = mv
            mout2[0, pl.ds(ob + 256, 16)] = mv
            mout2[0, pl.ds(ob + 384, 16)] = mv

    for cp in start_in(0, 0):
        cp.start()

    @pl.loop(0, NCHUNK // 2)
    def pair(u):
        t0 = u * 2
        t1 = t0 + 1

        for cp in start_in(t1, 1):
            cp.start()
        for cp in start_in(t0, 0):
            cp.wait()

        @pl.when(u > 0)
        def _():
            for cp in start_out(0, 0):
                cp.wait()

        do_chunk(0)
        for cp in start_out(t0, 0):
            cp.start()

        @pl.when(u < NCHUNK // 2 - 1)
        def _():
            for cp in start_in(t0 + 2, 0):
                cp.start()

        for cp in start_in(t1, 1):
            cp.wait()

        @pl.when(u > 0)
        def _():
            for cp in start_out(1, 1):
                cp.wait()

        do_chunk(1)
        for cp in start_out(t1, 1):
            cp.start()

    for s in range(2):
        for cp in start_out(0, s):
            cp.wait()


_mesh = plsc.VectorSubcoreMesh(core_axis_name="c", subcore_axis_name="s")

_frame_call = functools.partial(
    pl.kernel,
    mesh=_mesh,
    compiler_params=pltpu.CompilerParams(needs_layout_passes=False),
    out_type=[
        jax.ShapeDtypeStruct((B, 3, L // 128 * 4, 128), jnp.float32),
        jax.ShapeDtypeStruct((B, L // 128 * 4, 128), jnp.float32),
    ],
    scratch_types=[
        pltpu.VMEM((3, 128, 128), jnp.float32),
        pltpu.VMEM((2, 3, LB, 128), jnp.int32),
        pltpu.VMEM((2, LB, 128), jnp.float32),
        pltpu.VMEM((2, 3, 4 * LB, 128), jnp.float32),
        pltpu.VMEM((2, 4 * LB, 128), jnp.float32),
        pltpu.SemaphoreType.DMA,
        pltpu.SemaphoreType.DMA,
        pltpu.SemaphoreType.DMA,
        pltpu.SemaphoreType.DMA,
    ],
)(_frame_body)


def kernel(frame_indices, point_clouds, mask):
    idx5 = frame_indices.transpose(2, 0, 1).reshape(3, 4, 8, 128, 128)
    idx5 = idx5.transpose(0, 1, 3, 2, 4)
    pts5 = point_clouds.transpose(2, 0, 1).reshape(3, 4, 8, 128, 128)
    pts5 = pts5.transpose(0, 1, 3, 2, 4)
    m5 = mask.reshape(4, 8, 128, 128).transpose(0, 2, 1, 3)

    f4, m4 = _frame_call(idx5, pts5, m5)

    frames = f4.reshape(B, 3, 128, 4, 128).transpose(0, 2, 4, 3, 1)
    frames = frames.reshape(B, L, 4, 3)
    mask_out = m4.reshape(B, 128, 4, 128).transpose(0, 1, 3, 2)
    mask_out = mask_out.reshape(B, L, 4)
    return frames, mask_out

# --- scband reference (transcript-rebuilt; emitter-appended) ---
"""Pipeline reference for scband-frame-builder-18090402250762 (READ-ONLY COPY).

The authoritative reference and input builder live on the scoring server;
editing this copy changes nothing except your own understanding.
"""

import jax, jax.numpy as jnp
import numpy as np

EPS = 1e-06


def _gather(points, triplets, axis_i):
    # points: [B, N, 3]; triplets: [B, L, K]; returns points gathered at triplets[..., axis_i] -> [B, L, 3]
    idx = triplets[..., axis_i]
    idx3 = jnp.broadcast_to(idx[..., None], idx.shape + (points.shape[-1],))
    return jnp.take_along_axis(points, idx3, axis=1)


def _slice_computation(points, triplets, axis_i, axis_j=None):
    g_i = _gather(points, triplets, axis_i)
    if axis_j is None:
        return g_i
    return g_i - _gather(points, triplets, axis_j)


def setup_inputs(seed: int = 0) -> dict:
    key = jax.random.key(seed)
    k1, k2 = jax.random.split(key, 2)
    B, L, N = 32, 16384, 16384
    frame_indices = jax.random.randint(k1, (B, L, 3), 0, N).astype(jnp.int32)
    point_clouds = jax.random.normal(k2, (B, N, 3), dtype=jnp.float32)
    mask = jnp.ones((1, B, L), dtype=jnp.float32)
    return {"frame_indices": frame_indices, "point_clouds": point_clouds, "mask": mask}


def reference(frame_indices, point_clouds, mask):
    # order='1', dipole=False
    x_ax = jnp.array([[1.0, 0.0, 0.0]], dtype=jnp.float32)
    y_ax = jnp.array([[0.0, 1.0, 0.0]], dtype=jnp.float32)
    z_ax = jnp.array([[0.0, 0.0, 1.0]], dtype=jnp.float32)
    N = point_clouds.shape[-2]
    triplets = jnp.clip(frame_indices, 0, N - 1)
    delta_10 = _slice_computation(point_clouds, triplets, 1, 0)
    delta_20 = _slice_computation(point_clouds, triplets, 2, 0)
    centers = _slice_computation(point_clouds, triplets, 0)
    axis_z = (delta_10 + EPS * z_ax[None]) / (jnp.sqrt(jnp.sum(delta_10 ** 2, axis=-1, keepdims=True)) + EPS)
    axis_y = jnp.cross(axis_z, delta_20)
    axis_y = (axis_y + EPS * y_ax[None]) / (jnp.sqrt(jnp.sum(axis_y ** 2, axis=-1, keepdims=True)) + EPS)
    axis_x = jnp.cross(axis_y, axis_z)
    axis_x = (axis_x + EPS * x_ax[None]) / (jnp.sqrt(jnp.sum(axis_x ** 2, axis=-1, keepdims=True)) + EPS)
    frames = jnp.stack([centers, axis_x, axis_y, axis_z], axis=-2)
    # compute_mask: mask[0] -> [B, L]; unsqueeze -> [B, L, 1]; repeat to [B, L, 4]
    m = mask[0][..., None]
    mask_out = jnp.tile(m, (1, 1, 4))
    return (frames, mask_out)

if __name__ == "__main__":
    import jax
    _d = setup_inputs()
    print(jax.jit(kernel)(*tuple(_d.values())))

</pallas_src>

<mosaic_0001>
#map = affine_map<(d0, d1) -> (0, 0, 0, 0, 0)>
#map1 = affine_map<(d0, d1) -> (0, 0, 0, 0)>
#map2 = affine_map<(d0, d1) -> (0, 0, 0)>
module attributes {stable_mosaic.version = 14 : i64} {
  func.func @_frame_body(%arg0: i32, %arg1: i32, %arg2: memref<3x4x128x8x128xi32, #tpu.memory_space<hbm>>, %arg3: memref<3x4x128x8x128xf32, #tpu.memory_space<hbm>>, %arg4: memref<4x128x8x128xf32, #tpu.memory_space<hbm>>, %arg5: memref<32x3x512x128xf32, #tpu.memory_space<hbm>>, %arg6: memref<32x512x128xf32, #tpu.memory_space<hbm>>, %arg7: memref<3x128x128xf32, #tpu.memory_space<vmem>>, %arg8: memref<2x3x8x128xi32, #tpu.memory_space<vmem>>, %arg9: memref<2x8x128xf32, #tpu.memory_space<vmem>>, %arg10: memref<2x3x32x128xf32, #tpu.memory_space<vmem>>, %arg11: memref<2x32x128xf32, #tpu.memory_space<vmem>>, %arg12: memref<!tpu.dma_semaphore, #tpu.memory_space<semaphore_mem>>, %arg13: memref<!tpu.dma_semaphore, #tpu.memory_space<semaphore_mem>>, %arg14: memref<!tpu.dma_semaphore, #tpu.memory_space<semaphore_mem>>, %arg15: memref<!tpu.dma_semaphore, #tpu.memory_space<semaphore_mem>>) attributes {dimension_semantics = [#tpu.dimension_semantics<core_parallel>, #tpu.dimension_semantics<subcore_parallel>], iteration_bounds = array<i64: 2, 16>, scalar_prefetch = 0 : i64, scratch_operands = 9 : i64, tpu.core_type = #tpu.core_type<sc_vector_subcore>, window_params = [{transform_indices = #map}, {transform_indices = #map}, {transform_indices = #map1}, {transform_indices = #map1}, {transform_indices = #map2}]} {
    %mul3A = arith.constant 2 : i32
    %mul3A_0 = arith.muli %arg1, %mul3A : i32
    %add3A = arith.addi %mul3A_0, %arg0 : i32
    %jit3A = arith.constant 8 : i32
    %div3A = arith.divsi %add3A, %jit3A : i32
    %sign3A = arith.constant 0 : i32
    %sign3A_1 = arith.cmpi sgt, %add3A, %sign3A : i32
    %sign3A_2 = arith.extui %sign3A_1 : i1 to i32
    %sign3A_3 = arith.constant 0 : i32
    %sign3A_4 = arith.cmpi slt, %add3A, %sign3A_3 : i32
    %sign3A_5 = arith.extui %sign3A_4 : i1 to i32
    %sign3A_6 = arith.subi %sign3A_2, %sign3A_5 : i32
    %sign3A_7 = arith.constant 0 : i32
    %sign3A_8 = arith.cmpi sgt, %jit3A, %sign3A_7 : i32
    %sign3A_9 = arith.extui %sign3A_8 : i1 to i32
    %sign3A_10 = arith.constant 0 : i32
    %sign3A_11 = arith.cmpi slt, %jit3A, %sign3A_10 : i32
    %sign3A_12 = arith.extui %sign3A_11 : i1 to i32
    %sign3A_13 = arith.subi %sign3A_9, %sign3A_12 : i32
    %ne3A = arith.cmpi ne, %sign3A_6, %sign3A_13 : i32
    %rem3A = arith.remsi %add3A, %jit3A : i32
    %ne3A_14 = arith.constant 0 : i32
    %ne3A_15 = arith.cmpi ne, %rem3A, %ne3A_14 : i32
    %and3A = arith.andi %ne3A, %ne3A_15 : i1
    %sub3A = arith.constant 1 : i32
    %sub3A_16 = arith.subi %div3A, %sub3A : i32
    %select_n3A = arith.select %and3A, %sub3A_16, %div3A : i32
    %jit3A_17 = arith.constant 8 : i32
    %eq3A = arith.constant 0 : i32
    %eq3A_18 = arith.cmpi eq, %jit3A_17, %eq3A : i32
    %jit3A_19 = arith.constant 1 : i32
    %select_n3A_20 = arith.select %eq3A_18, %jit3A_19, %jit3A_17 : i32
    %rem3A_21 = arith.remsi %add3A, %select_n3A_20 : i32
    %ne3A_22 = arith.constant 0 : i32
    %ne3A_23 = arith.cmpi ne, %rem3A_21, %ne3A_22 : i32
    %lt3A = arith.constant 0 : i32
    %lt3A_24 = arith.cmpi slt, %rem3A_21, %lt3A : i32
    %lt3A_25 = arith.constant 0 : i32
    %lt3A_26 = arith.cmpi slt, %select_n3A_20, %lt3A_25 : i32
    %ne3A_27 = arith.xori %lt3A_24, %lt3A_26 : i1
    %and3A_28 = arith.andi %ne3A_27, %ne3A_23 : i1
    %add3A_29 = arith.addi %rem3A_21, %select_n3A_20 : i32
    %select_n3A_30 = arith.select %and3A_28, %add3A_29, %rem3A_21 : i32
    "tpu.region"() ({
      %run_scoped3A = tpu.sem_alloc : memref<!tpu.dma_semaphore, #tpu.memory_space<semaphore_mem>>
      %dma_start3A_152 = arith.constant 0 : i32
      %dma_start3A_153 = arith.constant 0 : i32
      %dma_start3A_154 = arith.constant 0 : i32
      %dma_start3A_155 = tpu.memref_slice %arg3[%dma_start3A_152, %select_n3A, %dma_start3A_153, %select_n3A_30, %dma_start3A_154] : memref<3x4x128x8x128xf32, #tpu.memory_space<hbm>> -> memref<3x1x128x1x128xf32, #tpu.memory_space<hbm>>
      %dma_start3A_156 = tpu.memref_squeeze %dma_start3A_155 : memref<3x1x128x1x128xf32, #tpu.memory_space<hbm>> -> memref<3x128x128xf32, #tpu.memory_space<hbm>>
      %dma_start3A_157 = arith.constant 0 : i32
      %dma_start3A_158 = arith.constant 0 : i32
      %dma_start3A_159 = arith.constant 0 : i32
      %dma_start3A_160 = tpu.memref_slice %arg3[%dma_start3A_157, %select_n3A, %dma_start3A_158, %select_n3A_30, %dma_start3A_159] : memref<3x4x128x8x128xf32, #tpu.memory_space<hbm>> -> memref<3x1x128x1x128xf32, #tpu.memory_space<hbm>>
      %dma_start3A_161 = tpu.memref_squeeze %dma_start3A_160 : memref<3x1x128x1x128xf32, #tpu.memory_space<hbm>> -> memref<3x128x128xf32, #tpu.memory_space<hbm>>
      tpu.enqueue_dma source(%dma_start3A_161 : memref<3x128x128xf32, #tpu.memory_space<hbm>>) target(%arg7 : memref<3x128x128xf32, #tpu.memory_space<vmem>>) target_semaphore(%run_scoped3A : memref<!tpu.dma_semaphore, #tpu.memory_space<semaphore_mem>>)
      %dma_wait3A_162 = arith.constant 0 : i32
      %dma_wait3A_163 = arith.constant 0 : i32
      %dma_wait3A_164 = arith.constant 0 : i32
      %dma_wait3A_165 = tpu.memref_slice %arg3[%dma_wait3A_162, %select_n3A, %dma_wait3A_163, %select_n3A_30, %dma_wait3A_164] : memref<3x4x128x8x128xf32, #tpu.memory_space<hbm>> -> memref<3x1x128x1x128xf32, #tpu.memory_space<hbm>>
      %dma_wait3A_166 = tpu.memref_squeeze %dma_wait3A_165 : memref<3x1x128x1x128xf32, #tpu.memory_space<hbm>> -> memref<3x128x128xf32, #tpu.memory_space<hbm>>
      %dma_wait3A_167 = arith.constant 0 : i32
      %dma_wait3A_168 = arith.constant 0 : i32
      %dma_wait3A_169 = arith.constant 0 : i32
      %dma_wait3A_170 = tpu.memref_slice %arg3[%dma_wait3A_167, %select_n3A, %dma_wait3A_168, %select_n3A_30, %dma_wait3A_169] : memref<3x4x128x8x128xf32, #tpu.memory_space<hbm>> -> memref<3x1x128x1x128xf32, #tpu.memory_space<hbm>>
      %dma_wait3A_171 = tpu.memref_squeeze %dma_wait3A_170 : memref<3x1x128x1x128xf32, #tpu.memory_space<hbm>> -> memref<3x128x128xf32, #tpu.memory_space<hbm>>
      tpu.wait_dma2 semaphore(%run_scoped3A : memref<!tpu.dma_semaphore, #tpu.memory_space<semaphore_mem>>) src(%dma_wait3A_171 : memref<3x128x128xf32, #tpu.memory_space<hbm>>) dst(%arg7 : memref<3x128x128xf32, #tpu.memory_space<vmem>>)
      tpu.yield
    }) : () -> ()
    %broadcast_in_dim3A = arith.constant 0 : i32
    %broadcast_in_dim3A_31 = vector.broadcast %broadcast_in_dim3A : i32 to vector<16xi32>
    %broadcast_in_dim3A_32 = arith.constant 1 : i32
    %broadcast_in_dim3A_33 = vector.broadcast %broadcast_in_dim3A_32 : i32 to vector<16xi32>
    %broadcast_in_dim3A_34 = arith.constant 2 : i32
    %broadcast_in_dim3A_35 = vector.broadcast %broadcast_in_dim3A_34 : i32 to vector<16xi32>
    %dma_start3A = arith.constant 0 : i32
    %dma_start3A_36 = arith.constant 0 : i32
    %dma_start3A_37 = arith.constant 0 : i32
    %dma_start3A_38 = arith.constant 0 : i32
    %dma_start3A_39 = tpu.memref_slice %arg8[%dma_start3A, %dma_start3A_36, %dma_start3A_37, %dma_start3A_38] : memref<2x3x8x128xi32, #tpu.memory_space<vmem>> -> memref<1x3x8x128xi32, #tpu.memory_space<vmem>>
    %dma_start3A_40 = tpu.memref_squeeze %dma_start3A_39 : memref<1x3x8x128xi32, #tpu.memory_space<vmem>> -> memref<3x8x128xi32, #tpu.memory_space<vmem>>
    %dma_start3A_41 = arith.constant 0 : i32
    %dma_start3A_42 = arith.constant 0 : i32
    %dma_start3A_43 = arith.constant 0 : i32
    %dma_start3A_44 = tpu.memref_slice %arg2[%dma_start3A_41, %select_n3A, %dma_start3A_42, %select_n3A_30, %dma_start3A_43] : memref<3x4x128x8x128xi32, #tpu.memory_space<hbm>> -> memref<3x1x8x1x128xi32, #tpu.memory_space<hbm>>
    %dma_start3A_45 = tpu.memref_squeeze %dma_start3A_44 : memref<3x1x8x1x128xi32, #tpu.memory_space<hbm>> -> memref<3x8x128xi32, #tpu.memory_space<hbm>>
    %dma_start3A_46 = arith.constant 0 : i32
    %dma_start3A_47 = arith.constant 0 : i32
    %dma_start3A_48 = arith.constant 0 : i32
    %dma_start3A_49 = tpu.memref_slice %arg8[%dma_start3A, %dma_start3A_46, %dma_start3A_47, %dma_start3A_48] : memref<2x3x8x128xi32, #tpu.memory_space<vmem>> -> memref<1x3x8x128xi32, #tpu.memory_space<vmem>>
    %dma_start3A_50 = tpu.memref_squeeze %dma_start3A_49 : memref<1x3x8x128xi32, #tpu.memory_space<vmem>> -> memref<3x8x128xi32, #tpu.memory_space<vmem>>
    %dma_start3A_51 = arith.constant 0 : i32
    %dma_start3A_52 = arith.constant 0 : i32
    %dma_start3A_53 = arith.constant 0 : i32
    %dma_start3A_54 = tpu.memref_slice %arg2[%dma_start3A_51, %select_n3A, %dma_start3A_52, %select_n3A_30, %dma_start3A_53] : memref<3x4x128x8x128xi32, #tpu.memory_space<hbm>> -> memref<3x1x8x1x128xi32, #tpu.memory_space<hbm>>
    %dma_start3A_55 = tpu.memref_squeeze %dma_start3A_54 : memref<3x1x8x1x128xi32, #tpu.memory_space<hbm>> -> memref<3x8x128xi32, #tpu.memory_space<hbm>>
    tpu.enqueue_dma source(%dma_start3A_55 : memref<3x8x128xi32, #tpu.memory_space<hbm>>) target(%dma_start3A_50 : memref<3x8x128xi32, #tpu.memory_space<vmem>>) target_semaphore(%arg12 : memref<!tpu.dma_semaphore, #tpu.memory_space<semaphore_mem>>)
    %dma_start3A_56 = arith.constant 0 : i32
    %dma_start3A_57 = arith.constant 0 : i32
    %dma_start3A_58 = arith.constant 0 : i32
    %dma_start3A_59 = tpu.memref_slice %arg9[%dma_start3A_56, %dma_start3A_57, %dma_start3A_58] : memref<2x8x128xf32, #tpu.memory_space<vmem>> -> memref<1x8x128xf32, #tpu.memory_space<vmem>>
    %dma_start3A_60 = tpu.memref_squeeze %dma_start3A_59 : memref<1x8x128xf32, #tpu.memory_space<vmem>> -> memref<8x128xf32, #tpu.memory_space<vmem>>
    %dma_start3A_61 = arith.constant 0 : i32
    %dma_start3A_62 = arith.constant 0 : i32
    %dma_start3A_63 = tpu.memref_slice %arg4[%select_n3A, %dma_start3A_61, %select_n3A_30, %dma_start3A_62] : memref<4x128x8x128xf32, #tpu.memory_space<hbm>> -> memref<1x8x1x128xf32, #tpu.memory_space<hbm>>
    %dma_start3A_64 = tpu.memref_squeeze %dma_start3A_63 : memref<1x8x1x128xf32, #tpu.memory_space<hbm>> -> memref<8x128xf32, #tpu.memory_space<hbm>>
    %dma_start3A_65 = arith.constant 0 : i32
    %dma_start3A_66 = arith.constant 0 : i32
    %dma_start3A_67 = tpu.memref_slice %arg9[%dma_start3A_56, %dma_start3A_65, %dma_start3A_66] : memref<2x8x128xf32, #tpu.memory_space<vmem>> -> memref<1x8x128xf32, #tpu.memory_space<vmem>>
    %dma_start3A_68 = tpu.memref_squeeze %dma_start3A_67 : memref<1x8x128xf32, #tpu.memory_space<vmem>> -> memref<8x128xf32, #tpu.memory_space<vmem>>
    %dma_start3A_69 = arith.constant 0 : i32
    %dma_start3A_70 = arith.constant 0 : i32
    %dma_start3A_71 = tpu.memref_slice %arg4[%select_n3A, %dma_start3A_69, %select_n3A_30, %dma_start3A_70] : memref<4x128x8x128xf32, #tpu.memory_space<hbm>> -> memref<1x8x1x128xf32, #tpu.memory_space<hbm>>
    %dma_start3A_72 = tpu.memref_squeeze %dma_start3A_71 : memref<1x8x1x128xf32, #tpu.memory_space<hbm>> -> memref<8x128xf32, #tpu.memory_space<hbm>>
    tpu.enqueue_dma source(%dma_start3A_72 : memref<8x128xf32, #tpu.memory_space<hbm>>) target(%dma_start3A_68 : memref<8x128xf32, #tpu.memory_space<vmem>>) target_semaphore(%arg12 : memref<!tpu.dma_semaphore, #tpu.memory_space<semaphore_mem>>)
    %scan3A = arith.constant 0 : i32
    %scan3A_73 = arith.constant 8 : i32
    %scan3A_74 = arith.addi %scan3A, %scan3A_73 : i32
    %scan3A_75 = arith.constant 1 : i32
    scf.for %scan3A_152 = %scan3A to %scan3A_74 step %scan3A_75  : i32 {
      %mul3A_153 = arith.constant 1 : i32
      %mul3A_154 = arith.muli %scan3A_152, %mul3A_153 : i32
      %add3A_155 = arith.constant 0 : i32
      %add3A_156 = arith.addi %add3A_155, %mul3A_154 : i32
      %mul3A_157 = arith.constant 2 : i32
      %mul3A_158 = arith.muli %add3A_156, %mul3A_157 : i32
      %add3A_159 = arith.constant 1 : i32
      %add3A_160 = arith.addi %mul3A_158, %add3A_159 : i32
      %mul3A_161 = arith.constant 8 : i32
      %mul3A_162 = arith.muli %add3A_160, %mul3A_161 : i32
      %mul3A_163 = arith.constant 8 : i32
      %mul3A_164 = arith.muli %add3A_160, %mul3A_163 : i32
      %dma_start3A_165 = arith.constant 1 : i32
      %dma_start3A_166 = arith.constant 0 : i32
      %dma_start3A_167 = arith.constant 0 : i32
      %dma_start3A_168 = arith.constant 0 : i32
      %dma_start3A_169 = tpu.memref_slice %arg8[%dma_start3A_165, %dma_start3A_166, %dma_start3A_167, %dma_start3A_168] : memref<2x3x8x128xi32, #tpu.memory_space<vmem>> -> memref<1x3x8x128xi32, #tpu.memory_space<vmem>>
      %dma_start3A_170 = tpu.memref_squeeze %dma_start3A_169 : memref<1x3x8x128xi32, #tpu.memory_space<vmem>> -> memref<3x8x128xi32, #tpu.memory_space<vmem>>
      %dma_start3A_171 = arith.constant 0 : i32
      %dma_start3A_172 = arith.constant 0 : i32
      %dma_start3A_173 = tpu.memref_slice %arg2[%dma_start3A_171, %select_n3A, %mul3A_162, %select_n3A_30, %dma_start3A_172] : memref<3x4x128x8x128xi32, #tpu.memory_space<hbm>> -> memref<3x1x8x1x128xi32, #tpu.memory_space<hbm>>
      %dma_start3A_174 = tpu.memref_squeeze %dma_start3A_173 : memref<3x1x8x1x128xi32, #tpu.memory_space<hbm>> -> memref<3x8x128xi32, #tpu.memory_space<hbm>>
      %dma_start3A_175 = arith.constant 0 : i32
      %dma_start3A_176 = arith.constant 0 : i32
      %dma_start3A_177 = arith.constant 0 : i32
      %dma_start3A_178 = tpu.memref_slice %arg8[%dma_start3A_165, %dma_start3A_175, %dma_start3A_176, %dma_start3A_177] : memref<2x3x8x128xi32, #tpu.memory_space<vmem>> -> memref<1x3x8x128xi32, #tpu.memory_space<vmem>>
      %dma_start3A_179 = tpu.memref_squeeze %dma_start3A_178 : memref<1x3x8x128xi32, #tpu.memory_space<vmem>> -> memref<3x8x128xi32, #tpu.memory_space<vmem>>
      %dma_start3A_180 = arith.constant 0 : i32
      %dma_start3A_181 = arith.constant 0 : i32
      %dma_start3A_182 = tpu.memref_slice %arg2[%dma_start3A_180, %select_n3A, %mul3A_162, %select_n3A_30, %dma_start3A_181] : memref<3x4x128x8x128xi32, #tpu.memory_space<hbm>> -> memref<3x1x8x1x128xi32, #tpu.memory_space<hbm>>
      %dma_start3A_183 = tpu.memref_squeeze %dma_start3A_182 : memref<3x1x8x1x128xi32, #tpu.memory_space<hbm>> -> memref<3x8x128xi32, #tpu.memory_space<hbm>>
      tpu.enqueue_dma source(%dma_start3A_183 : memref<3x8x128xi32, #tpu.memory_space<hbm>>) target(%dma_start3A_179 : memref<3x8x128xi32, #tpu.memory_space<vmem>>) target_semaphore(%arg13 : memref<!tpu.dma_semaphore, #tpu.memory_space<semaphore_mem>>)
      %dma_start3A_184 = arith.constant 1 : i32
      %dma_start3A_185 = arith.constant 0 : i32
      %dma_start3A_186 = arith.constant 0 : i32
      %dma_start3A_187 = tpu.memref_slice %arg9[%dma_start3A_184, %dma_start3A_185, %dma_start3A_186] : memref<2x8x128xf32, #tpu.memory_space<vmem>> -> memref<1x8x128xf32, #tpu.memory_space<vmem>>
      %dma_start3A_188 = tpu.memref_squeeze %dma_start3A_187 : memref<1x8x128xf32, #tpu.memory_space<vmem>> -> memref<8x128xf32, #tpu.memory_space<vmem>>
      %dma_start3A_189 = arith.constant 0 : i32
      %dma_start3A_190 = tpu.memref_slice %arg4[%select_n3A, %mul3A_164, %select_n3A_30, %dma_start3A_189] : memref<4x128x8x128xf32, #tpu.memory_space<hbm>> -> memref<1x8x1x128xf32, #tpu.memory_space<hbm>>
      %dma_start3A_191 = tpu.memref_squeeze %dma_start3A_190 : memref<1x8x1x128xf32, #tpu.memory_space<hbm>> -> memref<8x128xf32, #tpu.memory_space<hbm>>
      %dma_start3A_192 = arith.constant 0 : i32
      %dma_start3A_193 = arith.constant 0 : i32
      %dma_start3A_194 = tpu.memref_slice %arg9[%dma_start3A_184, %dma_start3A_192, %dma_start3A_193] : memref<2x8x128xf32, #tpu.memory_space<vmem>> -> memref<1x8x128xf32, #tpu.memory_space<vmem>>
      %dma_start3A_195 = tpu.memref_squeeze %dma_start3A_194 : memref<1x8x128xf32, #tpu.memory_space<vmem>> -> memref<8x128xf32, #tpu.memory_space<vmem>>
      %dma_start3A_196 = arith.constant 0 : i32
      %dma_start3A_197 = tpu.memref_slice %arg4[%select_n3A, %mul3A_164, %select_n3A_30, %dma_start3A_196] : memref<4x128x8x128xf32, #tpu.memory_space<hbm>> -> memref<1x8x1x128xf32, #tpu.memory_space<hbm>>
      %dma_start3A_198 = tpu.memref_squeeze %dma_start3A_197 : memref<1x8x1x128xf32, #tpu.memory_space<hbm>> -> memref<8x128xf32, #tpu.memory_space<hbm>>
      tpu.enqueue_dma source(%dma_start3A_198 : memref<8x128xf32, #tpu.memory_space<hbm>>) target(%dma_start3A_195 : memref<8x128xf32, #tpu.memory_space<vmem>>) target_semaphore(%arg13 : memref<!tpu.dma_semaphore, #tpu.memory_space<semaphore_mem>>)
      %mul3A_199 = arith.constant 8 : i32
      %mul3A_200 = arith.muli %mul3A_158, %mul3A_199 : i32
      %mul3A_201 = arith.constant 8 : i32
      %mul3A_202 = arith.muli %mul3A_158, %mul3A_201 : i32
      %dma_wait3A_203 = arith.constant 0 : i32
      %dma_wait3A_204 = arith.constant 0 : i32
      %dma_wait3A_205 = arith.constant 0 : i32
      %dma_wait3A_206 = arith.constant 0 : i32
      %dma_wait3A_207 = tpu.memref_slice %arg8[%dma_wait3A_203, %dma_wait3A_204, %dma_wait3A_205, %dma_wait3A_206] : memref<2x3x8x128xi32, #tpu.memory_space<vmem>> -> memref<1x3x8x128xi32, #tpu.memory_space<vmem>>
      %dma_wait3A_208 = tpu.memref_squeeze %dma_wait3A_207 : memref<1x3x8x128xi32, #tpu.memory_space<vmem>> -> memref<3x8x128xi32, #tpu.memory_space<vmem>>
      %dma_wait3A_209 = arith.constant 0 : i32
      %dma_wait3A_210 = arith.constant 0 : i32
      %dma_wait3A_211 = tpu.memref_slice %arg2[%dma_wait3A_209, %select_n3A, %mul3A_200, %select_n3A_30, %dma_wait3A_210] : memref<3x4x128x8x128xi32, #tpu.memory_space<hbm>> -> memref<3x1x8x1x128xi32, #tpu.memory_space<hbm>>
      %dma_wait3A_212 = tpu.memref_squeeze %dma_wait3A_211 : memref<3x1x8x1x128xi32, #tpu.memory_space<hbm>> -> memref<3x8x128xi32, #tpu.memory_space<hbm>>
      %dma_wait3A_213 = arith.constant 0 : i32
      %dma_wait3A_214 = arith.constant 0 : i32
      %dma_wait3A_215 = arith.constant 0 : i32
      %dma_wait3A_216 = tpu.memref_slice %arg8[%dma_wait3A_203, %dma_wait3A_213, %dma_wait3A_214, %dma_wait3A_215] : memref<2x3x8x128xi32, #tpu.memory_space<vmem>> -> memref<1x3x8x128xi32, #tpu.memory_space<vmem>>
      %dma_wait3A_217 = tpu.memref_squeeze %dma_wait3A_216 : memref<1x3x8x128xi32, #tpu.memory_space<vmem>> -> memref<3x8x128xi32, #tpu.memory_space<vmem>>
      %dma_wait3A_218 = arith.constant 0 : i32
      %dma_wait3A_219 = arith.constant 0 : i32
      %dma_wait3A_220 = tpu.memref_slice %arg2[%dma_wait3A_218, %select_n3A, %mul3A_200, %select_n3A_30, %dma_wait3A_219] : memref<3x4x128x8x128xi32, #tpu.memory_space<hbm>> -> memref<3x1x8x1x128xi32, #tpu.memory_space<hbm>>
      %dma_wait3A_221 = tpu.memref_squeeze %dma_wait3A_220 : memref<3x1x8x1x128xi32, #tpu.memory_space<hbm>> -> memref<3x8x128xi32, #tpu.memory_space<hbm>>
      tpu.wait_dma2 semaphore(%arg12 : memref<!tpu.dma_semaphore, #tpu.memory_space<semaphore_mem>>) src(%dma_wait3A_221 : memref<3x8x128xi32, #tpu.memory_space<hbm>>) dst(%dma_wait3A_217 : memref<3x8x128xi32, #tpu.memory_space<vmem>>)
      %dma_wait3A_222 = arith.constant 0 : i32
      %dma_wait3A_223 = arith.constant 0 : i32
      %dma_wait3A_224 = arith.constant 0 : i32
      %dma_wait3A_225 = tpu.memref_slice %arg9[%dma_wait3A_222, %dma_wait3A_223, %dma_wait3A_224] : memref<2x8x128xf32, #tpu.memory_space<vmem>> -> memref<1x8x128xf32, #tpu.memory_space<vmem>>
      %dma_wait3A_226 = tpu.memref_squeeze %dma_wait3A_225 : memref<1x8x128xf32, #tpu.memory_space<vmem>> -> memref<8x128xf32, #tpu.memory_space<vmem>>
      %dma_wait3A_227 = arith.constant 0 : i32
      %dma_wait3A_228 = tpu.memref_slice %arg4[%select_n3A, %mul3A_202, %select_n3A_30, %dma_wait3A_227] : memref<4x128x8x128xf32, #tpu.memory_space<hbm>> -> memref<1x8x1x128xf32, #tpu.memory_space<hbm>>
      %dma_wait3A_229 = tpu.memref_squeeze %dma_wait3A_228 : memref<1x8x1x128xf32, #tpu.memory_space<hbm>> -> memref<8x128xf32, #tpu.memory_space<hbm>>
      %dma_wait3A_230 = arith.constant 0 : i32
      %dma_wait3A_231 = arith.constant 0 : i32
      %dma_wait3A_232 = tpu.memref_slice %arg9[%dma_wait3A_222, %dma_wait3A_230, %dma_wait3A_231] : memref<2x8x128xf32, #tpu.memory_space<vmem>> -> memref<1x8x128xf32, #tpu.memory_space<vmem>>
      %dma_wait3A_233 = tpu.memref_squeeze %dma_wait3A_232 : memref<1x8x128xf32, #tpu.memory_space<vmem>> -> memref<8x128xf32, #tpu.memory_space<vmem>>
      %dma_wait3A_234 = arith.constant 0 : i32
      %dma_wait3A_235 = tpu.memref_slice %arg4[%select_n3A, %mul3A_202, %select_n3A_30, %dma_wait3A_234] : memref<4x128x8x128xf32, #tpu.memory_space<hbm>> -> memref<1x8x1x128xf32, #tpu.memory_space<hbm>>
      %dma_wait3A_236 = tpu.memref_squeeze %dma_wait3A_235 : memref<1x8x1x128xf32, #tpu.memory_space<hbm>> -> memref<8x128xf32, #tpu.memory_space<hbm>>
      tpu.wait_dma2 semaphore(%arg12 : memref<!tpu.dma_semaphore, #tpu.memory_space<semaphore_mem>>) src(%dma_wait3A_236 : memref<8x128xf32, #tpu.memory_space<hbm>>) dst(%dma_wait3A_233 : memref<8x128xf32, #tpu.memory_space<vmem>>)
      %gt3A = arith.constant 0 : i32
      %gt3A_237 = arith.cmpi sgt, %add3A_156, %gt3A : i32
      %convert_element_type3A = arith.extui %gt3A_237 : i1 to i32
      %cond3A = arith.constant 0 : i32
      %cond3A_238 = arith.cmpi ne, %convert_element_type3A, %cond3A : i32
      scf.if %cond3A_238 {
        %dma_wait3A_384 = arith.constant 0 : i32
        %dma_wait3A_385 = arith.constant 0 : i32
        %dma_wait3A_386 = arith.constant 0 : i32
        %dma_wait3A_387 = arith.constant 0 : i32
        %dma_wait3A_388 = tpu.memref_slice %arg10[%dma_wait3A_384, %dma_wait3A_385, %dma_wait3A_386, %dma_wait3A_387] : memref<2x3x32x128xf32, #tpu.memory_space<vmem>> -> memref<1x3x32x128xf32, #tpu.memory_space<vmem>>
        %dma_wait3A_389 = tpu.memref_squeeze %dma_wait3A_388 : memref<1x3x32x128xf32, #tpu.memory_space<vmem>> -> memref<3x32x128xf32, #tpu.memory_space<vmem>>
        %dma_wait3A_390 = arith.constant 0 : i32
        %dma_wait3A_391 = arith.constant 0 : i32
        %dma_wait3A_392 = arith.constant 0 : i32
        %dma_wait3A_393 = tpu.memref_slice %arg5[%add3A, %dma_wait3A_390, %dma_wait3A_391, %dma_wait3A_392] : memref<32x3x512x128xf32, #tpu.memory_space<hbm>> -> memref<1x3x32x128xf32, #tpu.memory_space<hbm>>
        %dma_wait3A_394 = tpu.memref_squeeze %dma_wait3A_393 : memref<1x3x32x128xf32, #tpu.memory_space<hbm>> -> memref<3x32x128xf32, #tpu.memory_space<hbm>>
        %dma_wait3A_395 = arith.constant 0 : i32
        %dma_wait3A_396 = arith.constant 0 : i32
        %dma_wait3A_397 = arith.constant 0 : i32
        %dma_wait3A_398 = tpu.memref_slice %arg5[%add3A, %dma_wait3A_395, %dma_wait3A_396, %dma_wait3A_397] : memref<32x3x512x128xf32, #tpu.memory_space<hbm>> -> memref<1x3x32x128xf32, #tpu.memory_space<hbm>>
        %dma_wait3A_399 = tpu.memref_squeeze %dma_wait3A_398 : memref<1x3x32x128xf32, #tpu.memory_space<hbm>> -> memref<3x32x128xf32, #tpu.memory_space<hbm>>
        %dma_wait3A_400 = arith.constant 0 : i32
        %dma_wait3A_401 = arith.constant 0 : i32
        %dma_wait3A_402 = arith.constant 0 : i32
        %dma_wait3A_403 = tpu.memref_slice %arg10[%dma_wait3A_384, %dma_wait3A_400, %dma_wait3A_401, %dma_wait3A_402] : memref<2x3x32x128xf32, #tpu.memory_space<vmem>> -> memref<1x3x32x128xf32, #tpu.memory_space<vmem>>
        %dma_wait3A_404 = tpu.memref_squeeze %dma_wait3A_403 : memref<1x3x32x128xf32, #tpu.memory_space<vmem>> -> memref<3x32x128xf32, #tpu.memory_space<vmem>>
        tpu.wait_dma2 semaphore(%arg14 : memref<!tpu.dma_semaphore, #tpu.memory_space<semaphore_mem>>) src(%dma_wait3A_404 : memref<3x32x128xf32, #tpu.memory_space<vmem>>) dst(%dma_wait3A_399 : memref<3x32x128xf32, #tpu.memory_space<hbm>>)
        %dma_wait3A_405 = arith.constant 0 : i32
        %dma_wait3A_406 = arith.constant 0 : i32
        %dma_wait3A_407 = arith.constant 0 : i32
        %dma_wait3A_408 = tpu.memref_slice %arg11[%dma_wait3A_405, %dma_wait3A_406, %dma_wait3A_407] : memref<2x32x128xf32, #tpu.memory_space<vmem>> -> memref<1x32x128xf32, #tpu.memory_space<vmem>>
        %dma_wait3A_409 = tpu.memref_squeeze %dma_wait3A_408 : memref<1x32x128xf32, #tpu.memory_space<vmem>> -> memref<32x128xf32, #tpu.memory_space<vmem>>
        %dma_wait3A_410 = arith.constant 0 : i32
        %dma_wait3A_411 = arith.constant 0 : i32
        %dma_wait3A_412 = tpu.memref_slice %arg6[%add3A, %dma_wait3A_410, %dma_wait3A_411] : memref<32x512x128xf32, #tpu.memory_space<hbm>> -> memref<1x32x128xf32, #tpu.memory_space<hbm>>
        %dma_wait3A_413 = tpu.memref_squeeze %dma_wait3A_412 : memref<1x32x128xf32, #tpu.memory_space<hbm>> -> memref<32x128xf32, #tpu.memory_space<hbm>>
        %dma_wait3A_414 = arith.constant 0 : i32
        %dma_wait3A_415 = arith.constant 0 : i32
        %dma_wait3A_416 = tpu.memref_slice %arg6[%add3A, %dma_wait3A_414, %dma_wait3A_415] : memref<32x512x128xf32, #tpu.memory_space<hbm>> -> memref<1x32x128xf32, #tpu.memory_space<hbm>>
        %dma_wait3A_417 = tpu.memref_squeeze %dma_wait3A_416 : memref<1x32x128xf32, #tpu.memory_space<hbm>> -> memref<32x128xf32, #tpu.memory_space<hbm>>
        %dma_wait3A_418 = arith.constant 0 : i32
        %dma_wait3A_419 = arith.constant 0 : i32
        %dma_wait3A_420 = tpu.memref_slice %arg11[%dma_wait3A_405, %dma_wait3A_418, %dma_wait3A_419] : memref<2x32x128xf32, #tpu.memory_space<vmem>> -> memref<1x32x128xf32, #tpu.memory_space<vmem>>
        %dma_wait3A_421 = tpu.memref_squeeze %dma_wait3A_420 : memref<1x32x128xf32, #tpu.memory_space<vmem>> -> memref<32x128xf32, #tpu.memory_space<vmem>>
        tpu.wait_dma2 semaphore(%arg14 : memref<!tpu.dma_semaphore, #tpu.memory_space<semaphore_mem>>) src(%dma_wait3A_421 : memref<32x128xf32, #tpu.memory_space<vmem>>) dst(%dma_wait3A_417 : memref<32x128xf32, #tpu.memory_space<hbm>>)
      } else {
      }
      %parallel_loop3A = arith.constant 0 : i32
      %parallel_loop3A_239 = arith.constant 64 : i32
      %parallel_loop3A_240 = arith.constant 1 : i32
      %parallel_loop3A_241 = arith.constant 0 : i32
      %parallel_loop3A_242 = arith.constant 0 : i32
      %parallel_loop3A_243 = arith.constant 0 : i32
      %parallel_loop3A_244 = arith.constant 0 : i32
      scf.for %parallel_loop3A_384 = %parallel_loop3A to %parallel_loop3A_239 step %parallel_loop3A_240  : i32 {
        %parallel_loop3A_385 = arith.constant 3 : i32
        %parallel_loop3A_386 = arith.shrui %parallel_loop3A_384, %parallel_loop3A_385 : i32
        %parallel_loop3A_387 = arith.constant 128 : i32
        %parallel_loop3A_388 = arith.muli %parallel_loop3A_386, %parallel_loop3A_387 : i32
        %parallel_loop3A_389 = arith.constant 7 : i32
        %parallel_loop3A_390 = arith.andi %parallel_loop3A_384, %parallel_loop3A_389 : i32
        %parallel_loop3A_391 = arith.constant 16 : i32
        %parallel_loop3A_392 = arith.muli %parallel_loop3A_390, %parallel_loop3A_391 : i32
        %parallel_loop3A_393 = arith.addi %parallel_loop3A_388, %parallel_loop3A_392 : i32
        %parallel_loop3A_394 = arith.constant 0 : i32
        %parallel_loop3A_395 = arith.constant 0 : i32
        %parallel_loop3A_396 = arith.constant 0 : i32
        %parallel_loop3A_397 = arith.constant 0 : i32
        %parallel_loop3A_398 = tpu.memref_slice %arg8[%parallel_loop3A_241, %parallel_loop3A_395, %parallel_loop3A_396, %parallel_loop3A_397] : memref<2x3x8x128xi32, #tpu.memory_space<vmem>> -> memref<1x3x8x128xi32, #tpu.memory_space<vmem>>
        %parallel_loop3A_399 = tpu.memref_squeeze %parallel_loop3A_398 : memref<1x3x8x128xi32, #tpu.memory_space<vmem>> -> memref<3x8x128xi32, #tpu.memory_space<vmem>>
        %parallel_loop3A_400 = tpu.memref_reshape %parallel_loop3A_399 : memref<3x8x128xi32, #tpu.memory_space<vmem>> -> memref<3x1024xi32, #tpu.memory_space<vmem>>
        %parallel_loop3A_401 = arith.index_cast %parallel_loop3A_394 : i32 to index
        %parallel_loop3A_402 = arith.index_cast %parallel_loop3A_393 : i32 to index
        %parallel_loop3A_403 = tpu.vector_load %parallel_loop3A_400[%parallel_loop3A_401, %parallel_loop3A_402] {strides = array<i32>} : memref<3x1024xi32, #tpu.memory_space<vmem>>, vector<16xi32>,
        %parallel_loop3A_404 = arith.constant 1 : i32
        %parallel_loop3A_405 = arith.constant 0 : i32
        %parallel_loop3A_406 = arith.constant 0 : i32
        %parallel_loop3A_407 = arith.constant 0 : i32
        %parallel_loop3A_408 = tpu.memref_slice %arg8[%parallel_loop3A_241, %parallel_loop3A_405, %parallel_loop3A_406, %parallel_loop3A_407] : memref<2x3x8x128xi32, #tpu.memory_space<vmem>> -> memref<1x3x8x128xi32, #tpu.memory_space<vmem>>
        %parallel_loop3A_409 = tpu.memref_squeeze %parallel_loop3A_408 : memref<1x3x8x128xi32, #tpu.memory_space<vmem>> -> memref<3x8x128xi32, #tpu.memory_space<vmem>>
        %parallel_loop3A_410 = tpu.memref_reshape %parallel_loop3A_409 : memref<3x8x128xi32, #tpu.memory_space<vmem>> -> memref<3x1024xi32, #tpu.memory_space<vmem>>
        %parallel_loop3A_411 = arith.index_cast %parallel_loop3A_404 : i32 to index
        %parallel_loop3A_412 = arith.index_cast %parallel_loop3A_393 : i32 to index
        %parallel_loop3A_413 = tpu.vector_load %parallel_loop3A_410[%parallel_loop3A_411, %parallel_loop3A_412] {strides = array<i32>} : memref<3x1024xi32, #tpu.memory_space<vmem>>, vector<16xi32>,
        %parallel_loop3A_414 = arith.constant 2 : i32
        %parallel_loop3A_415 = arith.constant 0 : i32
        %parallel_loop3A_416 = arith.constant 0 : i32
        %parallel_loop3A_417 = arith.constant 0 : i32
        %parallel_loop3A_418 = tpu.memref_slice %arg8[%parallel_loop3A_241, %parallel_loop3A_415, %parallel_loop3A_416, %parallel_loop3A_417] : memref<2x3x8x128xi32, #tpu.memory_space<vmem>> -> memref<1x3x8x128xi32, #tpu.memory_space<vmem>>
        %parallel_loop3A_419 = tpu.memref_squeeze %parallel_loop3A_418 : memref<1x3x8x128xi32, #tpu.memory_space<vmem>> -> memref<3x8x128xi32, #tpu.memory_space<vmem>>
        %parallel_loop3A_420 = tpu.memref_reshape %parallel_loop3A_419 : memref<3x8x128xi32, #tpu.memory_space<vmem>> -> memref<3x1024xi32, #tpu.memory_space<vmem>>
        %parallel_loop3A_421 = arith.index_cast %parallel_loop3A_414 : i32 to index
        %parallel_loop3A_422 = arith.index_cast %parallel_loop3A_393 : i32 to index
        %parallel_loop3A_423 = tpu.vector_load %parallel_loop3A_420[%parallel_loop3A_421, %parallel_loop3A_422] {strides = array<i32>} : memref<3x1024xi32, #tpu.memory_space<vmem>>, vector<16xi32>,
        %parallel_loop3A_424 = arith.constant 0 : i32
        %parallel_loop3A_425 = arith.constant 0 : i32
        %parallel_loop3A_426 = arith.constant 0 : i32
        %parallel_loop3A_427 = tpu.memref_slice %arg9[%parallel_loop3A_242, %parallel_loop3A_425, %parallel_loop3A_426] : memref<2x8x128xf32, #tpu.memory_space<vmem>> -> memref<1x8x128xf32, #tpu.memory_space<vmem>>
        %parallel_loop3A_428 = tpu.memref_squeeze %parallel_loop3A_427 : memref<1x8x128xf32, #tpu.memory_space<vmem>> -> memref<8x128xf32, #tpu.memory_space<vmem>>
        %parallel_loop3A_429 = tpu.memref_reshape %parallel_loop3A_428 : memref<8x128xf32, #tpu.memory_space<vmem>> -> memref<1x1024xf32, #tpu.memory_space<vmem>>
        %parallel_loop3A_430 = arith.index_cast %parallel_loop3A_424 : i32 to index
        %parallel_loop3A_431 = arith.index_cast %parallel_loop3A_393 : i32 to index
        %parallel_loop3A_432 = tpu.vector_load %parallel_loop3A_429[%parallel_loop3A_430, %parallel_loop3A_431] {strides = array<i32>} : memref<1x1024xf32, #tpu.memory_space<vmem>>, vector<16xf32>,
        %parallel_loop3A_433 = tpu.memref_reshape %arg7 : memref<3x128x128xf32, #tpu.memory_space<vmem>> -> memref<3x16384xf32, #tpu.memory_space<vmem>>
        %parallel_loop3A_434 = tpu.vector_load_idx %parallel_loop3A_433[%broadcast_in_dim3A_31, %parallel_loop3A_403] : memref<3x16384xf32, #tpu.memory_space<vmem>>[vector<16xi32>, vector<16xi32>], vector<16xf32>,
        %parallel_loop3A_435 = tpu.memref_reshape %arg7 : memref<3x128x128xf32, #tpu.memory_space<vmem>> -> memref<3x16384xf32, #tpu.memory_space<vmem>>
        %parallel_loop3A_436 = tpu.vector_load_idx %parallel_loop3A_435[%broadcast_in_dim3A_33, %parallel_loop3A_403] : memref<3x16384xf32, #tpu.memory_space<vmem>>[vector<16xi32>, vector<16xi32>], vector<16xf32>,
        %parallel_loop3A_437 = tpu.memref_reshape %arg7 : memref<3x128x128xf32, #tpu.memory_space<vmem>> -> memref<3x16384xf32, #tpu.memory_space<vmem>>
        %parallel_loop3A_438 = tpu.vector_load_idx %parallel_loop3A_437[%broadcast_in_dim3A_35, %parallel_loop3A_403] : memref<3x16384xf32, #tpu.memory_space<vmem>>[vector<16xi32>, vector<16xi32>], vector<16xf32>,
        %parallel_loop3A_439 = tpu.memref_reshape %arg7 : memref<3x128x128xf32, #tpu.memory_space<vmem>> -> memref<3x16384xf32, #tpu.memory_space<vmem>>
        %parallel_loop3A_440 = tpu.vector_load_idx %parallel_loop3A_439[%broadcast_in_dim3A_31, %parallel_loop3A_413] : memref<3x16384xf32, #tpu.memory_space<vmem>>[vector<16xi32>, vector<16xi32>], vector<16xf32>,
        %parallel_loop3A_441 = tpu.memref_reshape %arg7 : memref<3x128x128xf32, #tpu.memory_space<vmem>> -> memref<3x16384xf32, #tpu.memory_space<vmem>>
        %parallel_loop3A_442 = tpu.vector_load_idx %parallel_loop3A_441[%broadcast_in_dim3A_33, %parallel_loop3A_413] : memref<3x16384xf32, #tpu.memory_space<vmem>>[vector<16xi32>, vector<16xi32>], vector<16xf32>,
        %parallel_loop3A_443 = tpu.memref_reshape %arg7 : memref<3x128x128xf32, #tpu.memory_space<vmem>> -> memref<3x16384xf32, #tpu.memory_space<vmem>>
        %parallel_loop3A_444 = tpu.vector_load_idx %parallel_loop3A_443[%broadcast_in_dim3A_35, %parallel_loop3A_413] : memref<3x16384xf32, #tpu.memory_space<vmem>>[vector<16xi32>, vector<16xi32>], vector<16xf32>,
        %parallel_loop3A_445 = tpu.memref_reshape %arg7 : memref<3x128x128xf32, #tpu.memory_space<vmem>> -> memref<3x16384xf32, #tpu.memory_space<vmem>>
        %parallel_loop3A_446 = tpu.vector_load_idx %parallel_loop3A_445[%broadcast_in_dim3A_31, %parallel_loop3A_423] : memref<3x16384xf32, #tpu.memory_space<vmem>>[vector<16xi32>, vector<16xi32>], vector<16xf32>,
        %parallel_loop3A_447 = tpu.memref_reshape %arg7 : memref<3x128x128xf32, #tpu.memory_space<vmem>> -> memref<3x16384xf32, #tpu.memory_space<vmem>>
        %parallel_loop3A_448 = tpu.vector_load_idx %parallel_loop3A_447[%broadcast_in_dim3A_33, %parallel_loop3A_423] : memref<3x16384xf32, #tpu.memory_space<vmem>>[vector<16xi32>, vector<16xi32>], vector<16xf32>,
        %parallel_loop3A_449 = tpu.memref_reshape %arg7 : memref<3x128x128xf32, #tpu.memory_space<vmem>> -> memref<3x16384xf32, #tpu.memory_space<vmem>>
        %parallel_loop3A_450 = tpu.vector_load_idx %parallel_loop3A_449[%broadcast_in_dim3A_35, %parallel_loop3A_423] : memref<3x16384xf32, #tpu.memory_space<vmem>>[vector<16xi32>, vector<16xi32>], vector<16xf32>,
        %parallel_loop3A_451 = arith.subf %parallel_loop3A_440, %parallel_loop3A_434 : vector<16xf32>
        %parallel_loop3A_452 = arith.subf %parallel_loop3A_442, %parallel_loop3A_436 : vector<16xf32>
        %parallel_loop3A_453 = arith.subf %parallel_loop3A_444, %parallel_loop3A_438 : vector<16xf32>
        %parallel_loop3A_454 = arith.subf %parallel_loop3A_446, %parallel_loop3A_434 : vector<16xf32>
        %parallel_loop3A_455 = arith.subf %parallel_loop3A_448, %parallel_loop3A_436 : vector<16xf32>
        %parallel_loop3A_456 = arith.subf %parallel_loop3A_450, %parallel_loop3A_438 : vector<16xf32>
        %parallel_loop3A_457 = arith.mulf %parallel_loop3A_451, %parallel_loop3A_451 : vector<16xf32>
        %parallel_loop3A_458 = arith.mulf %parallel_loop3A_452, %parallel_loop3A_452 : vector<16xf32>
        %parallel_loop3A_459 = arith.addf %parallel_loop3A_457, %parallel_loop3A_458 : vector<16xf32>
        %parallel_loop3A_460 = arith.mulf %parallel_loop3A_453, %parallel_loop3A_453 : vector<16xf32>
        %parallel_loop3A_461 = arith.addf %parallel_loop3A_459, %parallel_loop3A_460 : vector<16xf32>
        %parallel_loop3A_462 = math.sqrt %parallel_loop3A_461 : vector<16xf32>
        %parallel_loop3A_463 = arith.constant 9.99999997E-7 : f32
        %parallel_loop3A_464 = vector.broadcast %parallel_loop3A_463 : f32 to vector<16xf32>
        %parallel_loop3A_465 = arith.addf %parallel_loop3A_462, %parallel_loop3A_464 : vector<16xf32>
        %parallel_loop3A_466 = arith.constant 1.000000e+00 : f32
        %parallel_loop3A_467 = vector.broadcast %parallel_loop3A_466 : f32 to vector<16xf32>
        %parallel_loop3A_468 = arith.divf %parallel_loop3A_467, %parallel_loop3A_465 : vector<16xf32>
        %parallel_loop3A_469 = arith.mulf %parallel_loop3A_451, %parallel_loop3A_468 : vector<16xf32>
        %parallel_loop3A_470 = arith.mulf %parallel_loop3A_452, %parallel_loop3A_468 : vector<16xf32>
        %parallel_loop3A_471 = arith.constant 9.99999997E-7 : f32
        %parallel_loop3A_472 = vector.broadcast %parallel_loop3A_471 : f32 to vector<16xf32>
        %parallel_loop3A_473 = arith.addf %parallel_loop3A_453, %parallel_loop3A_472 : vector<16xf32>
        %parallel_loop3A_474 = arith.mulf %parallel_loop3A_473, %parallel_loop3A_468 : vector<16xf32>
        %parallel_loop3A_475 = arith.mulf %parallel_loop3A_470, %parallel_loop3A_456 : vector<16xf32>
        %parallel_loop3A_476 = arith.mulf %parallel_loop3A_474, %parallel_loop3A_455 : vector<16xf32>
        %parallel_loop3A_477 = arith.subf %parallel_loop3A_475, %parallel_loop3A_476 : vector<16xf32>
        %parallel_loop3A_478 = arith.mulf %parallel_loop3A_474, %parallel_loop3A_454 : vector<16xf32>
        %parallel_loop3A_479 = arith.mulf %parallel_loop3A_469, %parallel_loop3A_456 : vector<16xf32>
        %parallel_loop3A_480 = arith.subf %parallel_loop3A_478, %parallel_loop3A_479 : vector<16xf32>
        %parallel_loop3A_481 = arith.mulf %parallel_loop3A_469, %parallel_loop3A_455 : vector<16xf32>
        %parallel_loop3A_482 = arith.mulf %parallel_loop3A_470, %parallel_loop3A_454 : vector<16xf32>
        %parallel_loop3A_483 = arith.subf %parallel_loop3A_481, %parallel_loop3A_482 : vector<16xf32>
        %parallel_loop3A_484 = arith.mulf %parallel_loop3A_477, %parallel_loop3A_477 : vector<16xf32>
        %parallel_loop3A_485 = arith.mulf %parallel_loop3A_480, %parallel_loop3A_480 : vector<16xf32>
        %parallel_loop3A_486 = arith.addf %parallel_loop3A_484, %parallel_loop3A_485 : vector<16xf32>
        %parallel_loop3A_487 = arith.mulf %parallel_loop3A_483, %parallel_loop3A_483 : vector<16xf32>
        %parallel_loop3A_488 = arith.addf %parallel_loop3A_486, %parallel_loop3A_487 : vector<16xf32>
        %parallel_loop3A_489 = math.sqrt %parallel_loop3A_488 : vector<16xf32>
        %parallel_loop3A_490 = arith.constant 9.99999997E-7 : f32
        %parallel_loop3A_491 = vector.broadcast %parallel_loop3A_490 : f32 to vector<16xf32>
        %parallel_loop3A_492 = arith.addf %parallel_loop3A_489, %parallel_loop3A_491 : vector<16xf32>
        %parallel_loop3A_493 = arith.constant 1.000000e+00 : f32
        %parallel_loop3A_494 = vector.broadcast %parallel_loop3A_493 : f32 to vector<16xf32>
        %parallel_loop3A_495 = arith.divf %parallel_loop3A_494, %parallel_loop3A_492 : vector<16xf32>
        %parallel_loop3A_496 = arith.mulf %parallel_loop3A_477, %parallel_loop3A_495 : vector<16xf32>
        %parallel_loop3A_497 = arith.constant 9.99999997E-7 : f32
        %parallel_loop3A_498 = vector.broadcast %parallel_loop3A_497 : f32 to vector<16xf32>
        %parallel_loop3A_499 = arith.addf %parallel_loop3A_480, %parallel_loop3A_498 : vector<16xf32>
        %parallel_loop3A_500 = arith.mulf %parallel_loop3A_499, %parallel_loop3A_495 : vector<16xf32>
        %parallel_loop3A_501 = arith.mulf %parallel_loop3A_483, %parallel_loop3A_495 : vector<16xf32>
        %parallel_loop3A_502 = arith.mulf %parallel_loop3A_500, %parallel_loop3A_474 : vector<16xf32>
        %parallel_loop3A_503 = arith.mulf %parallel_loop3A_501, %parallel_loop3A_470 : vector<16xf32>
        %parallel_loop3A_504 = arith.subf %parallel_loop3A_502, %parallel_loop3A_503 : vector<16xf32>
        %parallel_loop3A_505 = arith.mulf %parallel_loop3A_501, %parallel_loop3A_469 : vector<16xf32>
        %parallel_loop3A_506 = arith.mulf %parallel_loop3A_496, %parallel_loop3A_474 : vector<16xf32>
        %parallel_loop3A_507 = arith.subf %parallel_loop3A_505, %parallel_loop3A_506 : vector<16xf32>
        %parallel_loop3A_508 = arith.mulf %parallel_loop3A_496, %parallel_loop3A_470 : vector<16xf32>
        %parallel_loop3A_509 = arith.mulf %parallel_loop3A_500, %parallel_loop3A_469 : vector<16xf32>
        %parallel_loop3A_510 = arith.subf %parallel_loop3A_508, %parallel_loop3A_509 : vector<16xf32>
        %parallel_loop3A_511 = arith.mulf %parallel_loop3A_504, %parallel_loop3A_504 : vector<16xf32>
        %parallel_loop3A_512 = arith.mulf %parallel_loop3A_507, %parallel_loop3A_507 : vector<16xf32>
        %parallel_loop3A_513 = arith.addf %parallel_loop3A_511, %parallel_loop3A_512 : vector<16xf32>
        %parallel_loop3A_514 = arith.mulf %parallel_loop3A_510, %parallel_loop3A_510 : vector<16xf32>
        %parallel_loop3A_515 = arith.addf %parallel_loop3A_513, %parallel_loop3A_514 : vector<16xf32>
        %parallel_loop3A_516 = math.sqrt %parallel_loop3A_515 : vector<16xf32>
        %parallel_loop3A_517 = arith.constant 9.99999997E-7 : f32
        %parallel_loop3A_518 = vector.broadcast %parallel_loop3A_517 : f32 to vector<16xf32>
        %parallel_loop3A_519 = arith.addf %parallel_loop3A_516, %parallel_loop3A_518 : vector<16xf32>
        %parallel_loop3A_520 = arith.constant 1.000000e+00 : f32
        %parallel_loop3A_521 = vector.broadcast %parallel_loop3A_520 : f32 to vector<16xf32>
        %parallel_loop3A_522 = arith.divf %parallel_loop3A_521, %parallel_loop3A_519 : vector<16xf32>
        %parallel_loop3A_523 = arith.constant 9.99999997E-7 : f32
        %parallel_loop3A_524 = vector.broadcast %parallel_loop3A_523 : f32 to vector<16xf32>
        %parallel_loop3A_525 = arith.addf %parallel_loop3A_504, %parallel_loop3A_524 : vector<16xf32>
        %parallel_loop3A_526 = arith.mulf %parallel_loop3A_525, %parallel_loop3A_522 : vector<16xf32>
        %parallel_loop3A_527 = arith.mulf %parallel_loop3A_507, %parallel_loop3A_522 : vector<16xf32>
        %parallel_loop3A_528 = arith.mulf %parallel_loop3A_510, %parallel_loop3A_522 : vector<16xf32>
        %parallel_loop3A_529 = arith.constant 512 : i32
        %parallel_loop3A_530 = arith.muli %parallel_loop3A_386, %parallel_loop3A_529 : i32
        %parallel_loop3A_531 = arith.constant 7 : i32
        %parallel_loop3A_532 = arith.andi %parallel_loop3A_384, %parallel_loop3A_531 : i32
        %parallel_loop3A_533 = arith.constant 16 : i32
        %parallel_loop3A_534 = arith.muli %parallel_loop3A_532, %parallel_loop3A_533 : i32
        %parallel_loop3A_535 = arith.addi %parallel_loop3A_530, %parallel_loop3A_534 : i32
        %parallel_loop3A_536 = arith.constant 0 : i32
        %parallel_loop3A_537 = arith.constant 0 : i32
        %parallel_loop3A_538 = arith.constant 0 : i32
        %parallel_loop3A_539 = arith.constant 0 : i32
        %parallel_loop3A_540 = tpu.memref_slice %arg10[%parallel_loop3A_243, %parallel_loop3A_537, %parallel_loop3A_538, %parallel_loop3A_539] : memref<2x3x32x128xf32, #tpu.memory_space<vmem>> -> memref<1x3x32x128xf32, #tpu.memory_space<vmem>>
        %parallel_loop3A_541 = tpu.memref_squeeze %parallel_loop3A_540 : memref<1x3x32x128xf32, #tpu.memory_space<vmem>> -> memref<3x32x128xf32, #tpu.memory_space<vmem>>
        %parallel_loop3A_542 = tpu.memref_reshape %parallel_loop3A_541 : memref<3x32x128xf32, #tpu.memory_space<vmem>> -> memref<3x4096xf32, #tpu.memory_space<vmem>>
        %parallel_loop3A_543 = arith.index_cast %parallel_loop3A_536 : i32 to index
        %parallel_loop3A_544 = arith.index_cast %parallel_loop3A_535 : i32 to index
        %parallel_loop3A_545 = tpu.vector_load %parallel_loop3A_542[%parallel_loop3A_543, %parallel_loop3A_544] {strides = array<i32>} : memref<3x4096xf32, #tpu.memory_space<vmem>>, vector<16xf32>,
        tpu.vector_store %parallel_loop3A_542[%parallel_loop3A_543, %parallel_loop3A_544], %parallel_loop3A_434 {strides = array<i32>} : memref<3x4096xf32, #tpu.memory_space<vmem>>, vector<16xf32>,
        %parallel_loop3A_546 = arith.constant 128 : i32
        %parallel_loop3A_547 = arith.addi %parallel_loop3A_535, %parallel_loop3A_546 : i32
        %parallel_loop3A_548 = arith.constant 0 : i32
        %parallel_loop3A_549 = arith.constant 0 : i32
        %parallel_loop3A_550 = arith.constant 0 : i32
        %parallel_loop3A_551 = arith.constant 0 : i32
        %parallel_loop3A_552 = tpu.memref_slice %arg10[%parallel_loop3A_243, %parallel_loop3A_549, %parallel_loop3A_550, %parallel_loop3A_551] : memref<2x3x32x128xf32, #tpu.memory_space<vmem>> -> memref<1x3x32x128xf32, #tpu.memory_space<vmem>>
        %parallel_loop3A_553 = tpu.memref_squeeze %parallel_loop3A_552 : memref<1x3x32x128xf32, #tpu.memory_space<vmem>> -> memref<3x32x128xf32, #tpu.memory_space<vmem>>
        %parallel_loop3A_554 = tpu.memref_reshape %parallel_loop3A_553 : memref<3x32x128xf32, #tpu.memory_space<vmem>> -> memref<3x4096xf32, #tpu.memory_space<vmem>>
        %parallel_loop3A_555 = arith.index_cast %parallel_loop3A_548 : i32 to index
        %parallel_loop3A_556 = arith.index_cast %parallel_loop3A_547 : i32 to index
        %parallel_loop3A_557 = tpu.vector_load %parallel_loop3A_554[%parallel_loop3A_555, %parallel_loop3A_556] {strides = array<i32>} : memref<3x4096xf32, #tpu.memory_space<vmem>>, vector<16xf32>,
        tpu.vector_store %parallel_loop3A_554[%parallel_loop3A_555, %parallel_loop3A_556], %parallel_loop3A_526 {strides = array<i32>} : memref<3x4096xf32, #tpu.memory_space<vmem>>, vector<16xf32>,
        %parallel_loop3A_558 = arith.constant 256 : i32
        %parallel_loop3A_559 = arith.addi %parallel_loop3A_535, %parallel_loop3A_558 : i32
        %parallel_loop3A_560 = arith.constant 0 : i32
        %parallel_loop3A_561 = arith.constant 0 : i32
        %parallel_loop3A_562 = arith.constant 0 : i32
        %parallel_loop3A_563 = arith.constant 0 : i32
        %parallel_loop3A_564 = tpu.memref_slice %arg10[%parallel_loop3A_243, %parallel_loop3A_561, %parallel_loop3A_562, %parallel_loop3A_563] : memref<2x3x32x128xf32, #tpu.memory_space<vmem>> -> memref<1x3x32x128xf32, #tpu.memory_space<vmem>>
        %parallel_loop3A_565 = tpu.memref_squeeze %parallel_loop3A_564 : memref<1x3x32x128xf32, #tpu.memory_space<vmem>> -> memref<3x32x128xf32, #tpu.memory_space<vmem>>
        %parallel_loop3A_566 = tpu.memref_reshape %parallel_loop3A_565 : memref<3x32x128xf32, #tpu.memory_space<vmem>> -> memref<3x4096xf32, #tpu.memory_space<vmem>>
        %parallel_loop3A_567 = arith.index_cast %parallel_loop3A_560 : i32 to index
        %parallel_loop3A_568 = arith.index_cast %parallel_loop3A_559 : i32 to index
        %parallel_loop3A_569 = tpu.vector_load %parallel_loop3A_566[%parallel_loop3A_567, %parallel_loop3A_568] {strides = array<i32>} : memref<3x4096xf32, #tpu.memory_space<vmem>>, vector<16xf32>,
        tpu.vector_store %parallel_loop3A_566[%parallel_loop3A_567, %parallel_loop3A_568], %parallel_loop3A_496 {strides = array<i32>} : memref<3x4096xf32, #tpu.memory_space<vmem>>, vector<16xf32>,
        %parallel_loop3A_570 = arith.constant 384 : i32
        %parallel_loop3A_571 = arith.addi %parallel_loop3A_535, %parallel_loop3A_570 : i32
        %parallel_loop3A_572 = arith.constant 0 : i32
        %parallel_loop3A_573 = arith.constant 0 : i32
        %parallel_loop3A_574 = arith.constant 0 : i32
        %parallel_loop3A_575 = arith.constant 0 : i32
        %parallel_loop3A_576 = tpu.memref_slice %arg10[%parallel_loop3A_243, %parallel_loop3A_573, %parallel_loop3A_574, %parallel_loop3A_575] : memref<2x3x32x128xf32, #tpu.memory_space<vmem>> -> memref<1x3x32x128xf32, #tpu.memory_space<vmem>>
        %parallel_loop3A_577 = tpu.memref_squeeze %parallel_loop3A_576 : memref<1x3x32x128xf32, #tpu.memory_space<vmem>> -> memref<3x32x128xf32, #tpu.memory_space<vmem>>
        %parallel_loop3A_578 = tpu.memref_reshape %parallel_loop3A_577 : memref<3x32x128xf32, #tpu.memory_space<vmem>> -> memref<3x4096xf32, #tpu.memory_space<vmem>>
        %parallel_loop3A_579 = arith.index_cast %parallel_loop3A_572 : i32 to index
        %parallel_loop3A_580 = arith.index_cast %parallel_loop3A_571 : i32 to index
        %parallel_loop3A_581 = tpu.vector_load %parallel_loop3A_578[%parallel_loop3A_579, %parallel_loop3A_580] {strides = array<i32>} : memref<3x4096xf32, #tpu.memory_space<vmem>>, vector<16xf32>,
        tpu.vector_store %parallel_loop3A_578[%parallel_loop3A_579, %parallel_loop3A_580], %parallel_loop3A_469 {strides = array<i32>} : memref<3x4096xf32, #tpu.memory_space<vmem>>, vector<16xf32>,
        %parallel_loop3A_582 = arith.constant 1 : i32
        %parallel_loop3A_583 = arith.constant 0 : i32
        %parallel_loop3A_584 = arith.constant 0 : i32
        %parallel_loop3A_585 = arith.constant 0 : i32
        %parallel_loop3A_586 = tpu.memref_slice %arg10[%parallel_loop3A_243, %parallel_loop3A_583, %parallel_loop3A_584, %parallel_loop3A_585] : memref<2x3x32x128xf32, #tpu.memory_space<vmem>> -> memref<1x3x32x128xf32, #tpu.memory_space<vmem>>
        %parallel_loop3A_587 = tpu.memref_squeeze %parallel_loop3A_586 : memref<1x3x32x128xf32, #tpu.memory_space<vmem>> -> memref<3x32x128xf32, #tpu.memory_space<vmem>>
        %parallel_loop3A_588 = tpu.memref_reshape %parallel_loop3A_587 : memref<3x32x128xf32, #tpu.memory_space<vmem>> -> memref<3x4096xf32, #tpu.memory_space<vmem>>
        %parallel_loop3A_589 = arith.index_cast %parallel_loop3A_582 : i32 to index
        %parallel_loop3A_590 = arith.index_cast %parallel_loop3A_535 : i32 to index
        %parallel_loop3A_591 = tpu.vector_load %parallel_loop3A_588[%parallel_loop3A_589, %parallel_loop3A_590] {strides = array<i32>} : memref<3x4096xf32, #tpu.memory_space<vmem>>, vector<16xf32>,
        tpu.vector_store %parallel_loop3A_588[%parallel_loop3A_589, %parallel_loop3A_590], %parallel_loop3A_436 {strides = array<i32>} : memref<3x4096xf32, #tpu.memory_space<vmem>>, vector<16xf32>,
        %parallel_loop3A_592 = arith.constant 128 : i32
        %parallel_loop3A_593 = arith.addi %parallel_loop3A_535, %parallel_loop3A_592 : i32
        %parallel_loop3A_594 = arith.constant 1 : i32
        %parallel_loop3A_595 = arith.constant 0 : i32
        %parallel_loop3A_596 = arith.constant 0 : i32
        %parallel_loop3A_597 = arith.constant 0 : i32
        %parallel_loop3A_598 = tpu.memref_slice %arg10[%parallel_loop3A_243, %parallel_loop3A_595, %parallel_loop3A_596, %parallel_loop3A_597] : memref<2x3x32x128xf32, #tpu.memory_space<vmem>> -> memref<1x3x32x128xf32, #tpu.memory_space<vmem>>
        %parallel_loop3A_599 = tpu.memref_squeeze %parallel_loop3A_598 : memref<1x3x32x128xf32, #tpu.memory_space<vmem>> -> memref<3x32x128xf32, #tpu.memory_space<vmem>>
        %parallel_loop3A_600 = tpu.memref_reshape %parallel_loop3A_599 : memref<3x32x128xf32, #tpu.memory_space<vmem>> -> memref<3x4096xf32, #tpu.memory_space<vmem>>
        %parallel_loop3A_601 = arith.index_cast %parallel_loop3A_594 : i32 to index
        %parallel_loop3A_602 = arith.index_cast %parallel_loop3A_593 : i32 to index
        %parallel_loop3A_603 = tpu.vector_load %parallel_loop3A_600[%parallel_loop3A_601, %parallel_loop3A_602] {strides = array<i32>} : memref<3x4096xf32, #tpu.memory_space<vmem>>, vector<16xf32>,
        tpu.vector_store %parallel_loop3A_600[%parallel_loop3A_601, %parallel_loop3A_602], %parallel_loop3A_527 {strides = array<i32>} : memref<3x4096xf32, #tpu.memory_space<vmem>>, vector<16xf32>,
        %parallel_loop3A_604 = arith.constant 256 : i32
        %parallel_loop3A_605 = arith.addi %parallel_loop3A_535, %parallel_loop3A_604 : i32
        %parallel_loop3A_606 = arith.constant 1 : i32
        %parallel_loop3A_607 = arith.constant 0 : i32
        %parallel_loop3A_608 = arith.constant 0 : i32
        %parallel_loop3A_609 = arith.constant 0 : i32
        %parallel_loop3A_610 = tpu.memref_slice %arg10[%parallel_loop3A_243, %parallel_loop3A_607, %parallel_loop3A_608, %parallel_loop3A_609] : memref<2x3x32x128xf32, #tpu.memory_space<vmem>> -> memref<1x3x32x128xf32, #tpu.memory_space<vmem>>
        %parallel_loop3A_611 = tpu.memref_squeeze %parallel_loop3A_610 : memref<1x3x32x128xf32, #tpu.memory_space<vmem>> -> memref<3x32x128xf32, #tpu.memory_space<vmem>>
        %parallel_loop3A_612 = tpu.memref_reshape %parallel_loop3A_611 : memref<3x32x128xf32, #tpu.memory_space<vmem>> -> memref<3x4096xf32, #tpu.memory_space<vmem>>
        %parallel_loop3A_613 = arith.index_cast %parallel_loop3A_606 : i32 to index
        %parallel_loop3A_614 = arith.index_cast %parallel_loop3A_605 : i32 to index
        %parallel_loop3A_615 = tpu.vector_load %parallel_loop3A_612[%parallel_loop3A_613, %parallel_loop3A_614] {strides = array<i32>} : memref<3x4096xf32, #tpu.memory_space<vmem>>, vector<16xf32>,
        tpu.vector_store %parallel_loop3A_612[%parallel_loop3A_613, %parallel_loop3A_614], %parallel_loop3A_500 {strides = array<i32>} : memref<3x4096xf32, #tpu.memory_space<vmem>>, vector<16xf32>,
        %parallel_loop3A_616 = arith.constant 384 : i32
        %parallel_loop3A_617 = arith.addi %parallel_loop3A_535, %parallel_loop3A_616 : i32
        %parallel_loop3A_618 = arith.constant 1 : i32
        %parallel_loop3A_619 = arith.constant 0 : i32
        %parallel_loop3A_620 = arith.constant 0 : i32
        %parallel_loop3A_621 = arith.constant 0 : i32
        %parallel_loop3A_622 = tpu.memref_slice %arg10[%parallel_loop3A_243, %parallel_loop3A_619, %parallel_loop3A_620, %parallel_loop3A_621] : memref<2x3x32x128xf32, #tpu.memory_space<vmem>> -> memref<1x3x32x128xf32, #tpu.memory_space<vmem>>
        %parallel_loop3A_623 = tpu.memref_squeeze %parallel_loop3A_622 : memref<1x3x32x128xf32, #tpu.memory_space<vmem>> -> memref<3x32x128xf32, #tpu.memory_space<vmem>>
        %parallel_loop3A_624 = tpu.memref_reshape %parallel_loop3A_623 : memref<3x32x128xf32, #tpu.memory_space<vmem>> -> memref<3x4096xf32, #tpu.memory_space<vmem>>
        %parallel_loop3A_625 = arith.index_cast %parallel_loop3A_618 : i32 to index
        %parallel_loop3A_626 = arith.index_cast %parallel_loop3A_617 : i32 to index
        %parallel_loop3A_627 = tpu.vector_load %parallel_loop3A_624[%parallel_loop3A_625, %parallel_loop3A_626] {strides = array<i32>} : memref<3x4096xf32, #tpu.memory_space<vmem>>, vector<16xf32>,
        tpu.vector_store %parallel_loop3A_624[%parallel_loop3A_625, %parallel_loop3A_626], %parallel_loop3A_470 {strides = array<i32>} : memref<3x4096xf32, #tpu.memory_space<vmem>>, vector<16xf32>,
        %parallel_loop3A_628 = arith.constant 2 : i32
        %parallel_loop3A_629 = arith.constant 0 : i32
        %parallel_loop3A_630 = arith.constant 0 : i32
        %parallel_loop3A_631 = arith.constant 0 : i32
        %parallel_loop3A_632 = tpu.memref_slice %arg10[%parallel_loop3A_243, %parallel_loop3A_629, %parallel_loop3A_630, %parallel_loop3A_631] : memref<2x3x32x128xf32, #tpu.memory_space<vmem>> -> memref<1x3x32x128xf32, #tpu.memory_space<vmem>>
        %parallel_loop3A_633 = tpu.memref_squeeze %parallel_loop3A_632 : memref<1x3x32x128xf32, #tpu.memory_space<vmem>> -> memref<3x32x128xf32, #tpu.memory_space<vmem>>
        %parallel_loop3A_634 = tpu.memref_reshape %parallel_loop3A_633 : memref<3x32x128xf32, #tpu.memory_space<vmem>> -> memref<3x4096xf32, #tpu.memory_space<vmem>>
        %parallel_loop3A_635 = arith.index_cast %parallel_loop3A_628 : i32 to index
        %parallel_loop3A_636 = arith.index_cast %parallel_loop3A_535 : i32 to index
        %parallel_loop3A_637 = tpu.vector_load %parallel_loop3A_634[%parallel_loop3A_635, %parallel_loop3A_636] {strides = array<i32>} : memref<3x4096xf32, #tpu.memory_space<vmem>>, vector<16xf32>,
        tpu.vector_store %parallel_loop3A_634[%parallel_loop3A_635, %parallel_loop3A_636], %parallel_loop3A_438 {strides = array<i32>} : memref<3x4096xf32, #tpu.memory_space<vmem>>, vector<16xf32>,
        %parallel_loop3A_638 = arith.constant 128 : i32
        %parallel_loop3A_639 = arith.addi %parallel_loop3A_535, %parallel_loop3A_638 : i32
        %parallel_loop3A_640 = arith.constant 2 : i32
        %parallel_loop3A_641 = arith.constant 0 : i32
        %parallel_loop3A_642 = arith.constant 0 : i32
        %parallel_loop3A_643 = arith.constant 0 : i32
        %parallel_loop3A_644 = tpu.memref_slice %arg10[%parallel_loop3A_243, %parallel_loop3A_641, %parallel_loop3A_642, %parallel_loop3A_643] : memref<2x3x32x128xf32, #tpu.memory_space<vmem>> -> memref<1x3x32x128xf32, #tpu.memory_space<vmem>>
        %parallel_loop3A_645 = tpu.memref_squeeze %parallel_loop3A_644 : memref<1x3x32x128xf32, #tpu.memory_space<vmem>> -> memref<3x32x128xf32, #tpu.memory_space<vmem>>
        %parallel_loop3A_646 = tpu.memref_reshape %parallel_loop3A_645 : memref<3x32x128xf32, #tpu.memory_space<vmem>> -> memref<3x4096xf32, #tpu.memory_space<vmem>>
        %parallel_loop3A_647 = arith.index_cast %parallel_loop3A_640 : i32 to index
        %parallel_loop3A_648 = arith.index_cast %parallel_loop3A_639 : i32 to index
        %parallel_loop3A_649 = tpu.vector_load %parallel_loop3A_646[%parallel_loop3A_647, %parallel_loop3A_648] {strides = array<i32>} : memref<3x4096xf32, #tpu.memory_space<vmem>>, vector<16xf32>,
        tpu.vector_store %parallel_loop3A_646[%parallel_loop3A_647, %parallel_loop3A_648], %parallel_loop3A_528 {strides = array<i32>} : memref<3x4096xf32, #tpu.memory_space<vmem>>, vector<16xf32>,
        %parallel_loop3A_650 = arith.constant 256 : i32
        %parallel_loop3A_651 = arith.addi %parallel_loop3A_535, %parallel_loop3A_650 : i32
        %parallel_loop3A_652 = arith.constant 2 : i32
        %parallel_loop3A_653 = arith.constant 0 : i32
        %parallel_loop3A_654 = arith.constant 0 : i32
        %parallel_loop3A_655 = arith.constant 0 : i32
        %parallel_loop3A_656 = tpu.memref_slice %arg10[%parallel_loop3A_243, %parallel_loop3A_653, %parallel_loop3A_654, %parallel_loop3A_655] : memref<2x3x32x128xf32, #tpu.memory_space<vmem>> -> memref<1x3x32x128xf32, #tpu.memory_space<vmem>>
        %parallel_loop3A_657 = tpu.memref_squeeze %parallel_loop3A_656 : memref<1x3x32x128xf32, #tpu.memory_space<vmem>> -> memref<3x32x128xf32, #tpu.memory_space<vmem>>
        %parallel_loop3A_658 = tpu.memref_reshape %parallel_loop3A_657 : memref<3x32x128xf32, #tpu.memory_space<vmem>> -> memref<3x4096xf32, #tpu.memory_space<vmem>>
        %parallel_loop3A_659 = arith.index_cast %parallel_loop3A_652 : i32 to index
        %parallel_loop3A_660 = arith.index_cast %parallel_loop3A_651 : i32 to index
        %parallel_loop3A_661 = tpu.vector_load %parallel_loop3A_658[%parallel_loop3A_659, %parallel_loop3A_660] {strides = array<i32>} : memref<3x4096xf32, #tpu.memory_space<vmem>>, vector<16xf32>,
        tpu.vector_store %parallel_loop3A_658[%parallel_loop3A_659, %parallel_loop3A_660], %parallel_loop3A_501 {strides = array<i32>} : memref<3x4096xf32, #tpu.memory_space<vmem>>, vector<16xf32>,
        %parallel_loop3A_662 = arith.constant 384 : i32
        %parallel_loop3A_663 = arith.addi %parallel_loop3A_535, %parallel_loop3A_662 : i32
        %parallel_loop3A_664 = arith.constant 2 : i32
        %parallel_loop3A_665 = arith.constant 0 : i32
        %parallel_loop3A_666 = arith.constant 0 : i32
        %parallel_loop3A_667 = arith.constant 0 : i32
        %parallel_loop3A_668 = tpu.memref_slice %arg10[%parallel_loop3A_243, %parallel_loop3A_665, %parallel_loop3A_666, %parallel_loop3A_667] : memref<2x3x32x128xf32, #tpu.memory_space<vmem>> -> memref<1x3x32x128xf32, #tpu.memory_space<vmem>>
        %parallel_loop3A_669 = tpu.memref_squeeze %parallel_loop3A_668 : memref<1x3x32x128xf32, #tpu.memory_space<vmem>> -> memref<3x32x128xf32, #tpu.memory_space<vmem>>
        %parallel_loop3A_670 = tpu.memref_reshape %parallel_loop3A_669 : memref<3x32x128xf32, #tpu.memory_space<vmem>> -> memref<3x4096xf32, #tpu.memory_space<vmem>>
        %parallel_loop3A_671 = arith.index_cast %parallel_loop3A_664 : i32 to index
        %parallel_loop3A_672 = arith.index_cast %parallel_loop3A_663 : i32 to index
        %parallel_loop3A_673 = tpu.vector_load %parallel_loop3A_670[%parallel_loop3A_671, %parallel_loop3A_672] {strides = array<i32>} : memref<3x4096xf32, #tpu.memory_space<vmem>>, vector<16xf32>,
        tpu.vector_store %parallel_loop3A_670[%parallel_loop3A_671, %parallel_loop3A_672], %parallel_loop3A_474 {strides = array<i32>} : memref<3x4096xf32, #tpu.memory_space<vmem>>, vector<16xf32>,
        %parallel_loop3A_674 = arith.constant 0 : i32
        %parallel_loop3A_675 = arith.constant 0 : i32
        %parallel_loop3A_676 = arith.constant 0 : i32
        %parallel_loop3A_677 = tpu.memref_slice %arg11[%parallel_loop3A_244, %parallel_loop3A_675, %parallel_loop3A_676] : memref<2x32x128xf32, #tpu.memory_space<vmem>> -> memref<1x32x128xf32, #tpu.memory_space<vmem>>
        %parallel_loop3A_678 = tpu.memref_squeeze %parallel_loop3A_677 : memref<1x32x128xf32, #tpu.memory_space<vmem>> -> memref<32x128xf32, #tpu.memory_space<vmem>>
        %parallel_loop3A_679 = tpu.memref_reshape %parallel_loop3A_678 : memref<32x128xf32, #tpu.memory_space<vmem>> -> memref<1x4096xf32, #tpu.memory_space<vmem>>
        %parallel_loop3A_680 = arith.index_cast %parallel_loop3A_674 : i32 to index
        %parallel_loop3A_681 = arith.index_cast %parallel_loop3A_535 : i32 to index
        %parallel_loop3A_682 = tpu.vector_load %parallel_loop3A_679[%parallel_loop3A_680, %parallel_loop3A_681] {strides = array<i32>} : memref<1x4096xf32, #tpu.memory_space<vmem>>, vector<16xf32>,
        tpu.vector_store %parallel_loop3A_679[%parallel_loop3A_680, %parallel_loop3A_681], %parallel_loop3A_432 {strides = array<i32>} : memref<1x4096xf32, #tpu.memory_space<vmem>>, vector<16xf32>,
        %parallel_loop3A_683 = arith.constant 128 : i32
        %parallel_loop3A_684 = arith.addi %parallel_loop3A_535, %parallel_loop3A_683 : i32
        %parallel_loop3A_685 = arith.constant 0 : i32
        %parallel_loop3A_686 = arith.constant 0 : i32
        %parallel_loop3A_687 = arith.constant 0 : i32
        %parallel_loop3A_688 = tpu.memref_slice %arg11[%parallel_loop3A_244, %parallel_loop3A_686, %parallel_loop3A_687] : memref<2x32x128xf32, #tpu.memory_space<vmem>> -> memref<1x32x128xf32, #tpu.memory_space<vmem>>
        %parallel_loop3A_689 = tpu.memref_squeeze %parallel_loop3A_688 : memref<1x32x128xf32, #tpu.memory_space<vmem>> -> memref<32x128xf32, #tpu.memory_space<vmem>>
        %parallel_loop3A_690 = tpu.memref_reshape %parallel_loop3A_689 : memref<32x128xf32, #tpu.memory_space<vmem>> -> memref<1x4096xf32, #tpu.memory_space<vmem>>
        %parallel_loop3A_691 = arith.index_cast %parallel_loop3A_685 : i32 to index
        %parallel_loop3A_692 = arith.index_cast %parallel_loop3A_684 : i32 to index
        %parallel_loop3A_693 = tpu.vector_load %parallel_loop3A_690[%parallel_loop3A_691, %parallel_loop3A_692] {strides = array<i32>} : memref<1x4096xf32, #tpu.memory_space<vmem>>, vector<16xf32>,
        tpu.vector_store %parallel_loop3A_690[%parallel_loop3A_691, %parallel_loop3A_692], %parallel_loop3A_432 {strides = array<i32>} : memref<1x4096xf32, #tpu.memory_space<vmem>>, vector<16xf32>,
        %parallel_loop3A_694 = arith.constant 256 : i32
        %parallel_loop3A_695 = arith.addi %parallel_loop3A_535, %parallel_loop3A_694 : i32
        %parallel_loop3A_696 = arith.constant 0 : i32
        %parallel_loop3A_697 = arith.constant 0 : i32
        %parallel_loop3A_698 = arith.constant 0 : i32
        %parallel_loop3A_699 = tpu.memref_slice %arg11[%parallel_loop3A_244, %parallel_loop3A_697, %parallel_loop3A_698] : memref<2x32x128xf32, #tpu.memory_space<vmem>> -> memref<1x32x128xf32, #tpu.memory_space<vmem>>
        %parallel_loop3A_700 = tpu.memref_squeeze %parallel_loop3A_699 : memref<1x32x128xf32, #tpu.memory_space<vmem>> -> memref<32x128xf32, #tpu.memory_space<vmem>>
        %parallel_loop3A_701 = tpu.memref_reshape %parallel_loop3A_700 : memref<32x128xf32, #tpu.memory_space<vmem>> -> memref<1x4096xf32, #tpu.memory_space<vmem>>
        %parallel_loop3A_702 = arith.index_cast %parallel_loop3A_696 : i32 to index
        %parallel_loop3A_703 = arith.index_cast %parallel_loop3A_695 : i32 to index
        %parallel_loop3A_704 = tpu.vector_load %parallel_loop3A_701[%parallel_loop3A_702, %parallel_loop3A_703] {strides = array<i32>} : memref<1x4096xf32, #tpu.memory_space<vmem>>, vector<16xf32>,
        tpu.vector_store %parallel_loop3A_701[%parallel_loop3A_702, %parallel_loop3A_703], %parallel_loop3A_432 {strides = array<i32>} : memref<1x4096xf32, #tpu.memory_space<vmem>>, vector<16xf32>,
        %parallel_loop3A_705 = arith.constant 384 : i32
        %parallel_loop3A_706 = arith.addi %parallel_loop3A_535, %parallel_loop3A_705 : i32
        %parallel_loop3A_707 = arith.constant 0 : i32
        %parallel_loop3A_708 = arith.constant 0 : i32
        %parallel_loop3A_709 = arith.constant 0 : i32
        %parallel_loop3A_710 = tpu.memref_slice %arg11[%parallel_loop3A_244, %parallel_loop3A_708, %parallel_loop3A_709] : memref<2x32x128xf32, #tpu.memory_space<vmem>> -> memref<1x32x128xf32, #tpu.memory_space<vmem>>
        %parallel_loop3A_711 = tpu.memref_squeeze %parallel_loop3A_710 : memref<1x32x128xf32, #tpu.memory_space<vmem>> -> memref<32x128xf32, #tpu.memory_space<vmem>>
        %parallel_loop3A_712 = tpu.memref_reshape %parallel_loop3A_711 : memref<32x128xf32, #tpu.memory_space<vmem>> -> memref<1x4096xf32, #tpu.memory_space<vmem>>
        %parallel_loop3A_713 = arith.index_cast %parallel_loop3A_707 : i32 to index
        %parallel_loop3A_714 = arith.index_cast %parallel_loop3A_706 : i32 to index
        %parallel_loop3A_715 = tpu.vector_load %parallel_loop3A_712[%parallel_loop3A_713, %parallel_loop3A_714] {strides = array<i32>} : memref<1x4096xf32, #tpu.memory_space<vmem>>, vector<16xf32>,
        tpu.vector_store %parallel_loop3A_712[%parallel_loop3A_713, %parallel_loop3A_714], %parallel_loop3A_432 {strides = array<i32>} : memref<1x4096xf32, #tpu.memory_space<vmem>>, vector<16xf32>,
      } {sc.loop_unroll_factor = 4 : i64, sc.parallel_access}
      %mul3A_245 = arith.constant 4 : i32
      %mul3A_246 = arith.muli %mul3A_158, %mul3A_245 : i32
      %mul3A_247 = arith.constant 8 : i32
      %mul3A_248 = arith.muli %mul3A_246, %mul3A_247 : i32
      %mul3A_249 = arith.constant 4 : i32
      %mul3A_250 = arith.muli %mul3A_158, %mul3A_249 : i32
      %mul3A_251 = arith.constant 8 : i32
      %mul3A_252 = arith.muli %mul3A_250, %mul3A_251 : i32
      %dma_start3A_253 = arith.constant 0 : i32
      %dma_start3A_254 = arith.constant 0 : i32
      %dma_start3A_255 = arith.constant 0 : i32
      %dma_start3A_256 = arith.constant 0 : i32
      %dma_start3A_257 = tpu.memref_slice %arg10[%dma_start3A_253, %dma_start3A_254, %dma_start3A_255, %dma_start3A_256] : memref<2x3x32x128xf32, #tpu.memory_space<vmem>> -> memref<1x3x32x128xf32, #tpu.memory_space<vmem>>
      %dma_start3A_258 = tpu.memref_squeeze %dma_start3A_257 : memref<1x3x32x128xf32, #tpu.memory_space<vmem>> -> memref<3x32x128xf32, #tpu.memory_space<vmem>>
      %dma_start3A_259 = arith.constant 0 : i32
      %dma_start3A_260 = arith.constant 0 : i32
      %dma_start3A_261 = tpu.memref_slice %arg5[%add3A, %dma_start3A_259, %mul3A_248, %dma_start3A_260] : memref<32x3x512x128xf32, #tpu.memory_space<hbm>> -> memref<1x3x32x128xf32, #tpu.memory_space<hbm>>
      %dma_start3A_262 = tpu.memref_squeeze %dma_start3A_261 : memref<1x3x32x128xf32, #tpu.memory_space<hbm>> -> memref<3x32x128xf32, #tpu.memory_space<hbm>>
      %dma_start3A_263 = arith.constant 0 : i32
      %dma_start3A_264 = arith.constant 0 : i32
      %dma_start3A_265 = tpu.memref_slice %arg5[%add3A, %dma_start3A_263, %mul3A_248, %dma_start3A_264] : memref<32x3x512x128xf32, #tpu.memory_space<hbm>> -> memref<1x3x32x128xf32, #tpu.memory_space<hbm>>
      %dma_start3A_266 = tpu.memref_squeeze %dma_start3A_265 : memref<1x3x32x128xf32, #tpu.memory_space<hbm>> -> memref<3x32x128xf32, #tpu.memory_space<hbm>>
      %dma_start3A_267 = arith.constant 0 : i32
      %dma_start3A_268 = arith.constant 0 : i32
      %dma_start3A_269 = arith.constant 0 : i32
      %dma_start3A_270 = tpu.memref_slice %arg10[%dma_start3A_253, %dma_start3A_267, %dma_start3A_268, %dma_start3A_269] : memref<2x3x32x128xf32, #tpu.memory_space<vmem>> -> memref<1x3x32x128xf32, #tpu.memory_space<vmem>>
      %dma_start3A_271 = tpu.memref_squeeze %dma_start3A_270 : memref<1x3x32x128xf32, #tpu.memory_space<vmem>> -> memref<3x32x128xf32, #tpu.memory_space<vmem>>
      tpu.enqueue_dma source(%dma_start3A_271 : memref<3x32x128xf32, #tpu.memory_space<vmem>>) target(%dma_start3A_266 : memref<3x32x128xf32, #tpu.memory_space<hbm>>) target_semaphore(%arg14 : memref<!tpu.dma_semaphore, #tpu.memory_space<semaphore_mem>>)
      %dma_start3A_272 = arith.constant 0 : i32
      %dma_start3A_273 = arith.constant 0 : i32
      %dma_start3A_274 = arith.constant 0 : i32
      %dma_start3A_275 = tpu.memref_slice %arg11[%dma_start3A_272, %dma_start3A_273, %dma_start3A_274] : memref<2x32x128xf32, #tpu.memory_space<vmem>> -> memref<1x32x128xf32, #tpu.memory_space<vmem>>
      %dma_start3A_276 = tpu.memref_squeeze %dma_start3A_275 : memref<1x32x128xf32, #tpu.memory_space<vmem>> -> memref<32x128xf32, #tpu.memory_space<vmem>>
      %dma_start3A_277 = arith.constant 0 : i32
      %dma_start3A_278 = tpu.memref_slice %arg6[%add3A, %mul3A_252, %dma_start3A_277] : memref<32x512x128xf32, #tpu.memory_space<hbm>> -> memref<1x32x128xf32, #tpu.memory_space<hbm>>
      %dma_start3A_279 = tpu.memref_squeeze %dma_start3A_278 : memref<1x32x128xf32, #tpu.memory_space<hbm>> -> memref<32x128xf32, #tpu.memory_space<hbm>>
      %dma_start3A_280 = arith.constant 0 : i32
      %dma_start3A_281 = tpu.memref_slice %arg6[%add3A, %mul3A_252, %dma_start3A_280] : memref<32x512x128xf32, #tpu.memory_space<hbm>> -> memref<1x32x128xf32, #tpu.memory_space<hbm>>
      %dma_start3A_282 = tpu.memref_squeeze %dma_start3A_281 : memref<1x32x128xf32, #tpu.memory_space<hbm>> -> memref<32x128xf32, #tpu.memory_space<hbm>>
      %dma_start3A_283 = arith.constant 0 : i32
      %dma_start3A_284 = arith.constant 0 : i32
      %dma_start3A_285 = tpu.memref_slice %arg11[%dma_start3A_272, %dma_start3A_283, %dma_start3A_284] : memref<2x32x128xf32, #tpu.memory_space<vmem>> -> memref<1x32x128xf32, #tpu.memory_space<vmem>>
      %dma_start3A_286 = tpu.memref_squeeze %dma_start3A_285 : memref<1x32x128xf32, #tpu.memory_space<vmem>> -> memref<32x128xf32, #tpu.memory_space<vmem>>
      tpu.enqueue_dma source(%dma_start3A_286 : memref<32x128xf32, #tpu.memory_space<vmem>>) target(%dma_start3A_282 : memref<32x128xf32, #tpu.memory_space<hbm>>) target_semaphore(%arg14 : memref<!tpu.dma_semaphore, #tpu.memory_space<semaphore_mem>>)
      %lt3A_287 = arith.constant 7 : i32
      %lt3A_288 = arith.cmpi slt, %add3A_156, %lt3A_287 : i32
      %convert_element_type3A_289 = arith.extui %lt3A_288 : i1 to i32
      %cond3A_290 = arith.constant 0 : i32
      %cond3A_291 = arith.cmpi ne, %convert_element_type3A_289, %cond3A_290 : i32
      scf.if %cond3A_291 {
        %add3A_384 = arith.constant 2 : i32
        %add3A_385 = arith.addi %mul3A_158, %add3A_384 : i32
        %mul3A_386 = arith.constant 8 : i32
        %mul3A_387 = arith.muli %add3A_385, %mul3A_386 : i32
        %mul3A_388 = arith.constant 8 : i32
        %mul3A_389 = arith.muli %add3A_385, %mul3A_388 : i32
        %dma_start3A_390 = arith.constant 0 : i32
        %dma_start3A_391 = arith.constant 0 : i32
        %dma_start3A_392 = arith.constant 0 : i32
        %dma_start3A_393 = arith.constant 0 : i32
        %dma_start3A_394 = tpu.memref_slice %arg8[%dma_start3A_390, %dma_start3A_391, %dma_start3A_392, %dma_start3A_393] : memref<2x3x8x128xi32, #tpu.memory_space<vmem>> -> memref<1x3x8x128xi32, #tpu.memory_space<vmem>>
        %dma_start3A_395 = tpu.memref_squeeze %dma_start3A_394 : memref<1x3x8x128xi32, #tpu.memory_space<vmem>> -> memref<3x8x128xi32, #tpu.memory_space<vmem>>
        %dma_start3A_396 = arith.constant 0 : i32
        %dma_start3A_397 = arith.constant 0 : i32
        %dma_start3A_398 = tpu.memref_slice %arg2[%dma_start3A_396, %select_n3A, %mul3A_387, %select_n3A_30, %dma_start3A_397] : memref<3x4x128x8x128xi32, #tpu.memory_space<hbm>> -> memref<3x1x8x1x128xi32, #tpu.memory_space<hbm>>
        %dma_start3A_399 = tpu.memref_squeeze %dma_start3A_398 : memref<3x1x8x1x128xi32, #tpu.memory_space<hbm>> -> memref<3x8x128xi32, #tpu.memory_space<hbm>>
        %dma_start3A_400 = arith.constant 0 : i32
        %dma_start3A_401 = arith.constant 0 : i32
        %dma_start3A_402 = arith.constant 0 : i32
        %dma_start3A_403 = tpu.memref_slice %arg8[%dma_start3A_390, %dma_start3A_400, %dma_start3A_401, %dma_start3A_402] : memref<2x3x8x128xi32, #tpu.memory_space<vmem>> -> memref<1x3x8x128xi32, #tpu.memory_space<vmem>>
        %dma_start3A_404 = tpu.memref_squeeze %dma_start3A_403 : memref<1x3x8x128xi32, #tpu.memory_space<vmem>> -> memref<3x8x128xi32, #tpu.memory_space<vmem>>
        %dma_start3A_405 = arith.constant 0 : i32
        %dma_start3A_406 = arith.constant 0 : i32
        %dma_start3A_407 = tpu.memref_slice %arg2[%dma_start3A_405, %select_n3A, %mul3A_387, %select_n3A_30, %dma_start3A_406] : memref<3x4x128x8x128xi32, #tpu.memory_space<hbm>> -> memref<3x1x8x1x128xi32, #tpu.memory_space<hbm>>
        %dma_start3A_408 = tpu.memref_squeeze %dma_start3A_407 : memref<3x1x8x1x128xi32, #tpu.memory_space<hbm>> -> memref<3x8x128xi32, #tpu.memory_space<hbm>>
        tpu.enqueue_dma source(%dma_start3A_408 : memref<3x8x128xi32, #tpu.memory_space<hbm>>) target(%dma_start3A_404 : memref<3x8x128xi32, #tpu.memory_space<vmem>>) target_semaphore(%arg12 : memref<!tpu.dma_semaphore, #tpu.memory_space<semaphore_mem>>)
        %dma_start3A_409 = arith.constant 0 : i32
        %dma_start3A_410 = arith.constant 0 : i32
        %dma_start3A_411 = arith.constant 0 : i32
        %dma_start3A_412 = tpu.memref_slice %arg9[%dma_start3A_409, %dma_start3A_410, %dma_start3A_411] : memref<2x8x128xf32, #tpu.memory_space<vmem>> -> memref<1x8x128xf32, #tpu.memory_space<vmem>>
        %dma_start3A_413 = tpu.memref_squeeze %dma_start3A_412 : memref<1x8x128xf32, #tpu.memory_space<vmem>> -> memref<8x128xf32, #tpu.memory_space<vmem>>
        %dma_start3A_414 = arith.constant 0 : i32
        %dma_start3A_415 = tpu.memref_slice %arg4[%select_n3A, %mul3A_389, %select_n3A_30, %dma_start3A_414] : memref<4x128x8x128xf32, #tpu.memory_space<hbm>> -> memref<1x8x1x128xf32, #tpu.memory_space<hbm>>
        %dma_start3A_416 = tpu.memref_squeeze %dma_start3A_415 : memref<1x8x1x128xf32, #tpu.memory_space<hbm>> -> memref<8x128xf32, #tpu.memory_space<hbm>>
        %dma_start3A_417 = arith.constant 0 : i32
        %dma_start3A_418 = arith.constant 0 : i32
        %dma_start3A_419 = tpu.memref_slice %arg9[%dma_start3A_409, %dma_start3A_417, %dma_start3A_418] : memref<2x8x128xf32, #tpu.memory_space<vmem>> -> memref<1x8x128xf32, #tpu.memory_space<vmem>>
        %dma_start3A_420 = tpu.memref_squeeze %dma_start3A_419 : memref<1x8x128xf32, #tpu.memory_space<vmem>> -> memref<8x128xf32, #tpu.memory_space<vmem>>
        %dma_start3A_421 = arith.constant 0 : i32
        %dma_start3A_422 = tpu.memref_slice %arg4[%select_n3A, %mul3A_389, %select_n3A_30, %dma_start3A_421] : memref<4x128x8x128xf32, #tpu.memory_space<hbm>> -> memref<1x8x1x128xf32, #tpu.memory_space<hbm>>
        %dma_start3A_423 = tpu.memref_squeeze %dma_start3A_422 : memref<1x8x1x128xf32, #tpu.memory_space<hbm>> -> memref<8x128xf32, #tpu.memory_space<hbm>>
        tpu.enqueue_dma source(%dma_start3A_423 : memref<8x128xf32, #tpu.memory_space<hbm>>) target(%dma_start3A_420 : memref<8x128xf32, #tpu.memory_space<vmem>>) target_semaphore(%arg12 : memref<!tpu.dma_semaphore, #tpu.memory_space<semaphore_mem>>)
      } else {
      }
      %mul3A_292 = arith.constant 8 : i32
      %mul3A_293 = arith.muli %add3A_160, %mul3A_292 : i32
      %mul3A_294 = arith.constant 8 : i32
      %mul3A_295 = arith.muli %add3A_160, %mul3A_294 : i32
      %dma_wait3A_296 = arith.constant 1 : i32
      %dma_wait3A_297 = arith.constant 0 : i32
      %dma_wait3A_298 = arith.constant 0 : i32
      %dma_wait3A_299 = arith.constant 0 : i32
      %dma_wait3A_300 = tpu.memref_slice %arg8[%dma_wait3A_296, %dma_wait3A_297, %dma_wait3A_298, %dma_wait3A_299] : memref<2x3x8x128xi32, #tpu.memory_space<vmem>> -> memref<1x3x8x128xi32, #tpu.memory_space<vmem>>
      %dma_wait3A_301 = tpu.memref_squeeze %dma_wait3A_300 : memref<1x3x8x128xi32, #tpu.memory_space<vmem>> -> memref<3x8x128xi32, #tpu.memory_space<vmem>>
      %dma_wait3A_302 = arith.constant 0 : i32
      %dma_wait3A_303 = arith.constant 0 : i32
      %dma_wait3A_304 = tpu.memref_slice %arg2[%dma_wait3A_302, %select_n3A, %mul3A_293, %select_n3A_30, %dma_wait3A_303] : memref<3x4x128x8x128xi32, #tpu.memory_space<hbm>> -> memref<3x1x8x1x128xi32, #tpu.memory_space<hbm>>
      %dma_wait3A_305 = tpu.memref_squeeze %dma_wait3A_304 : memref<3x1x8x1x128xi32, #tpu.memory_space<hbm>> -> memref<3x8x128xi32, #tpu.memory_space<hbm>>
      %dma_wait3A_306 = arith.constant 0 : i32
      %dma_wait3A_307 = arith.constant 0 : i32
      %dma_wait3A_308 = arith.constant 0 : i32
      %dma_wait3A_309 = tpu.memref_slice %arg8[%dma_wait3A_296, %dma_wait3A_306, %dma_wait3A_307, %dma_wait3A_308] : memref<2x3x8x128xi32, #tpu.memory_space<vmem>> -> memref<1x3x8x128xi32, #tpu.memory_space<vmem>>
      %dma_wait3A_310 = tpu.memref_squeeze %dma_wait3A_309 : memref<1x3x8x128xi32, #tpu.memory_space<vmem>> -> memref<3x8x128xi32, #tpu.memory_space<vmem>>
      %dma_wait3A_311 = arith.constant 0 : i32
      %dma_wait3A_312 = arith.constant 0 : i32
      %dma_wait3A_313 = tpu.memref_slice %arg2[%dma_wait3A_311, %select_n3A, %mul3A_293, %select_n3A_30, %dma_wait3A_312] : memref<3x4x128x8x128xi32, #tpu.memory_space<hbm>> -> memref<3x1x8x1x128xi32, #tpu.memory_space<hbm>>
      %dma_wait3A_314 = tpu.memref_squeeze %dma_wait3A_313 : memref<3x1x8x1x128xi32, #tpu.memory_space<hbm>> -> memref<3x8x128xi32, #tpu.memory_space<hbm>>
      tpu.wait_dma2 semaphore(%arg13 : memref<!tpu.dma_semaphore, #tpu.memory_space<semaphore_mem>>) src(%dma_wait3A_314 : memref<3x8x128xi32, #tpu.memory_space<hbm>>) dst(%dma_wait3A_310 : memref<3x8x128xi32, #tpu.memory_space<vmem>>)
      %dma_wait3A_315 = arith.constant 1 : i32
      %dma_wait3A_316 = arith.constant 0 : i32
      %dma_wait3A_317 = arith.constant 0 : i32
      %dma_wait3A_318 = tpu.memref_slice %arg9[%dma_wait3A_315, %dma_wait3A_316, %dma_wait3A_317] : memref<2x8x128xf32, #tpu.memory_space<vmem>> -> memref<1x8x128xf32, #tpu.memory_space<vmem>>
      %dma_wait3A_319 = tpu.memref_squeeze %dma_wait3A_318 : memref<1x8x128xf32, #tpu.memory_space<vmem>> -> memref<8x128xf32, #tpu.memory_space<vmem>>
      %dma_wait3A_320 = arith.constant 0 : i32
      %dma_wait3A_321 = tpu.memref_slice %arg4[%select_n3A, %mul3A_295, %select_n3A_30, %dma_wait3A_320] : memref<4x128x8x128xf32, #tpu.memory_space<hbm>> -> memref<1x8x1x128xf32, #tpu.memory_space<hbm>>
      %dma_wait3A_322 = tpu.memref_squeeze %dma_wait3A_321 : memref<1x8x1x128xf32, #tpu.memory_space<hbm>> -> memref<8x128xf32, #tpu.memory_space<hbm>>
      %dma_wait3A_323 = arith.constant 0 : i32
      %dma_wait3A_324 = arith.constant 0 : i32
      %dma_wait3A_325 = tpu.memref_slice %arg9[%dma_wait3A_315, %dma_wait3A_323, %dma_wait3A_324] : memref<2x8x128xf32, #tpu.memory_space<vmem>> -> memref<1x8x128xf32, #tpu.memory_space<vmem>>
      %dma_wait3A_326 = tpu.memref_squeeze %dma_wait3A_325 : memref<1x8x128xf32, #tpu.memory_space<vmem>> -> memref<8x128xf32, #tpu.memory_space<vmem>>
      %dma_wait3A_327 = arith.constant 0 : i32
      %dma_wait3A_328 = tpu.memref_slice %arg4[%select_n3A, %mul3A_295, %select_n3A_30, %dma_wait3A_327] : memref<4x128x8x128xf32, #tpu.memory_space<hbm>> -> memref<1x8x1x128xf32, #tpu.memory_space<hbm>>
      %dma_wait3A_329 = tpu.memref_squeeze %dma_wait3A_328 : memref<1x8x1x128xf32, #tpu.memory_space<hbm>> -> memref<8x128xf32, #tpu.memory_space<hbm>>
      tpu.wait_dma2 semaphore(%arg13 : memref<!tpu.dma_semaphore, #tpu.memory_space<semaphore_mem>>) src(%dma_wait3A_329 : memref<8x128xf32, #tpu.memory_space<hbm>>) dst(%dma_wait3A_326 : memref<8x128xf32, #tpu.memory_space<vmem>>)
      %gt3A_330 = arith.constant 0 : i32
      %gt3A_331 = arith.cmpi sgt, %add3A_156, %gt3A_330 : i32
      %convert_element_type3A_332 = arith.extui %gt3A_331 : i1 to i32
      %cond3A_333 = arith.constant 0 : i32
      %cond3A_334 = arith.cmpi ne, %convert_element_type3A_332, %cond3A_333 : i32
      scf.if %cond3A_334 {
        %dma_wait3A_384 = arith.constant 1 : i32
        %dma_wait3A_385 = arith.constant 0 : i32
        %dma_wait3A_386 = arith.constant 0 : i32
        %dma_wait3A_387 = arith.constant 0 : i32
        %dma_wait3A_388 = tpu.memref_slice %arg10[%dma_wait3A_384, %dma_wait3A_385, %dma_wait3A_386, %dma_wait3A_387] : memref<2x3x32x128xf32, #tpu.memory_space<vmem>> -> memref<1x3x32x128xf32, #tpu.memory_space<vmem>>
        %dma_wait3A_389 = tpu.memref_squeeze %dma_wait3A_388 : memref<1x3x32x128xf32, #tpu.memory_space<vmem>> -> memref<3x32x128xf32, #tpu.memory_space<vmem>>
        %dma_wait3A_390 = arith.constant 0 : i32
        %dma_wait3A_391 = arith.constant 32 : i32
        %dma_wait3A_392 = arith.constant 0 : i32
        %dma_wait3A_393 = tpu.memref_slice %arg5[%add3A, %dma_wait3A_390, %dma_wait3A_391, %dma_wait3A_392] : memref<32x3x512x128xf32, #tpu.memory_space<hbm>> -> memref<1x3x32x128xf32, #tpu.memory_space<hbm>>
        %dma_wait3A_394 = tpu.memref_squeeze %dma_wait3A_393 : memref<1x3x32x128xf32, #tpu.memory_space<hbm>> -> memref<3x32x128xf32, #tpu.memory_space<hbm>>
        %dma_wait3A_395 = arith.constant 0 : i32
        %dma_wait3A_396 = arith.constant 32 : i32
        %dma_wait3A_397 = arith.constant 0 : i32
        %dma_wait3A_398 = tpu.memref_slice %arg5[%add3A, %dma_wait3A_395, %dma_wait3A_396, %dma_wait3A_397] : memref<32x3x512x128xf32, #tpu.memory_space<hbm>> -> memref<1x3x32x128xf32, #tpu.memory_space<hbm>>
        %dma_wait3A_399 = tpu.memref_squeeze %dma_wait3A_398 : memref<1x3x32x128xf32, #tpu.memory_space<hbm>> -> memref<3x32x128xf32, #tpu.memory_space<hbm>>
        %dma_wait3A_400 = arith.constant 0 : i32
        %dma_wait3A_401 = arith.constant 0 : i32
        %dma_wait3A_402 = arith.constant 0 : i32
        %dma_wait3A_403 = tpu.memref_slice %arg10[%dma_wait3A_384, %dma_wait3A_400, %dma_wait3A_401, %dma_wait3A_402] : memref<2x3x32x128xf32, #tpu.memory_space<vmem>> -> memref<1x3x32x128xf32, #tpu.memory_space<vmem>>
        %dma_wait3A_404 = tpu.memref_squeeze %dma_wait3A_403 : memref<1x3x32x128xf32, #tpu.memory_space<vmem>> -> memref<3x32x128xf32, #tpu.memory_space<vmem>>
        tpu.wait_dma2 semaphore(%arg15 : memref<!tpu.dma_semaphore, #tpu.memory_space<semaphore_mem>>) src(%dma_wait3A_404 : memref<3x32x128xf32, #tpu.memory_space<vmem>>) dst(%dma_wait3A_399 : memref<3x32x128xf32, #tpu.memory_space<hbm>>)
        %dma_wait3A_405 = arith.constant 1 : i32
        %dma_wait3A_406 = arith.constant 0 : i32
        %dma_wait3A_407 = arith.constant 0 : i32
        %dma_wait3A_408 = tpu.memref_slice %arg11[%dma_wait3A_405, %dma_wait3A_406, %dma_wait3A_407] : memref<2x32x128xf32, #tpu.memory_space<vmem>> -> memref<1x32x128xf32, #tpu.memory_space<vmem>>
        %dma_wait3A_409 = tpu.memref_squeeze %dma_wait3A_408 : memref<1x32x128xf32, #tpu.memory_space<vmem>> -> memref<32x128xf32, #tpu.memory_space<vmem>>
        %dma_wait3A_410 = arith.constant 32 : i32
        %dma_wait3A_411 = arith.constant 0 : i32
        %dma_wait3A_412 = tpu.memref_slice %arg6[%add3A, %dma_wait3A_410, %dma_wait3A_411] : memref<32x512x128xf32, #tpu.memory_space<hbm>> -> memref<1x32x128xf32, #tpu.memory_space<hbm>>
        %dma_wait3A_413 = tpu.memref_squeeze %dma_wait3A_412 : memref<1x32x128xf32, #tpu.memory_space<hbm>> -> memref<32x128xf32, #tpu.memory_space<hbm>>
        %dma_wait3A_414 = arith.constant 32 : i32
        %dma_wait3A_415 = arith.constant 0 : i32
        %dma_wait3A_416 = tpu.memref_slice %arg6[%add3A, %dma_wait3A_414, %dma_wait3A_415] : memref<32x512x128xf32, #tpu.memory_space<hbm>> -> memref<1x32x128xf32, #tpu.memory_space<hbm>>
        %dma_wait3A_417 = tpu.memref_squeeze %dma_wait3A_416 : memref<1x32x128xf32, #tpu.memory_space<hbm>> -> memref<32x128xf32, #tpu.memory_space<hbm>>
        %dma_wait3A_418 = arith.constant 0 : i32
        %dma_wait3A_419 = arith.constant 0 : i32
        %dma_wait3A_420 = tpu.memref_slice %arg11[%dma_wait3A_405, %dma_wait3A_418, %dma_wait3A_419] : memref<2x32x128xf32, #tpu.memory_space<vmem>> -> memref<1x32x128xf32, #tpu.memory_space<vmem>>
        %dma_wait3A_421 = tpu.memref_squeeze %dma_wait3A_420 : memref<1x32x128xf32, #tpu.memory_space<vmem>> -> memref<32x128xf32, #tpu.memory_space<vmem>>
        tpu.wait_dma2 semaphore(%arg15 : memref<!tpu.dma_semaphore, #tpu.memory_space<semaphore_mem>>) src(%dma_wait3A_421 : memref<32x128xf32, #tpu.memory_space<vmem>>) dst(%dma_wait3A_417 : memref<32x128xf32, #tpu.memory_space<hbm>>)
      } else {
      }
      %parallel_loop3A_335 = arith.constant 0 : i32
      %parallel_loop3A_336 = arith.constant 64 : i32
      %parallel_loop3A_337 = arith.constant 1 : i32
      %parallel_loop3A_338 = arith.constant 1 : i32
      %parallel_loop3A_339 = arith.constant 1 : i32
      %parallel_loop3A_340 = arith.constant 1 : i32
      %parallel_loop3A_341 = arith.constant 1 : i32
      scf.for %parallel_loop3A_384 = %parallel_loop3A_335 to %parallel_loop3A_336 step %parallel_loop3A_337  : i32 {
        %parallel_loop3A_385 = arith.constant 3 : i32
        %parallel_loop3A_386 = arith.shrui %parallel_loop3A_384, %parallel_loop3A_385 : i32
        %parallel_loop3A_387 = arith.constant 128 : i32
        %parallel_loop3A_388 = arith.muli %parallel_loop3A_386, %parallel_loop3A_387 : i32
        %parallel_loop3A_389 = arith.constant 7 : i32
        %parallel_loop3A_390 = arith.andi %parallel_loop3A_384, %parallel_loop3A_389 : i32
        %parallel_loop3A_391 = arith.constant 16 : i32
        %parallel_loop3A_392 = arith.muli %parallel_loop3A_390, %parallel_loop3A_391 : i32
        %parallel_loop3A_393 = arith.addi %parallel_loop3A_388, %parallel_loop3A_392 : i32
        %parallel_loop3A_394 = arith.constant 0 : i32
        %parallel_loop3A_395 = arith.constant 0 : i32
        %parallel_loop3A_396 = arith.constant 0 : i32
        %parallel_loop3A_397 = arith.constant 0 : i32
        %parallel_loop3A_398 = tpu.memref_slice %arg8[%parallel_loop3A_338, %parallel_loop3A_395, %parallel_loop3A_396, %parallel_loop3A_397] : memref<2x3x8x128xi32, #tpu.memory_space<vmem>> -> memref<1x3x8x128xi32, #tpu.memory_space<vmem>>
        %parallel_loop3A_399 = tpu.memref_squeeze %parallel_loop3A_398 : memref<1x3x8x128xi32, #tpu.memory_space<vmem>> -> memref<3x8x128xi32, #tpu.memory_space<vmem>>
        %parallel_loop3A_400 = tpu.memref_reshape %parallel_loop3A_399 : memref<3x8x128xi32, #tpu.memory_space<vmem>> -> memref<3x1024xi32, #tpu.memory_space<vmem>>
        %parallel_loop3A_401 = arith.index_cast %parallel_loop3A_394 : i32 to index
        %parallel_loop3A_402 = arith.index_cast %parallel_loop3A_393 : i32 to index
        %parallel_loop3A_403 = tpu.vector_load %parallel_loop3A_400[%parallel_loop3A_401, %parallel_loop3A_402] {strides = array<i32>} : memref<3x1024xi32, #tpu.memory_space<vmem>>, vector<16xi32>,
        %parallel_loop3A_404 = arith.constant 1 : i32
        %parallel_loop3A_405 = arith.constant 0 : i32
        %parallel_loop3A_406 = arith.constant 0 : i32
        %parallel_loop3A_407 = arith.constant 0 : i32
        %parallel_loop3A_408 = tpu.memref_slice %arg8[%parallel_loop3A_338, %parallel_loop3A_405, %parallel_loop3A_406, %parallel_loop3A_407] : memref<2x3x8x128xi32, #tpu.memory_space<vmem>> -> memref<1x3x8x128xi32, #tpu.memory_space<vmem>>
        %parallel_loop3A_409 = tpu.memref_squeeze %parallel_loop3A_408 : memref<1x3x8x128xi32, #tpu.memory_space<vmem>> -> memref<3x8x128xi32, #tpu.memory_space<vmem>>
        %parallel_loop3A_410 = tpu.memref_reshape %parallel_loop3A_409 : memref<3x8x128xi32, #tpu.memory_space<vmem>> -> memref<3x1024xi32, #tpu.memory_space<vmem>>
        %parallel_loop3A_411 = arith.index_cast %parallel_loop3A_404 : i32 to index
        %parallel_loop3A_412 = arith.index_cast %parallel_loop3A_393 : i32 to index
        %parallel_loop3A_413 = tpu.vector_load %parallel_loop3A_410[%parallel_loop3A_411, %parallel_loop3A_412] {strides = array<i32>} : memref<3x1024xi32, #tpu.memory_space<vmem>>, vector<16xi32>,
        %parallel_loop3A_414 = arith.constant 2 : i32
        %parallel_loop3A_415 = arith.constant 0 : i32
        %parallel_loop3A_416 = arith.constant 0 : i32
        %parallel_loop3A_417 = arith.constant 0 : i32
        %parallel_loop3A_418 = tpu.memref_slice %arg8[%parallel_loop3A_338, %parallel_loop3A_415, %parallel_loop3A_416, %parallel_loop3A_417] : memref<2x3x8x128xi32, #tpu.memory_space<vmem>> -> memref<1x3x8x128xi32, #tpu.memory_space<vmem>>
        %parallel_loop3A_419 = tpu.memref_squeeze %parallel_loop3A_418 : memref<1x3x8x128xi32, #tpu.memory_space<vmem>> -> memref<3x8x128xi32, #tpu.memory_space<vmem>>
        %parallel_loop3A_420 = tpu.memref_reshape %parallel_loop3A_419 : memref<3x8x128xi32, #tpu.memory_space<vmem>> -> memref<3x1024xi32, #tpu.memory_space<vmem>>
        %parallel_loop3A_421 = arith.index_cast %parallel_loop3A_414 : i32 to index
        %parallel_loop3A_422 = arith.index_cast %parallel_loop3A_393 : i32 to index
        %parallel_loop3A_423 = tpu.vector_load %parallel_loop3A_420[%parallel_loop3A_421, %parallel_loop3A_422] {strides = array<i32>} : memref<3x1024xi32, #tpu.memory_space<vmem>>, vector<16xi32>,
        %parallel_loop3A_424 = arith.constant 0 : i32
        %parallel_loop3A_425 = arith.constant 0 : i32
        %parallel_loop3A_426 = arith.constant 0 : i32
        %parallel_loop3A_427 = tpu.memref_slice %arg9[%parallel_loop3A_339, %parallel_loop3A_425, %parallel_loop3A_426] : memref<2x8x128xf32, #tpu.memory_space<vmem>> -> memref<1x8x128xf32, #tpu.memory_space<vmem>>
        %parallel_loop3A_428 = tpu.memref_squeeze %parallel_loop3A_427 : memref<1x8x128xf32, #tpu.memory_space<vmem>> -> memref<8x128xf32, #tpu.memory_space<vmem>>
        %parallel_loop3A_429 = tpu.memref_reshape %parallel_loop3A_428 : memref<8x128xf32, #tpu.memory_space<vmem>> -> memref<1x1024xf32, #tpu.memory_space<vmem>>
        %parallel_loop3A_430 = arith.index_cast %parallel_loop3A_424 : i32 to index
        %parallel_loop3A_431 = arith.index_cast %parallel_loop3A_393 : i32 to index
        %parallel_loop3A_432 = tpu.vector_load %parallel_loop3A_429[%parallel_loop3A_430, %parallel_loop3A_431] {strides = array<i32>} : memref<1x1024xf32, #tpu.memory_space<vmem>>, vector<16xf32>,
        %parallel_loop3A_433 = tpu.memref_reshape %arg7 : memref<3x128x128xf32, #tpu.memory_space<vmem>> -> memref<3x16384xf32, #tpu.memory_space<vmem>>
        %parallel_loop3A_434 = tpu.vector_load_idx %parallel_loop3A_433[%broadcast_in_dim3A_31, %parallel_loop3A_403] : memref<3x16384xf32, #tpu.memory_space<vmem>>[vector<16xi32>, vector<16xi32>], vector<16xf32>,
        %parallel_loop3A_435 = tpu.memref_reshape %arg7 : memref<3x128x128xf32, #tpu.memory_space<vmem>> -> memref<3x16384xf32, #tpu.memory_space<vmem>>
        %parallel_loop3A_436 = tpu.vector_load_idx %parallel_loop3A_435[%broadcast_in_dim3A_33, %parallel_loop3A_403] : memref<3x16384xf32, #tpu.memory_space<vmem>>[vector<16xi32>, vector<16xi32>], vector<16xf32>,
        %parallel_loop3A_437 = tpu.memref_reshape %arg7 : memref<3x128x128xf32, #tpu.memory_space<vmem>> -> memref<3x16384xf32, #tpu.memory_space<vmem>>
        %parallel_loop3A_438 = tpu.vector_load_idx %parallel_loop3A_437[%broadcast_in_dim3A_35, %parallel_loop3A_403] : memref<3x16384xf32, #tpu.memory_space<vmem>>[vector<16xi32>, vector<16xi32>], vector<16xf32>,
        %parallel_loop3A_439 = tpu.memref_reshape %arg7 : memref<3x128x128xf32, #tpu.memory_space<vmem>> -> memref<3x16384xf32, #tpu.memory_space<vmem>>
        %parallel_loop3A_440 = tpu.vector_load_idx %parallel_loop3A_439[%broadcast_in_dim3A_31, %parallel_loop3A_413] : memref<3x16384xf32, #tpu.memory_space<vmem>>[vector<16xi32>, vector<16xi32>], vector<16xf32>,
        %parallel_loop3A_441 = tpu.memref_reshape %arg7 : memref<3x128x128xf32, #tpu.memory_space<vmem>> -> memref<3x16384xf32, #tpu.memory_space<vmem>>
        %parallel_loop3A_442 = tpu.vector_load_idx %parallel_loop3A_441[%broadcast_in_dim3A_33, %parallel_loop3A_413] : memref<3x16384xf32, #tpu.memory_space<vmem>>[vector<16xi32>, vector<16xi32>], vector<16xf32>,
        %parallel_loop3A_443 = tpu.memref_reshape %arg7 : memref<3x128x128xf32, #tpu.memory_space<vmem>> -> memref<3x16384xf32, #tpu.memory_space<vmem>>
        %parallel_loop3A_444 = tpu.vector_load_idx %parallel_loop3A_443[%broadcast_in_dim3A_35, %parallel_loop3A_413] : memref<3x16384xf32, #tpu.memory_space<vmem>>[vector<16xi32>, vector<16xi32>], vector<16xf32>,
        %parallel_loop3A_445 = tpu.memref_reshape %arg7 : memref<3x128x128xf32, #tpu.memory_space<vmem>> -> memref<3x16384xf32, #tpu.memory_space<vmem>>
        %parallel_loop3A_446 = tpu.vector_load_idx %parallel_loop3A_445[%broadcast_in_dim3A_31, %parallel_loop3A_423] : memref<3x16384xf32, #tpu.memory_space<vmem>>[vector<16xi32>, vector<16xi32>], vector<16xf32>,
        %parallel_loop3A_447 = tpu.memref_reshape %arg7 : memref<3x128x128xf32, #tpu.memory_space<vmem>> -> memref<3x16384xf32, #tpu.memory_space<vmem>>
        %parallel_loop3A_448 = tpu.vector_load_idx %parallel_loop3A_447[%broadcast_in_dim3A_33, %parallel_loop3A_423] : memref<3x16384xf32, #tpu.memory_space<vmem>>[vector<16xi32>, vector<16xi32>], vector<16xf32>,
        %parallel_loop3A_449 = tpu.memref_reshape %arg7 : memref<3x128x128xf32, #tpu.memory_space<vmem>> -> memref<3x16384xf32, #tpu.memory_space<vmem>>
        %parallel_loop3A_450 = tpu.vector_load_idx %parallel_loop3A_449[%broadcast_in_dim3A_35, %parallel_loop3A_423] : memref<3x16384xf32, #tpu.memory_space<vmem>>[vector<16xi32>, vector<16xi32>], vector<16xf32>,
        %parallel_loop3A_451 = arith.subf %parallel_loop3A_440, %parallel_loop3A_434 : vector<16xf32>
        %parallel_loop3A_452 = arith.subf %parallel_loop3A_442, %parallel_loop3A_436 : vector<16xf32>
        %parallel_loop3A_453 = arith.subf %parallel_loop3A_444, %parallel_loop3A_438 : vector<16xf32>
        %parallel_loop3A_454 = arith.subf %parallel_loop3A_446, %parallel_loop3A_434 : vector<16xf32>
        %parallel_loop3A_455 = arith.subf %parallel_loop3A_448, %parallel_loop3A_436 : vector<16xf32>
        %parallel_loop3A_456 = arith.subf %parallel_loop3A_450, %parallel_loop3A_438 : vector<16xf32>
        %parallel_loop3A_457 = arith.mulf %parallel_loop3A_451, %parallel_loop3A_451 : vector<16xf32>
        %parallel_loop3A_458 = arith.mulf %parallel_loop3A_452, %parallel_loop3A_452 : vector<16xf32>
        %parallel_loop3A_459 = arith.addf %parallel_loop3A_457, %parallel_loop3A_458 : vector<16xf32>
        %parallel_loop3A_460 = arith.mulf %parallel_loop3A_453, %parallel_loop3A_453 : vector<16xf32>
        %parallel_loop3A_461 = arith.addf %parallel_loop3A_459, %parallel_loop3A_460 : vector<16xf32>
        %parallel_loop3A_462 = math.sqrt %parallel_loop3A_461 : vector<16xf32>
        %parallel_loop3A_463 = arith.constant 9.99999997E-7 : f32
        %parallel_loop3A_464 = vector.broadcast %parallel_loop3A_463 : f32 to vector<16xf32>
        %parallel_loop3A_465 = arith.addf %parallel_loop3A_462, %parallel_loop3A_464 : vector<16xf32>
        %parallel_loop3A_466 = arith.constant 1.000000e+00 : f32
        %parallel_loop3A_467 = vector.broadcast %parallel_loop3A_466 : f32 to vector<16xf32>
        %parallel_loop3A_468 = arith.divf %parallel_loop3A_467, %parallel_loop3A_465 : vector<16xf32>
        %parallel_loop3A_469 = arith.mulf %parallel_loop3A_451, %parallel_loop3A_468 : vector<16xf32>
        %parallel_loop3A_470 = arith.mulf %parallel_loop3A_452, %parallel_loop3A_468 : vector<16xf32>
        %parallel_loop3A_471 = arith.constant 9.99999997E-7 : f32
        %parallel_loop3A_472 = vector.broadcast %parallel_loop3A_471 : f32 to vector<16xf32>
        %parallel_loop3A_473 = arith.addf %parallel_loop3A_453, %parallel_loop3A_472 : vector<16xf32>
        %parallel_loop3A_474 = arith.mulf %parallel_loop3A_473, %parallel_loop3A_468 : vector<16xf32>
        %parallel_loop3A_475 = arith.mulf %parallel_loop3A_470, %parallel_loop3A_456 : vector<16xf32>
        %parallel_loop3A_476 = arith.mulf %parallel_loop3A_474, %parallel_loop3A_455 : vector<16xf32>
        %parallel_loop3A_477 = arith.subf %parallel_loop3A_475, %parallel_loop3A_476 : vector<16xf32>
        %parallel_loop3A_478 = arith.mulf %parallel_loop3A_474, %parallel_loop3A_454 : vector<16xf32>
        %parallel_loop3A_479 = arith.mulf %parallel_loop3A_469, %parallel_loop3A_456 : vector<16xf32>
        %parallel_loop3A_480 = arith.subf %parallel_loop3A_478, %parallel_loop3A_479 : vector<16xf32>
        %parallel_loop3A_481 = arith.mulf %parallel_loop3A_469, %parallel_loop3A_455 : vector<16xf32>
        %parallel_loop3A_482 = arith.mulf %parallel_loop3A_470, %parallel_loop3A_454 : vector<16xf32>
        %parallel_loop3A_483 = arith.subf %parallel_loop3A_481, %parallel_loop3A_482 : vector<16xf32>
        %parallel_loop3A_484 = arith.mulf %parallel_loop3A_477, %parallel_loop3A_477 : vector<16xf32>
        %parallel_loop3A_485 = arith.mulf %parallel_loop3A_480, %parallel_loop3A_480 : vector<16xf32>
        %parallel_loop3A_486 = arith.addf %parallel_loop3A_484, %parallel_loop3A_485 : vector<16xf32>
        %parallel_loop3A_487 = arith.mulf %parallel_loop3A_483, %parallel_loop3A_483 : vector<16xf32>
        %parallel_loop3A_488 = arith.addf %parallel_loop3A_486, %parallel_loop3A_487 : vector<16xf32>
        %parallel_loop3A_489 = math.sqrt %parallel_loop3A_488 : vector<16xf32>
        %parallel_loop3A_490 = arith.constant 9.99999997E-7 : f32
        %parallel_loop3A_491 = vector.broadcast %parallel_loop3A_490 : f32 to vector<16xf32>
        %parallel_loop3A_492 = arith.addf %parallel_loop3A_489, %parallel_loop3A_491 : vector<16xf32>
        %parallel_loop3A_493 = arith.constant 1.000000e+00 : f32
        %parallel_loop3A_494 = vector.broadcast %parallel_loop3A_493 : f32 to vector<16xf32>
        %parallel_loop3A_495 = arith.divf %parallel_loop3A_494, %parallel_loop3A_492 : vector<16xf32>
        %parallel_loop3A_496 = arith.mulf %parallel_loop3A_477, %parallel_loop3A_495 : vector<16xf32>
        %parallel_loop3A_497 = arith.constant 9.99999997E-7 : f32
        %parallel_loop3A_498 = vector.broadcast %parallel_loop3A_497 : f32 to vector<16xf32>
        %parallel_loop3A_499 = arith.addf %parallel_loop3A_480, %parallel_loop3A_498 : vector<16xf32>
        %parallel_loop3A_500 = arith.mulf %parallel_loop3A_499, %parallel_loop3A_495 : vector<16xf32>
        %parallel_loop3A_501 = arith.mulf %parallel_loop3A_483, %parallel_loop3A_495 : vector<16xf32>
        %parallel_loop3A_502 = arith.mulf %parallel_loop3A_500, %parallel_loop3A_474 : vector<16xf32>
        %parallel_loop3A_503 = arith.mulf %parallel_loop3A_501, %parallel_loop3A_470 : vector<16xf32>
        %parallel_loop3A_504 = arith.subf %parallel_loop3A_502, %parallel_loop3A_503 : vector<16xf32>
        %parallel_loop3A_505 = arith.mulf %parallel_loop3A_501, %parallel_loop3A_469 : vector<16xf32>
        %parallel_loop3A_506 = arith.mulf %parallel_loop3A_496, %parallel_loop3A_474 : vector<16xf32>
        %parallel_loop3A_507 = arith.subf %parallel_loop3A_505, %parallel_loop3A_506 : vector<16xf32>
        %parallel_loop3A_508 = arith.mulf %parallel_loop3A_496, %parallel_loop3A_470 : vector<16xf32>
        %parallel_loop3A_509 = arith.mulf %parallel_loop3A_500, %parallel_loop3A_469 : vector<16xf32>
        %parallel_loop3A_510 = arith.subf %parallel_loop3A_508, %parallel_loop3A_509 : vector<16xf32>
        %parallel_loop3A_511 = arith.mulf %parallel_loop3A_504, %parallel_loop3A_504 : vector<16xf32>
        %parallel_loop3A_512 = arith.mulf %parallel_loop3A_507, %parallel_loop3A_507 : vector<16xf32>
        %parallel_loop3A_513 = arith.addf %parallel_loop3A_511, %parallel_loop3A_512 : vector<16xf32>
        %parallel_loop3A_514 = arith.mulf %parallel_loop3A_510, %parallel_loop3A_510 : vector<16xf32>
        %parallel_loop3A_515 = arith.addf %parallel_loop3A_513, %parallel_loop3A_514 : vector<16xf32>
        %parallel_loop3A_516 = math.sqrt %parallel_loop3A_515 : vector<16xf32>
        %parallel_loop3A_517 = arith.constant 9.99999997E-7 : f32
        %parallel_loop3A_518 = vector.broadcast %parallel_loop3A_517 : f32 to vector<16xf32>
        %parallel_loop3A_519 = arith.addf %parallel_loop3A_516, %parallel_loop3A_518 : vector<16xf32>
        %parallel_loop3A_520 = arith.constant 1.000000e+00 : f32
        %parallel_loop3A_521 = vector.broadcast %parallel_loop3A_520 : f32 to vector<16xf32>
        %parallel_loop3A_522 = arith.divf %parallel_loop3A_521, %parallel_loop3A_519 : vector<16xf32>
        %parallel_loop3A_523 = arith.constant 9.99999997E-7 : f32
        %parallel_loop3A_524 = vector.broadcast %parallel_loop3A_523 : f32 to vector<16xf32>
        %parallel_loop3A_525 = arith.addf %parallel_loop3A_504, %parallel_loop3A_524 : vector<16xf32>
        %parallel_loop3A_526 = arith.mulf %parallel_loop3A_525, %parallel_loop3A_522 : vector<16xf32>
        %parallel_loop3A_527 = arith.mulf %parallel_loop3A_507, %parallel_loop3A_522 : vector<16xf32>
        %parallel_loop3A_528 = arith.mulf %parallel_loop3A_510, %parallel_loop3A_522 : vector<16xf32>
        %parallel_loop3A_529 = arith.constant 512 : i32
        %parallel_loop3A_530 = arith.muli %parallel_loop3A_386, %parallel_loop3A_529 : i32
        %parallel_loop3A_531 = arith.constant 7 : i32
        %parallel_loop3A_532 = arith.andi %parallel_loop3A_384, %parallel_loop3A_531 : i32
        %parallel_loop3A_533 = arith.constant 16 : i32
        %parallel_loop3A_534 = arith.muli %parallel_loop3A_532, %parallel_loop3A_533 : i32
        %parallel_loop3A_535 = arith.addi %parallel_loop3A_530, %parallel_loop3A_534 : i32
        %parallel_loop3A_536 = arith.constant 0 : i32
        %parallel_loop3A_537 = arith.constant 0 : i32
        %parallel_loop3A_538 = arith.constant 0 : i32
        %parallel_loop3A_539 = arith.constant 0 : i32
        %parallel_loop3A_540 = tpu.memref_slice %arg10[%parallel_loop3A_340, %parallel_loop3A_537, %parallel_loop3A_538, %parallel_loop3A_539] : memref<2x3x32x128xf32, #tpu.memory_space<vmem>> -> memref<1x3x32x128xf32, #tpu.memory_space<vmem>>
        %parallel_loop3A_541 = tpu.memref_squeeze %parallel_loop3A_540 : memref<1x3x32x128xf32, #tpu.memory_space<vmem>> -> memref<3x32x128xf32, #tpu.memory_space<vmem>>
        %parallel_loop3A_542 = tpu.memref_reshape %parallel_loop3A_541 : memref<3x32x128xf32, #tpu.memory_space<vmem>> -> memref<3x4096xf32, #tpu.memory_space<vmem>>
        %parallel_loop3A_543 = arith.index_cast %parallel_loop3A_536 : i32 to index
        %parallel_loop3A_544 = arith.index_cast %parallel_loop3A_535 : i32 to index
        %parallel_loop3A_545 = tpu.vector_load %parallel_loop3A_542[%parallel_loop3A_543, %parallel_loop3A_544] {strides = array<i32>} : memref<3x4096xf32, #tpu.memory_space<vmem>>, vector<16xf32>,
        tpu.vector_store %parallel_loop3A_542[%parallel_loop3A_543, %parallel_loop3A_544], %parallel_loop3A_434 {strides = array<i32>} : memref<3x4096xf32, #tpu.memory_space<vmem>>, vector<16xf32>,
        %parallel_loop3A_546 = arith.constant 128 : i32
        %parallel_loop3A_547 = arith.addi %parallel_loop3A_535, %parallel_loop3A_546 : i32
        %parallel_loop3A_548 = arith.constant 0 : i32
        %parallel_loop3A_549 = arith.constant 0 : i32
        %parallel_loop3A_550 = arith.constant 0 : i32
        %parallel_loop3A_551 = arith.constant 0 : i32
        %parallel_loop3A_552 = tpu.memref_slice %arg10[%parallel_loop3A_340, %parallel_loop3A_549, %parallel_loop3A_550, %parallel_loop3A_551] : memref<2x3x32x128xf32, #tpu.memory_space<vmem>> -> memref<1x3x32x128xf32, #tpu.memory_space<vmem>>
        %parallel_loop3A_553 = tpu.memref_squeeze %parallel_loop3A_552 : memref<1x3x32x128xf32, #tpu.memory_space<vmem>> -> memref<3x32x128xf32, #tpu.memory_space<vmem>>
        %parallel_loop3A_554 = tpu.memref_reshape %parallel_loop3A_553 : memref<3x32x128xf32, #tpu.memory_space<vmem>> -> memref<3x4096xf32, #tpu.memory_space<vmem>>
        %parallel_loop3A_555 = arith.index_cast %parallel_loop3A_548 : i32 to index
        %parallel_loop3A_556 = arith.index_cast %parallel_loop3A_547 : i32 to index
        %parallel_loop3A_557 = tpu.vector_load %parallel_loop3A_554[%parallel_loop3A_555, %parallel_loop3A_556] {strides = array<i32>} : memref<3x4096xf32, #tpu.memory_space<vmem>>, vector<16xf32>,
        tpu.vector_store %parallel_loop3A_554[%parallel_loop3A_555, %parallel_loop3A_556], %parallel_loop3A_526 {strides = array<i32>} : memref<3x4096xf32, #tpu.memory_space<vmem>>, vector<16xf32>,
        %parallel_loop3A_558 = arith.constant 256 : i32
        %parallel_loop3A_559 = arith.addi %parallel_loop3A_535, %parallel_loop3A_558 : i32
        %parallel_loop3A_560 = arith.constant 0 : i32
        %parallel_loop3A_561 = arith.constant 0 : i32
        %parallel_loop3A_562 = arith.constant 0 : i32
        %parallel_loop3A_563 = arith.constant 0 : i32
        %parallel_loop3A_564 = tpu.memref_slice %arg10[%parallel_loop3A_340, %parallel_loop3A_561, %parallel_loop3A_562, %parallel_loop3A_563] : memref<2x3x32x128xf32, #tpu.memory_space<vmem>> -> memref<1x3x32x128xf32, #tpu.memory_space<vmem>>
        %parallel_loop3A_565 = tpu.memref_squeeze %parallel_loop3A_564 : memref<1x3x32x128xf32, #tpu.memory_space<vmem>> -> memref<3x32x128xf32, #tpu.memory_space<vmem>>
        %parallel_loop3A_566 = tpu.memref_reshape %parallel_loop3A_565 : memref<3x32x128xf32, #tpu.memory_space<vmem>> -> memref<3x4096xf32, #tpu.memory_space<vmem>>
        %parallel_loop3A_567 = arith.index_cast %parallel_loop3A_560 : i32 to index
        %parallel_loop3A_568 = arith.index_cast %parallel_loop3A_559 : i32 to index
        %parallel_loop3A_569 = tpu.vector_load %parallel_loop3A_566[%parallel_loop3A_567, %parallel_loop3A_568] {strides = array<i32>} : memref<3x4096xf32, #tpu.memory_space<vmem>>, vector<16xf32>,
        tpu.vector_store %parallel_loop3A_566[%parallel_loop3A_567, %parallel_loop3A_568], %parallel_loop3A_496 {strides = array<i32>} : memref<3x4096xf32, #tpu.memory_space<vmem>>, vector<16xf32>,
        %parallel_loop3A_570 = arith.constant 384 : i32
        %parallel_loop3A_571 = arith.addi %parallel_loop3A_535, %parallel_loop3A_570 : i32
        %parallel_loop3A_572 = arith.constant 0 : i32
        %parallel_loop3A_573 = arith.constant 0 : i32
        %parallel_loop3A_574 = arith.constant 0 : i32
        %parallel_loop3A_575 = arith.constant 0 : i32
        %parallel_loop3A_576 = tpu.memref_slice %arg10[%parallel_loop3A_340, %parallel_loop3A_573, %parallel_loop3A_574, %parallel_loop3A_575] : memref<2x3x32x128xf32, #tpu.memory_space<vmem>> -> memref<1x3x32x128xf32, #tpu.memory_space<vmem>>
        %parallel_loop3A_577 = tpu.memref_squeeze %parallel_loop3A_576 : memref<1x3x32x128xf32, #tpu.memory_space<vmem>> -> memref<3x32x128xf32, #tpu.memory_space<vmem>>
        %parallel_loop3A_578 = tpu.memref_reshape %parallel_loop3A_577 : memref<3x32x128xf32, #tpu.memory_space<vmem>> -> memref<3x4096xf32, #tpu.memory_space<vmem>>
        %parallel_loop3A_579 = arith.index_cast %parallel_loop3A_572 : i32 to index
        %parallel_loop3A_580 = arith.index_cast %parallel_loop3A_571 : i32 to index
        %parallel_loop3A_581 = tpu.vector_load %parallel_loop3A_578[%parallel_loop3A_579, %parallel_loop3A_580] {strides = array<i32>} : memref<3x4096xf32, #tpu.memory_space<vmem>>, vector<16xf32>,
        tpu.vector_store %parallel_loop3A_578[%parallel_loop3A_579, %parallel_loop3A_580], %parallel_loop3A_469 {strides = array<i32>} : memref<3x4096xf32, #tpu.memory_space<vmem>>, vector<16xf32>,
        %parallel_loop3A_582 = arith.constant 1 : i32
        %parallel_loop3A_583 = arith.constant 0 : i32
        %parallel_loop3A_584 = arith.constant 0 : i32
        %parallel_loop3A_585 = arith.constant 0 : i32
        %parallel_loop3A_586 = tpu.memref_slice %arg10[%parallel_loop3A_340, %parallel_loop3A_583, %parallel_loop3A_584, %parallel_loop3A_585] : memref<2x3x32x128xf32, #tpu.memory_space<vmem>> -> memref<1x3x32x128xf32, #tpu.memory_space<vmem>>
        %parallel_loop3A_587 = tpu.memref_squeeze %parallel_loop3A_586 : memref<1x3x32x128xf32, #tpu.memory_space<vmem>> -> memref<3x32x128xf32, #tpu.memory_space<vmem>>
        %parallel_loop3A_588 = tpu.memref_reshape %parallel_loop3A_587 : memref<3x32x128xf32, #tpu.memory_space<vmem>> -> memref<3x4096xf32, #tpu.memory_space<vmem>>
        %parallel_loop3A_589 = arith.index_cast %parallel_loop3A_582 : i32 to index
        %parallel_loop3A_590 = arith.index_cast %parallel_loop3A_535 : i32 to index
        %parallel_loop3A_591 = tpu.vector_load %parallel_loop3A_588[%parallel_loop3A_589, %parallel_loop3A_590] {strides = array<i32>} : memref<3x4096xf32, #tpu.memory_space<vmem>>, vector<16xf32>,
        tpu.vector_store %parallel_loop3A_588[%parallel_loop3A_589, %parallel_loop3A_590], %parallel_loop3A_436 {strides = array<i32>} : memref<3x4096xf32, #tpu.memory_space<vmem>>, vector<16xf32>,
        %parallel_loop3A_592 = arith.constant 128 : i32
        %parallel_loop3A_593 = arith.addi %parallel_loop3A_535, %parallel_loop3A_592 : i32
        %parallel_loop3A_594 = arith.constant 1 : i32
        %parallel_loop3A_595 = arith.constant 0 : i32
        %parallel_loop3A_596 = arith.constant 0 : i32
        %parallel_loop3A_597 = arith.constant 0 : i32
        %parallel_loop3A_598 = tpu.memref_slice %arg10[%parallel_loop3A_340, %parallel_loop3A_595, %parallel_loop3A_596, %parallel_loop3A_597] : memref<2x3x32x128xf32, #tpu.memory_space<vmem>> -> memref<1x3x32x128xf32, #tpu.memory_space<vmem>>
        %parallel_loop3A_599 = tpu.memref_squeeze %parallel_loop3A_598 : memref<1x3x32x128xf32, #tpu.memory_space<vmem>> -> memref<3x32x128xf32, #tpu.memory_space<vmem>>
        %parallel_loop3A_600 = tpu.memref_reshape %parallel_loop3A_599 : memref<3x32x128xf32, #tpu.memory_space<vmem>> -> memref<3x4096xf32, #tpu.memory_space<vmem>>
        %parallel_loop3A_601 = arith.index_cast %parallel_loop3A_594 : i32 to index
        %parallel_loop3A_602 = arith.index_cast %parallel_loop3A_593 : i32 to index
        %parallel_loop3A_603 = tpu.vector_load %parallel_loop3A_600[%parallel_loop3A_601, %parallel_loop3A_602] {strides = array<i32>} : memref<3x4096xf32, #tpu.memory_space<vmem>>, vector<16xf32>,
        tpu.vector_store %parallel_loop3A_600[%parallel_loop3A_601, %parallel_loop3A_602], %parallel_loop3A_527 {strides = array<i32>} : memref<3x4096xf32, #tpu.memory_space<vmem>>, vector<16xf32>,
        %parallel_loop3A_604 = arith.constant 256 : i32
        %parallel_loop3A_605 = arith.addi %parallel_loop3A_535, %parallel_loop3A_604 : i32
        %parallel_loop3A_606 = arith.constant 1 : i32
        %parallel_loop3A_607 = arith.constant 0 : i32
        %parallel_loop3A_608 = arith.constant 0 : i32
        %parallel_loop3A_609 = arith.constant 0 : i32
        %parallel_loop3A_610 = tpu.memref_slice %arg10[%parallel_loop3A_340, %parallel_loop3A_607, %parallel_loop3A_608, %parallel_loop3A_609] : memref<2x3x32x128xf32, #tpu.memory_space<vmem>> -> memref<1x3x32x128xf32, #tpu.memory_space<vmem>>
        %parallel_loop3A_611 = tpu.memref_squeeze %parallel_loop3A_610 : memref<1x3x32x128xf32, #tpu.memory_space<vmem>> -> memref<3x32x128xf32, #tpu.memory_space<vmem>>
        %parallel_loop3A_612 = tpu.memref_reshape %parallel_loop3A_611 : memref<3x32x128xf32, #tpu.memory_space<vmem>> -> memref<3x4096xf32, #tpu.memory_space<vmem>>
        %parallel_loop3A_613 = arith.index_cast %parallel_loop3A_606 : i32 to index
        %parallel_loop3A_614 = arith.index_cast %parallel_loop3A_605 : i32 to index
        %parallel_loop3A_615 = tpu.vector_load %parallel_loop3A_612[%parallel_loop3A_613, %parallel_loop3A_614] {strides = array<i32>} : memref<3x4096xf32, #tpu.memory_space<vmem>>, vector<16xf32>,
        tpu.vector_store %parallel_loop3A_612[%parallel_loop3A_613, %parallel_loop3A_614], %parallel_loop3A_500 {strides = array<i32>} : memref<3x4096xf32, #tpu.memory_space<vmem>>, vector<16xf32>,
        %parallel_loop3A_616 = arith.constant 384 : i32
        %parallel_loop3A_617 = arith.addi %parallel_loop3A_535, %parallel_loop3A_616 : i32
        %parallel_loop3A_618 = arith.constant 1 : i32
        %parallel_loop3A_619 = arith.constant 0 : i32
        %parallel_loop3A_620 = arith.constant 0 : i32
        %parallel_loop3A_621 = arith.constant 0 : i32
        %parallel_loop3A_622 = tpu.memref_slice %arg10[%parallel_loop3A_340, %parallel_loop3A_619, %parallel_loop3A_620, %parallel_loop3A_621] : memref<2x3x32x128xf32, #tpu.memory_space<vmem>> -> memref<1x3x32x128xf32, #tpu.memory_space<vmem>>
        %parallel_loop3A_623 = tpu.memref_squeeze %parallel_loop3A_622 : memref<1x3x32x128xf32, #tpu.memory_space<vmem>> -> memref<3x32x128xf32, #tpu.memory_space<vmem>>
        %parallel_loop3A_624 = tpu.memref_reshape %parallel_loop3A_623 : memref<3x32x128xf32, #tpu.memory_space<vmem>> -> memref<3x4096xf32, #tpu.memory_space<vmem>>
        %parallel_loop3A_625 = arith.index_cast %parallel_loop3A_618 : i32 to index
        %parallel_loop3A_626 = arith.index_cast %parallel_loop3A_617 : i32 to index
        %parallel_loop3A_627 = tpu.vector_load %parallel_loop3A_624[%parallel_loop3A_625, %parallel_loop3A_626] {strides = array<i32>} : memref<3x4096xf32, #tpu.memory_space<vmem>>, vector<16xf32>,
        tpu.vector_store %parallel_loop3A_624[%parallel_loop3A_625, %parallel_loop3A_626], %parallel_loop3A_470 {strides = array<i32>} : memref<3x4096xf32, #tpu.memory_space<vmem>>, vector<16xf32>,
        %parallel_loop3A_628 = arith.constant 2 : i32
        %parallel_loop3A_629 = arith.constant 0 : i32
        %parallel_loop3A_630 = arith.constant 0 : i32
        %parallel_loop3A_631 = arith.constant 0 : i32
        %parallel_loop3A_632 = tpu.memref_slice %arg10[%parallel_loop3A_340, %parallel_loop3A_629, %parallel_loop3A_630, %parallel_loop3A_631] : memref<2x3x32x128xf32, #tpu.memory_space<vmem>> -> memref<1x3x32x128xf32, #tpu.memory_space<vmem>>
        %parallel_loop3A_633 = tpu.memref_squeeze %parallel_loop3A_632 : memref<1x3x32x128xf32, #tpu.memory_space<vmem>> -> memref<3x32x128xf32, #tpu.memory_space<vmem>>
        %parallel_loop3A_634 = tpu.memref_reshape %parallel_loop3A_633 : memref<3x32x128xf32, #tpu.memory_space<vmem>> -> memref<3x4096xf32, #tpu.memory_space<vmem>>
        %parallel_loop3A_635 = arith.index_cast %parallel_loop3A_628 : i32 to index
        %parallel_loop3A_636 = arith.index_cast %parallel_loop3A_535 : i32 to index
        %parallel_loop3A_637 = tpu.vector_load %parallel_loop3A_634[%parallel_loop3A_635, %parallel_loop3A_636] {strides = array<i32>} : memref<3x4096xf32, #tpu.memory_space<vmem>>, vector<16xf32>,
        tpu.vector_store %parallel_loop3A_634[%parallel_loop3A_635, %parallel_loop3A_636], %parallel_loop3A_438 {strides = array<i32>} : memref<3x4096xf32, #tpu.memory_space<vmem>>, vector<16xf32>,
        %parallel_loop3A_638 = arith.constant 128 : i32
        %parallel_loop3A_639 = arith.addi %parallel_loop3A_535, %parallel_loop3A_638 : i32
        %parallel_loop3A_640 = arith.constant 2 : i32
        %parallel_loop3A_641 = arith.constant 0 : i32
        %parallel_loop3A_642 = arith.constant 0 : i32
        %parallel_loop3A_643 = arith.constant 0 : i32
        %parallel_loop3A_644 = tpu.memref_slice %arg10[%parallel_loop3A_340, %parallel_loop3A_641, %parallel_loop3A_642, %parallel_loop3A_643] : memref<2x3x32x128xf32, #tpu.memory_space<vmem>> -> memref<1x3x32x128xf32, #tpu.memory_space<vmem>>
        %parallel_loop3A_645 = tpu.memref_squeeze %parallel_loop3A_644 : memref<1x3x32x128xf32, #tpu.memory_space<vmem>> -> memref<3x32x128xf32, #tpu.memory_space<vmem>>
        %parallel_loop3A_646 = tpu.memref_reshape %parallel_loop3A_645 : memref<3x32x128xf32, #tpu.memory_space<vmem>> -> memref<3x4096xf32, #tpu.memory_space<vmem>>
        %parallel_loop3A_647 = arith.index_cast %parallel_loop3A_640 : i32 to index
        %parallel_loop3A_648 = arith.index_cast %parallel_loop3A_639 : i32 to index
        %parallel_loop3A_649 = tpu.vector_load %parallel_loop3A_646[%parallel_loop3A_647, %parallel_loop3A_648] {strides = array<i32>} : memref<3x4096xf32, #tpu.memory_space<vmem>>, vector<16xf32>,
        tpu.vector_store %parallel_loop3A_646[%parallel_loop3A_647, %parallel_loop3A_648], %parallel_loop3A_528 {strides = array<i32>} : memref<3x4096xf32, #tpu.memory_space<vmem>>, vector<16xf32>,
        %parallel_loop3A_650 = arith.constant 256 : i32
        %parallel_loop3A_651 = arith.addi %parallel_loop3A_535, %parallel_loop3A_650 : i32
        %parallel_loop3A_652 = arith.constant 2 : i32
        %parallel_loop3A_653 = arith.constant 0 : i32
        %parallel_loop3A_654 = arith.constant 0 : i32
        %parallel_loop3A_655 = arith.constant 0 : i32
        %parallel_loop3A_656 = tpu.memref_slice %arg10[%parallel_loop3A_340, %parallel_loop3A_653, %parallel_loop3A_654, %parallel_loop3A_655] : memref<2x3x32x128xf32, #tpu.memory_space<vmem>> -> memref<1x3x32x128xf32, #tpu.memory_space<vmem>>
        %parallel_loop3A_657 = tpu.memref_squeeze %parallel_loop3A_656 : memref<1x3x32x128xf32, #tpu.memory_space<vmem>> -> memref<3x32x128xf32, #tpu.memory_space<vmem>>
        %parallel_loop3A_658 = tpu.memref_reshape %parallel_loop3A_657 : memref<3x32x128xf32, #tpu.memory_space<vmem>> -> memref<3x4096xf32, #tpu.memory_space<vmem>>
        %parallel_loop3A_659 = arith.index_cast %parallel_loop3A_652 : i32 to index
        %parallel_loop3A_660 = arith.index_cast %parallel_loop3A_651 : i32 to index
        %parallel_loop3A_661 = tpu.vector_load %parallel_loop3A_658[%parallel_loop3A_659, %parallel_loop3A_660] {strides = array<i32>} : memref<3x4096xf32, #tpu.memory_space<vmem>>, vector<16xf32>,
        tpu.vector_store %parallel_loop3A_658[%parallel_loop3A_659, %parallel_loop3A_660], %parallel_loop3A_501 {strides = array<i32>} : memref<3x4096xf32, #tpu.memory_space<vmem>>, vector<16xf32>,
        %parallel_loop3A_662 = arith.constant 384 : i32
        %parallel_loop3A_663 = arith.addi %parallel_loop3A_535, %parallel_loop3A_662 : i32
        %parallel_loop3A_664 = arith.constant 2 : i32
        %parallel_loop3A_665 = arith.constant 0 : i32
        %parallel_loop3A_666 = arith.constant 0 : i32
        %parallel_loop3A_667 = arith.constant 0 : i32
        %parallel_loop3A_668 = tpu.memref_slice %arg10[%parallel_loop3A_340, %parallel_loop3A_665, %parallel_loop3A_666, %parallel_loop3A_667] : memref<2x3x32x128xf32, #tpu.memory_space<vmem>> -> memref<1x3x32x128xf32, #tpu.memory_space<vmem>>
        %parallel_loop3A_669 = tpu.memref_squeeze %parallel_loop3A_668 : memref<1x3x32x128xf32, #tpu.memory_space<vmem>> -> memref<3x32x128xf32, #tpu.memory_space<vmem>>
        %parallel_loop3A_670 = tpu.memref_reshape %parallel_loop3A_669 : memref<3x32x128xf32, #tpu.memory_space<vmem>> -> memref<3x4096xf32, #tpu.memory_space<vmem>>
        %parallel_loop3A_671 = arith.index_cast %parallel_loop3A_664 : i32 to index
        %parallel_loop3A_672 = arith.index_cast %parallel_loop3A_663 : i32 to index
        %parallel_loop3A_673 = tpu.vector_load %parallel_loop3A_670[%parallel_loop3A_671, %parallel_loop3A_672] {strides = array<i32>} : memref<3x4096xf32, #tpu.memory_space<vmem>>, vector<16xf32>,
        tpu.vector_store %parallel_loop3A_670[%parallel_loop3A_671, %parallel_loop3A_672], %parallel_loop3A_474 {strides = array<i32>} : memref<3x4096xf32, #tpu.memory_space<vmem>>, vector<16xf32>,
        %parallel_loop3A_674 = arith.constant 0 : i32
        %parallel_loop3A_675 = arith.constant 0 : i32
        %parallel_loop3A_676 = arith.constant 0 : i32
        %parallel_loop3A_677 = tpu.memref_slice %arg11[%parallel_loop3A_341, %parallel_loop3A_675, %parallel_loop3A_676] : memref<2x32x128xf32, #tpu.memory_space<vmem>> -> memref<1x32x128xf32, #tpu.memory_space<vmem>>
        %parallel_loop3A_678 = tpu.memref_squeeze %parallel_loop3A_677 : memref<1x32x128xf32, #tpu.memory_space<vmem>> -> memref<32x128xf32, #tpu.memory_space<vmem>>
        %parallel_loop3A_679 = tpu.memref_reshape %parallel_loop3A_678 : memref<32x128xf32, #tpu.memory_space<vmem>> -> memref<1x4096xf32, #tpu.memory_space<vmem>>
        %parallel_loop3A_680 = arith.index_cast %parallel_loop3A_674 : i32 to index
        %parallel_loop3A_681 = arith.index_cast %parallel_loop3A_535 : i32 to index
        %parallel_loop3A_682 = tpu.vector_load %parallel_loop3A_679[%parallel_loop3A_680, %parallel_loop3A_681] {strides = array<i32>} : memref<1x4096xf32, #tpu.memory_space<vmem>>, vector<16xf32>,
        tpu.vector_store %parallel_loop3A_679[%parallel_loop3A_680, %parallel_loop3A_681], %parallel_loop3A_432 {strides = array<i32>} : memref<1x4096xf32, #tpu.memory_space<vmem>>, vector<16xf32>,
        %parallel_loop3A_683 = arith.constant 128 : i32
        %parallel_loop3A_684 = arith.addi %parallel_loop3A_535, %parallel_loop3A_683 : i32
        %parallel_loop3A_685 = arith.constant 0 : i32
        %parallel_loop3A_686 = arith.constant 0 : i32
        %parallel_loop3A_687 = arith.constant 0 : i32
        %parallel_loop3A_688 = tpu.memref_slice %arg11[%parallel_loop3A_341, %parallel_loop3A_686, %parallel_loop3A_687] : memref<2x32x128xf32, #tpu.memory_space<vmem>> -> memref<1x32x128xf32, #tpu.memory_space<vmem>>
        %parallel_loop3A_689 = tpu.memref_squeeze %parallel_loop3A_688 : memref<1x32x128xf32, #tpu.memory_space<vmem>> -> memref<32x128xf32, #tpu.memory_space<vmem>>
        %parallel_loop3A_690 = tpu.memref_reshape %parallel_loop3A_689 : memref<32x128xf32, #tpu.memory_space<vmem>> -> memref<1x4096xf32, #tpu.memory_space<vmem>>
        %parallel_loop3A_691 = arith.index_cast %parallel_loop3A_685 : i32 to index
        %parallel_loop3A_692 = arith.index_cast %parallel_loop3A_684 : i32 to index
        %parallel_loop3A_693 = tpu.vector_load %parallel_loop3A_690[%parallel_loop3A_691, %parallel_loop3A_692] {strides = array<i32>} : memref<1x4096xf32, #tpu.memory_space<vmem>>, vector<16xf32>,
        tpu.vector_store %parallel_loop3A_690[%parallel_loop3A_691, %parallel_loop3A_692], %parallel_loop3A_432 {strides = array<i32>} : memref<1x4096xf32, #tpu.memory_space<vmem>>, vector<16xf32>,
        %parallel_loop3A_694 = arith.constant 256 : i32
        %parallel_loop3A_695 = arith.addi %parallel_loop3A_535, %parallel_loop3A_694 : i32
        %parallel_loop3A_696 = arith.constant 0 : i32
        %parallel_loop3A_697 = arith.constant 0 : i32
        %parallel_loop3A_698 = arith.constant 0 : i32
        %parallel_loop3A_699 = tpu.memref_slice %arg11[%parallel_loop3A_341, %parallel_loop3A_697, %parallel_loop3A_698] : memref<2x32x128xf32, #tpu.memory_space<vmem>> -> memref<1x32x128xf32, #tpu.memory_space<vmem>>
        %parallel_loop3A_700 = tpu.memref_squeeze %parallel_loop3A_699 : memref<1x32x128xf32, #tpu.memory_space<vmem>> -> memref<32x128xf32, #tpu.memory_space<vmem>>
        %parallel_loop3A_701 = tpu.memref_reshape %parallel_loop3A_700 : memref<32x128xf32, #tpu.memory_space<vmem>> -> memref<1x4096xf32, #tpu.memory_space<vmem>>
        %parallel_loop3A_702 = arith.index_cast %parallel_loop3A_696 : i32 to index
        %parallel_loop3A_703 = arith.index_cast %parallel_loop3A_695 : i32 to index
        %parallel_loop3A_704 = tpu.vector_load %parallel_loop3A_701[%parallel_loop3A_702, %parallel_loop3A_703] {strides = array<i32>} : memref<1x4096xf32, #tpu.memory_space<vmem>>, vector<16xf32>,
        tpu.vector_store %parallel_loop3A_701[%parallel_loop3A_702, %parallel_loop3A_703], %parallel_loop3A_432 {strides = array<i32>} : memref<1x4096xf32, #tpu.memory_space<vmem>>, vector<16xf32>,
        %parallel_loop3A_705 = arith.constant 384 : i32
        %parallel_loop3A_706 = arith.addi %parallel_loop3A_535, %parallel_loop3A_705 : i32
        %parallel_loop3A_707 = arith.constant 0 : i32
        %parallel_loop3A_708 = arith.constant 0 : i32
        %parallel_loop3A_709 = arith.constant 0 : i32
        %parallel_loop3A_710 = tpu.memref_slice %arg11[%parallel_loop3A_341, %parallel_loop3A_708, %parallel_loop3A_709] : memref<2x32x128xf32, #tpu.memory_space<vmem>> -> memref<1x32x128xf32, #tpu.memory_space<vmem>>
        %parallel_loop3A_711 = tpu.memref_squeeze %parallel_loop3A_710 : memref<1x32x128xf32, #tpu.memory_space<vmem>> -> memref<32x128xf32, #tpu.memory_space<vmem>>
        %parallel_loop3A_712 = tpu.memref_reshape %parallel_loop3A_711 : memref<32x128xf32, #tpu.memory_space<vmem>> -> memref<1x4096xf32, #tpu.memory_space<vmem>>
        %parallel_loop3A_713 = arith.index_cast %parallel_loop3A_707 : i32 to index
        %parallel_loop3A_714 = arith.index_cast %parallel_loop3A_706 : i32 to index
        %parallel_loop3A_715 = tpu.vector_load %parallel_loop3A_712[%parallel_loop3A_713, %parallel_loop3A_714] {strides = array<i32>} : memref<1x4096xf32, #tpu.memory_space<vmem>>, vector<16xf32>,
        tpu.vector_store %parallel_loop3A_712[%parallel_loop3A_713, %parallel_loop3A_714], %parallel_loop3A_432 {strides = array<i32>} : memref<1x4096xf32, #tpu.memory_space<vmem>>, vector<16xf32>,
      } {sc.loop_unroll_factor = 4 : i64, sc.parallel_access}
      %mul3A_342 = arith.constant 4 : i32
      %mul3A_343 = arith.muli %add3A_160, %mul3A_342 : i32
      %mul3A_344 = arith.constant 8 : i32
      %mul3A_345 = arith.muli %mul3A_343, %mul3A_344 : i32
      %mul3A_346 = arith.constant 4 : i32
      %mul3A_347 = arith.muli %add3A_160, %mul3A_346 : i32
      %mul3A_348 = arith.constant 8 : i32
      %mul3A_349 = arith.muli %mul3A_347, %mul3A_348 : i32
      %dma_start3A_350 = arith.constant 1 : i32
      %dma_start3A_351 = arith.constant 0 : i32
      %dma_start3A_352 = arith.constant 0 : i32
      %dma_start3A_353 = arith.constant 0 : i32
      %dma_start3A_354 = tpu.memref_slice %arg10[%dma_start3A_350, %dma_start3A_351, %dma_start3A_352, %dma_start3A_353] : memref<2x3x32x128xf32, #tpu.memory_space<vmem>> -> memref<1x3x32x128xf32, #tpu.memory_space<vmem>>
      %dma_start3A_355 = tpu.memref_squeeze %dma_start3A_354 : memref<1x3x32x128xf32, #tpu.memory_space<vmem>> -> memref<3x32x128xf32, #tpu.memory_space<vmem>>
      %dma_start3A_356 = arith.constant 0 : i32
      %dma_start3A_357 = arith.constant 0 : i32
      %dma_start3A_358 = tpu.memref_slice %arg5[%add3A, %dma_start3A_356, %mul3A_345, %dma_start3A_357] : memref<32x3x512x128xf32, #tpu.memory_space<hbm>> -> memref<1x3x32x128xf32, #tpu.memory_space<hbm>>
      %dma_start3A_359 = tpu.memref_squeeze %dma_start3A_358 : memref<1x3x32x128xf32, #tpu.memory_space<hbm>> -> memref<3x32x128xf32, #tpu.memory_space<hbm>>
      %dma_start3A_360 = arith.constant 0 : i32
      %dma_start3A_361 = arith.constant 0 : i32
      %dma_start3A_362 = tpu.memref_slice %arg5[%add3A, %dma_start3A_360, %mul3A_345, %dma_start3A_361] : memref<32x3x512x128xf32, #tpu.memory_space<hbm>> -> memref<1x3x32x128xf32, #tpu.memory_space<hbm>>
      %dma_start3A_363 = tpu.memref_squeeze %dma_start3A_362 : memref<1x3x32x128xf32, #tpu.memory_space<hbm>> -> memref<3x32x128xf32, #tpu.memory_space<hbm>>
      %dma_start3A_364 = arith.constant 0 : i32
      %dma_start3A_365 = arith.constant 0 : i32
      %dma_start3A_366 = arith.constant 0 : i32
      %dma_start3A_367 = tpu.memref_slice %arg10[%dma_start3A_350, %dma_start3A_364, %dma_start3A_365, %dma_start3A_366] : memref<2x3x32x128xf32, #tpu.memory_space<vmem>> -> memref<1x3x32x128xf32, #tpu.memory_space<vmem>>
      %dma_start3A_368 = tpu.memref_squeeze %dma_start3A_367 : memref<1x3x32x128xf32, #tpu.memory_space<vmem>> -> memref<3x32x128xf32, #tpu.memory_space<vmem>>
      tpu.enqueue_dma source(%dma_start3A_368 : memref<3x32x128xf32, #tpu.memory_space<vmem>>) target(%dma_start3A_363 : memref<3x32x128xf32, #tpu.memory_space<hbm>>) target_semaphore(%arg15 : memref<!tpu.dma_semaphore, #tpu.memory_space<semaphore_mem>>)
      %dma_start3A_369 = arith.constant 1 : i32
      %dma_start3A_370 = arith.constant 0 : i32
      %dma_start3A_371 = arith.constant 0 : i32
      %dma_start3A_372 = tpu.memref_slice %arg11[%dma_start3A_369, %dma_start3A_370, %dma_start3A_371] : memref<2x32x128xf32, #tpu.memory_space<vmem>> -> memref<1x32x128xf32, #tpu.memory_space<vmem>>
      %dma_start3A_373 = tpu.memref_squeeze %dma_start3A_372 : memref<1x32x128xf32, #tpu.memory_space<vmem>> -> memref<32x128xf32, #tpu.memory_space<vmem>>
      %dma_start3A_374 = arith.constant 0 : i32
      %dma_start3A_375 = tpu.memref_slice %arg6[%add3A, %mul3A_349, %dma_start3A_374] : memref<32x512x128xf32, #tpu.memory_space<hbm>> -> memref<1x32x128xf32, #tpu.memory_space<hbm>>
      %dma_start3A_376 = tpu.memref_squeeze %dma_start3A_375 : memref<1x32x128xf32, #tpu.memory_space<hbm>> -> memref<32x128xf32, #tpu.memory_space<hbm>>
      %dma_start3A_377 = arith.constant 0 : i32
      %dma_start3A_378 = tpu.memref_slice %arg6[%add3A, %mul3A_349, %dma_start3A_377] : memref<32x512x128xf32, #tpu.memory_space<hbm>> -> memref<1x32x128xf32, #tpu.memory_space<hbm>>
      %dma_start3A_379 = tpu.memref_squeeze %dma_start3A_378 : memref<1x32x128xf32, #tpu.memory_space<hbm>> -> memref<32x128xf32, #tpu.memory_space<hbm>>
      %dma_start3A_380 = arith.constant 0 : i32
      %dma_start3A_381 = arith.constant 0 : i32
      %dma_start3A_382 = tpu.memref_slice %arg11[%dma_start3A_369, %dma_start3A_380, %dma_start3A_381] : memref<2x32x128xf32, #tpu.memory_space<vmem>> -> memref<1x32x128xf32, #tpu.memory_space<vmem>>
      %dma_start3A_383 = tpu.memref_squeeze %dma_start3A_382 : memref<1x32x128xf32, #tpu.memory_space<vmem>> -> memref<32x128xf32, #tpu.memory_space<vmem>>
      tpu.enqueue_dma source(%dma_start3A_383 : memref<32x128xf32, #tpu.memory_space<vmem>>) target(%dma_start3A_379 : memref<32x128xf32, #tpu.memory_space<hbm>>) target_semaphore(%arg15 : memref<!tpu.dma_semaphore, #tpu.memory_space<semaphore_mem>>)
    }
    %scan3A_76 = arith.constant 8 : i32
    %dma_wait3A = arith.constant 0 : i32
    %dma_wait3A_77 = arith.constant 0 : i32
    %dma_wait3A_78 = arith.constant 0 : i32
    %dma_wait3A_79 = arith.constant 0 : i32
    %dma_wait3A_80 = tpu.memref_slice %arg10[%dma_wait3A, %dma_wait3A_77, %dma_wait3A_78, %dma_wait3A_79] : memref<2x3x32x128xf32, #tpu.memory_space<vmem>> -> memref<1x3x32x128xf32, #tpu.memory_space<vmem>>
    %dma_wait3A_81 = tpu.memref_squeeze %dma_wait3A_80 : memref<1x3x32x128xf32, #tpu.memory_space<vmem>> -> memref<3x32x128xf32, #tpu.memory_space<vmem>>
    %dma_wait3A_82 = arith.constant 0 : i32
    %dma_wait3A_83 = arith.constant 0 : i32
    %dma_wait3A_84 = arith.constant 0 : i32
    %dma_wait3A_85 = tpu.memref_slice %arg5[%add3A, %dma_wait3A_82, %dma_wait3A_83, %dma_wait3A_84] : memref<32x3x512x128xf32, #tpu.memory_space<hbm>> -> memref<1x3x32x128xf32, #tpu.memory_space<hbm>>
    %dma_wait3A_86 = tpu.memref_squeeze %dma_wait3A_85 : memref<1x3x32x128xf32, #tpu.memory_space<hbm>> -> memref<3x32x128xf32, #tpu.memory_space<hbm>>
    %dma_wait3A_87 = arith.constant 0 : i32
    %dma_wait3A_88 = arith.constant 0 : i32
    %dma_wait3A_89 = arith.constant 0 : i32
    %dma_wait3A_90 = tpu.memref_slice %arg5[%add3A, %dma_wait3A_87, %dma_wait3A_88, %dma_wait3A_89] : memref<32x3x512x128xf32, #tpu.memory_space<hbm>> -> memref<1x3x32x128xf32, #tpu.memory_space<hbm>>
    %dma_wait3A_91 = tpu.memref_squeeze %dma_wait3A_90 : memref<1x3x32x128xf32, #tpu.memory_space<hbm>> -> memref<3x32x128xf32, #tpu.memory_space<hbm>>
    %dma_wait3A_92 = arith.constant 0 : i32
    %dma_wait3A_93 = arith.constant 0 : i32
    %dma_wait3A_94 = arith.constant 0 : i32
    %dma_wait3A_95 = tpu.memref_slice %arg10[%dma_wait3A, %dma_wait3A_92, %dma_wait3A_93, %dma_wait3A_94] : memref<2x3x32x128xf32, #tpu.memory_space<vmem>> -> memref<1x3x32x128xf32, #tpu.memory_space<vmem>>
    %dma_wait3A_96 = tpu.memref_squeeze %dma_wait3A_95 : memref<1x3x32x128xf32, #tpu.memory_space<vmem>> -> memref<3x32x128xf32, #tpu.memory_space<vmem>>
    tpu.wait_dma2 semaphore(%arg14 : memref<!tpu.dma_semaphore, #tpu.memory_space<semaphore_mem>>) src(%dma_wait3A_96 : memref<3x32x128xf32, #tpu.memory_space<vmem>>) dst(%dma_wait3A_91 : memref<3x32x128xf32, #tpu.memory_space<hbm>>)
    %dma_wait3A_97 = arith.constant 0 : i32
    %dma_wait3A_98 = arith.constant 0 : i32
    %dma_wait3A_99 = arith.constant 0 : i32
    %dma_wait3A_100 = tpu.memref_slice %arg11[%dma_wait3A_97, %dma_wait3A_98, %dma_wait3A_99] : memref<2x32x128xf32, #tpu.memory_space<vmem>> -> memref<1x32x128xf32, #tpu.memory_space<vmem>>
    %dma_wait3A_101 = tpu.memref_squeeze %dma_wait3A_100 : memref<1x32x128xf32, #tpu.memory_space<vmem>> -> memref<32x128xf32, #tpu.memory_space<vmem>>
    %dma_wait3A_102 = arith.constant 0 : i32
    %dma_wait3A_103 = arith.constant 0 : i32
    %dma_wait3A_104 = tpu.memref_slice %arg6[%add3A, %dma_wait3A_102, %dma_wait3A_103] : memref<32x512x128xf32, #tpu.memory_space<hbm>> -> memref<1x32x128xf32, #tpu.memory_space<hbm>>
    %dma_wait3A_105 = tpu.memref_squeeze %dma_wait3A_104 : memref<1x32x128xf32, #tpu.memory_space<hbm>> -> memref<32x128xf32, #tpu.memory_space<hbm>>
    %dma_wait3A_106 = arith.constant 0 : i32
    %dma_wait3A_107 = arith.constant 0 : i32
    %dma_wait3A_108 = tpu.memref_slice %arg6[%add3A, %dma_wait3A_106, %dma_wait3A_107] : memref<32x512x128xf32, #tpu.memory_space<hbm>> -> memref<1x32x128xf32, #tpu.memory_space<hbm>>
    %dma_wait3A_109 = tpu.memref_squeeze %dma_wait3A_108 : memref<1x32x128xf32, #tpu.memory_space<hbm>> -> memref<32x128xf32, #tpu.memory_space<hbm>>
    %dma_wait3A_110 = arith.constant 0 : i32
    %dma_wait3A_111 = arith.constant 0 : i32
    %dma_wait3A_112 = tpu.memref_slice %arg11[%dma_wait3A_97, %dma_wait3A_110, %dma_wait3A_111] : memref<2x32x128xf32, #tpu.memory_space<vmem>> -> memref<1x32x128xf32, #tpu.memory_space<vmem>>
    %dma_wait3A_113 = tpu.memref_squeeze %dma_wait3A_112 : memref<1x32x128xf32, #tpu.memory_space<vmem>> -> memref<32x128xf32, #tpu.memory_space<vmem>>
    tpu.wait_dma2 semaphore(%arg14 : memref<!tpu.dma_semaphore, #tpu.memory_space<semaphore_mem>>) src(%dma_wait3A_113 : memref<32x128xf32, #tpu.memory_space<vmem>>) dst(%dma_wait3A_109 : memref<32x128xf32, #tpu.memory_space<hbm>>)
    %dma_wait3A_114 = arith.constant 1 : i32
    %dma_wait3A_115 = arith.constant 0 : i32
    %dma_wait3A_116 = arith.constant 0 : i32
    %dma_wait3A_117 = arith.constant 0 : i32
    %dma_wait3A_118 = tpu.memref_slice %arg10[%dma_wait3A_114, %dma_wait3A_115, %dma_wait3A_116, %dma_wait3A_117] : memref<2x3x32x128xf32, #tpu.memory_space<vmem>> -> memref<1x3x32x128xf32, #tpu.memory_space<vmem>>
    %dma_wait3A_119 = tpu.memref_squeeze %dma_wait3A_118 : memref<1x3x32x128xf32, #tpu.memory_space<vmem>> -> memref<3x32x128xf32, #tpu.memory_space<vmem>>
    %dma_wait3A_120 = arith.constant 0 : i32
    %dma_wait3A_121 = arith.constant 0 : i32
    %dma_wait3A_122 = arith.constant 0 : i32
    %dma_wait3A_123 = tpu.memref_slice %arg5[%add3A, %dma_wait3A_120, %dma_wait3A_121, %dma_wait3A_122] : memref<32x3x512x128xf32, #tpu.memory_space<hbm>> -> memref<1x3x32x128xf32, #tpu.memory_space<hbm>>
    %dma_wait3A_124 = tpu.memref_squeeze %dma_wait3A_123 : memref<1x3x32x128xf32, #tpu.memory_space<hbm>> -> memref<3x32x128xf32, #tpu.memory_space<hbm>>
    %dma_wait3A_125 = arith.constant 0 : i32
    %dma_wait3A_126 = arith.constant 0 : i32
    %dma_wait3A_127 = arith.constant 0 : i32
    %dma_wait3A_128 = tpu.memref_slice %arg5[%add3A, %dma_wait3A_125, %dma_wait3A_126, %dma_wait3A_127] : memref<32x3x512x128xf32, #tpu.memory_space<hbm>> -> memref<1x3x32x128xf32, #tpu.memory_space<hbm>>
    %dma_wait3A_129 = tpu.memref_squeeze %dma_wait3A_128 : memref<1x3x32x128xf32, #tpu.memory_space<hbm>> -> memref<3x32x128xf32, #tpu.memory_space<hbm>>
    %dma_wait3A_130 = arith.constant 0 : i32
    %dma_wait3A_131 = arith.constant 0 : i32
    %dma_wait3A_132 = arith.constant 0 : i32
    %dma_wait3A_133 = tpu.memref_slice %arg10[%dma_wait3A_114, %dma_wait3A_130, %dma_wait3A_131, %dma_wait3A_132] : memref<2x3x32x128xf32, #tpu.memory_space<vmem>> -> memref<1x3x32x128xf32, #tpu.memory_space<vmem>>
    %dma_wait3A_134 = tpu.memref_squeeze %dma_wait3A_133 : memref<1x3x32x128xf32, #tpu.memory_space<vmem>> -> memref<3x32x128xf32, #tpu.memory_space<vmem>>
    tpu.wait_dma2 semaphore(%arg15 : memref<!tpu.dma_semaphore, #tpu.memory_space<semaphore_mem>>) src(%dma_wait3A_134 : memref<3x32x128xf32, #tpu.memory_space<vmem>>) dst(%dma_wait3A_129 : memref<3x32x128xf32, #tpu.memory_space<hbm>>)
    %dma_wait3A_135 = arith.constant 1 : i32
    %dma_wait3A_136 = arith.constant 0 : i32
    %dma_wait3A_137 = arith.constant 0 : i32
    %dma_wait3A_138 = tpu.memref_slice %arg11[%dma_wait3A_135, %dma_wait3A_136, %dma_wait3A_137] : memref<2x32x128xf32, #tpu.memory_space<vmem>> -> memref<1x32x128xf32, #tpu.memory_space<vmem>>
    %dma_wait3A_139 = tpu.memref_squeeze %dma_wait3A_138 : memref<1x32x128xf32, #tpu.memory_space<vmem>> -> memref<32x128xf32, #tpu.memory_space<vmem>>
    %dma_wait3A_140 = arith.constant 0 : i32
    %dma_wait3A_141 = arith.constant 0 : i32
    %dma_wait3A_142 = tpu.memref_slice %arg6[%add3A, %dma_wait3A_140, %dma_wait3A_141] : memref<32x512x128xf32, #tpu.memory_space<hbm>> -> memref<1x32x128xf32, #tpu.memory_space<hbm>>
    %dma_wait3A_143 = tpu.memref_squeeze %dma_wait3A_142 : memref<1x32x128xf32, #tpu.memory_space<hbm>> -> memref<32x128xf32, #tpu.memory_space<hbm>>
    %dma_wait3A_144 = arith.constant 0 : i32
    %dma_wait3A_145 = arith.constant 0 : i32
    %dma_wait3A_146 = tpu.memref_slice %arg6[%add3A, %dma_wait3A_144, %dma_wait3A_145] : memref<32x512x128xf32, #tpu.memory_space<hbm>> -> memref<1x32x128xf32, #tpu.memory_space<hbm>>
    %dma_wait3A_147 = tpu.memref_squeeze %dma_wait3A_146 : memref<1x32x128xf32, #tpu.memory_space<hbm>> -> memref<32x128xf32, #tpu.memory_space<hbm>>
    %dma_wait3A_148 = arith.constant 0 : i32
    %dma_wait3A_149 = arith.constant 0 : i32
    %dma_wait3A_150 = tpu.memref_slice %arg11[%dma_wait3A_135, %dma_wait3A_148, %dma_wait3A_149] : memref<2x32x128xf32, #tpu.memory_space<vmem>> -> memref<1x32x128xf32, #tpu.memory_space<vmem>>
    %dma_wait3A_151 = tpu.memref_squeeze %dma_wait3A_150 : memref<1x32x128xf32, #tpu.memory_space<vmem>> -> memref<32x128xf32, #tpu.memory_space<vmem>>
    tpu.wait_dma2 semaphore(%arg15 : memref<!tpu.dma_semaphore, #tpu.memory_space<semaphore_mem>>) src(%dma_wait3A_151 : memref<32x128xf32, #tpu.memory_space<vmem>>) dst(%dma_wait3A_147 : memref<32x128xf32, #tpu.memory_space<hbm>>)
    return
  }
}

</mosaic_0001>

<sc_bundles>
// kernel: kernel.3.cloned.1.call-start
scs
__scs_entry_jumppad:
0x0: {  	(pc) =	sbr.rel $0x88, $3  }
0x1: {  	(tag) =	ssettag $0x0;
	lr =	simm.s32 $0x1  }
0x2: {  	[smem:$0x3F9E] =	sst lr;
	_ =	strace $0xD0000000  }
0x3: {  	_ = 	snop  }
0x4: {  	_ = 	snop  }
0x5: {  	_ = 	snop  }
0x6: {  	_ = 	snop  }
0x7: {  	_ = 	snop  }
__scs_overlays_trampoline_lowered:
0x8: {  	[smem:$0x3FAD] =	sst s0  }
0x9: {  	[smem:$0x3FAE] =	sst s1  }
0xa: {  	[smem:$0x3FAF] =	sst s2  }
0xb: {  	[smem:$0x3FB0] =	sst s3  }
0xc: {  	[smem:$0x3FB1] =	sst s4  }
0xd: {  	[smem:$0x3FB2] =	sst s5  }
0xe: {  	[smem:$0x3FB3] =	sst s6  }
0xf: {  	[smem:$0x3FB4] =	sst s7  }
0x10: {  	[smem:$0x3FB5] =	sst s8  }
0x11: {  	[smem:$0x3FB6] =	sst s9;
	s0 =	simm.s32 @!p0 $0x0  }
0x12: {  	s1 =	sld [smem:$0x3F9C];
	s0 =	simm.s32 @p0 $0x1  }
0x13: {  	[smem:$0x3FB7] =	sst s0;
	s0 =	simm.s32 @!p1 $0x0  }
0x14: {  	s2 =	sld [smem:$0x3F9B];
	s0 =	simm.s32 @p1 $0x1  }
0x15: {  	[smem:$0x3FB8] =	sst s0;
	s0 =	simm.s32 @!p2 $0x0  }
0x16: {  	s3 =	sld [smem:$0x3FDB];
	s0 =	simm.s32 @p2 $0x1  }
0x17: {  	s4 =	simm.s32 $0x1BF5;
	[smem:$0x3FBA] =	sst s0  }
0x18: {  	s0 =	sld [smem:$0x3F9D];
	_ =	swait.ge [sflag:s4], $0x0  }
0x19: {  	s7 =	sld [smem:$0x3F9E]  }
0x1a: {  	s8 =	sadd.s32 $0xFFFFE003, lr  }
0x1b: {  	s9 =	sadd.s32 $0xFFFFFEF7, lr;
	s5 =	simm.s32 $0xFFFFFFFF;
	p2 =	slt.u32 s8, $0xFFFFF086  }
0x1c: {  	p1 =	slt.u32 s9, $0xF7A;
	s5 =	simm.s32 @!p2 $0x0  }
0x1d: {  	s5 =	simm.s32 @p1 $0x1;
	p0 =	seq.s32 s7, s2  }
0x1e: {  	s7 =	smul.u32 @!p0 $0xF7A, s2;
	p2 =	seq.s32 @!p0 s5, $0x0  }
0x1f: {  	s9 =	smul.u32 $0xF7A, s1;
	s8 =	simm.s32 @!p0 $0x1BF5;
	p2 =	por !p2, p0  }
0x20: {  	[sflag:s8] =	ssyncset.s32 @!p0 $0xFFFFF086;
	s6 =	sadd.s32 @!p0 s3, s7;
	s7 =	simm.s32 @!p0 $0x108  }
0x21: {  	s3 =	sadd.s32 s3, s9;
	s6 =	sadd.s32 @!p0 $0x88, s6;
	s7 =	simm.s32 @p2 $0x1082  }
0x22: {  	[simem:s7], [sflag:s8] =	dma.local @!p0 [hbm:s6], $0xF7A  }
0x23: {  	s9 =	sor.u32 $0xD0000000, s2;
	s6 =	simm.s32 $0x108;
	_ =	swait.ge @!p0 [sflag:s8], $0x0  }
0x24: {  	s3 =	sadd.s32 $0x88, s3;
	s6 =	simm.s32 @!p1 $0x1082;
	[sflag:s4] =	ssyncset.s32 $0xFFFFF086  }
0x25: {  	[simem:s6], [sflag:s4] =	dma.local [hbm:s3], $0xF7A  }
0x26: {  	[smem:$0x3F9E] =	sst s1;
	(tag) =	ssettag s2;
	_ =	strace s9  }
0x27: {  	s1 =	sld [smem:$0x3FAE]  }
0x28: {  	s2 =	sld [smem:$0x3FAF]  }
0x29: {  	s4 =	sld [smem:$0x3FB1]  }
0x2a: {  	p0 =	seq.s32 s5, $0x0;
	s5 =	sld [smem:$0x3FB2]  }
0x2b: {  	s6 =	sld [smem:$0x3FB3]  }
0x2c: {  	s7 =	sld [smem:$0x3FB4]  }
0x2d: {  	s3 =	simm.s32 $0x108;
	s8 =	sld [smem:$0x3FB5]  }
0x2e: {  	s3 =	simm.s32 @!p0 $0x1082;
	s9 =	sld [smem:$0x3FB6]  }
0x2f: {  	lr =	sadd.s32 s0, s3;
	s0 =	sld [smem:$0x3FAD]  }
0x30: {  	s3 =	sld [smem:$0x3FB0]  }
0x31: {  	[smem:$0x3FB9] =	sst s10  }
0x32: {  	s10 =	sld [smem:$0x3FB7];
	_ =	sdelay $0x3  }
0x33: {  	p0 =	seq.s32 s10, $0x1;
	s10 =	sld [smem:$0x3FB9];
	_ =	sdelay $0x3  }
0x34: {  	[smem:$0x3FB9] =	sst s10  }
0x35: {  	s10 =	sld [smem:$0x3FB8];
	_ =	sdelay $0x3  }
0x36: {  	p1 =	seq.s32 s10, $0x1;
	s10 =	sld [smem:$0x3FB9];
	_ =	sdelay $0x3  }
0x37: {  	[smem:$0x3FB9] =	sst s10  }
0x38: {  	s10 =	sld [smem:$0x3FBA]  }
0x39: {  	_ = 	snop;
	(pc) =	sbr.ind lr, $3  }
0x3a: {  	_ = 	snop  }
0x3b: {  	_ = 	snop  }
0x3c: {  	p2 =	seq.s32 s10, $0x1;
	s10 =	sld [smem:$0x3FB9]  }
0x3d: {  	_ =	shalt  }
0x3e: {  	_ =	shalt  }
0x3f: {  	_ =	shalt  }
0x40: {  	_ =	shalt  }
0x41: {  	_ =	shalt  }
0x42: {  	_ =	shalt  }
0x43: {  	_ =	shalt  }
0x44: {  	_ =	shalt  }
0x45: {  	_ =	shalt  }
0x46: {  	_ =	shalt  }
0x47: {  	_ =	shalt  }
0x48: {  	_ =	shalt  }
0x49: {  	_ =	shalt  }
0x4a: {  	_ =	shalt  }
0x4b: {  	_ =	shalt  }
0x4c: {  	_ =	shalt  }
0x4d: {  	_ =	shalt  }
0x4e: {  	_ =	shalt  }
0x4f: {  	_ =	shalt  }
0x50: {  	_ =	shalt  }
0x51: {  	_ =	shalt  }
0x52: {  	_ =	shalt  }
0x53: {  	_ =	shalt  }
0x54: {  	_ =	shalt  }
0x55: {  	_ =	shalt  }
0x56: {  	_ =	shalt  }
0x57: {  	_ =	shalt  }
0x58: {  	_ =	shalt  }
0x59: {  	_ =	shalt  }
0x5a: {  	_ =	shalt  }
0x5b: {  	_ =	shalt  }
0x5c: {  	_ =	shalt  }
0x5d: {  	_ =	shalt  }
0x5e: {  	_ =	shalt  }
0x5f: {  	_ =	shalt  }
0x60: {  	_ =	shalt  }
0x61: {  	_ =	shalt  }
0x62: {  	_ =	shalt  }
0x63: {  	_ =	shalt  }
0x64: {  	_ =	shalt  }
0x65: {  	_ =	shalt  }
0x66: {  	_ =	shalt  }
0x67: {  	_ =	shalt  }
0x68: {  	_ =	shalt  }
0x69: {  	_ =	shalt  }
0x6a: {  	_ =	shalt  }
0x6b: {  	_ =	shalt  }
0x6c: {  	_ =	shalt  }
0x6d: {  	_ =	shalt  }
0x6e: {  	_ =	shalt  }
0x6f: {  	_ =	shalt  }
0x70: {  	_ =	shalt  }
0x71: {  	_ =	shalt  }
0x72: {  	_ =	shalt  }
0x73: {  	_ =	shalt  }
0x74: {  	_ =	shalt  }
0x75: {  	_ =	shalt  }
0x76: {  	_ =	shalt  }
0x77: {  	_ =	shalt  }
0x78: {  	_ =	shalt  }
0x79: {  	_ =	shalt  }
0x7a: {  	_ =	shalt  }
0x7b: {  	_ =	shalt  }
0x7c: {  	_ =	shalt  }
0x7d: {  	_ =	shalt  }
0x7e: {  	_ =	shalt  }
0x7f: {  	_ =	shalt  }
0x80: {  	_ =	shalt  }
0x81: {  	_ =	shalt  }
0x82: {  	_ =	shalt  }
0x83: {  	_ =	shalt  }
0x84: {  	_ =	shalt  }
0x85: {  	_ =	shalt  }
0x86: {  	_ =	shalt  }
0x87: {  	_ =	shalt  }
.Lfunc_end0:
.L_simem_size_0:
called_computation_lowered:
.L_overlay_start_0:
0x88: {  	s2 =	sld [smem:$0x3FD9]  }
0x89: {  	s3 =	sld [smem:$0x3FFE];
	_ =	sdelay $0x1  }
0x8a: {  	s1 =	srdreg.scid  }
0x8b: {  	s0 =	sand.u32 $0x1, s1  }
0x8c: {  	s15 =	sshll.u32 s0, $0xA;
	s2 =	sadd.s32 s3, s2  }
0x8d: {  	s2 =	sadd.s32 s2, s15  }
0x8e: {  	[smem:$0x3FC5] =	sst s2  }
0x8f: {  	_ = 	snop  }
0x90: {  	s2 =	sld [smem:$0x3FD0]  }
0x91: {  	s16 =	sld [smem:$0x3FC9]  }
0x92: {  	s4 =	sld [smem:$0x3FC8]  }
0x93: {  	s6 =	simm.s32 $0xA;
	s7 =	simm.s32 $0x10;
	s5 =	sld [smem:$0x3FC7]  }
0x94: {  	[smem:s7], [sflag:s6] =	dma.local [hbm:s2], $0x1  }
0x95: {  	_ =	swait.eq [sflag:s6], $0x1  }
0x96: {  	[sflag:s6] =	ssyncset.done $0x0  }
0x97: {  	s17 =	sld [smem:$0x10];
	[sflag:s6] =	ssyncadd.s32 $0xFFFFFFFF  }
0x98: {  	s18 =	sld [smem:$0x11];
	(tm) =	ssettm $0x1  }
0x99: {  	s19 =	sld [smem:$0x3FFB];
	_ =	sdelay $0x3  }
0x9a: {  	_ =	strace s19  }
0x9b: {  	s7 =	sld [smem:$0x3FFC];
	_ =	sdelay $0x3  }
0x9c: {  	_ =	strace s7  }
0x9d: {  	s7 =	sld [smem:$0x3FFD];
	_ =	sdelay $0x3  }
0x9e: {  	_ =	strace s7  }
0x9f: {  	_ =	strace $0x8FFFFFFF  }
0xa0: {  	s20 =	sld [smem:$0x3FDB];
	_ =	sdelay $0x1  }
0xa1: {  	s8 =	simm.s32 $_scs_section_size  }
0xa2: {  	s9 =	simm.s32 $_size__tile_overlayer_lowered;
	s10 =	simm.s32 $_tile_overlayer_lowered  }
0xa3: {  	s23 =	simm.s32 $0x1BFF;
	s22 =	sshll.u32 s10, $0x1;
	s7 =	sadd.s32 s8, s20  }
0xa4: {  	s11 =	simm.s32 $0x0;
	s21 =	sshll.u32 s9, $0x1;
	s9 =	sadd.s32 s22, s7  }
0xa5: {  	[timem:s11], [sflag:s23] =	dma.local [hbm:s9], s21  }
0xa6: {  	_ =	swait.ge [sflag:s23], s21  }
0xa7: {  	s8 =	ssub.s32 $0x0, s21;
	[sflag:s23] =	ssyncset.done $0x0  }
0xa8: {  	[sflag:s23] =	ssyncadd.s32 s8;
	_ =	sdelay $0x1  }
0xa9: {  	s24 =	simm.s32 $0x1B8B  }
0xaa: {  	_ =	swait.ge [sflag:s24], $0x1  }
0xab: {  	[sflag:s24] =	ssyncset.done $0x0  }
0xac: {  	s25 =	simm.s32 $0x1B8E;
	[sflag:s24] =	ssyncadd.s32 $0xFFFFFFFF  }
0xad: {  	s26 =	simm.s32 $execute0_lowered;
	[smem:$0x3FD2] =	sst s25  }
0xae: {  	s8 =	sshll.u32 s26, $0x1;
	_ =	strace $0x80000046;
	[dreg:$0x1] =	wrdreg $0xFFFFFFFF  }
0xaf: {  	s28 =	simm.s32 $_size_execute0_lowered;
	s7 =	sadd.s32 s7, s8;
	[dreg:$0x0] =	wrdreg $0x0  }
0xb0: {  	s8 =	sshll.u32 s28, $0x1;
	[dreg:$0x2] =	wrdreg s7  }
0xb1: {  	[dreg:$0x3] =	wrdreg s8  }
0xb2: {  	[dreg:$0x4] =	wrdreg $0xC0  }
0xb3: {  	_ =	task [dreg:s11], $0x5FFFF  }
0xb4: {  	[dreg:$0x1] =	wrdreg $0xFFFFFFFF  }
0xb5: {  	[dreg:$0x0] =	wrdreg $0x60  }
0xb6: {  	[dreg:$0x2] =	wrdreg s16  }
0xb7: {  	[dreg:$0x3] =	wrdreg s4  }
0xb8: {  	[dreg:$0x4] =	wrdreg s5  }
0xb9: {  	[dreg:$0x5] =	wrdreg s17  }
0xba: {  	[dreg:$0x6] =	wrdreg s18  }
0xbb: {  	[dreg:$0x7] =	wrdreg $0x9  }
0xbc: {  	_ =	task.clear_ibuf [dreg:s11], $0x8FFFF;
	_ =	strace $0x90000046  }
0xbd: {  	s29 =	simm.s32 $0x9;
	_ =	strace $0x80000048  }
0xbe: {  	_ =	swait.ge [sflag:s29], $0x1  }
0xbf: {  	[sflag:s29] =	ssyncadd.s32 $0xFFFFFFFF  }
0xc0: {  	_ =	strace $0x90000048  }
0xc1: {  	_ =	sfence  }
0xc2: {  	s30 =	sld [smem:$0x0];
	_ =	sdelay $0x2  }
0xc3: {  	s31 =	sshll.u32 s1, $0xD;
	s1 =	sshrl.u32 s1, $0x2  }
0xc4: {  	s3 =	sand.u32 $0x4000, s31;
	s1 =	sadd.s32 s1, s30  }
0xc5: {  	s0 =	sor.u32 s3, s0;
	s1 =	sshll.u32 s1, $0x11  }
0xc6: {  	s0 =	sor.u32 s1, s0  }
0xc7: {  	s0 =	sadd.s32 $0x8F2B, s0  }
0xc8: {  	[sflag:s0] =	ssyncadd.remote.s32 $0x1  }
0xc9: {  	_ =	sfence.sel $0xFFFF  }
0xca: {  	[dreg:$0x0] =	wrdreg $0xFFFFFFFF;
	(pc) =	sbr.abs _section_cstart, $3  }
0xcb: {  	[dreg:$0x1] =	wrdreg $0xFFFFFFFF  }
0xcc: {  	_ =	task.clear_ibuf [dreg:s11], $0x2FFFF;
	_ =	strace $0x9FFFFFFF  }
0xcd: {  	(tm) =	ssettm $0x7FFFFFFF  }
tec
execute0_lowered:
.L_overlay_start_1:
0x0: {  	(tag) =	ssettag $0x1  }
0x1: {  	s5 =	rddreg [dreg:$0x0]  }
0x2: {  	s0 =	rddreg [dreg:$0x1]  }
0x3: {  	s1 =	srdreg.scid;
	s3 =	stileid.u32  }
0x4: {  	s7 =	rddreg [dreg:$0x2];
	s6 =	simm.s32 $0x0;
	s1 =	sand.u32 $0x1, s1  }
0x5: {  	s2 =	sshll.u32 s3, $0x1;
	s3 =	sshll.u32 s3, $0xF;
	[smem:$0x7FF] =	sst s6  }
0x6: {  	s2 =	sor.u32 s1, s2;
	s1 =	ssub.s32 $0x2, s1;
	_ =	strace $0x80000047  }
0x7: {  	s4 =	sshll.u32 s2, $0x7;
	s26 =	smul.u32 $0x30000, s2;
	s2 =	sshll.u32 s2, $0x10  }
0x8: {  	s23 =	sshrl.u32 s1, $0x1;
	s3 =	sor.u32 s3, s4;
	[smem:$0x7F4] =	sst s2  }
0x9: {  	s1 =	ssub.s32 s1, s23;
	s8 =	sand.u32 $0x60380, s3;
	[smem:$0x7F3] =	sst s26  }
0xa: {  	s1 =	smax.u32 s1, $0x1;
	[smem:$0x7F5] =	sst s8  }
0xb: {  	s24 =	sshrl.u32 s8, $0x3;
	s28 =	sor.u32 $0x4000, s8;
	[smem:$0x7F7] =	sst s1  }
0xc: {  	s4 =	sadd.s32 s7, s24;
	[smem:$0x7F6] =	sst s28  }
0xd: {  	s0 =	sadd.s32 s0, s24;
	[smem:$0x7F2] =	sst s4  }
0xe: {  	s25 =	sadd.s32 s5, s24;
	[smem:$0x7F9] =	sst s0  }
0xf: {  	s29 =	sadd.s32 $0x10000, s0;
	[smem:$0x7FC] =	sst s25  }
0x10: {  	s0 =	sadd.s32 $0x20000, s0;
	[smem:$0x7F8] =	sst s29  }
0x11: {  	v0 =	vimm.f32 $0.0e+00;
	s30 =	sadd.s32 $0x10000, s25;
	[smem:$0x7FA] =	sst s0  }
0x12: {  	v0 =	vand.u32 $0x7FFFFFFF, v0;
	s31 =	sadd.s32 $0x20000, s25;
	[smem:$0x7FB] =	sst s30  }
0x13: {  	[tilespmem:$0x1FFF0] =	vst v0;
	s2 =	simm.s32 $0x0;
	[smem:$0x7FD] =	sst s31  }
.LBB2_1:
0x14: {  	s0 =	sld [smem:$0x7F9];
	_ =	sdelay $0x1  }
0x15: {  	s1 =	simm.s32 $0x80;
	s18 =	simm.s32 $0x400;
	s19 =	sld [smem:$0x7F8]  }
0x16: {  	[tilespmem:s6], [sflag:$0x5] =	stream.strided.gather [hbm4b:s0+s1], $0x4000, s18, s1, $0x38;
	[tilespmem:$0x16000] =	vst v63  }
0x17: {  	s3 =	simm.s32 $0x4000;
	s20 =	sld [smem:$0x7FA]  }
0x18: {  	[tilespmem:s3], [sflag:$0x5] =	stream.strided.gather [hbm4b:s19+s1], $0x4000, s18, s1, $0x38;
	[tilespmem:$0x16000] =	vst v63  }
0x19: {  	[smem:$0x7F1] =	sst s2;
	s21 =	simm.s32 $0x8000;
	s22 =	simm.s32 $0x5  }
0x1a: {  	[tilespmem:s21], [sflag:$0x5] =	stream.strided.gather [hbm4b:s20+s1], $0x4000, s18, s1, $0x38;
	[tilespmem:$0x16000] =	vst v63  }
0x1b: {  	_ =	swait.ge [sflag:s22], $0xC000  }
0x1c: {  	s23 =	sld [smem:$0x7FC]  }
0x1d: {  	[sflag:s22] =	ssyncset.done $0x0  }
0x1e: {  	s24 =	simm.s32 $0xC000;
	s25 =	sld [smem:$0x7FB];
	[sflag:s22] =	ssyncadd.s32 $0xFFFF4000  }
0x1f: {  	[tilespmem:s24], [sflag:$0x1] =	stream.strided.gather [hbm4b:s23+s1], $0x400, s18, s1, $0x38;
	[tilespmem:$0x16000] =	vst v63  }
0x20: {  	s26 =	simm.s32 $0xC400;
	s28 =	sld [smem:$0x7FD]  }
0x21: {  	[tilespmem:s26], [sflag:$0x1] =	stream.strided.gather [hbm4b:s25+s1], $0x400, s18, s1, $0x38;
	[tilespmem:$0x16000] =	vst v63  }
0x22: {  	s29 =	simm.s32 $0xC800;
	s30 =	sld [smem:$0x7F2]  }
0x23: {  	[tilespmem:s29], [sflag:$0x1] =	stream.strided.gather [hbm4b:s28+s1], $0x400, s18, s1, $0x38;
	[tilespmem:$0x16000] =	vst v63  }
0x24: {  	s31 =	simm.s32 $0xD800;
	s7 =	simm.s32 $0x0  }
0x25: {  	[tilespmem:s31], [sflag:$0x1] =	stream.strided.gather [hbm4b:s30+s1], $0x400, s18, s1, $0x38;
	[tilespmem:$0x16000] =	vst v63  }
.LBB2_2:
0x26: {  	s1 =	sld [smem:$0x7F5]  }
0x27: {  	s0 =	sshllo.u32 s7, $0x1  }
0x28: {  	[smem:$0x7EF] =	sst s0;
	s0 =	sshll.u32 s0, $0xD  }
0x29: {  	s0 =	sadd.s32 s1, s0  }
0x2a: {  	s25 =	rddreg [dreg:$0x0];
	s3 =	simm.s32 $0x80;
	s0 =	sshrl.u32 s0, $0x3  }
0x2b: {  	s4 =	simm.s32 $0x400;
	s2 =	simm.s32 $0xCC00;
	s1 =	sadd.s32 s25, s0  }
0x2c: {  	[tilespmem:s2], [sflag:$0x2] =	stream.strided.gather [hbm4b:s1+s3], $0x400, s4, s3, $0x38;
	[tilespmem:$0x16000] =	vst v63  }
0x2d: {  	s5 =	simm.s32 $0xD000;
	s26 =	sadd.s32 $0x10000, s1  }
0x2e: {  	[tilespmem:s5], [sflag:$0x2] =	stream.strided.gather [hbm4b:s26+s3], $0x400, s4, s3, $0x38;
	[tilespmem:$0x16000] =	vst v63  }
0x2f: {  	s8 =	rddreg [dreg:$0x2];
	s1 =	sadd.s32 $0x20000, s1;
	s5 =	simm.s32 $0xD400  }
0x30: {  	[tilespmem:s5], [sflag:$0x2] =	stream.strided.gather [hbm4b:s1+s3], $0x400, s4, s3, $0x38;
	[tilespmem:$0x16000] =	vst v63  }
0x31: {  	s9 =	simm.s32 $0xDC00;
	s10 =	simm.s32 $0x1;
	s0 =	sadd.s32 s8, s0  }
0x32: {  	[tilespmem:s9], [sflag:$0x2] =	stream.strided.gather [hbm4b:s0+s3], $0x400, s4, s3, $0x38;
	[tilespmem:$0x16000] =	vst v63  }
0x33: {  	_ =	swait.ge [sflag:s10], $0xC00  }
0x34: {  	[sflag:s10] =	ssyncset.done $0x0  }
0x35: {  	[sflag:s10] =	ssyncadd.s32 $0xFFFFF400  }
0x36: {  	_ =	swait.ge [sflag:s10], $0x400  }
0x37: {  	p0 =	seq.s32 s7, $0x0;
	[sflag:s10] =	ssyncset.done $0x0  }
0x38: {  	s0 =	simm.s32 @!p0 $0x3;
	[smem:$0x7F0] =	sst s7;
	[sflag:s10] =	ssyncadd.s32 $0xFFFFFC00  }
0x39: {  	_ =	swait.ge @!p0 [sflag:s0], $0x3000  }
0x3a: {  	[sflag:s0] =	ssyncset.done @!p0 $0x0  }
0x3b: {  	s11 =	simm.s32 $0x0;
	[sflag:s0] =	ssyncadd.s32 @!p0 $0xFFFFD000  }
0x3c: {  	s3 =	sand.u32 $0x40, s11;
	_ =	swait.ge @!p0 [sflag:s0], $0x1000  }
0x3d: {  	s12 =	simm.s32 $0x0;
	s5 =	sor.u32 $0x30, s3;
	[sflag:s0] =	ssyncset.done @!p0 $0x0  }
0x3e: {  	s13 =	simm.s32 $0xC400;
	s10 =	sor.u32 s12, s5;
	[sflag:s0] =	ssyncadd.s32 @!p0 $0xFFFFF000  }
0x3f: {  	s14 =	sor.u32 s5, s13;
	v1 =	vld [tilespmem:s10+$0xC000]  }
0x40: {  	v2 =	vld [tilespmem:s14+$0x0];
	_ =	sdelay $0x3  }
0x41: {  	s1 =	sor.u32 $0x10, s3;
	s15 =	sor.u32 s3, s13;
	v3 =	vadd.s32 $0x4000, v1  }
0x42: {  	s16 =	sor.u32 s1, s13;
	v4 =	vld [tilespmem:s15+$0x0];
	v5 =	vadd.s32 $0x4000, v2  }
0x43: {  	v6 =	vld [tilespmem:s16+$0x0];
	v7 =	vadd.s32 $0x8000, v1  }
0x44: {  	v33 =	vld.idx.msk [tilespmem:v1+s6+$0x0], $0xffff;
	v1 =	vadd.s32 $0x8000, v2  }
0x45: {  	v2 =	vld.idx.msk [tilespmem:v2+s6+$0x0], $0xffff  }
0x46: {  	v29 =	vld.idx.msk [tilespmem:v3+s6+$0x0], $0xffff  }
0x47: {  	v3 =	vld.idx.msk [tilespmem:v5+s6+$0x0], $0xffff  }
0x48: {  	v26 =	vld.idx.msk [tilespmem:v7+s6+$0x0], $0xffff  }
0x49: {  	s31 =	sor.u32 $0x20, s3;
	v1 =	vld.idx.msk [tilespmem:v1+s6+$0x0], $0xffff  }
0x4a: {  	s0 =	sor.u32 s31, s13  }
0x4b: {  	s7 =	sor.u32 s3, s12;
	v5 =	vld [tilespmem:s0+$0x0]  }
0x4c: {  	v8 =	vadd.s32 $0x4000, v4;
	v7 =	vld [tilespmem:s7+$0xC000];
	v2 =	vsub.f32 v2, v33;
	[tilespmem:$0x1FE20] =	vst v33;
	v3 =	vsub.f32 v3, v29  }
0x4d: {  	v9 =	vadd.s32 $0x4000, v6;
	[tilespmem:$0x1FE80] =	vst v29  }
0x4e: {  	v38 =	vld [tilespmem:$0x1FFF0];
	s14 =	sor.u32 s12, s1;
	[tilespmem:$0x1FEB0] =	vst v26;
	v11 =	vmul.f32 v3, v3;
	v10 =	vsub.f32 v1, v26;
	v1 =	vmul.f32 v2, v2  }
0x4f: {  	s21 =	sor.u32 s12, s31;
	v14 =	vld [tilespmem:s14+$0xC000]  }
0x50: {  	v15 =	vld [tilespmem:s21+$0xC000];
	v1 =	vadd.f32 v11, v1;
	v51 =	vmul.f32 v10, v10  }
0x51: {  	v8 =	vld.idx.msk [tilespmem:v8+s6+$0x0], $0xffff  }
0x52: {  	v9 =	vld.idx.msk [tilespmem:v9+s6+$0x0], $0xffff;
	v11 =	vadd.f32 v51, v1  }
0x53: {  	s17 =	simm.s32 $0xC800;
	v13 =	vadd.s32 $0x4000, v7;
	v52 =	vld.idx.msk [tilespmem:v4+s6+$0x0], $0xffff  }
0x54: {  	s8 =	sor.u32 s5, s17;
	v12 =	vadd.s32 $0x4000, v5;
	v19 =	vld.idx.msk [tilespmem:v6+s6+$0x0], $0xffff;
	(erf) = vrsqrt.f32 v11  }
0x55: {  	v4 =	vadd.s32 $0x8000, v4;
	v21 =	vld [tilespmem:s8+$0x0]  }
0x56: {  	v20 =	vld.idx.msk [tilespmem:v5+s6+$0x0], $0xffff  }
0x57: {  	v34 =	vld.idx.msk [tilespmem:v7+s6+$0x0], $0xffff;
	v16 =	vadd.s32 $0x4000, v15  }
0x58: {  	v32 =	vld.idx.msk [tilespmem:v13+s6+$0x0], $0xffff;
	v1 =	vadd.s32 $0x4000, v14  }
0x59: {  	v7 =	vadd.s32 $0x8000, v7;
	v12 =	vld.idx.msk [tilespmem:v12+s6+$0x0], $0xffff  }
0x5a: {  	v4 =	vld.idx.msk [tilespmem:v4+s6+$0x0], $0xffff  }
0x5b: {  	v31 =	vld.idx.msk [tilespmem:v14+s6+$0x0], $0xffff  }
0x5c: {  	v6 =	vadd.s32 $0x8000, v6;
	v18 =	vld.idx.msk [tilespmem:v16+s6+$0x0], $0xffff  }
0x5d: {  	v14 =	vadd.s32 $0x8000, v14;
	v28 =	vld.idx.msk [tilespmem:v1+s6+$0x0], $0xffff;
	[tilespmem:$0x1FF00] =	vst v32;
	v1 =	vpop (erf)  }
0x5e: {  	v5 =	vadd.s32 $0x8000, v5;
	vm0 =	veq.f32 v11, $+Inf;
	v30 =	vld.idx.msk [tilespmem:v7+s6+$0x0], $0xffff;
	v22 =	vmul.f32 v1, v11  }
0x5f: {  	vm14 =	veq.f32 v11, $0.0e+00;
	v16 =	vadd.s32 $0x8000, v15;
	v7 =	vand.u32 $0x80000000, v11  }
0x60: {  	v0 =	vld.idx.msk [tilespmem:v15+s6+$0x0], $0xffff;
	[tilespmem:$0x1FEC0] =	vst v34;
	v7 =	vor.u32 v7, v38;
	v1 =	vsub.f32 v8, v32;
	v8 =	vsel vm0, $0x7F800000, v22  }
0x61: {  	v53 =	vsub.f32 v52, v34;
	v6 =	vld.idx.msk [tilespmem:v6+s6+$0x0], $0xffff;
	[tilespmem:$0x1FF30] =	vst v31;
	v7 =	vsel vm14, v7, v8  }
0x62: {  	v27 =	vld.idx.msk [tilespmem:v14+s6+$0x0], $0xffff;
	v7 =	vadd.f32 $9.999999970e-07, v7  }
0x63: {  	v56 =	vadd.s32 $0x4000, v21;
	v55 =	vmul.f32 v53, v53;
	v5 =	vld.idx.msk [tilespmem:v5+s6+$0x0], $0xffff;
	[tilespmem:$0x1FF60] =	vst v28;
	v4 =	vsub.f32 v4, v30  }
0x64: {  	v17 =	vld.idx.msk [tilespmem:v16+s6+$0x0], $0xffff;
	v16 =	vadd.s32 $0x8000, v21;
	v8 =	vmul.f32 v1, v1;
	(erf) = vrcp.f32 v7  }
0x65: {  	v54 =	vsub.f32 v19, v31;
	v9 =	vsub.f32 v9, v28;
	[tilespmem:$0x1FF20] =	vst v30  }
0x66: {  	v20 =	vsub.f32 v20, v0;
	[tilespmem:$0x1FFC0] =	vst v0;
	v19 =	vmul.f32 v4, v4;
	v8 =	vadd.f32 v8, v55  }
0x67: {  	v12 =	vsub.f32 v12, v18;
	v6 =	vsub.f32 v6, v27;
	[tilespmem:$0x1FF80] =	vst v27  }
0x68: {  	v57 =	vmul.f32 v9, v9;
	v59 =	vmul.f32 v20, v20;
	v58 =	vld.idx.msk [tilespmem:v56+s6+$0x0], $0xffff;
	v8 =	vadd.f32 v19, v8  }
0x69: {  	v16 =	vld.idx.msk [tilespmem:v16+s6+$0x0], $0xffff;
	v7 =	vmul.f32 v54, v54;
	v19 =	vmul.f32 v6, v6  }
0x6a: {  	v22 =	vmul.f32 v12, v12;
	v21 =	vld.idx.msk [tilespmem:v21+s6+$0x0], $0xffff;
	(erf) = vrsqrt.f32 v8  }
0x6b: {  	v5 =	vsub.f32 v5, v17;
	v7 =	vadd.f32 v57, v7  }
0x6c: {  	v10 =	vadd.f32 $9.999999970e-07, v10;
	v15 =	vadd.f32 v22, v59  }
0x6d: {  	v22 =	vmul.f32 v5, v5;
	v14 =	vsub.f32 v58, v29;
	v7 =	vadd.f32 v19, v7;
	v19 =	vpop (erf)  }
0x6e: {  	v16 =	vsub.f32 v16, v26;
	v36 =	vmul.f32 v19, v3;
	v37 =	vmul.f32 v19, v10  }
0x6f: {  	(erf) = vrsqrt.f32 v7;
	v3 =	vsub.f32 v21, v33;
	v33 =	vmul.f32 v19, v2  }
0x70: {  	v15 =	vadd.f32 v22, v15;
	v2 =	vmul.f32 v36, v16;
	v10 =	vmul.f32 v37, v14  }
0x71: {  	v21 =	vmul.f32 v37, v3;
	v16 =	vmul.f32 v33, v16  }
0x72: {  	s18 =	sor.u32 s3, s17;
	(erf) = vrsqrt.f32 v15;
	v14 =	vmul.f32 v33, v14  }
0x73: {  	v23 =	vld [tilespmem:s18+$0x0];
	v25 =	vpop (erf);
	v3 =	vmul.f32 v36, v3;
	v2 =	vsub.f32 v2, v10;
	v60 =	vsub.f32 v21, v16  }
0x74: {  	vm15 =	veq.f32 v8, $+Inf;
	v16 =	vand.u32 $0x80000000, v8;
	v21 =	vmul.f32 v25, v8  }
0x75: {  	v3 =	vsub.f32 v14, v3;
	v61 =	vmul.f32 v2, v2;
	v25 =	vmul.f32 v60, v60  }
0x76: {  	vm1 =	veq.f32 v8, $0.0e+00;
	v16 =	vor.u32 v16, v38;
	v8 =	vsel vm15, $0x7F800000, v21  }
0x77: {  	v8 =	vsel vm1, v16, v8;
	v16 =	vmul.f32 v3, v3;
	v14 =	vadd.f32 v25, v61  }
0x78: {  	v24 =	vadd.s32 $0x8000, v23;
	v8 =	vadd.f32 $9.999999970e-07, v8  }
0x79: {  	v22 =	vadd.s32 $0x4000, v23;
	vm6 =	veq.f32 v15, $+Inf;
	v25 =	vpop (erf);
	v14 =	vadd.f32 v14, v16  }
0x7a: {  	s19 =	sor.u32 s1, s17;
	vm4 =	veq.f32 v7, $+Inf;
	(erf) = vrcp.f32 v8;
	v25 =	vmul.f32 v25, v7  }
0x7b: {  	vm5 =	veq.f32 v7, $0.0e+00;
	v21 =	vand.u32 $0x80000000, v7;
	v8 =	vld [tilespmem:s19+$0x0];
	v7 =	vpop (erf);
	(erf) = vrsqrt.f32 v14  }
0x7c: {  	v21 =	vor.u32 v21, v38;
	v7 =	vmul.f32 v7, v15;
	v25 =	vsel vm4, $0x7F800000, v25  }
0x7d: {  	vm7 =	veq.f32 v15, $0.0e+00;
	v16 =	vand.u32 $0x80000000, v15;
	v21 =	vsel vm5, v21, v25  }
0x7e: {  	v16 =	vor.u32 v16, v38;
	v7 =	vsel vm6, $0x7F800000, v7;
	v62 =	vadd.f32 $9.999999970e-07, v21  }
0x7f: {  	s0 =	sor.u32 s31, s17;
	v24 =	vld.idx.msk [tilespmem:v24+s6+$0x0], $0xffff;
	v7 =	vsel vm7, v16, v7  }
0x80: {  	v21 =	vld [tilespmem:s0+$0x0];
	v63 =	vadd.s32 $0x4000, v8;
	v7 =	vadd.f32 $9.999999970e-07, v7;
	(erf) = vrcp.f32 v62  }
0x81: {  	v16 =	vld.idx.msk [tilespmem:v22+s6+$0x0], $0xffff;
	v22 =	vadd.s32 $0x8000, v8  }
0x82: {  	(erf) = vrcp.f32 v7  }
0x83: {  	v4 =	vadd.f32 $9.999999970e-07, v4;
	v25 =	vpop (erf)  }
0x84: {  	v24 =	vsub.f32 v24, v30;
	vm8 =	veq.f32 v14, $+Inf;
	v30 =	vand.u32 $0x80000000, v14;
	v29 =	vpop (erf)  }
0x85: {  	vm9 =	veq.f32 v14, $0.0e+00;
	v7 =	vadd.s32 $0x4000, v21;
	v15 =	vld.idx.msk [tilespmem:v63+s6+$0x0], $0xffff;
	v29 =	vmul.f32 v29, v14  }
0x86: {  	v26 =	vadd.s32 $0x8000, v21;
	v16 =	vsub.f32 v16, v32;
	v22 =	vld.idx.msk [tilespmem:v22+s6+$0x0], $0xffff;
	v32 =	vor.u32 v30, v38  }
0x87: {  	v8 =	vld.idx.msk [tilespmem:v8+s6+$0x0], $0xffff;
	v44 =	vmul.f32 v25, v53;
	v40 =	vmul.f32 v25, v1;
	v29 =	vsel vm8, $0x7F800000, v29  }
0x88: {  	v6 =	vadd.f32 $9.999999970e-07, v6;
	v41 =	vmul.f32 v25, v4;
	v35 =	vsel vm9, v32, v29  }
0x89: {  	v23 =	vld.idx.msk [tilespmem:v23+s6+$0x0], $0xffff;
	v52 =	vmul.f32 v40, v24;
	v56 =	vmul.f32 v44, v24;
	v1 =	vpop (erf);
	v4 =	vadd.f32 $9.999999970e-07, v35  }
0x8a: {  	v7 =	vld.idx.msk [tilespmem:v7+s6+$0x0], $0xffff;
	v45 =	vsub.f32 v15, v28;
	v46 =	vmul.f32 v1, v54;
	v50 =	vmul.f32 v1, v9  }
0x8b: {  	v43 =	vld.idx.msk [tilespmem:v26+s6+$0x0], $0xffff;
	v47 =	vpop (erf);
	v54 =	vmul.f32 v1, v6;
	v6 =	vsub.f32 v22, v27;
	(erf) = vrcp.f32 v4  }
0x8c: {  	v8 =	vsub.f32 v8, v31;
	v53 =	vmul.f32 v47, v20;
	v25 =	vmul.f32 v47, v12  }
0x8d: {  	v5 =	vadd.f32 $9.999999970e-07, v5;
	v1 =	vld.idx.msk [tilespmem:v21+s6+$0x0], $0xffff;
	v57 =	vmul.f32 v50, v6;
	v20 =	vmul.f32 v54, v45  }
0x8e: {  	v4 =	vsub.f32 v23, v34;
	v21 =	vmul.f32 v54, v8;
	v6 =	vmul.f32 v46, v6  }
0x8f: {  	v58 =	vmul.f32 v46, v45;
	v8 =	vmul.f32 v50, v8;
	v7 =	vsub.f32 v7, v18  }
0x90: {  	[tilespmem:$0x1FDA0] =	vst v18;
	v18 =	vmul.f32 v47, v5;
	v5 =	vmul.f32 v41, v16;
	v11 =	vsub.f32 v43, v17  }
0x91: {  	v55 =	vmul.f32 v41, v4;
	v16 =	vmul.f32 v44, v16  }
0x92: {  	v4 =	vmul.f32 v40, v4;
	v1 =	vsub.f32 v1, v0;
	v22 =	vmul.f32 v25, v11  }
0x93: {  	v10 =	vadd.f32 $9.999999970e-07, v60;
	v23 =	vmul.f32 v18, v7;
	v11 =	vmul.f32 v53, v11  }
0x94: {  	v6 =	vsub.f32 v21, v6;
	v7 =	vmul.f32 v53, v7;
	v24 =	vmul.f32 v18, v1;
	v59 =	vpop (erf)  }
0x95: {  	v8 =	vsub.f32 v58, v8;
	v45 =	vmul.f32 v59, v10;
	v63 =	vmul.f32 v59, v3  }
0x96: {  	v5 =	vsub.f32 v52, v5;
	v1 =	vmul.f32 v25, v1;
	v43 =	vmul.f32 v59, v2  }
0x97: {  	v12 =	vsub.f32 v55, v56;
	v2 =	vmul.f32 v45, v37;
	v61 =	vmul.f32 v63, v36  }
0x98: {  	v4 =	vsub.f32 v16, v4;
	v62 =	vmul.f32 v63, v33;
	v32 =	vmul.f32 v43, v37  }
0x99: {  	v13 =	vsub.f32 v22, v23;
	v34 =	vmul.f32 v5, v5;
	v21 =	vmul.f32 v43, v36  }
0x9a: {  	v48 =	vsub.f32 v2, v61;
	v0 =	vsub.f32 v62, v32;
	v2 =	vmul.f32 v45, v33  }
0x9b: {  	v35 =	vmul.f32 v12, v12;
	v42 =	vmul.f32 v4, v4;
	v3 =	vsub.f32 v57, v20  }
0x9c: {  	v16 =	vsub.f32 v21, v2;
	v2 =	vmul.f32 v48, v48;
	v15 =	vmul.f32 v0, v0  }
0x9d: {  	v39 =	vadd.f32 v35, v34;
	v1 =	vsub.f32 v7, v1;
	v7 =	vmul.f32 v6, v6  }
0x9e: {  	v47 =	vmul.f32 v3, v3;
	v2 =	vadd.f32 v15, v2;
	v49 =	vmul.f32 v16, v16  }
0x9f: {  	v52 =	vmul.f32 v8, v8;
	v11 =	vsub.f32 v24, v11;
	v9 =	vadd.f32 v39, v42  }
0xa0: {  	v51 =	vmul.f32 v13, v13;
	v7 =	vadd.f32 v7, v47;
	v2 =	vadd.f32 v2, v49  }
0xa1: {  	(erf) = vrsqrt.f32 v9;
	[tilespmem:$0x1FE40] =	vst v16;
	v16 =	vmul.f32 v11, v11  }
0xa2: {  	v7 =	vadd.f32 v7, v52;
	(erf) = vrsqrt.f32 v2  }
0xa3: {  	v55 =	vmul.f32 v1, v1;
	v10 =	vadd.f32 v16, v51  }
0xa4: {  	(erf) = vrsqrt.f32 v7  }
0xa5: {  	v10 =	vadd.f32 v10, v55;
	_ =	sdelay $0x1  }
0xa6: {  	(erf) = vrsqrt.f32 v10;
	_ =	sdelay $0x1  }
0xa7: {  	vm10 =	veq.f32 v9, $+Inf;
	v56 =	vand.u32 $0x80000000, v9  }
0xa8: {  	vm3 =	veq.f32 v9, $0.0e+00;
	v14 =	vor.u32 v56, v38;
	v57 =	vand.u32 $0x80000000, v7;
	v21 =	vpop (erf)  }
0xa9: {  	vm11 =	veq.f32 v7, $+Inf;
	vm4 =	veq.f32 v7, $0.0e+00;
	v15 =	vor.u32 v57, v38;
	v23 =	vpop (erf)  }
0xaa: {  	v9 =	vmul.f32 v21, v9;
	vm5 =	veq.f32 v2, $+Inf;
	v23 =	vmul.f32 v23, v2  }
0xab: {  	v21 =	vand.u32 $0x80000000, v2;
	vm12 =	veq.f32 v2, $0.0e+00;
	vm2 =	veq.f32 v10, $+Inf;
	v24 =	vpop (erf)  }
0xac: {  	v2 =	vor.u32 v21, v38;
	v7 =	vmul.f32 v24, v7;
	v23 =	vsel vm5, $0x7F800000, v23  }
0xad: {  	v16 =	vand.u32 $0x80000000, v10;
	v9 =	vsel vm10, $0x7F800000, v9;
	v2 =	vsel vm12, v2, v23  }
0xae: {  	s4 =	simm.s32 $0x40;
	v9 =	vsel vm3, v14, v9;
	v21 =	vpop (erf);
	v7 =	vsel vm11, $0x7F800000, v7;
	v2 =	vadd.f32 $9.999999970e-07, v2  }
0xaf: {  	s2 =	sand.u32 $0x40, s4;
	v9 =	vadd.f32 $9.999999970e-07, v9;
	v21 =	vmul.f32 v21, v10;
	v7 =	vsel vm4, v15, v7  }
0xb0: {  	s11 =	simm.s32 $0x0;
	s15 =	sor.u32 $0x30, s2;
	[tilespmem:$0x1FDB0] =	vst v17;
	vm13 =	veq.f32 v10, $0.0e+00;
	(erf) = vrcp.f32 v2;
	v2 =	vadd.f32 $9.999999970e-07, v7  }
0xb1: {  	s0 =	sor.u32 s11, s15;
	[tilespmem:$0x1FE30] =	vst v0;
	v16 =	vor.u32 v16, v38;
	v58 =	vsel vm2, $0x7F800000, v21;
	(erf) = vrcp.f32 v9  }
0xb2: {  	v59 =	vld [tilespmem:s0+$0xC000];
	v7 =	vsel vm13, v16, v58;
	(erf) = vrcp.f32 v2  }
0xb3: {  	s12 =	simm.s32 $0xC400;
	v7 =	vadd.f32 $9.999999970e-07, v7  }
0xb4: {  	s20 =	sor.u32 s15, s12  }
0xb5: {  	(erf) = vrcp.f32 v7;
	v7 =	vld [tilespmem:s20+$0x0];
	_ =	sdelay $0x1  }
0xb6: {  	v34 =	vadd.s32 $0x4000, v59;
	_ =	sdelay $0x1  }
0xb7: {  	v12 =	vadd.f32 $9.999999970e-07, v12;
	v31 =	vpop (erf)  }
0xb8: {  	v35 =	vadd.s32 $0x4000, v7;
	v39 =	vpop (erf)  }
0xb9: {  	v6 =	vadd.f32 $9.999999970e-07, v6;
	v60 =	vmul.f32 v39, v5;
	v58 =	vmul.f32 v39, v12;
	v42 =	vpop (erf)  }
0xba: {  	v0 =	vld.idx.msk [tilespmem:v34+s6+$0x0], $0xffff;
	v21 =	vadd.s32 $0x8000, v59;
	v57 =	vmul.f32 v39, v4;
	v56 =	vmul.f32 v42, v3  }
0xbb: {  	v16 =	vld.idx.msk [tilespmem:v59+s6+$0x0], $0xffff;
	v5 =	vadd.s32 $0x8000, v7;
	v62 =	vmul.f32 v42, v6;
	v19 =	vmul.f32 v42, v8  }
0xbc: {  	v4 =	vld.idx.msk [tilespmem:v7+s6+$0x0], $0xffff;
	v6 =	vadd.f32 $9.999999970e-07, v11;
	v49 =	vmul.f32 v57, v44;
	v51 =	vmul.f32 v60, v41  }
0xbd: {  	s13 =	sor.u32 s2, s12;
	v7 =	vpop (erf);
	v3 =	vld.idx.msk [tilespmem:v35+s6+$0x0], $0xffff;
	v8 =	vmul.f32 v58, v41;
	v47 =	vmul.f32 v57, v40  }
0xbe: {  	v15 =	vmul.f32 v7, v6;
	v6 =	vld [tilespmem:s13+$0x0];
	v11 =	vsub.f32 v49, v51  }
0xbf: {  	s9 =	sor.u32 $0x10, s2;
	v42 =	vld.idx.msk [tilespmem:v21+s6+$0x0], $0xffff;
	v52 =	vmul.f32 v58, v44;
	v55 =	vsub.f32 v8, v47;
	v8 =	vmul.f32 v60, v40  }
0xc0: {  	s16 =	sor.u32 s9, s12;
	v17 =	vmul.f32 v7, v13;
	v5 =	vld.idx.msk [tilespmem:v5+s6+$0x0], $0xffff;
	[tilespmem:$0x1FED0] =	vst v11  }
0xc1: {  	v1 =	vmul.f32 v7, v1;
	v22 =	vsub.f32 v4, v16;
	v2 =	vsub.f32 v8, v52;
	v7 =	vld [tilespmem:s16+$0x0]  }
0xc2: {  	v4 =	vmul.f32 v11, v11;
	v29 =	vsub.f32 v3, v0;
	v3 =	vmul.f32 v55, v55  }
0xc3: {  	s8 =	sor.u32 $0x20, s2;
	v61 =	vadd.s32 $0x4000, v6  }
0xc4: {  	s12 =	sor.u32 s8, s12;
	v10 =	vmul.f32 v62, v54;
	v3 =	vadd.f32 v4, v3;
	v4 =	vmul.f32 v2, v2  }
0xc5: {  	v23 =	vmul.f32 v56, v54;
	v47 =	vmul.f32 v19, v50;
	v12 =	vld [tilespmem:s12+$0x0];
	s12 =	sor.u32 s2, s11;
	[tilespmem:$0x1FEE0] =	vst v2;
	v2 =	vmov v19  }
0xc6: {  	v8 =	vld [tilespmem:s12+$0xC000];
	[tilespmem:$0x1FF90] =	vst v19;
	v19 =	vadd.f32 v3, v4;
	v3 =	vmul.f32 v2, v46;
	v13 =	vadd.s32 $0x4000, v7  }
0xc7: {  	v20 =	vsub.f32 v10, v47  }
0xc8: {  	v52 =	vmul.f32 v15, v18;
	v49 =	vld.idx.msk [tilespmem:v61+s6+$0x0], $0xffff;
	v61 =	vmul.f32 v1, v25;
	v2 =	vsub.f32 v3, v23  }
0xc9: {  	v59 =	vmul.f32 v29, v29;
	v30 =	vsub.f32 v5, v42;
	[tilespmem:$0x1FF40] =	vst v20  }
0xca: {  	v5 =	vmul.f32 v22, v22;
	v21 =	vadd.s32 $0x4000, v12;
	[tilespmem:$0x1FF50] =	vst v2;
	v4 =	vsub.f32 v52, v61  }
0xcb: {  	v34 =	vmul.f32 v1, v53;
	v35 =	vmul.f32 v17, v18;
	v24 =	vld.idx.msk [tilespmem:v13+s6+$0x0], $0xffff;
	[tilespmem:$0x1FDC0] =	vst v1  }
0xcc: {  	v5 =	vadd.f32 v59, v5;
	v39 =	vmul.f32 v30, v30;
	v59 =	vadd.s32 $0x4000, v8;
	[tilespmem:$0x1FFB0] =	vst v4  }
0xcd: {  	[tilespmem:$0x1FDD0] =	vst v18  }
0xce: {  	(erf) = vrsqrt.f32 v19;
	v3 =	vsub.f32 v34, v35;
	v5 =	vadd.f32 v39, v5;
	[tilespmem:$0x1FFA0] =	vst v17  }
0xcf: {  	s25 =	sor.u32 s11, s9;
	v39 =	vmul.f32 v56, v50;
	v13 =	vld.idx.msk [tilespmem:v21+s6+$0x0], $0xffff;
	v21 =	vmul.f32 v62, v46  }
0xd0: {  	(erf) = vrsqrt.f32 v5;
	v23 =	vld [tilespmem:s25+$0xC000];
	[tilespmem:$0x1FFD0] =	vst v3  }
0xd1: {  	v26 =	vld.idx.msk [tilespmem:v59+s6+$0x0], $0xffff;
	v59 =	vmul.f32 v17, v25;
	v17 =	vsub.f32 v39, v21  }
0xd2: {  	v14 =	vadd.s32 $0x8000, v6;
	v1 =	vmul.f32 v15, v53;
	[tilespmem:$0x1FDE0] =	vst v25  }
0xd3: {  	s13 =	sor.u32 s11, s8;
	v47 =	vadd.s32 $0x8000, v8;
	v61 =	vmul.f32 v20, v20;
	v21 =	vmul.f32 v2, v2;
	[tilespmem:$0x1FF70] =	vst v17  }
0xd4: {  	v1 =	vsub.f32 v59, v1;
	v32 =	vld [tilespmem:s13+$0xC000]  }
0xd5: {  	v21 =	vadd.f32 v21, v61;
	v2 =	vld.idx.msk [tilespmem:v6+s6+$0x0], $0xffff;
	[tilespmem:$0x1FDF0] =	vst v15  }
0xd6: {  	v15 =	vld.idx.msk [tilespmem:v8+s6+$0x0], $0xffff;
	[tilespmem:$0x1FFE0] =	vst v1  }
0xd7: {  	vm14 =	veq.f32 v5, $+Inf;
	vm15 =	veq.f32 v5, $0.0e+00;
	v52 =	vmul.f32 v17, v17;
	v59 =	vld.idx.msk [tilespmem:v14+s6+$0x0], $0xffff  }
0xd8: {  	s17 =	simm.s32 $0xC800;
	v51 =	vmul.f32 v4, v4;
	v28 =	vpop (erf);
	v8 =	vmul.f32 v3, v3;
	v11 =	vld.idx.msk [tilespmem:v47+s6+$0x0], $0xffff;
	v14 =	vadd.s32 $0x4000, v23  }
0xd9: {  	s22 =	sor.u32 s15, s17;
	v18 =	vadd.f32 v21, v52;
	v1 =	vmul.f32 v1, v1;
	v61 =	vld.idx.msk [tilespmem:v7+s6+$0x0], $0xffff;
	v7 =	vadd.s32 $0x8000, v7;
	v21 =	vpop (erf)  }
0xda: {  	v3 =	vld [tilespmem:s22+$0x0];
	v39 =	vadd.f32 v8, v51;
	v34 =	vmul.f32 v21, v5;
	v5 =	vand.u32 $0x80000000, v5  }
0xdb: {  	v27 =	vsub.f32 v49, v26;
	v17 =	vld.idx.msk [tilespmem:v12+s6+$0x0], $0xffff;
	v35 =	vadd.s32 $0x4000, v32;
	v5 =	vor.u32 v5, v38  }
0xdc: {  	v47 =	vld.idx.msk [tilespmem:v23+s6+$0x0], $0xffff;
	v8 =	vadd.f32 v39, v1;
	v39 =	vadd.s32 $0x8000, v23;
	v51 =	vsel vm14, $0x7F800000, v34  }
0xdd: {  	(erf) = vrsqrt.f32 v18;
	v49 =	vmul.f32 v27, v27;
	v5 =	vsel vm15, v5, v51;
	v9 =	vld.idx.msk [tilespmem:v14+s6+$0x0], $0xffff  }
0xde: {  	v23 =	vadd.s32 $0x8000, v12;
	v12 =	vsub.f32 v2, v15;
	v51 =	vadd.f32 $9.999999970e-07, v5;
	v21 =	vld.idx.msk [tilespmem:v32+s6+$0x0], $0xffff  }
0xdf: {  	v52 =	vadd.s32 $0x8000, v32;
	(erf) = vrsqrt.f32 v8;
	v4 =	vadd.s32 $0x4000, v3;
	v32 =	vld.idx.msk [tilespmem:v7+s6+$0x0], $0xffff  }
0xe0: {  	v25 =	vsub.f32 v59, v11;
	v14 =	vmul.f32 v12, v12;
	v35 =	vld.idx.msk [tilespmem:v35+s6+$0x0], $0xffff;
	(erf) = vrcp.f32 v51  }
0xe1: {  	v34 =	vadd.s32 $0x8000, v3;
	v10 =	vld.idx.msk [tilespmem:v39+s6+$0x0], $0xffff  }
0xe2: {  	v1 =	vmul.f32 v25, v25;
	v2 =	vadd.f32 v49, v14;
	v51 =	vsub.f32 v24, v9  }
0xe3: {  	v49 =	vsub.f32 v61, v47;
	v23 =	vld.idx.msk [tilespmem:v23+s6+$0x0], $0xffff;
	v61 =	vsub.f32 v17, v21  }
0xe4: {  	v14 =	vld.idx.msk [tilespmem:v52+s6+$0x0], $0xffff;
	v2 =	vadd.f32 v1, v2;
	v17 =	vmul.f32 v51, v51  }
0xe5: {  	v7 =	vld.idx.msk [tilespmem:v4+s6+$0x0], $0xffff;
	v39 =	vsub.f32 v13, v35;
	v1 =	vmul.f32 v61, v61  }
0xe6: {  	v4 =	vmul.f32 v49, v49;
	(erf) = vrsqrt.f32 v2;
	v52 =	vsub.f32 v32, v10;
	v32 =	vld.idx.msk [tilespmem:v34+s6+$0x0], $0xffff  }
0xe7: {  	v6 =	vld.idx.msk [tilespmem:v3+s6+$0x0], $0xffff;
	v20 =	vpop (erf);
	v34 =	vmul.f32 v39, v39  }
0xe8: {  	v3 =	vadd.f32 $9.999999970e-07, v30;
	v4 =	vadd.f32 v17, v4;
	v13 =	vmul.f32 v52, v52;
	v17 =	vpop (erf)  }
0xe9: {  	v5 =	vadd.f32 v34, v1;
	v34 =	vsub.f32 v23, v14;
	v1 =	vpop (erf)  }
0xea: {  	v7 =	vsub.f32 v7, v0;
	v4 =	vadd.f32 v13, v4;
	v30 =	vmul.f32 v1, v29  }
0xeb: {  	v13 =	vsub.f32 v32, v42;
	v29 =	vmul.f32 v1, v3;
	v3 =	vmul.f32 v34, v34  }
0xec: {  	v32 =	vmul.f32 v1, v22;
	v1 =	vsub.f32 v6, v16;
	(erf) = vrsqrt.f32 v4  }
0xed: {  	v6 =	vmul.f32 v29, v7;
	v3 =	vadd.f32 v3, v5;
	v5 =	vmul.f32 v30, v13  }
0xee: {  	[tilespmem:$0x1FE10] =	vst v42;
	v22 =	vmul.f32 v32, v13;
	v42 =	vmul.f32 v29, v1  }
0xef: {  	v1 =	vmul.f32 v30, v1;
	v23 =	vsub.f32 v5, v6;
	v5 =	vmul.f32 v32, v7;
	v7 =	vpop (erf)  }
0xf0: {  	vm4 =	veq.f32 v2, $+Inf;
	(erf) = vrsqrt.f32 v3;
	v7 =	vmul.f32 v7, v2  }
0xf1: {  	vm5 =	veq.f32 v2, $0.0e+00;
	v59 =	vsub.f32 v42, v22;
	v22 =	vand.u32 $0x80000000, v2  }
0xf2: {  	v6 =	vsub.f32 v5, v1;
	v1 =	vor.u32 v22, v38;
	v5 =	vsel vm4, $0x7F800000, v7  }
0xf3: {  	v22 =	vmul.f32 v59, v59;
	v7 =	vmul.f32 v23, v23;
	v1 =	vsel vm5, v1, v5  }
0xf4: {  	v1 =	vadd.f32 $9.999999970e-07, v1  }
0xf5: {  	vm10 =	veq.f32 v19, $+Inf;
	v5 =	vadd.f32 v22, v7;
	v7 =	vmul.f32 v6, v6  }
0xf6: {  	vm11 =	veq.f32 v19, $0.0e+00;
	vm12 =	veq.f32 v18, $+Inf;
	vm13 =	veq.f32 v18, $0.0e+00  }
0xf7: {  	vm14 =	veq.f32 v8, $+Inf;
	vm15 =	veq.f32 v8, $0.0e+00;
	vm6 =	veq.f32 v4, $+Inf  }
0xf8: {  	vm7 =	veq.f32 v4, $0.0e+00;
	v5 =	vadd.f32 v5, v7;
	(erf) = vrcp.f32 v1;
	v1 =	vpop (erf)  }
0xf9: {  	vm8 =	veq.f32 v3, $+Inf;
	vm9 =	veq.f32 v3, $0.0e+00;
	v1 =	vmul.f32 v1, v4;
	v7 =	vpop (erf)  }
0xfa: {  	[tilespmem:$0x1FE00] =	vst v0;
	v0 =	vld [tilespmem:$0x1FE20];
	(erf) = vrsqrt.f32 v5;
	v4 =	vand.u32 $0x80000000, v4;
	v7 =	vmul.f32 v7, v3  }
0xfb: {  	v3 =	vand.u32 $0x80000000, v3;
	v4 =	vor.u32 v4, v38;
	v1 =	vsel vm6, $0x7F800000, v1  }
0xfc: {  	v3 =	vor.u32 v3, v38;
	v7 =	vsel vm8, $0x7F800000, v7;
	v1 =	vsel vm7, v4, v1  }
0xfd: {  	s16 =	simm.s32 $0x0;
	v4 =	vmul.f32 v28, v19;
	v3 =	vsel vm9, v3, v7;
	v1 =	vadd.f32 $9.999999970e-07, v1  }
0xfe: {  	s11 =	sor.u32 s16, s5;
	v17 =	vmul.f32 v17, v8;
	v8 =	vand.u32 $0x80000000, v8;
	v3 =	vadd.f32 $9.999999970e-07, v3  }
0xff: {  	v2 =	vld [tilespmem:s10+$0xD800];
	[tilespmem:s11+$0xE000] =	vst v0;
	v7 =	vand.u32 $0x80000000, v19;
	v4 =	vsel vm10, $0x7F800000, v4;
	(erf) = vrcp.f32 v1  }
0x100: {  	s23 =	sor.u32 s2, s17;
	v0 =	vld [tilespmem:$0x1FE30];
	v1 =	vor.u32 v7, v38;
	(erf) = vrcp.f32 v3;
	v3 =	vmul.f32 v20, v18  }
0x101: {  	v17 =	vsel vm14, $0x7F800000, v17;
	v7 =	vand.u32 $0x80000000, v18;
	v1 =	vsel vm11, v1, v4;
	v4 =	vld [tilespmem:s23+$0x0]  }
0x102: {  	s24 =	sor.u32 s9, s17;
	v8 =	vor.u32 v8, v38;
	v7 =	vor.u32 v7, v38;
	v3 =	vsel vm12, $0x7F800000, v3  }
0x103: {  	v18 =	vpop (erf);
	v3 =	vsel vm13, v7, v3;
	v7 =	vsel vm15, v8, v17;
	v8 =	vld [tilespmem:s24+$0x0]  }
0x104: {  	vm6 =	veq.f32 v5, $+Inf;
	vm7 =	veq.f32 v5, $0.0e+00;
	v17 =	vpop (erf)  }
0x105: {  	v28 =	vmul.f32 v31, v0;
	v1 =	vadd.f32 $9.999999970e-07, v1;
	v17 =	vmul.f32 v17, v5  }
0x106: {  	v5 =	vand.u32 $0x80000000, v5;
	v3 =	vadd.f32 $9.999999970e-07, v3;
	v19 =	vadd.s32 $0x4000, v4  }
0x107: {  	(erf) = vrcp.f32 v1;
	v20 =	vadd.s32 $0x8000, v4;
	v5 =	vor.u32 v5, v38  }
0x108: {  	v17 =	vsel vm6, $0x7F800000, v17;
	(erf) = vrcp.f32 v3;
	v3 =	vadd.s32 $0x4000, v8  }
0x109: {  	v0 =	vld [tilespmem:$0x1FE40];
	v1 =	vsel vm7, v5, v17;
	v5 =	vadd.f32 $9.999999970e-07, v7;
	v7 =	vadd.s32 $0x8000, v8  }
0x10a: {  	v4 =	vld.idx.msk [tilespmem:v4+s6+$0x0], $0xffff  }
0x10b: {  	v1 =	vadd.f32 $9.999999970e-07, v1;
	(erf) = vrcp.f32 v5;
	v5 =	vld.idx.msk [tilespmem:v19+s6+$0x0], $0xffff  }
0x10c: {  	[tilespmem:s11+$0xE180] =	vst v33;
	v17 =	vld.idx.msk [tilespmem:v20+s6+$0x0], $0xffff  }
0x10d: {  	[tilespmem:s11+$0xE100] =	vst v43;
	(erf) = vrcp.f32 v1;
	v1 =	vadd.f32 $9.999999970e-07, v48;
	v3 =	vld.idx.msk [tilespmem:v3+s6+$0x0], $0xffff  }
0x10e: {  	v7 =	vld.idx.msk [tilespmem:v7+s6+$0x0], $0xffff;
	[tilespmem:$0x1FE50] =	vst v26  }
0x10f: {  	v1 =	vmul.f32 v31, v1;
	[tilespmem:$0x1FE60] =	vst v11  }
0x110: {  	v8 =	vld.idx.msk [tilespmem:v8+s6+$0x0], $0xffff;
	[tilespmem:$0x1FE70] =	vst v15  }
0x111: {  	[tilespmem:s11+$0xE080] =	vst v1  }
0x112: {  	v1 =	vld [tilespmem:$0x1FE80];
	_ =	sdelay $0x2  }
0x113: {  	s10 =	simm.s32 $0xF000  }
0x114: {  	s18 =	sor.u32 s8, s17;
	s17 =	simm.s32 $0xF080;
	s19 =	sor.u32 s5, s10  }
0x115: {  	s26 =	sor.u32 s5, s17;
	v19 =	vadd.f32 $9.999999970e-07, v25;
	v25 =	vpop (erf);
	[tilespmem:s19+$0x0] =	vst v1  }
0x116: {  	v22 =	vmul.f32 v18, v12;
	v33 =	vmul.f32 v25, v49;
	v4 =	vsub.f32 v4, v15;
	[tilespmem:s26+$0x0] =	vst v28  }
0x117: {  	v19 =	vmul.f32 v18, v19;
	v26 =	vsub.f32 v5, v26;
	v5 =	vsub.f32 v17, v11;
	v12 =	vld [tilespmem:s18+$0x0];
	s18 =	simm.s32 $0xF100;
	[tilespmem:$0x1FE90] =	vst v9  }
0x118: {  	v31 =	vmul.f32 v31, v0;
	v0 =	vmul.f32 v18, v27;
	v18 =	vadd.f32 $9.999999970e-07, v52;
	s20 =	sor.u32 s5, s18;
	s19 =	simm.s32 $0xF180;
	[tilespmem:$0x1FEA0] =	vst v10  }
0x119: {  	v49 =	vmul.f32 v22, v5;
	v1 =	vmul.f32 v19, v4;
	s22 =	sor.u32 s5, s19;
	[tilespmem:s20+$0x0] =	vst v45  }
0x11a: {  	v42 =	vmul.f32 v25, v51;
	v43 =	vmul.f32 v25, v18;
	v25 =	vsub.f32 v3, v9;
	[tilespmem:s22+$0x0] =	vst v36  }
0x11b: {  	v3 =	vsub.f32 v7, v10;
	v7 =	vsub.f32 v1, v49;
	v1 =	vld [tilespmem:$0x1FEB0];
	_ =	sdelay $0x1  }
0x11c: {  	v48 =	vmul.f32 v0, v5;
	v15 =	vmul.f32 v19, v26  }
0x11d: {  	v27 =	vpop (erf);
	s20 =	simm.s32 $0x10000  }
0x11e: {  	v13 =	vpop (erf);
	v51 =	vsub.f32 v48, v15;
	s22 =	simm.s32 $0x10080;
	s23 =	sor.u32 s5, s20  }
0x11f: {  	v24 =	vpop (erf);
	v5 =	vsub.f32 v8, v47;
	v8 =	vmul.f32 v42, v3;
	v48 =	vmul.f32 v43, v25;
	s24 =	sor.u32 s5, s22;
	[tilespmem:s23+$0x0] =	vst v1;
	s23 =	simm.s32 $0x10100  }
0x120: {  	v59 =	vadd.f32 $9.999999970e-07, v59;
	v11 =	vpop (erf);
	s26 =	simm.s32 $0x10180;
	[tilespmem:s24+$0x0] =	vst v31;
	s24 =	sor.u32 s5, s23  }
0x121: {  	v3 =	vmul.f32 v33, v3;
	v28 =	vpop (erf);
	v48 =	vsub.f32 v8, v48;
	v8 =	vmul.f32 v43, v5;
	s5 =	sor.u32 s5, s26;
	[tilespmem:s24+$0x0] =	vst v63  }
0x122: {  	v49 =	vmul.f32 v28, v59;
	v59 =	vmul.f32 v28, v23;
	[tilespmem:s5+$0x0] =	vst v37;
	s5 =	sor.u32 s3, s16  }
0x123: {  	v23 =	vmul.f32 v22, v26;
	v26 =	vmul.f32 v0, v4;
	v4 =	vsub.f32 v8, v3;
	v8 =	vld [tilespmem:s7+$0xD800];
	[tilespmem:s5+$0xE100] =	vst v60  }
0x124: {  	[tilespmem:s11+$0x14180] =	vst v2  }
0x125: {  	[tilespmem:s11+$0x14000] =	vst v2  }
0x126: {  	[tilespmem:s11+$0x14080] =	vst v2  }
0x127: {  	v31 =	vadd.s32 $0x4000, v12;
	[tilespmem:s11+$0x14100] =	vst v2  }
0x128: {  	v45 =	vmul.f32 v28, v6;
	[tilespmem:s5+$0xE180] =	vst v44  }
0x129: {  	v52 =	vld [tilespmem:$0x1FEC0]  }
0x12a: {  	v10 =	vmul.f32 v45, v32;
	v1 =	vmul.f32 v59, v29  }
0x12b: {  	v34 =	vadd.f32 $9.999999970e-07, v34;
	v28 =	vmul.f32 v27, v39  }
0x12c: {  	v36 =	vmul.f32 v27, v61;
	v61 =	vsub.f32 v10, v1;
	v1 =	vld.idx.msk [tilespmem:v31+s6+$0x0], $0xffff;
	v31 =	vadd.f32 $9.999999970e-07, v55  }
0x12d: {  	v3 =	vmul.f32 v49, v29;
	v9 =	vmul.f32 v45, v30  }
0x12e: {  	v6 =	vadd.s32 $0x8000, v12;
	v27 =	vmul.f32 v27, v34;
	v34 =	vld.idx.msk [tilespmem:v12+s6+$0x0], $0xffff;
	v31 =	vmul.f32 v13, v31;
	[tilespmem:s5+$0xE000] =	vst v52  }
0x12f: {  	v15 =	vmul.f32 v49, v32;
	v3 =	vsub.f32 v3, v9;
	v12 =	vmul.f32 v59, v30;
	v9 =	vld [tilespmem:$0x1FED0]  }
0x130: {  	v55 =	vld [tilespmem:$0x1FEE0];
	[tilespmem:s5+$0xE080] =	vst v31  }
0x131: {  	v60 =	vsub.f32 v12, v15;
	v15 =	vld [tilespmem:$0x1FF00]  }
0x132: {  	v63 =	vsub.f32 v23, v26;
	v23 =	vmul.f32 v51, v51;
	v26 =	vmul.f32 v7, v7;
	_ =	sdelay $0x1  }
0x133: {  	v2 =	vadd.f32 v26, v23;
	v23 =	vmul.f32 v3, v3;
	v26 =	vmul.f32 v61, v61  }
0x134: {  	v6 =	vld.idx.msk [tilespmem:v6+s6+$0x0], $0xffff;
	s11 =	sor.u32 s3, s10;
	[tilespmem:$0x1FEF0] =	vst v35  }
0x135: {  	v23 =	vadd.f32 v26, v23;
	v26 =	vmul.f32 v13, v9;
	[tilespmem:s11+$0x0] =	vst v15  }
0x136: {  	s6 =	sor.u32 s3, s17;
	[tilespmem:$0x1FF10] =	vst v21  }
0x137: {  	s24 =	smov.u32 s8;
	s8 =	sor.u32 s3, s18;
	[tilespmem:s6+$0x0] =	vst v26  }
0x138: {  	s11 =	sor.u32 s3, s19;
	[tilespmem:s8+$0x0] =	vst v58  }
0x139: {  	[tilespmem:s11+$0x0] =	vst v40  }
0x13a: {  	v44 =	vld [tilespmem:$0x1FF20];
	_ =	sdelay $0x1  }
0x13b: {  	s29 =	sor.u32 s16, s1  }
0x13c: {  	v20 =	vld [tilespmem:s14+$0xD800];
	[tilespmem:s29+$0xE100] =	vst v56  }
0x13d: {  	v12 =	vmul.f32 v13, v55;
	s6 =	sor.u32 s3, s20;
	[tilespmem:s29+$0xE180] =	vst v46  }
0x13e: {  	s8 =	sor.u32 s3, s22;
	[tilespmem:s6+$0x0] =	vst v44  }
0x13f: {  	s11 =	sor.u32 s3, s23;
	[tilespmem:s8+$0x0] =	vst v12  }
0x140: {  	s3 =	sor.u32 s3, s26;
	[tilespmem:s11+$0x0] =	vst v57  }
0x141: {  	v6 =	vsub.f32 v6, v14;
	[tilespmem:s3+$0x0] =	vst v41  }
0x142: {  	v34 =	vsub.f32 v34, v21;
	v9 =	vld [tilespmem:$0x1FF30]  }
0x143: {  	v1 =	vsub.f32 v1, v35;
	v31 =	vmul.f32 v28, v6  }
0x144: {  	v6 =	vmul.f32 v36, v6;
	v35 =	vmul.f32 v27, v34  }
0x145: {  	v26 =	vmul.f32 v27, v1  }
0x146: {  	v6 =	vsub.f32 v35, v6  }
0x147: {  	v1 =	vmul.f32 v36, v1;
	v58 =	vsub.f32 v31, v26;
	v26 =	vmul.f32 v28, v34;
	[tilespmem:s29+$0xE000] =	vst v9  }
0x148: {  	v9 =	vld [tilespmem:$0x1FF40]  }
0x149: {  	v57 =	vsub.f32 v1, v26;
	v1 =	vmul.f32 v58, v58;
	v26 =	vmul.f32 v6, v6;
	_ =	sdelay $0x1  }
0x14a: {  	v1 =	vadd.f32 v26, v1;
	v26 =	vmul.f32 v57, v57;
	_ =	sdelay $0x1  }
0x14b: {  	v1 =	vadd.f32 v1, v26;
	[tilespmem:s5+$0x14000] =	vst v8;
	v26 =	vadd.f32 $9.999999970e-07, v9  }
0x14c: {  	v13 =	vmul.f32 v63, v63;
	[tilespmem:s5+$0x14080] =	vst v8  }
0x14d: {  	v39 =	vmul.f32 v60, v60;
	[tilespmem:s5+$0x14100] =	vst v8;
	v26 =	vmul.f32 v24, v26  }
0x14e: {  	v2 =	vadd.f32 v2, v13;
	[tilespmem:s5+$0x14180] =	vst v8  }
0x14f: {  	v23 =	vadd.f32 v23, v39;
	[tilespmem:s29+$0xE080] =	vst v26  }
0x150: {  	v25 =	vmul.f32 v33, v25;
	(erf) = vrsqrt.f32 v2;
	v46 =	vld [tilespmem:$0x1FF50]  }
0x151: {  	v5 =	vmul.f32 v42, v5;
	(erf) = vrsqrt.f32 v23;
	v52 =	vld [tilespmem:$0x1FF60];
	_ =	sdelay $0x1  }
0x152: {  	v55 =	vsub.f32 v25, v5;
	v5 =	vmul.f32 v48, v48;
	v25 =	vmul.f32 v4, v4;
	_ =	sdelay $0x1  }
0x153: {  	v5 =	vadd.f32 v25, v5;
	s14 =	sor.u32 s1, s10;
	v31 =	vmul.f32 v55, v55;
	v26 =	vmul.f32 v24, v46  }
0x154: {  	s5 =	sor.u32 s1, s17;
	[tilespmem:s14+$0x0] =	vst v52  }
0x155: {  	v5 =	vadd.f32 v5, v31;
	s6 =	sor.u32 s1, s18;
	[tilespmem:s5+$0x0] =	vst v26  }
0x156: {  	s7 =	sor.u32 s1, s19;
	[tilespmem:s6+$0x0] =	vst v62  }
0x157: {  	(erf) = vrsqrt.f32 v5;
	v31 =	vpop (erf);
	[tilespmem:s7+$0x0] =	vst v50  }
0x158: {  	(erf) = vrsqrt.f32 v1;
	v8 =	vpop (erf);
	v9 =	vld [tilespmem:$0x1FF70]  }
0x159: {  	v8 =	vmul.f32 v8, v23  }
0x15a: {  	vm8 =	veq.f32 v23, $+Inf;
	v56 =	vand.u32 $0x80000000, v23;
	v62 =	vld [tilespmem:$0x1FF80]  }
0x15b: {  	vm9 =	veq.f32 v23, $0.0e+00;
	v23 =	vor.u32 v56, v38;
	v8 =	vsel vm8, $0x7F800000, v8  }
0x15c: {  	v8 =	vsel vm9, v23, v8;
	v23 =	vmul.f32 v31, v2  }
0x15d: {  	v24 =	vmul.f32 v24, v9  }
0x15e: {  	s8 =	sor.u32 s1, s20  }
0x15f: {  	vm10 =	veq.f32 v2, $+Inf;
	s11 =	sor.u32 s1, s22;
	v8 =	vadd.f32 $9.999999970e-07, v8;
	[tilespmem:s8+$0x0] =	vst v62  }
0x160: {  	vm11 =	veq.f32 v2, $0.0e+00;
	v26 =	vand.u32 $0x80000000, v2;
	v2 =	vsel vm10, $0x7F800000, v23;
	v23 =	vpop (erf);
	[tilespmem:s11+$0x0] =	vst v24  }
0x161: {  	v24 =	vpop (erf);
	(erf) = vrcp.f32 v8;
	v8 =	vld [tilespmem:$0x1FF90];
	_ =	sdelay $0x3  }
0x162: {  	s14 =	sor.u32 s1, s23  }
0x163: {  	[tilespmem:s14+$0x0] =	vst v8  }
0x164: {  	v9 =	vld [tilespmem:$0x1FFA0];
	_ =	sdelay $0x1  }
0x165: {  	v26 =	vor.u32 v26, v38;
	s8 =	sor.u32 s16, s31  }
0x166: {  	s1 =	sor.u32 s1, s26;
	v2 =	vsel vm11, v26, v2;
	v26 =	vld [tilespmem:s21+$0xD800];
	[tilespmem:s8+$0xE180] =	vst v53  }
0x167: {  	[tilespmem:s1+$0x0] =	vst v54  }
0x168: {  	[tilespmem:s8+$0xE100] =	vst v9  }
0x169: {  	v8 =	vmul.f32 v24, v1;
	v9 =	vld [tilespmem:$0x1FFB0]  }
0x16a: {  	vm14 =	veq.f32 v1, $+Inf;
	vm15 =	veq.f32 v1, $0.0e+00;
	v1 =	vand.u32 $0x80000000, v1  }
0x16b: {  	v1 =	vor.u32 v1, v38;
	v8 =	vsel vm14, $0x7F800000, v8  }
0x16c: {  	v1 =	vsel vm15, v1, v8;
	v8 =	vld [tilespmem:$0x1FFC0];
	_ =	sdelay $0x1  }
0x16d: {  	v24 =	vadd.f32 $9.999999970e-07, v9  }
0x16e: {  	s16 =	sor.u32 s31, s10  }
0x16f: {  	[dreg:$0x8] =	wrdreg s16  }
0x170: {  	[tilespmem:s8+$0xE000] =	vst v8  }
0x171: {  	v44 =	vmul.f32 v11, v24;
	v24 =	vmov v0;
	v0 =	vld [tilespmem:$0x1FFD0];
	_ =	sdelay $0x1  }
0x172: {  	s17 =	sor.u32 s31, s17  }
0x173: {  	v23 =	vmul.f32 v23, v5;
	[dreg:$0x9] =	wrdreg s17  }
0x174: {  	vm12 =	veq.f32 v5, $+Inf;
	vm13 =	veq.f32 v5, $0.0e+00;
	v5 =	vand.u32 $0x80000000, v5;
	[tilespmem:s29+$0x14000] =	vst v20  }
0x175: {  	v5 =	vor.u32 v5, v38;
	v23 =	vsel vm12, $0x7F800000, v23;
	v56 =	vmul.f32 v11, v0;
	v0 =	vld [tilespmem:$0x1FFE0]  }
0x176: {  	s30 =	simm.s32 $0x0;
	s20 =	sor.u32 s31, s20;
	v2 =	vadd.f32 $9.999999970e-07, v2;
	v5 =	vsel vm13, v5, v23  }
0x177: {  	s28 =	sor.u32 s31, s22;
	s22 =	sor.u32 s31, s26;
	v8 =	vadd.f32 $9.999999970e-07, v5;
	v25 =	vld [tilespmem:s12+$0xD800];
	[dreg:$0x7] =	wrdreg s20  }
0x178: {  	s21 =	simm.s32 $0x4;
	s7 =	sor.u32 s31, s19;
	s10 =	sor.u32 s31, s18;
	(erf) = vrcp.f32 v2;
	v2 =	vadd.f32 $9.999999970e-07, v4;
	v1 =	vadd.f32 $9.999999970e-07, v1;
	v31 =	vld [tilespmem:s25+$0xD800];
	[tilespmem:s29+$0x14080] =	vst v20  }
0x179: {  	v37 =	vmovc v47;
	v40 =	vmovc v14;
	s18 =	sor.u32 s30, s9;
	s14 =	sor.u32 s30, s24;
	v5 =	vadd.f32 $9.999999970e-07, v7;
	v7 =	vadd.f32 $9.999999970e-07, v3;
	(erf) = vrcp.f32 v8;
	s20 =	sor.u32 s30, s15;
	v47 =	vld [tilespmem:s0+$0xD800];
	[tilespmem:s29+$0x14100] =	vst v20  }
0x17a: {  	(erf) = vrcp.f32 v1;
	v1 =	vadd.f32 $9.999999970e-07, v6;
	v6 =	vpop (erf);
	s25 =	sor.u32 s31, s23;
	v35 =	vld [tilespmem:s13+$0xD800];
	s23 =	smov.u32 s2;
	s31 =	sor.u32 s2, s30;
	[tilespmem:s20+$0xE000] =	vst v16;
	v50 =	vmul.f32 v11, v0  }
.LBB2_3:
0x17b: {  	_ = 	snop  }
0x17c: {  	[smem:$0x7E3] =	sst s7;
	v0 =	vmul.f32 v6, v7  }
0x17d: {  	[smem:$0x7E4] =	sst s28  }
0x17e: {  	[smem:$0x7E6] =	sst s22;
	[tilespmem:s20+$0xE080] =	vst v0;
	v0 =	vld [tilespmem:$0x1FE00]  }
0x17f: {  	[smem:$0x7E5] =	sst s25;
	s16 =	sadd.s32 $0x4, s21  }
0x180: {  	s4 =	sadd.s32 $0x40, s4;
	s12 =	sadd.s32 $0xF000, s30;
	s13 =	sadd.s32 $0xF080, s30  }
0x181: {  	[tilespmem:s20+$0xE180] =	vst v32;
	v4 =	vpop (erf);
	s5 =	sadd.s32 $0xF100, s30;
	s3 =	sadd.s32 $0xF180, s30;
	s11 =	sadd.s32 $0x10000, s30  }
0x182: {  	[tilespmem:s20+$0xE100] =	vst v59;
	s6 =	smov.u32 s29;
	s29 =	sadd.s32 $0x10080, s30;
	v7 =	vmul.f32 v4, v51;
	v12 =	vmul.f32 v4, v5;
	s1 =	sor.u32 s15, s12  }
0x183: {  	s28 =	sadd.s32 $0x10180, s30;
	[dreg:$0x6] =	wrdreg s4;
	s0 =	sshrl.u32 s16, $0x3;
	v11 =	vmul.f32 v4, v63;
	v4 =	vmul.f32 v6, v61;
	[tilespmem:s1+$0x0] =	vst v0;
	v0 =	vld [tilespmem:$0x1FE10]  }
0x184: {  	s25 =	sand.u32 $0x40, s4;
	s19 =	sor.u32 s15, s13;
	s21 =	sor.u32 s15, s5  }
0x185: {  	[dreg:$0xd] =	wrdreg s0;
	s17 =	sor.u32 $0x30, s25;
	s0 =	sshll.u32 s0, $0x7;
	v5 =	vpop (erf);
	[tilespmem:s19+$0x0] =	vst v4  }
0x186: {  	s26 =	sor.u32 s15, s3;
	s2 =	sadd.s32 $0xC400, s0;
	s22 =	sor.u32 s0, s17;
	v8 =	vmul.f32 v5, v48;
	v10 =	vmul.f32 v5, v2;
	[tilespmem:s21+$0x0] =	vst v49  }
0x187: {  	s7 =	sor.u32 $0x10, s25;
	s4 =	sor.u32 s17, s2;
	v9 =	vmul.f32 v5, v55;
	v5 =	vmul.f32 v6, v60;
	v4 =	vld [tilespmem:s22+$0xC000];
	[tilespmem:s26+$0x0] =	vst v30;
	s26 =	sor.u32 s15, s11  }
0x188: {  	s1 =	sadd.s32 $0x10100, s30;
	s21 =	smov.u32 s23;
	v16 =	vld [tilespmem:s4+$0x0];
	s4 =	sor.u32 s15, s29;
	[tilespmem:s26+$0x0] =	vst v0  }
0x189: {  	s23 =	sor.u32 s15, s1;
	[tilespmem:s4+$0x0] =	vst v5;
	s4 =	smov.u32 s10;
	s10 =	sor.u32 s7, s2  }
0x18a: {  	[dreg:$0xf] =	wrdreg s22;
	s15 =	sor.u32 s15, s28;
	[tilespmem:s23+$0x0] =	vst v45;
	v48 =	vld [tilespmem:s10+$0x0];
	s10 =	sor.u32 s21, s3  }
0x18b: {  	s22 =	sor.u32 $0x20, s25;
	[tilespmem:s15+$0x0] =	vst v29;
	s15 =	sor.u32 s21, s12;
	[smem:$0x7EA] =	sst s10  }
0x18c: {  	s26 =	sor.u32 s25, s2;
	s10 =	sor.u32 s21, s29;
	[smem:$0x7E7] =	sst s15  }
0x18d: {  	v0 =	vmov v31;
	s2 =	sor.u32 s22, s2;
	s15 =	sor.u32 s21, s13;
	[smem:$0x7EC] =	sst s10  }
0x18e: {  	[tilespmem:$0x1FD50] =	vst v0;
	v49 =	vld [tilespmem:s2+$0x0];
	[smem:$0x7E8] =	sst s15;
	s15 =	sor.u32 s21, s5  }
0x18f: {  	[tilespmem:s18+$0xE100] =	vst v8;
	[smem:$0x7E9] =	sst s15;
	s15 =	sor.u32 s21, s11  }
0x190: {  	v3 =	vpop (erf);
	[tilespmem:s18+$0xE180] =	vst v33;
	[smem:$0x7EB] =	sst s15;
	s15 =	sor.u32 s21, s1  }
0x191: {  	v32 =	vmul.f32 v3, v58;
	[tilespmem:s18+$0xE000] =	vst v37;
	v53 =	vadd.s32 $0x8000, v4;
	s10 =	sor.u32 s21, s28;
	s21 =	sor.u32 s9, s13;
	[smem:$0x7ED] =	sst s15  }
0x192: {  	v0 =	vld [tilespmem:$0x1FDA0];
	[tilespmem:s8+$0xE080] =	vst v44;
	s15 =	sor.u32 s9, s12;
	[dreg:$0x1a] =	wrdreg s21  }
0x193: {  	v2 =	vmul.f32 v3, v1;
	v3 =	vmul.f32 v3, v57;
	[tilespmem:s14+$0xE100] =	vst v32;
	v57 =	vadd.s32 $0x4000, v49;
	[dreg:$0x1e] =	wrdreg s15;
	s15 =	sor.u32 s9, s3  }
0x194: {  	[tilespmem:s6+$0x14180] =	vst v20;
	[dreg:$0x1b] =	wrdreg s15;
	s15 =	sor.u32 s9, s1  }
0x195: {  	v45 =	vld [tilespmem:s26+$0x0];
	s26 =	sor.u32 s0, s22;
	s6 =	simm.s32 $0x0;
	[tilespmem:s20+$0x14180] =	vst v47;
	[dreg:$0x18] =	wrdreg s15  }
0x196: {  	[tilespmem:s14+$0xE180] =	vst v36;
	s21 =	sor.u32 s9, s11;
	v20 =	vld.idx.msk [tilespmem:v53+s6+$0x0], $0xffff;
	s15 =	smov.u32 s17;
	s17 =	rddreg [dreg:$0x8]  }
0x197: {  	p1 =	slt.u32 s16, $0x3C;
	v60 =	vmul.f32 v3, v36;
	s23 =	sor.u32 s25, s0;
	v53 =	vmul.f32 v2, v36;
	v36 =	vld [tilespmem:s26+$0xC000];
	[dreg:$0x15] =	wrdreg s21;
	[tilespmem:s17+$0x0] =	vst v0  }
0x198: {  	s21 =	smov.u32 s16;
	s16 =	smov.u32 s25;
	s25 =	rddreg [dreg:$0x9];
	v57 =	vld.idx.msk [tilespmem:v57+s6+$0x0], $0xffff  }
0x199: {  	[tilespmem:s25+$0x0] =	vst v56;
	v56 =	vld [tilespmem:$0x1FEF0];
	_ =	sdelay $0x4  }
0x19a: {  	v0 =	vmov v56  }
0x19b: {  	[tilespmem:$0x1FDA0] =	vst v0;
	v0 =	vld [tilespmem:$0x1FDF0]  }
0x19c: {  	[tilespmem:$0x1FCE0] =	vst v24  }
0x19d: {  	[tilespmem:$0x1FD70] =	vst v42  }
0x19e: {  	[tilespmem:$0x1FCD0] =	vst v12;
	v15 =	vmul.f32 v7, v19;
	v54 =	vmul.f32 v7, v24  }
0x19f: {  	v62 =	vmul.f32 v12, v22;
	v6 =	vmul.f32 v11, v24;
	[tilespmem:s31+$0xE100] =	vst v7;
	v29 =	vadd.s32 $0x4000, v4  }
0x1a0: {  	v1 =	vmul.f32 v12, v19;
	v39 =	vmul.f32 v10, v43;
	[tilespmem:s4+$0x0] =	vst v0;
	v0 =	vld [tilespmem:$0x1FDE0]  }
0x1a1: {  	v63 =	vmov v42;
	[tilespmem:$0x1FD30] =	vst v11;
	s19 =	simm.s32 $0x0;
	v59 =	vmul.f32 v8, v43;
	v12 =	vmul.f32 v10, v33;
	v52 =	vld [tilespmem:s23+$0xC000]  }
0x1a2: {  	[tilespmem:$0x1FD60] =	vst v10;
	v10 =	vsub.f32 v54, v62;
	v30 =	vmul.f32 v11, v22;
	v46 =	vadd.s32 $0x4000, v16;
	v11 =	vld.idx.msk [tilespmem:v4+s19+$0x0], $0xffff;
	s17 =	sld [smem:$0x7E3]  }
0x1a3: {  	v1 =	vsub.f32 v1, v6;
	v6 =	vmul.f32 v9, v33;
	v41 =	vmul.f32 v3, v28;
	v55 =	vld.idx.msk [tilespmem:v16+s19+$0x0], $0xffff  }
0x1a4: {  	[tilespmem:$0x1FD80] =	vst v9;
	v61 =	vmul.f32 v32, v27;
	v5 =	vmul.f32 v9, v42;
	v4 =	vadd.s32 $0x8000, v16;
	v42 =	vld.idx.msk [tilespmem:v29+s19+$0x0], $0xffff  }
0x1a5: {  	v29 =	vmul.f32 v8, v63;
	v8 =	vadd.s32 $0x8000, v49;
	v49 =	vld.idx.msk [tilespmem:v49+s6+$0x0], $0xffff;
	[tilespmem:s17+$0x0] =	vst v0;
	v0 =	vmov v2  }
0x1a6: {  	s30 =	sor.u32 s0, s7;
	v62 =	vmul.f32 v10, v10;
	v14 =	vsub.f32 v30, v15;
	v5 =	vsub.f32 v39, v5;
	[smem:$0x7EE] =	sst s10;
	s10 =	sor.u32 s9, s5;
	[tilespmem:$0x1FDF0] =	vst v0;
	v0 =	vld [tilespmem:$0x1FDB0]  }
0x1a7: {  	v30 =	vmul.f32 v2, v27;
	v13 =	vsub.f32 v60, v61;
	v9 =	vsub.f32 v6, v59;
	s2 =	sor.u32 s24, s13;
	[dreg:$0x13] =	wrdreg s10;
	s10 =	sor.u32 s9, s29;
	v58 =	vld.idx.msk [tilespmem:v46+s6+$0x0], $0xffff  }
0x1a8: {  	[tilespmem:$0x1FD90] =	vst v43;
	v15 =	vmul.f32 v14, v14;
	v54 =	vld [tilespmem:s30+$0xC000];
	v43 =	vmul.f32 v5, v5;
	v51 =	vadd.s32 $0x4000, v45;
	[dreg:$0x11] =	wrdreg s10;
	s10 =	sor.u32 s24, s12;
	s13 =	sor.u32 s24, s5  }
0x1a9: {  	[tilespmem:$0x1FCF0] =	vst v10;
	v6 =	vadd.s32 $0x8000, v45;
	s5 =	sor.u32 s24, s29;
	s29 =	smov.u32 s18;
	s18 =	rddreg [dreg:$0x7];
	v46 =	vmul.f32 v32, v28;
	v32 =	vmul.f32 v1, v1;
	v4 =	vld.idx.msk [tilespmem:v4+s6+$0x0], $0xffff  }
0x1aa: {  	[tilespmem:$0x1FCC0] =	vst v14;
	v21 =	vadd.s32 $0x4000, v48;
	v7 =	vadd.s32 $0x8000, v48;
	s12 =	sor.u32 s24, s3;
	s11 =	sor.u32 s24, s11;
	s3 =	sor.u32 s24, s1;
	v44 =	vsub.f32 v29, v12;
	v45 =	vld.idx.msk [tilespmem:v45+s6+$0x0], $0xffff  }
0x1ab: {  	s1 =	sor.u32 s24, s28;
	s24 =	smov.u32 s22;
	v12 =	vmul.f32 v9, v9;
	s22 =	smov.u32 s10;
	v34 =	vld.idx.msk [tilespmem:v48+s6+$0x0], $0xffff;
	v60 =	vadd.f32 v15, v32;
	[tilespmem:s18+$0x0] =	vst v0;
	v0 =	vmov v28  }
0x1ac: {  	v59 =	vadd.s32 $0x4000, v52;
	[dreg:$0x8] =	wrdreg s22;
	v32 =	vsub.f32 v55, v11;
	v29 =	vsub.f32 v58, v42;
	[tilespmem:$0x1FDE0] =	vst v0;
	v0 =	vld [tilespmem:$0x1FDC0]  }
0x1ad: {  	v30 =	vsub.f32 v30, v41;
	v41 =	vmov v25;
	[tilespmem:$0x1FD10] =	vst v9;
	v61 =	vld.idx.msk [tilespmem:v52+s6+$0x0], $0xffff;
	v33 =	vadd.f32 v12, v43;
	s25 =	sld [smem:$0x7E4]  }
0x1ae: {  	s22 =	smov.u32 s11;
	s11 =	sld [smem:$0x7E5];
	v51 =	vld.idx.msk [tilespmem:v51+s6+$0x0], $0xffff;
	v39 =	vmul.f32 v32, v32;
	v4 =	vsub.f32 v4, v20;
	v43 =	vmul.f32 v29, v29  }
0x1af: {  	v14 =	vmul.f32 v30, v30;
	v46 =	vsub.f32 v46, v53;
	v15 =	vmul.f32 v13, v13;
	v9 =	vld.idx.msk [tilespmem:v21+s6+$0x0], $0xffff  }
0x1b0: {  	v10 =	vadd.s32 $0x8000, v54;
	v7 =	vld.idx.msk [tilespmem:v7+s6+$0x0], $0xffff;
	v38 =	vadd.f32 v43, v39;
	v39 =	vmul.f32 v4, v4;
	[tilespmem:s25+$0x0] =	vst v50  }
0x1b1: {  	v55 =	vadd.f32 v15, v14;
	v53 =	vld.idx.msk [tilespmem:v59+s6+$0x0], $0xffff;
	v59 =	vadd.f32 v60, v62;
	[tilespmem:s11+$0x0] =	vst v0;
	v0 =	vmov v3  }
0x1b2: {  	v25 =	vmovc v11;
	v37 =	vmul.f32 v46, v46;
	v11 =	vadd.s32 $0x4000, v36;
	v24 =	vadd.f32 v39, v38;
	[tilespmem:$0x1FDC0] =	vst v0;
	v0 =	vld [tilespmem:$0x1FDD0]  }
0x1b3: {  	s19 =	sor.u32 s9, s28;
	v63 =	vadd.s32 $0x4000, v54;
	(erf) = vrsqrt.f32 v59;
	v38 =	vld [tilespmem:$0x1FFF0]  }
0x1b4: {  	s9 =	smov.u32 s7;
	s7 =	smov.u32 s12;
	s12 =	sld [smem:$0x7E6];
	v21 =	vmul.f32 v44, v44;
	(erf) = vrsqrt.f32 v24;
	v2 =	vadd.f32 v55, v37;
	v37 =	vld.idx.msk [tilespmem:v54+s6+$0x0], $0xffff  }
0x1b5: {  	v31 =	vadd.s32 $0x8000, v52;
	v54 =	vld.idx.msk [tilespmem:v10+s6+$0x0], $0xffff  }
0x1b6: {  	[tilespmem:s20+$0x14000] =	vst v47;
	v6 =	vld.idx.msk [tilespmem:v6+s6+$0x0], $0xffff;
	v14 =	vadd.s32 $0x8000, v36;
	v60 =	vadd.f32 v33, v21;
	vm0 =	veq.f32 v59, $+Inf  }
0x1b7: {  	v48 =	vand.u32 $0x80000000, v59;
	vm4 =	veq.f32 v59, $0.0e+00;
	v56 =	vadd.f32 $9.999999970e-07, v1;
	v43 =	vmovc v40;
	v40 =	vld.idx.msk [tilespmem:v11+s6+$0x0], $0xffff;
	[tilespmem:s12+$0x0] =	vst v0;
	v0 =	vmovc v27  }
0x1b8: {  	v52 =	vld.idx.msk [tilespmem:v63+s6+$0x0], $0xffff;
	vm6 =	veq.f32 v24, $+Inf;
	vm14 =	veq.f32 v24, $0.0e+00;
	(erf) = vrsqrt.f32 v60;
	[tilespmem:$0x1FDD0] =	vst v0  }
0x1b9: {  	v33 =	vsub.f32 v34, v37;
	v28 =	vsub.f32 v51, v53;
	v3 =	vand.u32 $0x80000000, v60;
	v58 =	vld.idx.msk [tilespmem:v36+s6+$0x0], $0xffff;
	[tilespmem:s8+$0x14000] =	vst v26  }
0x1ba: {  	v55 =	vor.u32 v48, v38;
	(erf) = vrsqrt.f32 v2;
	v7 =	vsub.f32 v7, v54;
	v50 =	vld.idx.msk [tilespmem:v31+s6+$0x0], $0xffff;
	[tilespmem:s8+$0x14080] =	vst v26  }
0x1bb: {  	v63 =	vmul.f32 v33, v33;
	v62 =	vmul.f32 v28, v28;
	v0 =	vadd.f32 $9.999999970e-07, v5;
	v8 =	vld.idx.msk [tilespmem:v8+s6+$0x0], $0xffff;
	[tilespmem:s8+$0x14100] =	vst v26  }
0x1bc: {  	s0 =	sadd.s32 $0xC800, s0;
	v48 =	vor.u32 v3, v38;
	v3 =	vpop (erf);
	v27 =	vand.u32 $0x80000000, v2;
	v36 =	vsub.f32 v45, v61;
	[tilespmem:s8+$0x14180] =	vst v26  }
0x1bd: {  	s17 =	sor.u32 s15, s0;
	v51 =	vor.u32 v27, v38;
	v27 =	vsub.f32 v9, v52;
	[tilespmem:$0x1FD00] =	vst v0;
	v0 =	vadd.f32 $9.999999970e-07, v30;
	v23 =	vld.idx.msk [tilespmem:v14+s6+$0x0], $0xffff;
	v30 =	vpop (erf)  }
0x1be: {  	v31 =	vand.u32 $0x80000000, v24;
	v39 =	vmul.f32 v3, v59;
	v14 =	vld [tilespmem:s17+$0x0];
	v30 =	vmul.f32 v30, v24  }
0x1bf: {  	v6 =	vsub.f32 v6, v50;
	v1 =	vmul.f32 v36, v36;
	v34 =	vmul.f32 v27, v27  }
0x1c0: {  	v45 =	vsub.f32 v57, v40;
	v24 =	vor.u32 v31, v38;
	v30 =	vsel vm6, $0x7F800000, v30  }
0x1c1: {  	v9 =	vadd.f32 v62, v1;
	v49 =	vsub.f32 v49, v58;
	v24 =	vsel vm14, v24, v30  }
0x1c2: {  	s10 =	smov.u32 s2;
	[tilespmem:$0x1FDB0] =	vst v43;
	v43 =	vmul.f32 v45, v45;
	v5 =	vpop (erf);
	v10 =	vadd.f32 v34, v63;
	v24 =	vadd.f32 $9.999999970e-07, v24  }
0x1c3: {  	[dreg:$0x9] =	wrdreg s10;
	s10 =	smov.u32 s13;
	s13 =	sor.u32 s16, s0;
	v34 =	vmovc v58;
	v58 =	vmul.f32 v6, v6;
	v15 =	vmul.f32 v49, v49;
	v30 =	vadd.s32 $0x4000, v14  }
0x1c4: {  	v57 =	vld [tilespmem:s13+$0x0];
	[tilespmem:s31+$0xE180] =	vst v22;
	v22 =	vpop (erf);
	v8 =	vsub.f32 v8, v23;
	v59 =	vadd.s32 $0x8000, v14;
	(erf) = vrcp.f32 v24  }
0x1c5: {  	[tilespmem:s20+$0x14080] =	vst v47;
	v11 =	vadd.f32 v43, v15;
	v43 =	vmul.f32 v7, v7  }
0x1c6: {  	[tilespmem:s20+$0x14100] =	vst v47;
	v9 =	vadd.f32 v58, v9;
	v62 =	vmul.f32 v8, v8  }
0x1c7: {  	vm1 =	veq.f32 v60, $+Inf;
	vm3 =	veq.f32 v60, $0.0e+00;
	[tilespmem:$0x1FD20] =	vst v0;
	v0 =	vld [tilespmem:$0x1FE70];
	v10 =	vadd.f32 v43, v10  }
0x1c8: {  	v4 =	vadd.f32 $9.999999970e-07, v4;
	(erf) = vrsqrt.f32 v9;
	v11 =	vadd.f32 v62, v11;
	v12 =	vld.idx.msk [tilespmem:v30+s6+$0x0], $0xffff  }
0x1c9: {  	v5 =	vmul.f32 v5, v60;
	v1 =	vmovc v61;
	v61 =	vadd.s32 $0x4000, v57;
	v58 =	vld.idx.msk [tilespmem:v59+s6+$0x0], $0xffff;
	(erf) = vrsqrt.f32 v10  }
0x1ca: {  	v24 =	vadd.s32 $0x8000, v57;
	vm7 =	veq.f32 v9, $+Inf;
	v14 =	vld.idx.msk [tilespmem:v14+s6+$0x0], $0xffff;
	(erf) = vrsqrt.f32 v11  }
0x1cb: {  	vm11 =	veq.f32 v9, $0.0e+00;
	v30 =	vand.u32 $0x80000000, v9;
	vm15 =	veq.f32 v10, $+Inf  }
0x1cc: {  	v43 =	vand.u32 $0x80000000, v10;
	v16 =	vor.u32 v30, v38;
	v30 =	vand.u32 $0x80000000, v11  }
0x1cd: {  	[tilespmem:s31+$0xE000] =	vst v0;
	v0 =	vld [tilespmem:$0x1FF10];
	vm8 =	veq.f32 v11, $+Inf;
	v17 =	vor.u32 v30, v38;
	v12 =	vsub.f32 v12, v42;
	v31 =	vpop (erf)  }
0x1ce: {  	v58 =	vsub.f32 v58, v20;
	v30 =	vmul.f32 v31, v29;
	v29 =	vmul.f32 v31, v4  }
0x1cf: {  	[tilespmem:$0x1FE10] =	vst v20;
	v20 =	vadd.f32 $9.999999970e-07, v7;
	v7 =	vsub.f32 v14, v25;
	v32 =	vmul.f32 v31, v32  }
0x1d0: {  	v62 =	vmovc v25;
	v14 =	vadd.f32 $9.999999970e-07, v8;
	v8 =	vmul.f32 v30, v58;
	v25 =	vmul.f32 v29, v12  }
0x1d1: {  	[tilespmem:$0x1FE00] =	vst v42;
	s8 =	smov.u32 s14;
	s14 =	sor.u32 s9, s0;
	s0 =	sor.u32 s24, s0;
	vm10 =	veq.f32 v10, $0.0e+00;
	v42 =	vpop (erf);
	v21 =	vmul.f32 v29, v7;
	v58 =	vmul.f32 v32, v58  }
0x1d2: {  	v60 =	vld [tilespmem:s0+$0x0];
	vm9 =	veq.f32 v11, $0.0e+00;
	[tilespmem:s8+$0xE000] =	vst v0;
	v9 =	vmul.f32 v42, v9;
	v12 =	vmul.f32 v32, v12;
	v0 =	vpop (erf)  }
0x1d3: {  	v63 =	vld [tilespmem:s14+$0x0];
	v7 =	vmul.f32 v30, v7;
	v42 =	vpop (erf);
	v8 =	vsub.f32 v8, v25;
	v21 =	vsub.f32 v21, v58  }
0x1d4: {  	v9 =	vsel vm7, $0x7F800000, v9;
	v0 =	vmul.f32 v0, v10;
	v42 =	vmul.f32 v42, v11  }
0x1d5: {  	v11 =	vsub.f32 v12, v7;
	v7 =	vmul.f32 v8, v8;
	v58 =	vmul.f32 v21, v21  }
0x1d6: {  	v59 =	vor.u32 v43, v38;
	v9 =	vsel vm11, v16, v9;
	v0 =	vsel vm15, $0x7F800000, v0  }
0x1d7: {  	v26 =	vld [tilespmem:s30+$0xD800];
	v0 =	vsel vm10, v59, v0;
	v59 =	vmul.f32 v11, v11;
	v7 =	vadd.f32 v58, v7  }
0x1d8: {  	[tilespmem:$0x1FD40] =	vst v13;
	v13 =	vadd.s32 $0x4000, v63;
	v9 =	vadd.f32 $9.999999970e-07, v9  }
0x1d9: {  	vm2 =	veq.f32 v2, $+Inf;
	v15 =	vadd.s32 $0x8000, v63;
	v12 =	vadd.f32 v7, v59  }
0x1da: {  	vm5 =	veq.f32 v2, $0.0e+00;
	v18 =	vadd.s32 $0x4000, v60;
	v4 =	vld.idx.msk [tilespmem:v60+s6+$0x0], $0xffff;
	(erf) = vrcp.f32 v9  }
0x1db: {  	v3 =	vmovc v35;
	v2 =	vmul.f32 v22, v2;
	v61 =	vld.idx.msk [tilespmem:v61+s6+$0x0], $0xffff;
	v10 =	vsel vm8, $0x7F800000, v42;
	(erf) = vrsqrt.f32 v12  }
0x1dc: {  	v24 =	vld.idx.msk [tilespmem:v24+s6+$0x0], $0xffff;
	v31 =	vmovc v26;
	v26 =	vmovc v3;
	v3 =	vsel vm0, $0x7F800000, v39;
	v0 =	vadd.f32 $9.999999970e-07, v0;
	v10 =	vsel vm9, v17, v10  }
0x1dd: {  	v2 =	vsel vm2, $0x7F800000, v2;
	v13 =	vld.idx.msk [tilespmem:v13+s6+$0x0], $0xffff;
	v3 =	vsel vm4, v55, v3;
	v10 =	vadd.f32 $9.999999970e-07, v10  }
0x1de: {  	v2 =	vsel vm5, v51, v2;
	v15 =	vld.idx.msk [tilespmem:v15+s6+$0x0], $0xffff;
	v3 =	vadd.f32 $9.999999970e-07, v3;
	(erf) = vrcp.f32 v0  }
0x1df: {  	v18 =	vld.idx.msk [tilespmem:v18+s6+$0x0], $0xffff;
	v0 =	vsub.f32 v4, v34;
	v4 =	vsel vm1, $0x7F800000, v5;
	(erf) = vrcp.f32 v10  }
0x1e0: {  	v2 =	vadd.f32 $9.999999970e-07, v2;
	v4 =	vsel vm3, v48, v4  }
0x1e1: {  	v6 =	vadd.f32 $9.999999970e-07, v6;
	v43 =	vmovc v19;
	v19 =	vadd.s32 $0x8000, v60;
	v4 =	vadd.f32 $9.999999970e-07, v4  }
0x1e2: {  	v61 =	vsub.f32 v61, v53;
	v24 =	vsub.f32 v24, v50;
	(erf) = vrcp.f32 v3  }
0x1e3: {  	v13 =	vsub.f32 v13, v52;
	v15 =	vsub.f32 v15, v54;
	v3 =	vpop (erf);
	(erf) = vrcp.f32 v4  }
0x1e4: {  	v60 =	vsub.f32 v18, v40;
	vm7 =	veq.f32 v12, $+Inf;
	(erf) = vrcp.f32 v2;
	v2 =	vpop (erf)  }
0x1e5: {  	v57 =	vld.idx.msk [tilespmem:v57+s6+$0x0], $0xffff;
	vm8 =	veq.f32 v12, $0.0e+00;
	v7 =	vmul.f32 v3, v28;
	v2 =	vmul.f32 v2, v12  }
0x1e6: {  	v63 =	vld.idx.msk [tilespmem:v63+s6+$0x0], $0xffff;
	v22 =	vmul.f32 v3, v36;
	v6 =	vmul.f32 v3, v6;
	v4 =	vand.u32 $0x80000000, v12  }
0x1e7: {  	v19 =	vld.idx.msk [tilespmem:v19+s6+$0x0], $0xffff;
	v51 =	vor.u32 v4, v38;
	v55 =	vmul.f32 v7, v24;
	v3 =	vpop (erf);
	v2 =	vsel vm7, $0x7F800000, v2  }
0x1e8: {  	v33 =	vmul.f32 v3, v33;
	v5 =	vpop (erf);
	v4 =	vmul.f32 v3, v27;
	v2 =	vsel vm8, v51, v2  }
0x1e9: {  	v3 =	vmul.f32 v3, v20;
	v36 =	vmul.f32 v5, v49;
	v2 =	vadd.f32 $9.999999970e-07, v2  }
0x1ea: {  	v17 =	vsub.f32 v57, v1;
	v28 =	vmul.f32 v5, v45;
	v27 =	vmul.f32 v5, v14  }
0x1eb: {  	v18 =	vsub.f32 v63, v37;
	v12 =	vpop (erf);
	v5 =	vmul.f32 v6, v61;
	(erf) = vrcp.f32 v2  }
0x1ec: {  	v16 =	vsub.f32 v19, v23;
	v19 =	vmul.f32 v22, v24;
	v2 =	vmul.f32 v6, v17  }
0x1ed: {  	v57 =	vmul.f32 v3, v13;
	v51 =	vsub.f32 v55, v5;
	v5 =	vmul.f32 v4, v15  }
0x1ee: {  	v15 =	vmul.f32 v33, v15;
	v2 =	vsub.f32 v2, v19;
	v19 =	vmul.f32 v3, v18  }
0x1ef: {  	v24 =	vmul.f32 v22, v61;
	v58 =	vmul.f32 v27, v60;
	v48 =	vsub.f32 v5, v57  }
0x1f0: {  	v5 =	vmul.f32 v28, v16;
	v15 =	vsub.f32 v19, v15;
	v19 =	vmul.f32 v27, v0  }
0x1f1: {  	v59 =	vmul.f32 v4, v18;
	v16 =	vmul.f32 v36, v16  }
0x1f2: {  	v14 =	vpop (erf);
	v9 =	vmul.f32 v36, v60;
	v17 =	vmul.f32 v7, v17;
	v58 =	vsub.f32 v5, v58  }
0x1f3: {  	v20 =	vpop (erf);
	v5 =	vmul.f32 v33, v13;
	v13 =	vsub.f32 v19, v16;
	v16 =	vadd.f32 $9.999999970e-07, v21  }
0x1f4: {  	[tilespmem:$0x1FF10] =	vst v34;
	v63 =	vsub.f32 v24, v17;
	v17 =	vmul.f32 v51, v51;
	v34 =	vmul.f32 v48, v48;
	v19 =	vpop (erf)  }
0x1f5: {  	v49 =	vmul.f32 v19, v16;
	v45 =	vmul.f32 v19, v11  }
0x1f6: {  	v0 =	vmul.f32 v28, v0;
	v55 =	vsub.f32 v5, v59;
	v59 =	vmul.f32 v19, v8  }
0x1f7: {  	v8 =	vmul.f32 v49, v29;
	v39 =	vmul.f32 v45, v30  }
0x1f8: {  	v11 =	vmul.f32 v45, v32;
	v16 =	vmul.f32 v59, v29  }
0x1f9: {  	v18 =	vmul.f32 v2, v2;
	v42 =	vmul.f32 v59, v30  }
0x1fa: {  	v60 =	vmul.f32 v49, v32;
	v8 =	vsub.f32 v8, v39;
	v61 =	vsub.f32 v11, v16  }
0x1fb: {  	v57 =	vsub.f32 v9, v0;
	v0 =	vadd.f32 v18, v17;
	v17 =	vmul.f32 v15, v15  }
0x1fc: {  	v60 =	vsub.f32 v42, v60;
	v39 =	vmul.f32 v8, v8;
	v42 =	vmul.f32 v61, v61  }
0x1fd: {  	v10 =	vadd.f32 v17, v34;
	v17 =	vmul.f32 v63, v63  }
0x1fe: {  	v9 =	vadd.f32 v42, v39;
	v39 =	vld [tilespmem:$0x1FCC0]  }
0x1ff: {  	v18 =	vmul.f32 v55, v55;
	v0 =	vadd.f32 v0, v17;
	v17 =	vld [tilespmem:$0x1FE50]  }
0x200: {  	v34 =	vmul.f32 v58, v58;
	v16 =	vmul.f32 v13, v13  }
0x201: {  	s18 =	sld [smem:$0x7E7];
	[tilespmem:$0x1FE70] =	vst v1;
	v1 =	vmul.f32 v12, v56  }
0x202: {  	s20 =	sld [smem:$0x7E8];
	v10 =	vadd.f32 v10, v18;
	v11 =	vadd.f32 v16, v34;
	v16 =	vmul.f32 v57, v57  }
0x203: {  	v47 =	vld [tilespmem:s23+$0xD800];
	[tilespmem:s31+$0xE080] =	vst v1;
	v5 =	vadd.f32 $9.999999970e-07, v2;
	v2 =	vadd.f32 $9.999999970e-07, v15;
	v15 =	vmul.f32 v12, v39  }
0x204: {  	v1 =	vand.u32 $0x80000000, v10;
	[tilespmem:s18+$0x0] =	vst v17;
	v11 =	vadd.f32 v11, v16;
	v16 =	vand.u32 $0x80000000, v0  }
0x205: {  	v34 =	vmul.f32 v60, v60;
	[tilespmem:s20+$0x0] =	vst v15;
	v15 =	vor.u32 v16, v38;
	v16 =	vor.u32 v1, v38;
	v1 =	vld [tilespmem:$0x1FCD0];
	_ =	sdelay $0x1  }
0x206: {  	s23 =	sld [smem:$0x7E9];
	v9 =	vadd.f32 v9, v34  }
0x207: {  	(erf) = vrsqrt.f32 v0  }
0x208: {  	v35 =	vld [tilespmem:s26+$0xD800];
	(erf) = vrsqrt.f32 v9  }
0x209: {  	[tilespmem:s23+$0x0] =	vst v1;
	v1 =	vld [tilespmem:$0x1FCE0]  }
0x20a: {  	[dreg:$0x7] =	wrdreg s22;
	v42 =	vld [tilespmem:$0x1FE60]  }
0x20b: {  	s26 =	sld [smem:$0x7EA];
	v24 =	vmov v7;
	v7 =	vld [tilespmem:$0x1FCF0]  }
0x20c: {  	s22 =	smov.u32 s1;
	s1 =	sld [smem:$0x7EB]  }
0x20d: {  	v56 =	vld [tilespmem:$0x1FD00];
	v17 =	vmov v53;
	v53 =	vmov v50  }
0x20e: {  	(erf) = vrsqrt.f32 v10;
	v39 =	vld [tilespmem:$0x1FD20];
	[tilespmem:s26+$0x0] =	vst v1  }
0x20f: {  	(erf) = vrsqrt.f32 v11;
	[tilespmem:s1+$0x0] =	vst v42;
	v42 =	vld [tilespmem:$0x1FD30]  }
0x210: {  	s2 =	sld [smem:$0x7EC];
	v7 =	vmul.f32 v12, v7;
	v19 =	vmov v6;
	v50 =	vld [tilespmem:$0x1FD40];
	[tilespmem:$0x1FE60] =	vst v53;
	v53 =	vpop (erf)  }
0x211: {  	s25 =	smov.u32 s3;
	s3 =	sld [smem:$0x7ED];
	vm2 =	veq.f32 v0, $+Inf;
	vm11 =	veq.f32 v0, $0.0e+00;
	v0 =	vmul.f32 v53, v0;
	v6 =	vpop (erf)  }
0x212: {  	v34 =	vld [tilespmem:$0x1FD10];
	vm14 =	veq.f32 v9, $+Inf;
	vm15 =	veq.f32 v9, $0.0e+00;
	v6 =	vmul.f32 v6, v9  }
0x213: {  	[tilespmem:s2+$0x0] =	vst v7;
	v7 =	vmul.f32 v14, v44;
	v44 =	vmul.f32 v20, v39;
	v39 =	vand.u32 $0x80000000, v9  }
0x214: {  	v12 =	vmul.f32 v14, v56;
	v6 =	vsel vm14, $0x7F800000, v6;
	[tilespmem:s3+$0x0] =	vst v42;
	v42 =	vor.u32 v39, v38  }
0x215: {  	v56 =	vmul.f32 v20, v50;
	v0 =	vsel vm2, $0x7F800000, v0;
	v6 =	vsel vm15, v42, v6  }
0x216: {  	v50 =	vmul.f32 v20, v46;
	v46 =	vld [tilespmem:$0x1FE90];
	v0 =	vsel vm11, v15, v0;
	v6 =	vadd.f32 $9.999999970e-07, v6  }
0x217: {  	v0 =	vadd.f32 $9.999999970e-07, v0;
	v1 =	vadd.f32 $9.999999970e-07, v13;
	v13 =	vmul.f32 v14, v34;
	v34 =	vpop (erf)  }
0x218: {  	v18 =	vpop (erf);
	(erf) = vrcp.f32 v6;
	v6 =	vld [tilespmem:$0x1FD60]  }
0x219: {  	(erf) = vrcp.f32 v0;
	v0 =	vld [tilespmem:$0x1FD70]  }
0x21a: {  	s11 =	rddreg [dreg:$0x1e];
	[tilespmem:s29+$0xE080] =	vst v12  }
0x21b: {  	s12 =	rddreg [dreg:$0x1a];
	[tilespmem:s11+$0x0] =	vst v46  }
0x21c: {  	s13 =	rddreg [dreg:$0x13];
	[tilespmem:s12+$0x0] =	vst v13  }
0x21d: {  	s14 =	rddreg [dreg:$0x1b];
	[tilespmem:s13+$0x0] =	vst v6  }
0x21e: {  	[tilespmem:s14+$0x0] =	vst v0;
	v0 =	vld [tilespmem:$0x1FEA0];
	_ =	sdelay $0x2  }
0x21f: {  	[tilespmem:$0x1FEF0] =	vst v40  }
0x220: {  	s17 =	rddreg [dreg:$0x15];
	[tilespmem:$0x1FE50] =	vst v17  }
0x221: {  	s28 =	smov.u32 s5;
	s5 =	sld [smem:$0x7EE];
	[tilespmem:s17+$0x0] =	vst v0;
	v0 =	vmov v54  }
0x222: {  	v25 =	vmov v47;
	v47 =	vmov v52;
	[tilespmem:$0x1FEA0] =	vst v0;
	v0 =	vld [tilespmem:$0x1FD80]  }
0x223: {  	[tilespmem:$0x1FE90] =	vst v47  }
0x224: {  	[tilespmem:s5+$0x0] =	vst v43  }
0x225: {  	s18 =	rddreg [dreg:$0x11];
	[tilespmem:s31+$0x14000] =	vst v41  }
0x226: {  	vm10 =	veq.f32 v11, $+Inf;
	s20 =	rddreg [dreg:$0x18];
	[tilespmem:s18+$0x0] =	vst v7  }
0x227: {  	v17 =	vand.u32 $0x80000000, v11;
	vm13 =	veq.f32 v11, $0.0e+00;
	v11 =	vmul.f32 v18, v11;
	[tilespmem:s20+$0x0] =	vst v0;
	v0 =	vld [tilespmem:$0x1FD90]  }
0x228: {  	vm9 =	veq.f32 v10, $+Inf;
	vm12 =	veq.f32 v10, $0.0e+00;
	s23 =	rddreg [dreg:$0xd];
	v10 =	vmul.f32 v34, v10;
	v20 =	vld [tilespmem:$0x1FD50];
	[tilespmem:s31+$0x14080] =	vst v41  }
0x229: {  	v17 =	vor.u32 v17, v38;
	s30 =	sshll.u32 s23, $0x9;
	v53 =	vsel vm10, $0x7F800000, v11;
	[tilespmem:s31+$0x14100] =	vst v41  }
0x22a: {  	s26 =	rddreg [dreg:$0xf];
	v43 =	vsel vm9, $0x7F800000, v10;
	v10 =	vsel vm13, v17, v53;
	[tilespmem:s31+$0x14180] =	vst v41;
	s20 =	sor.u32 s30, s15  }
.Ltmp0:
0x22b: {  	v47 =	vld [tilespmem:s26+$0xD800];
	v9 =	vsel vm12, v16, v43;
	v6 =	vadd.f32 $9.999999970e-07, v10;
	[tilespmem:s20+$0xE000] =	vst v62;
	(pc) =	sbr.rel @p1 .LBB2_3-.Ltmp0, $4  }
0x22c: {  	v9 =	vadd.f32 $9.999999970e-07, v9;
	[tilespmem:s19+$0x0] =	vst v0  }
0x22d: {  	[tilespmem:s29+$0x14000] =	vst v20  }
0x22e: {  	s4 =	rddreg [dreg:$0x6];
	v40 =	vmov v23;
	s23 =	smov.u32 s16;
	v42 =	vmov v4;
	(erf) = vrcp.f32 v9;
	[tilespmem:s29+$0x14080] =	vst v20  }
0x22f: {  	s31 =	sor.u32 s16, s30;
	v43 =	vmov v3;
	s14 =	sor.u32 s30, s24;
	(erf) = vrcp.f32 v6;
	v6 =	vpop (erf);
	s18 =	sor.u32 s30, s9;
	v7 =	vadd.f32 $9.999999970e-07, v8;
	[tilespmem:s29+$0x14100] =	vst v20  }
0x230: {  	v0 =	vpop (erf)  }
0x231: {  	[tilespmem:s20+$0xE180] =	vst v32;
	v4 =	vmul.f32 v0, v5;
	v5 =	vmul.f32 v6, v7  }
0x232: {  	[tilespmem:s20+$0xE100] =	vst v59  }
0x233: {  	[tilespmem:s20+$0xE080] =	vst v5  }
0x234: {  	v53 =	vld [tilespmem:$0x1FE00];
	_ =	sdelay $0x2  }
0x235: {  	s0 =	sadd.s32 $0xF000, s30  }
0x236: {  	v11 =	vmul.f32 v6, v61;
	s4 =	sadd.s32 $0xF080, s30;
	s1 =	sor.u32 s15, s0  }
0x237: {  	s11 =	sadd.s32 $0xF100, s30;
	s13 =	sor.u32 s15, s4;
	[tilespmem:s1+$0x0] =	vst v53  }
0x238: {  	s5 =	sadd.s32 $0xF180, s30;
	s16 =	sor.u32 s15, s11;
	[tilespmem:s13+$0x0] =	vst v11  }
0x239: {  	v3 =	vmul.f32 v0, v63;
	v0 =	vmul.f32 v0, v51;
	s17 =	sor.u32 s15, s5;
	v59 =	vpop (erf);
	[tilespmem:s16+$0x0] =	vst v49  }
0x23a: {  	v15 =	vmul.f32 v59, v48;
	[tilespmem:s17+$0x0] =	vst v30  }
0x23b: {  	v12 =	vmul.f32 v6, v60;
	v6 =	vmul.f32 v59, v2;
	v2 =	vld [tilespmem:$0x1FE10];
	[tilespmem:s31+$0xE100] =	vst v0  }
0x23c: {  	[tilespmem:s18+$0xE100] =	vst v15  }
0x23d: {  	[tilespmem:s18+$0xE180] =	vst v33  }
0x23e: {  	v7 =	vmul.f32 v4, v19;
	v14 =	vpop (erf);
	[tilespmem:s18+$0xE000] =	vst v37  }
0x23f: {  	v8 =	vmul.f32 v3, v24;
	v60 =	vmul.f32 v14, v58;
	[tilespmem:s29+$0x14180] =	vst v20  }
0x240: {  	v9 =	vmul.f32 v3, v22;
	v10 =	vmul.f32 v0, v19;
	[tilespmem:s8+$0xE080] =	vst v44  }
0x241: {  	s12 =	sadd.s32 $0x10000, s30;
	v5 =	vmul.f32 v0, v24;
	[tilespmem:s14+$0xE100] =	vst v60  }
0x242: {  	s19 =	sor.u32 s15, s12;
	v52 =	vmul.f32 v4, v22;
	v7 =	vsub.f32 v7, v8;
	v51 =	vsub.f32 v9, v10;
	s13 =	sadd.s32 $0x10080, s30;
	[tilespmem:s14+$0xE180] =	vst v36  }
0x243: {  	s21 =	sor.u32 s15, s13;
	s17 =	sadd.s32 $0x10100, s30;
	[tilespmem:s19+$0x0] =	vst v2  }
0x244: {  	s3 =	sadd.s32 $0x10180, s30;
	v9 =	vsub.f32 v5, v52;
	v5 =	vmul.f32 v7, v7;
	v54 =	vmul.f32 v51, v51;
	s26 =	sor.u32 s15, s17;
	[tilespmem:s21+$0x0] =	vst v12  }
0x245: {  	s2 =	sor.u32 s15, s3;
	[tilespmem:s26+$0x0] =	vst v45  }
0x246: {  	v13 =	vmul.f32 v9, v9;
	v10 =	vadd.f32 v54, v5;
	[tilespmem:s2+$0x0] =	vst v29  }
0x247: {  	[tilespmem:s20+$0x14180] =	vst v47  }
0x248: {  	v10 =	vadd.f32 v10, v13;
	v21 =	vld [tilespmem:$0x1FDA0]  }
0x249: {  	v5 =	vmul.f32 v59, v55  }
0x24a: {  	(erf) = vrsqrt.f32 v10  }
0x24b: {  	v16 =	vmul.f32 v15, v43;
	v63 =	vmul.f32 v5, v33  }
0x24c: {  	v61 =	vmul.f32 v6, v43;
	v62 =	vmul.f32 v5, v42;
	s1 =	rddreg [dreg:$0x8]  }
0x24d: {  	v2 =	vmul.f32 v14, v1;
	v1 =	vmul.f32 v14, v57;
	v14 =	vsub.f32 v63, v16;
	[tilespmem:s1+$0x0] =	vst v21  }
0x24e: {  	v23 =	vmov v19;
	v15 =	vmul.f32 v15, v42;
	s1 =	rddreg [dreg:$0x9]  }
0x24f: {  	v16 =	vmul.f32 v6, v33;
	v12 =	vsub.f32 v61, v62;
	v19 =	vmul.f32 v14, v14;
	[tilespmem:s1+$0x0] =	vst v56  }
0x250: {  	v21 =	vld [tilespmem:$0x1FDF0]  }
0x251: {  	v15 =	vsub.f32 v15, v16;
	v16 =	vmul.f32 v12, v12  }
0x252: {  	v32 =	vmul.f32 v60, v27;
	v17 =	vmul.f32 v2, v27  }
0x253: {  	v0 =	vmul.f32 v1, v28;
	v18 =	vmul.f32 v1, v36;
	v16 =	vadd.f32 v19, v16;
	v19 =	vpop (erf)  }
0x254: {  	v19 =	vmul.f32 v19, v10  }
0x255: {  	vm0 =	veq.f32 v10, $+Inf;
	v0 =	vsub.f32 v17, v0;
	v13 =	vsub.f32 v18, v32;
	[tilespmem:s10+$0x0] =	vst v21  }
0x256: {  	v17 =	vmul.f32 v60, v28;
	v18 =	vmul.f32 v2, v36;
	v34 =	vsel vm0, $0x7F800000, v19;
	v19 =	vld [tilespmem:$0x1FDE0];
	_ =	sdelay $0x1  }
0x257: {  	v33 =	vsub.f32 v17, v18;
	v17 =	vmul.f32 v0, v0;
	v18 =	vmul.f32 v13, v13;
	_ =	sdelay $0x1  }
0x258: {  	v17 =	vadd.f32 v18, v17;
	v18 =	vmul.f32 v33, v33  }
0x259: {  	v38 =	vld [tilespmem:$0x1FFF0];
	[tilespmem:s7+$0x0] =	vst v19  }
0x25a: {  	v17 =	vadd.f32 v17, v18;
	v18 =	vld [tilespmem:$0x1FDB0];
	_ =	sdelay $0x3  }
0x25b: {  	s1 =	rddreg [dreg:$0x7]  }
0x25c: {  	[tilespmem:s1+$0x0] =	vst v18  }
0x25d: {  	[tilespmem:s28+$0x0] =	vst v50  }
0x25e: {  	v18 =	vld [tilespmem:$0x1FDC0];
	_ =	sdelay $0x4  }
0x25f: {  	v20 =	vmul.f32 v15, v15;
	[tilespmem:s25+$0x0] =	vst v18  }
0x260: {  	v36 =	vld [tilespmem:$0x1FDD0]  }
0x261: {  	v16 =	vadd.f32 v16, v20;
	[tilespmem:s20+$0x14000] =	vst v47  }
0x262: {  	[tilespmem:s20+$0x14080] =	vst v47  }
0x263: {  	v20 =	vand.u32 $0x80000000, v10;
	(erf) = vrsqrt.f32 v16;
	[tilespmem:s20+$0x14100] =	vst v47  }
0x264: {  	vm1 =	veq.f32 v10, $0.0e+00;
	v20 =	vor.u32 v20, v38;
	[tilespmem:s31+$0xE180] =	vst v22  }
0x265: {  	v10 =	vsel vm1, v20, v34;
	[tilespmem:s22+$0x0] =	vst v36  }
0x266: {  	v10 =	vadd.f32 $9.999999970e-07, v10;
	[tilespmem:s8+$0x14000] =	vst v26  }
0x267: {  	(erf) = vrsqrt.f32 v17;
	[tilespmem:s8+$0x14080] =	vst v26  }
0x268: {  	(erf) = vrcp.f32 v10;
	[tilespmem:s8+$0x14100] =	vst v26  }
0x269: {  	[tilespmem:s8+$0x14180] =	vst v26  }
0x26a: {  	v20 =	vld [tilespmem:$0x1FE70];
	_ =	sdelay $0x1  }
0x26b: {  	v37 =	vpop (erf)  }
0x26c: {  	v10 =	vmul.f32 v37, v16  }
0x26d: {  	vm8 =	veq.f32 v16, $+Inf;
	v18 =	vand.u32 $0x80000000, v16  }
0x26e: {  	vm9 =	veq.f32 v16, $0.0e+00;
	v10 =	vsel vm8, $0x7F800000, v10;
	v18 =	vor.u32 v18, v38;
	[tilespmem:s31+$0xE000] =	vst v20  }
0x26f: {  	v7 =	vadd.f32 $9.999999970e-07, v7;
	v19 =	vpop (erf);
	v10 =	vsel vm9, v18, v10;
	v18 =	vld [tilespmem:$0x1FF10]  }
0x270: {  	v16 =	vpop (erf)  }
0x271: {  	v7 =	vmul.f32 v16, v7;
	_ =	sdelay $0x1  }
0x272: {  	[tilespmem:s31+$0xE080] =	vst v7  }
0x273: {  	[tilespmem:s14+$0xE000] =	vst v18  }
0x274: {  	v7 =	vld [tilespmem:$0x1FE50];
	_ =	sdelay $0x3  }
0x275: {  	v8 =	vmul.f32 v16, v51;
	s8 =	sor.u32 s23, s0  }
0x276: {  	s2 =	sor.u32 s23, s4;
	[tilespmem:s8+$0x0] =	vst v7  }
0x277: {  	s10 =	sor.u32 s23, s11;
	[tilespmem:s2+$0x0] =	vst v8  }
0x278: {  	s15 =	sor.u32 s23, s5;
	[tilespmem:s10+$0x0] =	vst v4  }
0x279: {  	v10 =	vadd.f32 $9.999999970e-07, v10;
	[tilespmem:s15+$0x0] =	vst v24  }
0x27a: {  	v7 =	vld [tilespmem:$0x1FE60]  }
0x27b: {  	(erf) = vrcp.f32 v10;
	_ =	sdelay $0x2  }
0x27c: {  	s16 =	sor.u32 s23, s12;
	v4 =	vmul.f32 v16, v9  }
0x27d: {  	s19 =	sor.u32 s23, s13;
	[tilespmem:s16+$0x0] =	vst v7  }
0x27e: {  	s20 =	sor.u32 s23, s17;
	[tilespmem:s19+$0x0] =	vst v4  }
0x27f: {  	s21 =	sor.u32 s23, s3;
	[tilespmem:s20+$0x0] =	vst v3  }
0x280: {  	v3 =	vmul.f32 v19, v17;
	[tilespmem:s21+$0x0] =	vst v23  }
0x281: {  	vm10 =	veq.f32 v17, $+Inf;
	v7 =	vadd.f32 $9.999999970e-07, v12;
	v4 =	vand.u32 $0x80000000, v17;
	[tilespmem:s31+$0x14000] =	vst v25  }
0x282: {  	vm11 =	veq.f32 v17, $0.0e+00;
	v39 =	vpop (erf);
	v4 =	vor.u32 v4, v38;
	v3 =	vsel vm10, $0x7F800000, v3;
	[tilespmem:s31+$0x14080] =	vst v25  }
0x283: {  	[tilespmem:s31+$0x14100] =	vst v25;
	v3 =	vsel vm11, v4, v3;
	v4 =	vmul.f32 v39, v7  }
0x284: {  	[tilespmem:s31+$0x14180] =	vst v25;
	v3 =	vadd.f32 $9.999999970e-07, v3  }
0x285: {  	[tilespmem:s18+$0xE080] =	vst v4  }
0x286: {  	(erf) = vrcp.f32 v3;
	v3 =	vld [tilespmem:$0x1FE90];
	_ =	sdelay $0x3  }
0x287: {  	s22 =	sor.u32 s9, s0;
	v7 =	vmul.f32 v39, v14  }
0x288: {  	s23 =	sor.u32 s9, s4;
	[tilespmem:s22+$0x0] =	vst v3  }
0x289: {  	s25 =	sor.u32 s9, s11;
	[tilespmem:s23+$0x0] =	vst v7  }
0x28a: {  	s26 =	sor.u32 s9, s5;
	[tilespmem:s25+$0x0] =	vst v6  }
0x28b: {  	[tilespmem:s26+$0x0] =	vst v42  }
0x28c: {  	v4 =	vld [tilespmem:$0x1FEA0];
	_ =	sdelay $0x3  }
0x28d: {  	s28 =	sor.u32 s9, s12;
	v3 =	vmul.f32 v39, v15  }
0x28e: {  	s7 =	sor.u32 s9, s13;
	[tilespmem:s28+$0x0] =	vst v4  }
0x28f: {  	s8 =	sor.u32 s9, s17;
	[tilespmem:s7+$0x0] =	vst v3  }
0x290: {  	s10 =	sor.u32 s9, s3;
	[tilespmem:s8+$0x0] =	vst v5  }
0x291: {  	[tilespmem:s10+$0x0] =	vst v43  }
0x292: {  	v0 =	vadd.f32 $9.999999970e-07, v0;
	[tilespmem:s18+$0x14000] =	vst v31  }
0x293: {  	v3 =	vpop (erf);
	[tilespmem:s18+$0x14080] =	vst v31  }
0x294: {  	v0 =	vmul.f32 v3, v0;
	[tilespmem:s18+$0x14100] =	vst v31  }
0x295: {  	[tilespmem:s18+$0x14180] =	vst v31  }
0x296: {  	[tilespmem:s14+$0xE080] =	vst v0  }
0x297: {  	v0 =	vld [tilespmem:$0x1FEF0];
	_ =	sdelay $0x3  }
0x298: {  	s0 =	sor.u32 s24, s0;
	v4 =	vmul.f32 v3, v13  }
0x299: {  	s15 =	sor.u32 s24, s4;
	[tilespmem:s0+$0x0] =	vst v0  }
0x29a: {  	s16 =	sor.u32 s24, s11;
	[tilespmem:s15+$0x0] =	vst v4  }
0x29b: {  	s18 =	sor.u32 s24, s5;
	[tilespmem:s16+$0x0] =	vst v2  }
0x29c: {  	s19 =	sor.u32 s24, s12;
	v0 =	vmul.f32 v3, v33;
	[tilespmem:s18+$0x0] =	vst v28  }
0x29d: {  	s20 =	sor.u32 s24, s13;
	[tilespmem:s19+$0x0] =	vst v40  }
0x29e: {  	s21 =	sor.u32 s24, s17;
	[tilespmem:s20+$0x0] =	vst v0  }
0x29f: {  	s22 =	sor.u32 s24, s3;
	[tilespmem:s21+$0x0] =	vst v1  }
0x2a0: {  	[tilespmem:s22+$0x0] =	vst v27  }
0x2a1: {  	[tilespmem:s14+$0x14000] =	vst v35  }
0x2a2: {  	s5 =	sld [smem:$0x7F0];
	[tilespmem:s14+$0x14080] =	vst v35  }
0x2a3: {  	s1 =	sld [smem:$0x7F3];
	[tilespmem:s14+$0x14100] =	vst v35  }
0x2a4: {  	[tilespmem:s14+$0x14180] =	vst v35  }
0x2a5: {  	s4 =	sld [smem:$0x7F4]  }
0x2a6: {  	s25 =	simm.s32 $0x1000;
	s26 =	simm.s32 $0x10000;
	s23 =	sshll.u32 s5, $0xD  }
0x2a7: {  	s28 =	simm.s32 $0xE000;
	s7 =	rddreg [dreg:$0x4];
	s1 =	sor.u32 s1, s23  }
0x2a8: {  	s24 =	rddreg [dreg:$0x3];
	s1 =	sshrl.u32 s1, $0x3;
	s0 =	sor.u32 s4, s23  }
0x2a9: {  	s8 =	simm.s32 $0x14000;
	s1 =	sadd.s32 s24, s1;
	s0 =	sshrl.u32 s0, $0x3  }
0x2aa: {  	[hbm4b:s1+s25] =	stream.strided.scatter [tilespmem:s28], [sflag:$0x3], $0x3000, s26, s25, $0x38;
	[tilespmem:$0x16000] =	vst v63  }
0x2ab: {  	p1 =	seq.s32 s5, $0x7;
	s0 =	sadd.s32 s7, s0;
	s1 =	sld [smem:$0x7F6]  }
0x2ac: {  	[hbm4b:s0+s6] =	stream.linear.scatter [tilespmem:s8], [sflag:$0x3], $0x1000, $0x38;
	[tilespmem:$0x16000] =	vst v63  }
0x2ad: {  	s0 =	sshll.u32 @!p1 s5, $0xE  }
0x2ae: {  	s0 =	sadd.s32 @!p1 s0, s1  }
0x2af: {  	s2 =	simm.s32 @!p1 $0x80;
	s1 =	rddreg [dreg:$0x0];
	s0 =	sshrl.u32 @!p1 s0, $0x3  }
0x2b0: {  	s3 =	simm.s32 @!p1 $0x400;
	s4 =	simm.s32 @!p1 $0xC000;
	s1 =	sadd.s32 @!p1 s1, s0  }
0x2b1: {  	[tilespmem:s4], [sflag:$0x1] =	stream.strided.gather @!p1 [hbm4b:s1+s2], $0x400, s3, s2, $0x38;
	[tilespmem:$0x16000] =	vst v63  }
0x2b2: {  	s5 =	simm.s32 @!p1 $0xC400;
	s4 =	sadd.s32 @!p1 $0x10000, s1  }
0x2b3: {  	[tilespmem:s5], [sflag:$0x1] =	stream.strided.gather @!p1 [hbm4b:s4+s2], $0x400, s3, s2, $0x38;
	[tilespmem:$0x16000] =	vst v63  }
0x2b4: {  	s1 =	sadd.s32 @!p1 $0x20000, s1;
	s4 =	simm.s32 @!p1 $0xC800  }
0x2b5: {  	[tilespmem:s4], [sflag:$0x1] =	stream.strided.gather @!p1 [hbm4b:s1+s2], $0x400, s3, s2, $0x38;
	[tilespmem:$0x16000] =	vst v63  }
0x2b6: {  	s1 =	rddreg [dreg:$0x2]  }
0x2b7: {  	s9 =	simm.s32 $0x2;
	s0 =	sadd.s32 @!p1 s1, s0;
	s1 =	simm.s32 @!p1 $0xD800  }
0x2b8: {  	[tilespmem:s1], [sflag:$0x1] =	stream.strided.gather @!p1 [hbm4b:s0+s2], $0x400, s3, s2, $0x38;
	[tilespmem:$0x16000] =	vst v63  }
0x2b9: {  	_ =	swait.ge [sflag:s9], $0xC00  }
0x2ba: {  	[sflag:s9] =	ssyncset.done $0x0  }
0x2bb: {  	[sflag:s9] =	ssyncadd.s32 $0xFFFFF400  }
0x2bc: {  	_ =	swait.ge [sflag:s9], $0x400  }
0x2bd: {  	[sflag:s9] =	ssyncset.done $0x0  }
0x2be: {  	s0 =	simm.s32 @!p0 $0x4;
	[sflag:s9] =	ssyncadd.s32 $0xFFFFFC00  }
0x2bf: {  	_ =	swait.ge @!p0 [sflag:s0], $0x3000  }
0x2c0: {  	[sflag:s0] =	ssyncset.done @!p0 $0x0  }
0x2c1: {  	s10 =	simm.s32 $0x0;
	[sflag:s0] =	ssyncadd.s32 @!p0 $0xFFFFD000  }
0x2c2: {  	s10 =	sand.u32 $0x40, s10;
	_ =	swait.ge @!p0 [sflag:s0], $0x1000  }
0x2c3: {  	s11 =	simm.s32 $0x0;
	s5 =	sor.u32 $0x30, s10;
	[sflag:s0] =	ssyncset.done @!p0 $0x0  }
0x2c4: {  	s13 =	simm.s32 $0xD000;
	s16 =	sor.u32 s11, s5;
	[sflag:s0] =	ssyncadd.s32 @!p0 $0xFFFFF000  }
0x2c5: {  	s14 =	sor.u32 s5, s13;
	v0 =	vld [tilespmem:s16+$0xCC00]  }
0x2c6: {  	v1 =	vld [tilespmem:s14+$0x0];
	_ =	sdelay $0x3  }
0x2c7: {  	s15 =	sor.u32 s10, s13;
	s2 =	sor.u32 $0x10, s10;
	v2 =	vadd.s32 $0x4000, v0  }
0x2c8: {  	s17 =	sor.u32 s2, s13;
	v3 =	vld [tilespmem:s15+$0x0];
	v4 =	vadd.s32 $0x4000, v1  }
0x2c9: {  	v5 =	vld [tilespmem:s17+$0x0];
	v6 =	vadd.s32 $0x8000, v0  }
0x2ca: {  	v34 =	vld.idx.msk [tilespmem:v0+s6+$0x0], $0xffff;
	v0 =	vadd.s32 $0x8000, v1  }
0x2cb: {  	v1 =	vld.idx.msk [tilespmem:v1+s6+$0x0], $0xffff  }
0x2cc: {  	v26 =	vld.idx.msk [tilespmem:v2+s6+$0x0], $0xffff  }
0x2cd: {  	v2 =	vld.idx.msk [tilespmem:v4+s6+$0x0], $0xffff  }
0x2ce: {  	s1 =	sor.u32 $0x20, s10;
	v24 =	vld.idx.msk [tilespmem:v6+s6+$0x0], $0xffff  }
0x2cf: {  	s0 =	sor.u32 s1, s13;
	v0 =	vld.idx.msk [tilespmem:v0+s6+$0x0], $0xffff  }
0x2d0: {  	s12 =	sor.u32 s10, s11;
	v4 =	vld [tilespmem:s0+$0x0]  }
0x2d1: {  	v40 =	vadd.s32 $0x4000, v5;
	v6 =	vld [tilespmem:s12+$0xCC00];
	[tilespmem:$0x1FB10] =	vst v34  }
0x2d2: {  	v7 =	vsub.f32 v1, v34;
	v2 =	vsub.f32 v2, v26;
	[tilespmem:$0x1FB60] =	vst v26  }
0x2d3: {  	s4 =	sor.u32 s11, s2;
	[tilespmem:$0x1FB90] =	vst v24  }
0x2d4: {  	s21 =	sor.u32 s11, s1;
	v41 =	vmul.f32 v7, v7;
	v45 =	vld [tilespmem:s4+$0xCC00];
	v42 =	vmul.f32 v2, v2;
	v0 =	vsub.f32 v0, v24  }
0x2d5: {  	v1 =	vadd.s32 $0x4000, v3;
	v47 =	vld [tilespmem:s21+$0xCC00]  }
0x2d6: {  	v8 =	vld.idx.msk [tilespmem:v40+s6+$0x0], $0xffff;
	v9 =	vadd.f32 v42, v41;
	v46 =	vmul.f32 v0, v0  }
0x2d7: {  	s18 =	simm.s32 $0xD400;
	v50 =	vld.idx.msk [tilespmem:v3+s6+$0x0], $0xffff  }
0x2d8: {  	s19 =	sor.u32 s5, s18;
	v44 =	vadd.s32 $0x4000, v6;
	v16 =	vld.idx.msk [tilespmem:v5+s6+$0x0], $0xffff;
	v9 =	vadd.f32 v46, v9  }
0x2d9: {  	v43 =	vadd.s32 $0x4000, v4;
	v18 =	vld [tilespmem:s19+$0x0]  }
0x2da: {  	v3 =	vadd.s32 $0x8000, v3;
	v1 =	vld.idx.msk [tilespmem:v1+s6+$0x0], $0xffff;
	(erf) = vrsqrt.f32 v9  }
0x2db: {  	v17 =	vld.idx.msk [tilespmem:v4+s6+$0x0], $0xffff  }
0x2dc: {  	v33 =	vld.idx.msk [tilespmem:v6+s6+$0x0], $0xffff;
	v51 =	vadd.s32 $0x4000, v45  }
0x2dd: {  	v49 =	vld.idx.msk [tilespmem:v44+s6+$0x0], $0xffff;
	v15 =	vadd.s32 $0x4000, v47  }
0x2de: {  	v6 =	vadd.s32 $0x8000, v6;
	v48 =	vld.idx.msk [tilespmem:v43+s6+$0x0], $0xffff  }
0x2df: {  	v3 =	vld.idx.msk [tilespmem:v3+s6+$0x0], $0xffff  }
0x2e0: {  	v5 =	vadd.s32 $0x8000, v5;
	v31 =	vld.idx.msk [tilespmem:v45+s6+$0x0], $0xffff  }
0x2e1: {  	v52 =	vadd.s32 $0x8000, v45;
	v30 =	vld.idx.msk [tilespmem:v51+s6+$0x0], $0xffff  }
0x2e2: {  	v4 =	vadd.s32 $0x8000, v4;
	v25 =	vld.idx.msk [tilespmem:v15+s6+$0x0], $0xffff;
	[tilespmem:$0x1FBD0] =	vst v49  }
0x2e3: {  	v15 =	vadd.s32 $0x8000, v47;
	v27 =	vld.idx.msk [tilespmem:v6+s6+$0x0], $0xffff;
	v53 =	vpop (erf)  }
0x2e4: {  	v28 =	vld.idx.msk [tilespmem:v47+s6+$0x0], $0xffff;
	[tilespmem:$0x1FBA0] =	vst v33;
	v13 =	vmul.f32 v53, v9  }
0x2e5: {  	v54 =	vsub.f32 v50, v33;
	vm12 =	veq.f32 v9, $+Inf;
	v6 =	vand.u32 $0x80000000, v9;
	v5 =	vld.idx.msk [tilespmem:v5+s6+$0x0], $0xffff;
	[tilespmem:$0x1FC00] =	vst v31  }
0x2e6: {  	vm13 =	veq.f32 v9, $0.0e+00;
	v6 =	vor.u32 v6, v38;
	v29 =	vld.idx.msk [tilespmem:v52+s6+$0x0], $0xffff;
	v13 =	vsel vm12, $0x7F800000, v13  }
0x2e7: {  	v1 =	vsub.f32 v1, v49;
	v4 =	vld.idx.msk [tilespmem:v4+s6+$0x0], $0xffff;
	[tilespmem:$0x1FC30] =	vst v30;
	v6 =	vsel vm13, v6, v13  }
0x2e8: {  	v58 =	vadd.s32 $0x4000, v18;
	v19 =	vld.idx.msk [tilespmem:v15+s6+$0x0], $0xffff;
	v6 =	vadd.f32 $9.999999970e-07, v6  }
0x2e9: {  	v57 =	vmul.f32 v54, v54;
	v55 =	vmul.f32 v1, v1;
	v56 =	vsub.f32 v16, v31  }
0x2ea: {  	v3 =	vsub.f32 v3, v27;
	v15 =	vadd.s32 $0x8000, v18;
	(erf) = vrcp.f32 v6  }
0x2eb: {  	v10 =	vsub.f32 v48, v25;
	[tilespmem:$0x1FBF0] =	vst v27;
	v17 =	vsub.f32 v17, v28  }
0x2ec: {  	v11 =	vadd.f32 v55, v57;
	v8 =	vsub.f32 v8, v30;
	[tilespmem:$0x1FC90] =	vst v28;
	v16 =	vmul.f32 v3, v3  }
0x2ed: {  	v20 =	vmul.f32 v10, v10;
	v61 =	vmul.f32 v17, v17;
	[tilespmem:$0x1FC50] =	vst v29;
	v4 =	vsub.f32 v4, v19  }
0x2ee: {  	v59 =	vmul.f32 v8, v8;
	v5 =	vsub.f32 v5, v29;
	v11 =	vadd.f32 v16, v11;
	v60 =	vld.idx.msk [tilespmem:v58+s6+$0x0], $0xffff  }
0x2ef: {  	v14 =	vadd.f32 v20, v61;
	v15 =	vld.idx.msk [tilespmem:v15+s6+$0x0], $0xffff;
	v20 =	vmul.f32 v4, v4;
	v6 =	vmul.f32 v56, v56  }
0x2f0: {  	v18 =	vld.idx.msk [tilespmem:v18+s6+$0x0], $0xffff;
	(erf) = vrsqrt.f32 v11  }
0x2f1: {  	v16 =	vmul.f32 v5, v5;
	v6 =	vadd.f32 v59, v6  }
0x2f2: {  	v0 =	vadd.f32 $9.999999970e-07, v0;
	v14 =	vadd.f32 v20, v14  }
0x2f3: {  	v12 =	vsub.f32 v60, v26;
	v6 =	vadd.f32 v16, v6;
	v20 =	vpop (erf)  }
0x2f4: {  	v15 =	vsub.f32 v15, v24;
	v36 =	vmul.f32 v20, v2;
	v37 =	vmul.f32 v20, v0  }
0x2f5: {  	(erf) = vrsqrt.f32 v6;
	v0 =	vsub.f32 v18, v34;
	v42 =	vmul.f32 v20, v7  }
0x2f6: {  	v2 =	vmul.f32 v36, v15;
	v7 =	vmul.f32 v37, v12  }
0x2f7: {  	v18 =	vmul.f32 v37, v0;
	v15 =	vmul.f32 v42, v15  }
0x2f8: {  	(erf) = vrsqrt.f32 v14;
	v12 =	vmul.f32 v42, v12  }
0x2f9: {  	v23 =	vpop (erf);
	v0 =	vmul.f32 v36, v0;
	v2 =	vsub.f32 v2, v7;
	v7 =	vsub.f32 v18, v15  }
0x2fa: {  	s20 =	sor.u32 s10, s18;
	vm14 =	veq.f32 v11, $+Inf;
	v15 =	vand.u32 $0x80000000, v11;
	v18 =	vmul.f32 v23, v11  }
0x2fb: {  	v16 =	vld [tilespmem:s20+$0x0];
	v12 =	vsub.f32 v12, v0;
	v0 =	vmul.f32 v2, v2;
	v23 =	vmul.f32 v7, v7  }
0x2fc: {  	vm15 =	veq.f32 v11, $0.0e+00;
	v15 =	vor.u32 v15, v38;
	v62 =	vsel vm14, $0x7F800000, v18  }
0x2fd: {  	v11 =	vsel vm15, v15, v62;
	v15 =	vmul.f32 v12, v12;
	v0 =	vadd.f32 v23, v0  }
0x2fe: {  	vm6 =	veq.f32 v14, $+Inf;
	v11 =	vadd.f32 $9.999999970e-07, v11  }
0x2ff: {  	vm7 =	veq.f32 v14, $0.0e+00;
	vm4 =	veq.f32 v6, $+Inf;
	v23 =	vpop (erf);
	v0 =	vadd.f32 v0, v15  }
0x300: {  	v22 =	vadd.s32 $0x8000, v16;
	(erf) = vrcp.f32 v11;
	v23 =	vmul.f32 v23, v6  }
0x301: {  	vm5 =	veq.f32 v6, $0.0e+00;
	v18 =	vand.u32 $0x80000000, v6;
	v6 =	vpop (erf);
	(erf) = vrsqrt.f32 v0  }
0x302: {  	s22 =	sor.u32 s2, s18;
	v18 =	vor.u32 v18, v38;
	v6 =	vmul.f32 v6, v14;
	v23 =	vsel vm4, $0x7F800000, v23  }
0x303: {  	v63 =	vld [tilespmem:s22+$0x0];
	v21 =	vadd.s32 $0x4000, v16;
	v15 =	vand.u32 $0x80000000, v14;
	v18 =	vsel vm5, v18, v23  }
0x304: {  	v15 =	vor.u32 v15, v38;
	v6 =	vsel vm6, $0x7F800000, v6;
	v34 =	vadd.f32 $9.999999970e-07, v18  }
0x305: {  	v22 =	vld.idx.msk [tilespmem:v22+s6+$0x0], $0xffff;
	v6 =	vsel vm7, v15, v6  }
0x306: {  	s0 =	sor.u32 s1, s18;
	v6 =	vadd.f32 $9.999999970e-07, v6;
	(erf) = vrcp.f32 v34  }
0x307: {  	v18 =	vld [tilespmem:s0+$0x0]  }
0x308: {  	v15 =	vld.idx.msk [tilespmem:v21+s6+$0x0], $0xffff;
	v21 =	vadd.s32 $0x8000, v63;
	(erf) = vrcp.f32 v6  }
0x309: {  	v3 =	vadd.f32 $9.999999970e-07, v3;
	v35 =	vadd.s32 $0x4000, v63;
	v23 =	vpop (erf)  }
0x30a: {  	v5 =	vadd.f32 $9.999999970e-07, v5;
	v22 =	vsub.f32 v22, v27;
	vm8 =	veq.f32 v0, $+Inf;
	v26 =	vpop (erf)  }
0x30b: {  	v27 =	vand.u32 $0x80000000, v0;
	vm9 =	veq.f32 v0, $0.0e+00;
	v26 =	vmul.f32 v26, v0  }
0x30c: {  	v11 =	vld.idx.msk [tilespmem:v63+s6+$0x0], $0xffff;
	v6 =	vadd.s32 $0x4000, v18;
	v24 =	vadd.s32 $0x8000, v18;
	v44 =	vmul.f32 v23, v54  }
0x30d: {  	v21 =	vld.idx.msk [tilespmem:v21+s6+$0x0], $0xffff;
	v41 =	vmul.f32 v23, v1;
	v0 =	vor.u32 v27, v38;
	v26 =	vsel vm8, $0x7F800000, v26  }
0x30e: {  	v4 =	vadd.f32 $9.999999970e-07, v4;
	v14 =	vld.idx.msk [tilespmem:v35+s6+$0x0], $0xffff;
	v46 =	vmul.f32 v23, v3;
	v39 =	vsel vm9, v0, v26  }
0x30f: {  	v16 =	vld.idx.msk [tilespmem:v16+s6+$0x0], $0xffff;
	v47 =	vmul.f32 v41, v22;
	v52 =	vmul.f32 v44, v22;
	v1 =	vpop (erf);
	v3 =	vadd.f32 $9.999999970e-07, v39  }
0x310: {  	v15 =	vsub.f32 v15, v49;
	v48 =	vmul.f32 v1, v56;
	v49 =	vmul.f32 v1, v8  }
0x311: {  	v50 =	vsub.f32 v11, v31;
	v6 =	vld.idx.msk [tilespmem:v6+s6+$0x0], $0xffff;
	v45 =	vpop (erf);
	v54 =	vmul.f32 v1, v5;
	(erf) = vrcp.f32 v3  }
0x312: {  	v40 =	vld.idx.msk [tilespmem:v24+s6+$0x0], $0xffff;
	v5 =	vsub.f32 v21, v29;
	v53 =	vmul.f32 v45, v17;
	v20 =	vmul.f32 v45, v10  }
0x313: {  	v43 =	vsub.f32 v14, v30;
	v0 =	vmul.f32 v45, v4;
	v4 =	vmul.f32 v46, v15  }
0x314: {  	v3 =	vsub.f32 v16, v33;
	v15 =	vmul.f32 v44, v15;
	v16 =	vmul.f32 v49, v5  }
0x315: {  	v1 =	vld.idx.msk [tilespmem:v18+s6+$0x0], $0xffff;
	v17 =	vmul.f32 v54, v43;
	v18 =	vmul.f32 v54, v50  }
0x316: {  	v5 =	vmul.f32 v48, v5;
	v55 =	vmul.f32 v48, v43  }
0x317: {  	v10 =	vmul.f32 v49, v50;
	v6 =	vsub.f32 v6, v25;
	v9 =	vsub.f32 v40, v19  }
0x318: {  	v7 =	vadd.f32 $9.999999970e-07, v7;
	v51 =	vmul.f32 v46, v3;
	v3 =	vmul.f32 v41, v3  }
0x319: {  	v4 =	vsub.f32 v47, v4;
	v21 =	vmul.f32 v20, v9;
	v22 =	vmul.f32 v0, v6  }
0x31a: {  	v8 =	vsub.f32 v55, v10;
	v9 =	vmul.f32 v53, v9;
	v6 =	vmul.f32 v53, v6;
	v56 =	vpop (erf)  }
0x31b: {  	v1 =	vsub.f32 v1, v28;
	v45 =	vmul.f32 v56, v7;
	v63 =	vmul.f32 v56, v12  }
0x31c: {  	v11 =	vsub.f32 v51, v52;
	v58 =	vmul.f32 v4, v4;
	v39 =	vmul.f32 v56, v2  }
0x31d: {  	v2 =	vsub.f32 v18, v5;
	v5 =	vmul.f32 v45, v37;
	v12 =	vmul.f32 v63, v36  }
0x31e: {  	v7 =	vsub.f32 v16, v17;
	v57 =	vmul.f32 v63, v42;
	v16 =	vmul.f32 v39, v37  }
0x31f: {  	v3 =	vsub.f32 v15, v3;
	v23 =	vmul.f32 v0, v1;
	v17 =	vmul.f32 v39, v36  }
0x320: {  	v47 =	vsub.f32 v5, v12;
	v16 =	vsub.f32 v57, v16;
	v5 =	vmul.f32 v45, v42  }
0x321: {  	v13 =	vsub.f32 v21, v22;
	v1 =	vmul.f32 v20, v1;
	v59 =	vmul.f32 v11, v11  }
0x322: {  	v50 =	vsub.f32 v17, v5;
	v5 =	vmul.f32 v47, v47;
	v15 =	vmul.f32 v16, v16  }
0x323: {  	v61 =	vmul.f32 v3, v3;
	v9 =	vsub.f32 v23, v9;
	v60 =	vadd.f32 v59, v58  }
0x324: {  	v1 =	vsub.f32 v6, v1;
	v5 =	vadd.f32 v15, v5;
	v15 =	vmul.f32 v50, v50  }
0x325: {  	v10 =	vadd.f32 v60, v61;
	v62 =	vmul.f32 v7, v7;
	v6 =	vmul.f32 v2, v2  }
0x326: {  	v32 =	vmul.f32 v13, v13;
	[tilespmem:$0x1FB20] =	vst v16;
	v16 =	vmul.f32 v9, v9;
	v5 =	vadd.f32 v5, v15  }
0x327: {  	v33 =	vmul.f32 v8, v8;
	(erf) = vrsqrt.f32 v10;
	v6 =	vadd.f32 v6, v62  }
0x328: {  	v12 =	vadd.f32 v16, v32;
	v15 =	vmul.f32 v1, v1;
	(erf) = vrsqrt.f32 v5  }
0x329: {  	v6 =	vadd.f32 v6, v33  }
0x32a: {  	v12 =	vadd.f32 v12, v15  }
0x32b: {  	(erf) = vrsqrt.f32 v6  }
0x32c: {  	(erf) = vrsqrt.f32 v12;
	_ =	sdelay $0x2  }
0x32d: {  	vm10 =	veq.f32 v10, $+Inf;
	v34 =	vand.u32 $0x80000000, v10;
	vm3 =	veq.f32 v10, $0.0e+00  }
0x32e: {  	v14 =	vor.u32 v34, v38;
	vm11 =	veq.f32 v6, $+Inf;
	vm4 =	veq.f32 v6, $0.0e+00;
	v17 =	vpop (erf)  }
0x32f: {  	v15 =	vand.u32 $0x80000000, v6;
	v10 =	vmul.f32 v17, v10;
	vm5 =	veq.f32 v5, $+Inf;
	v18 =	vpop (erf)  }
0x330: {  	v17 =	vand.u32 $0x80000000, v5;
	vm12 =	veq.f32 v5, $0.0e+00;
	v18 =	vmul.f32 v18, v5  }
0x331: {  	v15 =	vor.u32 v15, v38;
	vm2 =	veq.f32 v12, $+Inf;
	v16 =	vand.u32 $0x80000000, v12  }
0x332: {  	v10 =	vsel vm10, $0x7F800000, v10;
	v23 =	vpop (erf);
	v5 =	vor.u32 v17, v38;
	v18 =	vsel vm5, $0x7F800000, v18  }
0x333: {  	vm13 =	veq.f32 v12, $0.0e+00;
	v6 =	vmul.f32 v23, v6;
	v17 =	vpop (erf);
	v5 =	vsel vm12, v5, v18  }
0x334: {  	v10 =	vsel vm3, v14, v10;
	v17 =	vmul.f32 v17, v12;
	v5 =	vadd.f32 $9.999999970e-07, v5  }
0x335: {  	s30 =	simm.s32 $0x40;
	v16 =	vor.u32 v16, v38;
	v10 =	vadd.f32 $9.999999970e-07, v10;
	v6 =	vsel vm11, $0x7F800000, v6  }
0x336: {  	s9 =	sand.u32 $0x40, s30;
	v6 =	vsel vm4, v15, v6;
	v35 =	vsel vm2, $0x7F800000, v17;
	(erf) = vrcp.f32 v5  }
0x337: {  	s23 =	simm.s32 $0x0;
	s15 =	sor.u32 $0x30, s9;
	[tilespmem:$0x1FAA0] =	vst v25;
	v5 =	vadd.f32 $9.999999970e-07, v6;
	v6 =	vsel vm13, v16, v35;
	(erf) = vrcp.f32 v10  }
0x338: {  	s24 =	simm.s32 $0xD000;
	s0 =	sor.u32 s23, s15;
	[tilespmem:$0x1FAB0] =	vst v19;
	v6 =	vadd.f32 $9.999999970e-07, v6  }
0x339: {  	s25 =	sor.u32 s15, s24;
	(erf) = vrcp.f32 v5;
	v5 =	vld [tilespmem:s0+$0xCC00]  }
0x33a: {  	(erf) = vrcp.f32 v6;
	v6 =	vld [tilespmem:s25+$0x0];
	_ =	sdelay $0x3  }
0x33b: {  	v40 =	vadd.s32 $0x4000, v5  }
0x33c: {  	v15 =	vadd.s32 $0x8000, v5;
	v32 =	vpop (erf)  }
0x33d: {  	v43 =	vadd.s32 $0x4000, v6;
	v51 =	vpop (erf)  }
0x33e: {  	v11 =	vadd.f32 $9.999999970e-07, v11;
	v17 =	vld.idx.msk [tilespmem:v5+s6+$0x0], $0xffff;
	v55 =	vmul.f32 v51, v4;
	v4 =	vadd.s32 $0x8000, v6  }
0x33f: {  	v2 =	vadd.f32 $9.999999970e-07, v2;
	v5 =	vpop (erf);
	v57 =	vmul.f32 v51, v3;
	v3 =	vld.idx.msk [tilespmem:v6+s6+$0x0], $0xffff  }
0x340: {  	v59 =	vmul.f32 v51, v11;
	v56 =	vmul.f32 v5, v7;
	v33 =	vld.idx.msk [tilespmem:v40+s6+$0x0], $0xffff  }
0x341: {  	v62 =	vmul.f32 v5, v2;
	v14 =	vmul.f32 v5, v8;
	v35 =	vld.idx.msk [tilespmem:v15+s6+$0x0], $0xffff  }
0x342: {  	v2 =	vld.idx.msk [tilespmem:v43+s6+$0x0], $0xffff;
	v7 =	vmul.f32 v59, v46;
	v52 =	vmul.f32 v57, v41  }
0x343: {  	v6 =	vpop (erf);
	v58 =	vmul.f32 v57, v44;
	v34 =	vmul.f32 v55, v46;
	v4 =	vld.idx.msk [tilespmem:v4+s6+$0x0], $0xffff  }
0x344: {  	v5 =	vadd.f32 $9.999999970e-07, v9;
	v22 =	vmul.f32 v6, v13;
	v43 =	vmul.f32 v59, v44  }
0x345: {  	s26 =	sor.u32 s9, s24;
	v60 =	vsub.f32 v7, v52;
	v40 =	vsub.f32 v58, v34;
	v7 =	vmul.f32 v55, v41  }
0x346: {  	s29 =	sor.u32 $0x10, s9;
	v1 =	vmul.f32 v6, v1;
	v15 =	vmul.f32 v6, v5;
	v5 =	vld [tilespmem:s26+$0x0];
	v21 =	vsub.f32 v3, v17  }
0x347: {  	s28 =	sor.u32 s29, s24;
	[tilespmem:$0x1FBB0] =	vst v40;
	v61 =	vsub.f32 v7, v43;
	v3 =	vmul.f32 v40, v40;
	v28 =	vsub.f32 v2, v33  }
0x348: {  	s3 =	sor.u32 $0x20, s9;
	v6 =	vld [tilespmem:s28+$0x0];
	v2 =	vmul.f32 v60, v60;
	v30 =	vsub.f32 v4, v35;
	v4 =	vmul.f32 v21, v21  }
0x349: {  	s11 =	sor.u32 s3, s24  }
0x34a: {  	v10 =	vld [tilespmem:s11+$0x0];
	s28 =	sor.u32 s9, s23;
	v51 =	vmul.f32 v28, v28;
	v2 =	vadd.f32 v3, v2;
	v3 =	vmul.f32 v61, v61  }
0x34b: {  	v9 =	vmul.f32 v62, v54;
	v7 =	vld [tilespmem:s28+$0xCC00];
	v52 =	vadd.s32 $0x4000, v5;
	[tilespmem:$0x1FC60] =	vst v14  }
0x34c: {  	v18 =	vadd.f32 v2, v3;
	v8 =	vadd.f32 v51, v4;
	v4 =	vmovc v14;
	v14 =	vmul.f32 v14, v49  }
0x34d: {  	v3 =	vmul.f32 v56, v54;
	v58 =	vadd.s32 $0x4000, v6;
	v2 =	vmul.f32 v4, v48  }
0x34e: {  	v25 =	vsub.f32 v9, v14  }
0x34f: {  	v40 =	vmul.f32 v15, v0;
	v43 =	vmul.f32 v1, v20;
	v4 =	vsub.f32 v2, v3  }
0x350: {  	v27 =	vld.idx.msk [tilespmem:v52+s6+$0x0], $0xffff;
	[tilespmem:$0x1FC10] =	vst v25  }
0x351: {  	v16 =	vadd.s32 $0x4000, v10;
	v2 =	vsub.f32 v40, v43;
	[tilespmem:$0x1FC20] =	vst v4  }
0x352: {  	v34 =	vmul.f32 v30, v30;
	v19 =	vld.idx.msk [tilespmem:v58+s6+$0x0], $0xffff;
	[tilespmem:$0x1FAC0] =	vst v1  }
0x353: {  	v51 =	vmul.f32 v22, v0;
	v23 =	vadd.s32 $0x4000, v7;
	v3 =	vmul.f32 v1, v53;
	[tilespmem:$0x1FC80] =	vst v2  }
0x354: {  	v52 =	vmul.f32 v56, v49;
	[tilespmem:$0x1FAD0] =	vst v0  }
0x355: {  	v8 =	vadd.f32 v34, v8;
	[tilespmem:$0x1FC70] =	vst v22;
	v58 =	vmul.f32 v62, v48;
	v0 =	vsub.f32 v3, v51  }
0x356: {  	s13 =	sor.u32 s23, s29;
	(erf) = vrsqrt.f32 v18;
	v14 =	vld.idx.msk [tilespmem:v16+s6+$0x0], $0xffff  }
0x357: {  	(erf) = vrsqrt.f32 v8;
	v34 =	vld [tilespmem:s13+$0xCC00];
	[tilespmem:$0x1FCA0] =	vst v0;
	v1 =	vsub.f32 v52, v58  }
0x358: {  	v24 =	vld.idx.msk [tilespmem:v23+s6+$0x0], $0xffff;
	[tilespmem:$0x1FAE0] =	vst v20  }
0x359: {  	[tilespmem:$0x1FC40] =	vst v1  }
0x35a: {  	s25 =	sor.u32 s23, s3;
	v11 =	vadd.s32 $0x8000, v5;
	v40 =	vmul.f32 v22, v20;
	v51 =	vld.idx.msk [tilespmem:v5+s6+$0x0], $0xffff;
	v5 =	vmul.f32 v15, v53  }
0x35b: {  	v3 =	vadd.s32 $0x8000, v7;
	v23 =	vld [tilespmem:s25+$0xCC00];
	[tilespmem:$0x1FAF0] =	vst v15  }
0x35c: {  	v15 =	vld.idx.msk [tilespmem:v7+s6+$0x0], $0xffff;
	v7 =	vmul.f32 v0, v0;
	v0 =	vsub.f32 v40, v5  }
0x35d: {  	v43 =	vmul.f32 v25, v25;
	v58 =	vmul.f32 v4, v4  }
0x35e: {  	v16 =	vmul.f32 v2, v2;
	[tilespmem:$0x1FCB0] =	vst v0  }
0x35f: {  	v31 =	vpop (erf);
	v12 =	vadd.f32 v58, v43;
	v52 =	vmul.f32 v1, v1;
	v58 =	vld.idx.msk [tilespmem:v11+s6+$0x0], $0xffff  }
0x360: {  	vm14 =	veq.f32 v8, $+Inf;
	vm15 =	veq.f32 v8, $0.0e+00;
	v5 =	vadd.f32 v7, v16;
	v13 =	vld.idx.msk [tilespmem:v3+s6+$0x0], $0xffff;
	v7 =	vpop (erf)  }
0x361: {  	s19 =	simm.s32 $0xD400;
	v9 =	vadd.f32 v12, v52;
	v3 =	vadd.s32 $0x4000, v34;
	v52 =	vld.idx.msk [tilespmem:v6+s6+$0x0], $0xffff;
	v7 =	vmul.f32 v7, v8  }
0x362: {  	s8 =	sor.u32 s15, s19;
	v1 =	vadd.s32 $0x8000, v6;
	v12 =	vadd.s32 $0x4000, v23;
	v43 =	vld.idx.msk [tilespmem:v34+s6+$0x0], $0xffff;
	v8 =	vand.u32 $0x80000000, v8  }
0x363: {  	v0 =	vmul.f32 v0, v0;
	v6 =	vsel vm14, $0x7F800000, v7;
	v7 =	vor.u32 v8, v38;
	v8 =	vld [tilespmem:s8+$0x0]  }
0x364: {  	v34 =	vadd.s32 $0x8000, v34;
	v40 =	vld.idx.msk [tilespmem:v23+s6+$0x0], $0xffff  }
0x365: {  	v2 =	vadd.s32 $0x8000, v10;
	v4 =	vadd.f32 v5, v0;
	v5 =	vsel vm15, v7, v6;
	v7 =	vld.idx.msk [tilespmem:v10+s6+$0x0], $0xffff  }
0x366: {  	(erf) = vrsqrt.f32 v9;
	v29 =	vsub.f32 v27, v24;
	v25 =	vsub.f32 v51, v15;
	v10 =	vld.idx.msk [tilespmem:v3+s6+$0x0], $0xffff  }
0x367: {  	v27 =	vadd.s32 $0x8000, v23;
	(erf) = vrsqrt.f32 v4;
	v3 =	vadd.f32 $9.999999970e-07, v5;
	v12 =	vld.idx.msk [tilespmem:v12+s6+$0x0], $0xffff  }
0x368: {  	v23 =	vmul.f32 v29, v29;
	v51 =	vmul.f32 v25, v25;
	v5 =	vld.idx.msk [tilespmem:v1+s6+$0x0], $0xffff;
	v0 =	vadd.s32 $0x4000, v8  }
0x369: {  	v11 =	vld.idx.msk [tilespmem:v34+s6+$0x0], $0xffff;
	v22 =	vsub.f32 v58, v13;
	(erf) = vrcp.f32 v3;
	v34 =	vadd.s32 $0x8000, v8  }
0x36a: {  	v58 =	vadd.f32 v23, v51  }
0x36b: {  	v26 =	vld.idx.msk [tilespmem:v2+s6+$0x0], $0xffff;
	v51 =	vsub.f32 v52, v43;
	v52 =	vsub.f32 v19, v10;
	v19 =	vmul.f32 v22, v22  }
0x36c: {  	v16 =	vld.idx.msk [tilespmem:v27+s6+$0x0], $0xffff;
	v27 =	vsub.f32 v7, v40;
	v14 =	vsub.f32 v14, v12  }
0x36d: {  	v7 =	vadd.f32 v19, v58;
	v58 =	vmul.f32 v51, v51;
	v1 =	vmul.f32 v52, v52;
	v19 =	vld.idx.msk [tilespmem:v0+s6+$0x0], $0xffff  }
0x36e: {  	v6 =	vsub.f32 v5, v11;
	v3 =	vld.idx.msk [tilespmem:v34+s6+$0x0], $0xffff;
	v34 =	vmul.f32 v14, v14;
	v0 =	vmul.f32 v27, v27  }
0x36f: {  	v8 =	vld.idx.msk [tilespmem:v8+s6+$0x0], $0xffff;
	(erf) = vrsqrt.f32 v7  }
0x370: {  	v5 =	vpop (erf);
	v2 =	vadd.f32 v1, v58;
	v58 =	vadd.f32 v34, v0;
	v34 =	vmul.f32 v6, v6  }
0x371: {  	v26 =	vsub.f32 v26, v16;
	v20 =	vpop (erf);
	v1 =	vadd.f32 $9.999999970e-07, v30  }
0x372: {  	v0 =	vpop (erf);
	v2 =	vadd.f32 v34, v2;
	v19 =	vsub.f32 v19, v33  }
0x373: {  	v30 =	vmul.f32 v0, v28;
	v3 =	vsub.f32 v3, v35;
	v28 =	vmul.f32 v0, v1  }
0x374: {  	v1 =	vmul.f32 v26, v26;
	v34 =	vmul.f32 v0, v21;
	v0 =	vsub.f32 v8, v17  }
0x375: {  	[tilespmem:$0x1FB00] =	vst v33;
	v33 =	vmul.f32 v30, v3  }
0x376: {  	v8 =	vadd.f32 v1, v58;
	v3 =	vmul.f32 v34, v3;
	v1 =	vmul.f32 v28, v0  }
0x377: {  	(erf) = vrsqrt.f32 v2;
	v21 =	vmul.f32 v28, v19  }
0x378: {  	v0 =	vmul.f32 v30, v0;
	v3 =	vsub.f32 v1, v3;
	v1 =	vmul.f32 v34, v19;
	v19 =	vpop (erf)  }
0x379: {  	vm4 =	veq.f32 v7, $+Inf;
	(erf) = vrsqrt.f32 v8;
	v19 =	vmul.f32 v19, v7  }
0x37a: {  	vm5 =	veq.f32 v7, $0.0e+00;
	v58 =	vsub.f32 v33, v21;
	v21 =	vand.u32 $0x80000000, v7  }
0x37b: {  	v23 =	vsub.f32 v1, v0;
	v0 =	vor.u32 v21, v38;
	v7 =	vsel vm4, $0x7F800000, v19  }
0x37c: {  	v21 =	vmul.f32 v3, v3;
	v19 =	vmul.f32 v58, v58;
	v0 =	vsel vm5, v0, v7  }
0x37d: {  	v0 =	vadd.f32 $9.999999970e-07, v0  }
0x37e: {  	v7 =	vadd.f32 v21, v19;
	v19 =	vmul.f32 v23, v23  }
0x37f: {  	vm10 =	veq.f32 v18, $+Inf  }
0x380: {  	vm11 =	veq.f32 v18, $0.0e+00;
	vm12 =	veq.f32 v9, $+Inf;
	vm6 =	veq.f32 v2, $+Inf  }
0x381: {  	vm7 =	veq.f32 v2, $0.0e+00;
	v7 =	vadd.f32 v7, v19;
	(erf) = vrcp.f32 v0;
	v0 =	vpop (erf)  }
0x382: {  	vm8 =	veq.f32 v8, $+Inf;
	vm9 =	veq.f32 v8, $0.0e+00;
	v0 =	vmul.f32 v0, v2;
	v19 =	vpop (erf)  }
0x383: {  	(erf) = vrsqrt.f32 v7;
	v2 =	vand.u32 $0x80000000, v2;
	v19 =	vmul.f32 v19, v8  }
0x384: {  	v8 =	vand.u32 $0x80000000, v8;
	v2 =	vor.u32 v2, v38;
	v0 =	vsel vm6, $0x7F800000, v0  }
0x385: {  	v8 =	vor.u32 v8, v38;
	v19 =	vsel vm8, $0x7F800000, v19;
	v0 =	vsel vm7, v2, v0  }
0x386: {  	v33 =	vmul.f32 v31, v18;
	v2 =	vsel vm9, v8, v19;
	v0 =	vadd.f32 $9.999999970e-07, v0  }
0x387: {  	vm13 =	veq.f32 v9, $0.0e+00;
	v18 =	vand.u32 $0x80000000, v18;
	v2 =	vadd.f32 $9.999999970e-07, v2  }
0x388: {  	v8 =	vsel vm10, $0x7F800000, v33;
	v33 =	vmul.f32 v20, v4;
	(erf) = vrcp.f32 v0  }
0x389: {  	s11 =	sor.u32 s9, s19;
	v0 =	vor.u32 v18, v38;
	(erf) = vrcp.f32 v2;
	v2 =	vmul.f32 v5, v9  }
0x38a: {  	vm14 =	veq.f32 v4, $+Inf;
	v0 =	vsel vm11, v0, v8;
	v5 =	vld [tilespmem:s11+$0x0];
	v8 =	vand.u32 $0x80000000, v9  }
0x38b: {  	s14 =	sor.u32 s29, s19;
	vm15 =	veq.f32 v4, $0.0e+00;
	v1 =	vld [tilespmem:$0x1FB10];
	v8 =	vor.u32 v8, v38;
	v2 =	vsel vm12, $0x7F800000, v2  }
0x38c: {  	vm6 =	veq.f32 v7, $+Inf;
	v4 =	vand.u32 $0x80000000, v4;
	v18 =	vpop (erf);
	v2 =	vsel vm13, v8, v2;
	v8 =	vld [tilespmem:s14+$0x0]  }
0x38d: {  	vm7 =	veq.f32 v7, $0.0e+00;
	v4 =	vor.u32 v4, v38;
	v9 =	vsel vm14, $0x7F800000, v33;
	v33 =	vpop (erf)  }
0x38e: {  	v4 =	vsel vm15, v4, v9;
	v0 =	vadd.f32 $9.999999970e-07, v0;
	v9 =	vmul.f32 v33, v7  }
0x38f: {  	s17 =	simm.s32 $0x0;
	v7 =	vand.u32 $0x80000000, v7;
	v2 =	vadd.f32 $9.999999970e-07, v2;
	v20 =	vadd.s32 $0x8000, v5  }
0x390: {  	s7 =	sor.u32 s17, s5;
	v7 =	vor.u32 v7, v38;
	(erf) = vrcp.f32 v0;
	v19 =	vadd.s32 $0x4000, v5  }
0x391: {  	v33 =	vld [tilespmem:s16+$0xDC00];
	[tilespmem:s7+$0x11000] =	vst v1;
	v9 =	vsel vm6, $0x7F800000, v9;
	(erf) = vrcp.f32 v2;
	v2 =	vadd.s32 $0x4000, v8  }
0x392: {  	v4 =	vadd.f32 $9.999999970e-07, v4;
	v1 =	vld [tilespmem:$0x1FB20];
	v0 =	vsel vm7, v7, v9;
	v7 =	vadd.s32 $0x8000, v8  }
0x393: {  	v0 =	vadd.f32 $9.999999970e-07, v0;
	v5 =	vld.idx.msk [tilespmem:v5+s6+$0x0], $0xffff  }
0x394: {  	(erf) = vrcp.f32 v4;
	v9 =	vld.idx.msk [tilespmem:v20+s6+$0x0], $0xffff  }
0x395: {  	[tilespmem:s7+$0x11180] =	vst v42;
	(erf) = vrcp.f32 v0;
	v0 =	vadd.f32 $9.999999970e-07, v47;
	v4 =	vld.idx.msk [tilespmem:v19+s6+$0x0], $0xffff  }
0x396: {  	[tilespmem:s7+$0x11100] =	vst v39;
	v47 =	vld.idx.msk [tilespmem:v2+s6+$0x0], $0xffff  }
0x397: {  	v0 =	vmul.f32 v32, v0;
	v19 =	vmul.f32 v32, v1;
	v2 =	vadd.f32 $9.999999970e-07, v22;
	v7 =	vld.idx.msk [tilespmem:v7+s6+$0x0], $0xffff;
	[tilespmem:$0x1FB30] =	vst v24  }
0x398: {  	v1 =	vmul.f32 v18, v29;
	v22 =	vmul.f32 v18, v25;
	[tilespmem:$0x1FB40] =	vst v13  }
0x399: {  	v25 =	vpop (erf);
	v8 =	vld.idx.msk [tilespmem:v8+s6+$0x0], $0xffff;
	[tilespmem:$0x1FB50] =	vst v15;
	v20 =	vmul.f32 v18, v2;
	v2 =	vsub.f32 v9, v13  }
0x39a: {  	v42 =	vmov v16;
	v16 =	vmul.f32 v25, v52;
	[tilespmem:s7+$0x11080] =	vst v0  }
0x39b: {  	v52 =	vmul.f32 v1, v2;
	v39 =	vmul.f32 v22, v2;
	v2 =	vld [tilespmem:$0x1FB60];
	_ =	sdelay $0x2  }
0x39c: {  	s18 =	simm.s32 $0x12000  }
0x39d: {  	s20 =	sor.u32 s5, s18;
	s16 =	sor.u32 s3, s19;
	s19 =	simm.s32 $0x12080  }
0x39e: {  	s22 =	sor.u32 s5, s19;
	[tilespmem:s20+$0x0] =	vst v2  }
0x39f: {  	[tilespmem:s22+$0x0] =	vst v19  }
0x3a0: {  	v31 =	vmul.f32 v25, v51;
	v51 =	vld [tilespmem:s16+$0x0];
	s20 =	simm.s32 $0x12100;
	[tilespmem:$0x1FB70] =	vst v10  }
0x3a1: {  	s22 =	simm.s32 $0x12180;
	s23 =	sor.u32 s5, s20;
	[tilespmem:$0x1FB80] =	vst v11  }
0x3a2: {  	s24 =	sor.u32 s5, s22;
	[tilespmem:s23+$0x0] =	vst v45  }
0x3a3: {  	[tilespmem:s24+$0x0] =	vst v36  }
0x3a4: {  	v29 =	vsub.f32 v5, v15;
	v9 =	vpop (erf);
	v0 =	vadd.f32 $9.999999970e-07, v6;
	v19 =	vmov v1;
	v1 =	vld [tilespmem:$0x1FB90]  }
0x3a5: {  	v4 =	vsub.f32 v4, v24;
	v13 =	vpop (erf)  }
0x3a6: {  	v5 =	vpop (erf);
	v24 =	vmul.f32 v20, v29;
	v18 =	vmul.f32 v25, v0;
	v25 =	vsub.f32 v47, v10  }
0x3a7: {  	v3 =	vadd.f32 $9.999999970e-07, v3;
	v32 =	vmul.f32 v32, v50;
	v7 =	vsub.f32 v7, v11;
	v2 =	vpop (erf);
	s23 =	simm.s32 $0x13000  }
0x3a8: {  	s8 =	simm.s32 $0x13080;
	v50 =	vmul.f32 v20, v4;
	v39 =	vsub.f32 v24, v39;
	v24 =	vmul.f32 v18, v25;
	v0 =	vpop (erf);
	s26 =	sor.u32 s5, s23  }
0x3a9: {  	s14 =	sor.u32 s5, s8;
	v8 =	vsub.f32 v8, v43;
	v47 =	vmul.f32 v0, v3;
	v3 =	vmul.f32 v16, v7;
	[tilespmem:s26+$0x0] =	vst v1;
	s26 =	simm.s32 $0x13100  }
0x3aa: {  	s11 =	simm.s32 $0x13180;
	v52 =	vsub.f32 v52, v50;
	[tilespmem:s14+$0x0] =	vst v32;
	s16 =	sor.u32 s5, s26  }
0x3ab: {  	v50 =	vsub.f32 v3, v24;
	v3 =	vmul.f32 v31, v7;
	v7 =	vmul.f32 v18, v8;
	s5 =	sor.u32 s5, s11;
	[tilespmem:s16+$0x0] =	vst v63  }
0x3ac: {  	[tilespmem:s5+$0x0] =	vst v37;
	s5 =	sor.u32 s10, s17  }
0x3ad: {  	v45 =	vmul.f32 v0, v23;
	v23 =	vmul.f32 v22, v4;
	v4 =	vsub.f32 v7, v3;
	v7 =	vld [tilespmem:s12+$0xDC00];
	[tilespmem:s5+$0x11100] =	vst v55  }
0x3ae: {  	[tilespmem:s7+$0x15180] =	vst v33  }
0x3af: {  	[tilespmem:s7+$0x15000] =	vst v33  }
0x3b0: {  	[tilespmem:s7+$0x15080] =	vst v33  }
0x3b1: {  	[tilespmem:s7+$0x15100] =	vst v33  }
0x3b2: {  	[tilespmem:s5+$0x11180] =	vst v44  }
0x3b3: {  	v24 =	vmul.f32 v19, v29;
	v44 =	vld [tilespmem:$0x1FBA0];
	_ =	sdelay $0x1  }
0x3b4: {  	v63 =	vsub.f32 v23, v24;
	v24 =	vadd.f32 $9.999999970e-07, v60;
	_ =	sdelay $0x1  }
0x3b5: {  	v24 =	vmul.f32 v13, v24  }
0x3b6: {  	v36 =	vadd.s32 $0x4000, v51;
	[tilespmem:s5+$0x11000] =	vst v44  }
0x3b7: {  	v58 =	vmul.f32 v0, v58;
	v1 =	vadd.s32 $0x8000, v51;
	v6 =	vld [tilespmem:$0x1FBB0];
	[tilespmem:s5+$0x11080] =	vst v24  }
0x3b8: {  	v26 =	vadd.f32 $9.999999970e-07, v26;
	v37 =	vld [tilespmem:$0x1FBD0]  }
0x3b9: {  	v0 =	vmul.f32 v58, v28;
	v11 =	vmul.f32 v45, v34  }
0x3ba: {  	v32 =	vmul.f32 v9, v27;
	v27 =	vmul.f32 v9, v26;
	v26 =	vld.idx.msk [tilespmem:v51+s6+$0x0], $0xffff  }
0x3bb: {  	v51 =	vmul.f32 v58, v30;
	v60 =	vmul.f32 v47, v34;
	v55 =	vsub.f32 v11, v0;
	v0 =	vld.idx.msk [tilespmem:v36+s6+$0x0], $0xffff  }
0x3bc: {  	s24 =	sor.u32 s10, s18;
	v1 =	vld.idx.msk [tilespmem:v1+s6+$0x0], $0xffff;
	[tilespmem:$0x1FBC0] =	vst v12  }
0x3bd: {  	v60 =	vsub.f32 v51, v60;
	v51 =	vmul.f32 v13, v6;
	[tilespmem:s24+$0x0] =	vst v37  }
0x3be: {  	s12 =	sor.u32 s10, s19;
	[tilespmem:$0x1FBE0] =	vst v40  }
0x3bf: {  	s14 =	sor.u32 s10, s20;
	[tilespmem:s12+$0x0] =	vst v51  }
0x3c0: {  	s16 =	sor.u32 s10, s22;
	[tilespmem:s14+$0x0] =	vst v59  }
0x3c1: {  	[tilespmem:s16+$0x0] =	vst v41  }
0x3c2: {  	v6 =	vld [tilespmem:$0x1FBF0];
	_ =	sdelay $0x1  }
0x3c3: {  	s31 =	sor.u32 s17, s2  }
0x3c4: {  	v21 =	vld [tilespmem:s4+$0xDC00];
	[tilespmem:s31+$0x11100] =	vst v56  }
0x3c5: {  	v13 =	vmul.f32 v13, v61;
	s24 =	sor.u32 s10, s23;
	[tilespmem:s31+$0x11180] =	vst v48  }
0x3c6: {  	s12 =	sor.u32 s10, s8;
	[tilespmem:s24+$0x0] =	vst v6  }
0x3c7: {  	s14 =	sor.u32 s10, s26;
	[tilespmem:s12+$0x0] =	vst v13  }
0x3c8: {  	s16 =	sor.u32 s10, s11;
	[tilespmem:s14+$0x0] =	vst v57  }
0x3c9: {  	v26 =	vsub.f32 v26, v40;
	[tilespmem:s16+$0x0] =	vst v46  }
0x3ca: {  	v29 =	vmul.f32 v9, v14;
	v1 =	vsub.f32 v1, v42;
	v6 =	vld [tilespmem:$0x1FC00]  }
0x3cb: {  	v0 =	vsub.f32 v0, v12;
	v44 =	vmul.f32 v27, v26  }
0x3cc: {  	v24 =	vmul.f32 v29, v1;
	v1 =	vmul.f32 v32, v1  }
0x3cd: {  	v40 =	vmul.f32 v27, v0  }
0x3ce: {  	v1 =	vsub.f32 v44, v1  }
0x3cf: {  	v0 =	vmul.f32 v32, v0;
	v59 =	vsub.f32 v24, v40;
	v24 =	vmul.f32 v29, v26;
	[tilespmem:s31+$0x11000] =	vst v6  }
0x3d0: {  	v6 =	vld [tilespmem:$0x1FC10]  }
0x3d1: {  	v57 =	vsub.f32 v0, v24;
	v0 =	vmul.f32 v59, v59;
	v24 =	vmul.f32 v1, v1;
	_ =	sdelay $0x1  }
0x3d2: {  	v0 =	vadd.f32 v24, v0;
	v24 =	vmul.f32 v57, v57;
	_ =	sdelay $0x1  }
0x3d3: {  	v0 =	vadd.f32 v0, v24;
	[tilespmem:s5+$0x15000] =	vst v7;
	v24 =	vadd.f32 $9.999999970e-07, v6  }
0x3d4: {  	[tilespmem:s5+$0x15080] =	vst v7  }
0x3d5: {  	[tilespmem:s5+$0x15100] =	vst v7;
	v24 =	vmul.f32 v5, v24  }
0x3d6: {  	[tilespmem:s5+$0x15180] =	vst v7  }
0x3d7: {  	[tilespmem:s31+$0x11080] =	vst v24  }
0x3d8: {  	v6 =	vld [tilespmem:$0x1FC20];
	_ =	sdelay $0x4  }
0x3d9: {  	v24 =	vmul.f32 v5, v6;
	v6 =	vld [tilespmem:$0x1FC30];
	_ =	sdelay $0x3  }
0x3da: {  	s24 =	sor.u32 s2, s18  }
0x3db: {  	s5 =	sor.u32 s2, s19;
	[tilespmem:s24+$0x0] =	vst v6  }
0x3dc: {  	v10 =	vmul.f32 v45, v30;
	v3 =	vmul.f32 v47, v28;
	s7 =	sor.u32 s2, s20;
	[tilespmem:s5+$0x0] =	vst v24  }
0x3dd: {  	s10 =	sor.u32 s2, s22;
	[tilespmem:s7+$0x0] =	vst v62  }
0x3de: {  	v14 =	vmul.f32 v52, v52;
	v3 =	vsub.f32 v3, v10;
	v23 =	vmul.f32 v39, v39;
	[tilespmem:s10+$0x0] =	vst v49  }
0x3df: {  	v6 =	vld [tilespmem:$0x1FC40]  }
0x3e0: {  	v9 =	vadd.f32 v23, v14;
	v23 =	vmul.f32 v3, v3;
	v14 =	vmul.f32 v55, v55;
	_ =	sdelay $0x1  }
0x3e1: {  	v23 =	vadd.f32 v14, v23;
	v14 =	vmul.f32 v63, v63  }
0x3e2: {  	v37 =	vmul.f32 v60, v60  }
0x3e3: {  	v9 =	vadd.f32 v9, v14;
	v5 =	vmul.f32 v5, v6;
	v6 =	vld [tilespmem:$0x1FC50]  }
0x3e4: {  	v23 =	vadd.f32 v23, v37  }
0x3e5: {  	v25 =	vmul.f32 v31, v25;
	(erf) = vrsqrt.f32 v9  }
0x3e6: {  	v8 =	vmul.f32 v16, v8;
	(erf) = vrsqrt.f32 v23  }
0x3e7: {  	s12 =	sor.u32 s2, s23  }
0x3e8: {  	v61 =	vsub.f32 v25, v8;
	s14 =	sor.u32 s2, s8;
	[tilespmem:s12+$0x0] =	vst v6  }
0x3e9: {  	v25 =	vmul.f32 v4, v4;
	[tilespmem:s14+$0x0] =	vst v5  }
0x3ea: {  	v51 =	vmul.f32 v50, v50;
	v26 =	vmul.f32 v61, v61;
	v6 =	vld [tilespmem:$0x1FC60];
	_ =	sdelay $0x1  }
0x3eb: {  	v8 =	vadd.f32 v25, v51;
	_ =	sdelay $0x1  }
0x3ec: {  	v8 =	vadd.f32 v8, v26;
	v26 =	vpop (erf);
	s16 =	sor.u32 s2, s26  }
0x3ed: {  	v7 =	vpop (erf);
	[tilespmem:s16+$0x0] =	vst v6  }
0x3ee: {  	(erf) = vrsqrt.f32 v8;
	v7 =	vmul.f32 v7, v23;
	v6 =	vld [tilespmem:$0x1FC70]  }
0x3ef: {  	vm8 =	veq.f32 v23, $+Inf;
	v56 =	vand.u32 $0x80000000, v23;
	(erf) = vrsqrt.f32 v0  }
0x3f0: {  	vm9 =	veq.f32 v23, $0.0e+00;
	v23 =	vor.u32 v56, v38;
	v7 =	vsel vm8, $0x7F800000, v7;
	s10 =	sor.u32 s17, s1  }
0x3f1: {  	s2 =	sor.u32 s2, s11;
	v7 =	vsel vm9, v23, v7;
	v23 =	vmul.f32 v26, v9;
	v26 =	vld [tilespmem:s21+$0xDC00];
	[tilespmem:s10+$0x11180] =	vst v53  }
0x3f2: {  	[tilespmem:s2+$0x0] =	vst v54  }
0x3f3: {  	[tilespmem:s10+$0x11100] =	vst v6  }
0x3f4: {  	v6 =	vld [tilespmem:$0x1FC80];
	_ =	sdelay $0x1  }
0x3f5: {  	vm10 =	veq.f32 v9, $+Inf  }
0x3f6: {  	v7 =	vadd.f32 $9.999999970e-07, v7;
	v62 =	vsel vm10, $0x7F800000, v23;
	v23 =	vpop (erf)  }
0x3f7: {  	v5 =	vmul.f32 v23, v8;
	v23 =	vpop (erf)  }
0x3f8: {  	(erf) = vrcp.f32 v7;
	v7 =	vmul.f32 v23, v0;
	v23 =	vadd.f32 $9.999999970e-07, v6;
	v6 =	vld [tilespmem:$0x1FC90];
	_ =	sdelay $0x2  }
0x3f9: {  	vm11 =	veq.f32 v9, $0.0e+00;
	vm12 =	veq.f32 v8, $+Inf;
	s17 =	sor.u32 s1, s18  }
0x3fa: {  	vm13 =	veq.f32 v8, $0.0e+00;
	vm14 =	veq.f32 v0, $+Inf;
	v24 =	vand.u32 $0x80000000, v9;
	[dreg:$0xa] =	wrdreg s17  }
0x3fb: {  	vm15 =	veq.f32 v0, $0.0e+00;
	v24 =	vor.u32 v24, v38;
	s18 =	sor.u32 s1, s19;
	v8 =	vand.u32 $0x80000000, v8;
	[tilespmem:s10+$0x11000] =	vst v6  }
0x3fc: {  	s21 =	sor.u32 s1, s20;
	v9 =	vsel vm11, v24, v62;
	v0 =	vand.u32 $0x80000000, v0;
	v8 =	vor.u32 v8, v38;
	[dreg:$0xb] =	wrdreg s18  }
0x3fd: {  	v5 =	vsel vm12, $0x7F800000, v5;
	v0 =	vor.u32 v0, v38;
	v7 =	vsel vm14, $0x7F800000, v7;
	[dreg:$0xc] =	wrdreg s21  }
0x3fe: {  	v5 =	vsel vm13, v8, v5;
	v0 =	vsel vm15, v0, v7;
	v7 =	vadd.f32 $9.999999970e-07, v9;
	v6 =	vld [tilespmem:$0x1FCA0];
	[tilespmem:s31+$0x15000] =	vst v21  }
0x3ff: {  	v8 =	vadd.f32 $9.999999970e-07, v5;
	v5 =	vld [tilespmem:$0x1FCB0]  }
0x400: {  	s24 =	simm.s32 $0x4;
	v0 =	vadd.f32 $9.999999970e-07, v0;
	(erf) = vrcp.f32 v7  }
0x401: {  	s19 =	smov.u32 s9;
	s16 =	sor.u32 s1, s23;
	s23 =	sor.u32 s1, s26;
	(erf) = vrcp.f32 v8;
	v37 =	vld [tilespmem:s28+$0xDC00]  }
0x402: {  	v3 =	vadd.f32 $9.999999970e-07, v3;
	(erf) = vrcp.f32 v0;
	s17 =	sor.u32 s1, s22;
	s22 =	sor.u32 s1, s8;
	v62 =	vld [tilespmem:s13+$0xDC00];
	s13 =	simm.s32 $0x0;
	[tilespmem:s31+$0x15080] =	vst v21  }
0x403: {  	v1 =	vadd.f32 $9.999999970e-07, v1;
	v24 =	vmovc v43;
	s8 =	sor.u32 s1, s11;
	v44 =	vmul.f32 v2, v23;
	v48 =	vld [tilespmem:s0+$0xDC00];
	s20 =	sor.u32 s13, s15;
	[tilespmem:s31+$0x15100] =	vst v21;
	s1 =	sor.u32 s9, s13;
	v56 =	vmul.f32 v2, v6  }
0x404: {  	v36 =	vld [tilespmem:s25+$0xDC00];
	s18 =	sor.u32 s13, s29;
	s9 =	smov.u32 s3;
	s21 =	sor.u32 s13, s3;
	[tilespmem:s20+$0x11000] =	vst v17;
	v49 =	vmul.f32 v2, v5;
	v5 =	vadd.f32 $9.999999970e-07, v39;
	v2 =	vadd.f32 $9.999999970e-07, v4;
	v39 =	vpop (erf)  }
.LBB2_5:
0x405: {  	_ =	sdelay $0x4  }
0x406: {  	[smem:$0x7D7] =	sst s16  }
0x407: {  	[smem:$0x7D9] =	sst s23;
	v6 =	vmul.f32 v39, v3;
	v3 =	vpop (erf)  }
0x408: {  	[smem:$0x7D8] =	sst s22;
	v12 =	vmul.f32 v3, v5;
	v5 =	vpop (erf)  }
0x409: {  	[smem:$0x7DA] =	sst s8;
	v10 =	vmul.f32 v5, v2;
	v2 =	vld [tilespmem:$0x1FB00]  }
0x40a: {  	[smem:$0x7D6] =	sst s17;
	s23 =	sadd.s32 $0x4, s24  }
0x40b: {  	[tilespmem:s20+$0x11180] =	vst v34;
	s16 =	sadd.s32 $0x40, s30;
	s11 =	sadd.s32 $0x12000, s13;
	s12 =	sadd.s32 $0x12080, s13  }
0x40c: {  	[tilespmem:s20+$0x11100] =	vst v58;
	s7 =	sadd.s32 $0x12100, s13;
	s4 =	smov.u32 s10;
	s10 =	sadd.s32 $0x12180, s13;
	v4 =	vmul.f32 v3, v52  }
0x40d: {  	s5 =	sadd.s32 $0x13000, s13;
	s0 =	sshrl.u32 s23, $0x3;
	s2 =	sor.u32 s15, s11;
	v11 =	vmul.f32 v3, v63;
	v3 =	vmul.f32 v39, v55;
	[tilespmem:s20+$0x11080] =	vst v6  }
0x40e: {  	s25 =	sand.u32 $0x40, s16;
	s22 =	sor.u32 s15, s12;
	s24 =	sor.u32 s15, s7;
	[tilespmem:s2+$0x0] =	vst v2  }
0x40f: {  	[dreg:$0xe] =	wrdreg s0;
	s17 =	sor.u32 $0x30, s25;
	s0 =	sshll.u32 s0, $0x7;
	[tilespmem:s22+$0x0] =	vst v3  }
0x410: {  	s26 =	sor.u32 s15, s10;
	s14 =	sadd.s32 $0xD000, s0;
	s3 =	sor.u32 s0, s17;
	v0 =	vpop (erf);
	[tilespmem:s24+$0x0] =	vst v47  }
0x411: {  	s8 =	sor.u32 s15, s5;
	s28 =	sor.u32 s17, s14;
	v34 =	vmul.f32 v0, v1;
	v1 =	vmul.f32 v39, v60;
	s24 =	sadd.s32 $0x13080, s13;
	v7 =	vld [tilespmem:s3+$0xCC00];
	[tilespmem:s26+$0x0] =	vst v30  }
0x412: {  	s30 =	sadd.s32 $0x13100, s13;
	v17 =	vmul.f32 v11, v22;
	v15 =	vmul.f32 v4, v20;
	s26 =	sor.u32 s15, s24;
	v8 =	vld [tilespmem:s28+$0x0];
	[tilespmem:s8+$0x0] =	vst v35  }
0x413: {  	v9 =	vmul.f32 v5, v50;
	v6 =	vmul.f32 v5, v61;
	s28 =	sadd.s32 $0x13180, s13;
	s8 =	sor.u32 s15, s30;
	s13 =	sor.u32 s25, s14;
	[tilespmem:s26+$0x0] =	vst v1  }
0x414: {  	v5 =	vmul.f32 v11, v19;
	v61 =	vmul.f32 v12, v22;
	[tilespmem:s8+$0x0] =	vst v45;
	v45 =	vld [tilespmem:s13+$0x0]  }
0x415: {  	[dreg:$0x10] =	wrdreg s3;
	v13 =	vsub.f32 v17, v15;
	v17 =	vmul.f32 v34, v27;
	v3 =	vmul.f32 v0, v57;
	s3 =	sor.u32 $0x10, s25  }
0x416: {  	v2 =	vmul.f32 v0, v59;
	v0 =	vmul.f32 v12, v20;
	s22 =	sor.u32 $0x20, s25;
	s26 =	sor.u32 s3, s14  }
0x417: {  	v30 =	vmul.f32 v10, v18;
	v41 =	vmul.f32 v3, v29;
	s14 =	sor.u32 s22, s14;
	s8 =	sor.u32 s15, s28;
	s15 =	sor.u32 s19, s11;
	[tilespmem:s1+$0x11100] =	vst v4  }
0x418: {  	v1 =	vsub.f32 v0, v5;
	v0 =	vmul.f32 v6, v16;
	v50 =	vld [tilespmem:s14+$0x0];
	s14 =	sor.u32 s19, s10;
	[tilespmem:s8+$0x0] =	vst v28;
	[smem:$0x7DB] =	sst s15;
	v46 =	vadd.s32 $0x4000, v8  }
0x419: {  	v51 =	vmul.f32 v2, v27;
	v43 =	vmul.f32 v3, v32;
	s15 =	sor.u32 s19, s12;
	[smem:$0x7DE] =	sst s14;
	[tilespmem:s20+$0x15180] =	vst v48;
	v38 =	vadd.s32 $0x4000, v45  }
0x41a: {  	v4 =	vmul.f32 v4, v19;
	v5 =	vsub.f32 v30, v0;
	s14 =	sor.u32 s19, s24;
	v30 =	vsub.f32 v17, v41;
	[smem:$0x7DC] =	sst s15;
	v41 =	vld.idx.msk [tilespmem:v7+s6+$0x0], $0xffff  }
0x41b: {  	[tilespmem:$0x1F9E0] =	vst v12;
	v12 =	vmul.f32 v2, v29;
	s15 =	sor.u32 s19, s7;
	[smem:$0x7E0] =	sst s14;
	v55 =	vld.idx.msk [tilespmem:v8+s6+$0x0], $0xffff  }
0x41c: {  	[tilespmem:$0x1FA20] =	vst v11;
	v11 =	vsub.f32 v43, v51;
	s14 =	sor.u32 s19, s28;
	v43 =	vsub.f32 v4, v61;
	v4 =	vmul.f32 v34, v32;
	[smem:$0x7DD] =	sst s15  }
0x41d: {  	v14 =	vmul.f32 v13, v13;
	[tilespmem:s21+$0x11100] =	vst v2;
	v2 =	vmul.f32 v1, v1;
	s15 =	sor.u32 s19, s5;
	[smem:$0x7E2] =	sst s14;
	v0 =	vmov v62;
	v58 =	vld.idx.msk [tilespmem:v46+s6+$0x0], $0xffff  }
0x41e: {  	s14 =	sor.u32 s29, s7;
	[smem:$0x7DF] =	sst s15;
	v46 =	vsub.f32 v12, v4;
	v4 =	vmul.f32 v30, v30;
	v51 =	vld.idx.msk [tilespmem:v38+s6+$0x0], $0xffff;
	v38 =	vmul.f32 v11, v11  }
0x41f: {  	v62 =	vadd.f32 v14, v2;
	s15 =	sor.u32 s19, s30;
	[dreg:$0x14] =	wrdreg s14;
	[tilespmem:$0x1FA40] =	vst v0;
	v0 =	vld [tilespmem:$0x1FAA0]  }
0x420: {  	v28 =	vadd.s32 $0x4000, v7;
	s19 =	sor.u32 s29, s12;
	[smem:$0x7E1] =	sst s15;
	v2 =	vsub.f32 v55, v41;
	v55 =	vadd.f32 v38, v4;
	v38 =	vld [tilespmem:$0x1FBC0]  }
0x421: {  	[dreg:$0x1c] =	wrdreg s19;
	s19 =	sor.u32 s29, s5  }
0x422: {  	s2 =	sor.u32 s25, s0;
	v47 =	vld [tilespmem:s26+$0x0];
	[tilespmem:s4+$0x11080] =	vst v44;
	[dreg:$0x16] =	wrdreg s19;
	s19 =	sor.u32 s29, s28  }
0x423: {  	s26 =	sor.u32 s0, s22;
	[tilespmem:s21+$0x11180] =	vst v32;
	v52 =	vld [tilespmem:s2+$0xCC00];
	[dreg:$0x17] =	wrdreg s19  }
0x424: {  	[tilespmem:$0x1FA50] =	vst v20;
	v32 =	vld [tilespmem:s26+$0xCC00];
	s14 =	sor.u32 s29, s24;
	s19 =	smov.u32 s25;
	s25 =	rddreg [dreg:$0xa]  }
0x425: {  	s15 =	sor.u32 s29, s11;
	[dreg:$0x12] =	wrdreg s14;
	v57 =	vadd.s32 $0x4000, v50;
	v20 =	vld.idx.msk [tilespmem:v28+s6+$0x0], $0xffff;
	[tilespmem:s25+$0x0] =	vst v0;
	v0 =	vmov v38  }
0x426: {  	p0 =	slt.u32 s23, $0x3C;
	[dreg:$0x1f] =	wrdreg s15;
	s15 =	sor.u32 s29, s10;
	[tilespmem:$0x1FAA0] =	vst v0;
	v0 =	vld [tilespmem:$0x1FAF0]  }
0x427: {  	v63 =	vmov v16;
	v35 =	vmul.f32 v6, v31;
	s8 =	sor.u32 s9, s11;
	[dreg:$0x1d] =	wrdreg s15;
	s15 =	sor.u32 s29, s30  }
0x428: {  	[tilespmem:s18+$0x11180] =	vst v31;
	v31 =	vmul.f32 v10, v31;
	s14 =	sor.u32 s9, s12;
	s11 =	sor.u32 s9, s10;
	v28 =	vmul.f32 v9, v63;
	[dreg:$0x19] =	wrdreg s15  }
0x429: {  	v53 =	vadd.s32 $0x8000, v7;
	s10 =	sor.u32 s9, s24;
	s15 =	smov.u32 s17;
	s17 =	rddreg [dreg:$0xb]  }
0x42a: {  	v59 =	vadd.s32 $0x4000, v52;
	s24 =	smov.u32 s23;
	s23 =	smov.u32 s22;
	s22 =	rddreg [dreg:$0xc];
	v44 =	vsub.f32 v28, v31;
	v28 =	vsub.f32 v58, v20;
	v58 =	vld.idx.msk [tilespmem:v57+s6+$0x0], $0xffff;
	[tilespmem:s17+$0x0] =	vst v56  }
0x42b: {  	s12 =	sor.u32 s9, s5;
	s5 =	sor.u32 s9, s28;
	s28 =	smov.u32 s8;
	[tilespmem:s22+$0x0] =	vst v0;
	v0 =	vld [tilespmem:$0x1FAE0]  }
0x42c: {  	[dreg:$0xa] =	wrdreg s28  }
0x42d: {  	s28 =	sld [smem:$0x7D6]  }
0x42e: {  	[tilespmem:s18+$0x11100] =	vst v9;
	v40 =	vld.idx.msk [tilespmem:v53+s6+$0x0], $0xffff  }
0x42f: {  	[tilespmem:s18+$0x11000] =	vst v24;
	v54 =	vadd.s32 $0x8000, v8;
	v53 =	vld.idx.msk [tilespmem:v59+s6+$0x0], $0xffff  }
0x430: {  	v59 =	vld.idx.msk [tilespmem:v50+s6+$0x0], $0xffff;
	[tilespmem:s28+$0x0] =	vst v0;
	v0 =	vmov v34  }
0x431: {  	[tilespmem:$0x1FAF0] =	vst v0;
	v0 =	vld [tilespmem:$0x1FAB0]  }
0x432: {  	v15 =	vmul.f32 v9, v18;
	s13 =	sor.u32 s0, s3;
	[tilespmem:s31+$0x15180] =	vst v21  }
0x433: {  	[tilespmem:$0x1FA80] =	vst v16;
	v60 =	vld [tilespmem:s13+$0xCC00];
	s8 =	sld [smem:$0x7D7]  }
0x434: {  	[tilespmem:$0x1FA90] =	vst v6;
	v6 =	vsub.f32 v35, v15;
	v54 =	vld.idx.msk [tilespmem:v54+s6+$0x0], $0xffff  }
0x435: {  	[tilespmem:$0x1FA70] =	vst v10;
	v16 =	vadd.s32 $0x4000, v47  }
0x436: {  	s31 =	sor.u32 s9, s7;
	v35 =	vmul.f32 v6, v6;
	v7 =	vadd.s32 $0x8000, v45;
	v31 =	vmul.f32 v5, v5;
	[tilespmem:s8+$0x0] =	vst v0;
	v0 =	vmovc v29  }
0x437: {  	s7 =	sor.u32 s9, s30;
	v8 =	vadd.s32 $0x8000, v47;
	s9 =	smov.u32 s18;
	s25 =	smov.u32 s23;
	[tilespmem:$0x1FAE0] =	vst v0;
	v0 =	vld [tilespmem:$0x1FAC0]  }
0x438: {  	[tilespmem:$0x1FA30] =	vst v11;
	v45 =	vld.idx.msk [tilespmem:v45+s6+$0x0], $0xffff;
	s23 =	smov.u32 s31;
	s31 =	smov.u32 s9;
	s9 =	sld [smem:$0x7D8];
	v11 =	vadd.s32 $0x8000, v60;
	v31 =	vadd.f32 v35, v31  }
0x439: {  	v47 =	vld.idx.msk [tilespmem:v47+s6+$0x0], $0xffff;
	v4 =	vsub.f32 v54, v40;
	v39 =	vmul.f32 v2, v2;
	v35 =	vmul.f32 v28, v28;
	s22 =	smov.u32 s10;
	s10 =	sld [smem:$0x7D9]  }
0x43a: {  	[tilespmem:$0x1FA00] =	vst v6;
	v63 =	vmul.f32 v43, v43;
	v10 =	vld.idx.msk [tilespmem:v16+s6+$0x0], $0xffff  }
0x43b: {  	v7 =	vld.idx.msk [tilespmem:v7+s6+$0x0], $0xffff;
	v14 =	vmul.f32 v4, v4;
	v39 =	vadd.f32 v35, v39;
	[tilespmem:s9+$0x0] =	vst v49  }
0x43c: {  	v33 =	vadd.s32 $0x8000, v52;
	v63 =	vadd.f32 v62, v63;
	v8 =	vld.idx.msk [tilespmem:v8+s6+$0x0], $0xffff;
	[tilespmem:s10+$0x0] =	vst v0;
	v0 =	vmov v3  }
0x43d: {  	v6 =	vadd.s32 $0x4000, v32;
	v12 =	vadd.f32 v14, v39;
	[tilespmem:$0x1FAC0] =	vst v0;
	v0 =	vld [tilespmem:$0x1FAD0]  }
0x43e: {  	(erf) = vrsqrt.f32 v63;
	v54 =	vld.idx.msk [tilespmem:v11+s6+$0x0], $0xffff  }
0x43f: {  	v16 =	vmul.f32 v44, v44;
	s17 =	smov.u32 s11;
	s11 =	sld [smem:$0x7DA];
	(erf) = vrsqrt.f32 v12;
	v34 =	vld.idx.msk [tilespmem:v52+s6+$0x0], $0xffff  }
0x440: {  	[tilespmem:$0x1F9D0] =	vst v13;
	v9 =	vadd.s32 $0x8000, v50;
	v61 =	vadd.s32 $0x4000, v60;
	v38 =	vld [tilespmem:$0x1FFF0]  }
0x441: {  	v13 =	vadd.s32 $0x8000, v32;
	[tilespmem:s20+$0x15000] =	vst v48;
	v57 =	vmul.f32 v46, v46;
	v23 =	vadd.f32 v31, v16;
	v49 =	vld.idx.msk [tilespmem:v33+s6+$0x0], $0xffff  }
0x442: {  	v15 =	vmovc v42;
	vm0 =	veq.f32 v63, $+Inf;
	vm4 =	veq.f32 v63, $0.0e+00;
	v56 =	vadd.f32 $9.999999970e-07, v1;
	v42 =	vld.idx.msk [tilespmem:v6+s6+$0x0], $0xffff;
	[tilespmem:s11+$0x0] =	vst v0;
	v0 =	vmovc v27  }
0x443: {  	v25 =	vmovc v37;
	v37 =	vld.idx.msk [tilespmem:v60+s6+$0x0], $0xffff;
	v31 =	vadd.f32 v55, v57;
	vm1 =	veq.f32 v23, $+Inf;
	(erf) = vrsqrt.f32 v23;
	[tilespmem:$0x1FAD0] =	vst v0  }
0x444: {  	v45 =	vsub.f32 v45, v34;
	v29 =	vsub.f32 v51, v53;
	v3 =	vand.u32 $0x80000000, v23;
	v60 =	vld.idx.msk [tilespmem:v32+s6+$0x0], $0xffff;
	[tilespmem:s4+$0x15000] =	vst v26  }
0x445: {  	v8 =	vsub.f32 v8, v54;
	vm6 =	veq.f32 v12, $+Inf;
	(erf) = vrsqrt.f32 v31;
	v51 =	vld.idx.msk [tilespmem:v61+s6+$0x0], $0xffff;
	[tilespmem:s4+$0x15080] =	vst v26  }
0x446: {  	v1 =	vmul.f32 v45, v45;
	v6 =	vmul.f32 v29, v29;
	v0 =	vadd.f32 $9.999999970e-07, v5;
	v9 =	vld.idx.msk [tilespmem:v9+s6+$0x0], $0xffff;
	[tilespmem:s4+$0x15100] =	vst v26  }
0x447: {  	s0 =	sadd.s32 $0xD400, s0;
	s18 =	smov.u32 s14;
	vm14 =	veq.f32 v12, $0.0e+00;
	v7 =	vsub.f32 v7, v49;
	v50 =	vor.u32 v3, v38;
	v3 =	vpop (erf);
	[tilespmem:s4+$0x15180] =	vst v26  }
0x448: {  	[dreg:$0xb] =	wrdreg s18;
	s18 =	sor.u32 s15, s0;
	v6 =	vadd.f32 v6, v1;
	v27 =	vand.u32 $0x80000000, v31;
	[tilespmem:$0x1F9F0] =	vst v0;
	v0 =	vadd.f32 $9.999999970e-07, v30;
	v24 =	vld.idx.msk [tilespmem:v13+s6+$0x0], $0xffff;
	v30 =	vpop (erf)  }
0x449: {  	v55 =	vor.u32 v27, v38;
	v32 =	vsub.f32 v47, v37;
	v13 =	vld [tilespmem:s18+$0x0];
	v30 =	vmul.f32 v30, v12  }
0x44a: {  	v27 =	vsub.f32 v10, v51;
	v47 =	vsub.f32 v58, v42;
	v26 =	vmovc v36;
	v36 =	vand.u32 $0x80000000, v12  }
0x44b: {  	v39 =	vor.u32 v36, v38;
	[tilespmem:$0x1FA10] =	vst v0;
	v0 =	vld [tilespmem:$0x1FB50];
	v52 =	vsub.f32 v59, v60;
	v30 =	vsel vm6, $0x7F800000, v30  }
0x44c: {  	v35 =	vmul.f32 v32, v32;
	v10 =	vmul.f32 v27, v27;
	v12 =	vsel vm14, v39, v30  }
0x44d: {  	s30 =	smov.u32 s16;
	v11 =	vmul.f32 v47, v47;
	[tilespmem:s20+$0x15080] =	vst v48;
	v59 =	vmul.f32 v52, v52;
	v12 =	vadd.f32 $9.999999970e-07, v12  }
0x44e: {  	s29 =	smov.u32 s3;
	s16 =	smov.u32 s12;
	s12 =	sor.u32 s19, s0;
	[tilespmem:s20+$0x15100] =	vst v48;
	v48 =	vmul.f32 v7, v7;
	v5 =	vpop (erf);
	v9 =	vsub.f32 v9, v24;
	v30 =	vadd.s32 $0x4000, v13  }
0x44f: {  	s14 =	sor.u32 s29, s0;
	v58 =	vld [tilespmem:s12+$0x0];
	[tilespmem:s1+$0x11180] =	vst v22;
	v22 =	vpop (erf);
	v11 =	vadd.f32 v11, v59;
	v59 =	vadd.s32 $0x8000, v13;
	(erf) = vrcp.f32 v12  }
0x450: {  	vm3 =	veq.f32 v23, $0.0e+00;
	v61 =	vld [tilespmem:s14+$0x0];
	v36 =	vmul.f32 v8, v8;
	v10 =	vadd.f32 v10, v35;
	[tilespmem:s1+$0x11000] =	vst v0  }
0x451: {  	s0 =	sor.u32 s25, s0;
	v4 =	vadd.f32 $9.999999970e-07, v4;
	v6 =	vadd.f32 v48, v6;
	v48 =	vmul.f32 v9, v9;
	v0 =	vld [tilespmem:s2+$0xDC00]  }
0x452: {  	vm2 =	veq.f32 v31, $+Inf;
	v5 =	vmul.f32 v5, v23;
	v23 =	vld [tilespmem:s0+$0x0];
	v10 =	vadd.f32 v36, v10  }
0x453: {  	vm5 =	veq.f32 v31, $0.0e+00;
	(erf) = vrsqrt.f32 v6;
	v11 =	vadd.f32 v48, v11;
	v30 =	vld.idx.msk [tilespmem:v30+s6+$0x0], $0xffff  }
0x454: {  	v14 =	vand.u32 $0x80000000, v63;
	v3 =	vmul.f32 v3, v63;
	(erf) = vrsqrt.f32 v10;
	v59 =	vld.idx.msk [tilespmem:v59+s6+$0x0], $0xffff  }
0x455: {  	v57 =	vor.u32 v14, v38;
	v21 =	vadd.f32 $9.999999970e-07, v8;
	v13 =	vld.idx.msk [tilespmem:v13+s6+$0x0], $0xffff;
	(erf) = vrsqrt.f32 v11  }
0x456: {  	v14 =	vadd.s32 $0x4000, v61;
	v3 =	vsel vm0, $0x7F800000, v3;
	v1 =	vmovc v60;
	v60 =	vadd.s32 $0x4000, v58;
	[tilespmem:$0x1FA60] =	vst v0;
	v0 =	vld [tilespmem:$0x1FBE0]  }
0x457: {  	v35 =	vmovc v34;
	vm7 =	veq.f32 v6, $+Inf;
	v36 =	vand.u32 $0x80000000, v6;
	vm11 =	veq.f32 v6, $0.0e+00  }
0x458: {  	[tilespmem:$0x1FB00] =	vst v20;
	v16 =	vor.u32 v36, v38;
	v48 =	vand.u32 $0x80000000, v11;
	v20 =	vsub.f32 v30, v20;
	v34 =	vpop (erf)  }
0x459: {  	v59 =	vsub.f32 v59, v40;
	v30 =	vmul.f32 v34, v28;
	v28 =	vmul.f32 v34, v4  }
0x45a: {  	s10 =	smov.u32 s21;
	v36 =	vmovc v19;
	v17 =	vor.u32 v48, v38;
	v8 =	vsub.f32 v13, v41;
	v34 =	vmul.f32 v34, v2  }
0x45b: {  	v19 =	vadd.s32 $0x8000, v23;
	v48 =	vmovc v18;
	[tilespmem:s10+$0x11000] =	vst v0;
	v2 =	vmul.f32 v30, v59;
	v13 =	vmul.f32 v28, v20  }
0x45c: {  	v18 =	vadd.s32 $0x4000, v23;
	v4 =	vld.idx.msk [tilespmem:v23+s6+$0x0], $0xffff;
	v23 =	vpop (erf);
	v33 =	vmul.f32 v28, v8;
	v59 =	vmul.f32 v34, v59  }
0x45d: {  	vm15 =	veq.f32 v10, $+Inf;
	v20 =	vmul.f32 v34, v20;
	v8 =	vmul.f32 v30, v8;
	v0 =	vpop (erf)  }
0x45e: {  	v6 =	vmul.f32 v23, v6;
	v23 =	vpop (erf);
	v2 =	vsub.f32 v2, v13;
	v13 =	vsub.f32 v33, v59  }
0x45f: {  	vm8 =	veq.f32 v11, $+Inf;
	vm9 =	veq.f32 v11, $0.0e+00;
	v33 =	vmul.f32 v23, v11  }
0x460: {  	v11 =	vsub.f32 v20, v8;
	v59 =	vmul.f32 v2, v2;
	v20 =	vmul.f32 v13, v13  }
0x461: {  	v63 =	vand.u32 $0x80000000, v10;
	v0 =	vmul.f32 v0, v10;
	v6 =	vsel vm7, $0x7F800000, v6  }
0x462: {  	v6 =	vsel vm11, v16, v6;
	v16 =	vmul.f32 v11, v11;
	v8 =	vadd.f32 v20, v59  }
0x463: {  	vm10 =	veq.f32 v10, $0.0e+00;
	v12 =	vadd.s32 $0x8000, v58;
	v6 =	vadd.f32 $9.999999970e-07, v6  }
0x464: {  	v63 =	vor.u32 v63, v38;
	v0 =	vsel vm15, $0x7F800000, v0;
	v16 =	vadd.f32 v8, v16  }
0x465: {  	v14 =	vld.idx.msk [tilespmem:v14+s6+$0x0], $0xffff;
	v3 =	vsel vm4, v57, v3;
	v0 =	vsel vm10, v63, v0;
	(erf) = vrcp.f32 v6  }
0x466: {  	v58 =	vld.idx.msk [tilespmem:v58+s6+$0x0], $0xffff;
	v10 =	vsel vm8, $0x7F800000, v33;
	v0 =	vadd.f32 $9.999999970e-07, v0;
	(erf) = vrsqrt.f32 v16  }
0x467: {  	[tilespmem:$0x1FAB0] =	vst v15;
	v15 =	vadd.s32 $0x8000, v61;
	v3 =	vadd.f32 $9.999999970e-07, v3;
	v60 =	vld.idx.msk [tilespmem:v60+s6+$0x0], $0xffff;
	v10 =	vsel vm9, v17, v10  }
0x468: {  	v12 =	vld.idx.msk [tilespmem:v12+s6+$0x0], $0xffff;
	v63 =	vmul.f32 v22, v31;
	v10 =	vadd.f32 $9.999999970e-07, v10;
	(erf) = vrcp.f32 v0  }
0x469: {  	v7 =	vadd.f32 $9.999999970e-07, v7;
	v18 =	vld.idx.msk [tilespmem:v18+s6+$0x0], $0xffff;
	v0 =	vsub.f32 v4, v1;
	v4 =	vsel vm1, $0x7F800000, v5  }
0x46a: {  	v5 =	vsel vm2, $0x7F800000, v63;
	(erf) = vrcp.f32 v10;
	v4 =	vsel vm3, v50, v4  }
0x46b: {  	v14 =	vsub.f32 v14, v51;
	v5 =	vsel vm5, v55, v5;
	v4 =	vadd.f32 $9.999999970e-07, v4  }
0x46c: {  	v9 =	vadd.f32 $9.999999970e-07, v9;
	v5 =	vadd.f32 $9.999999970e-07, v5;
	(erf) = vrcp.f32 v3  }
0x46d: {  	v60 =	vsub.f32 v60, v53;
	v12 =	vsub.f32 v12, v49;
	(erf) = vrcp.f32 v4  }
0x46e: {  	v6 =	vsub.f32 v18, v42;
	v18 =	vsub.f32 v58, v35;
	v3 =	vpop (erf);
	(erf) = vrcp.f32 v5  }
0x46f: {  	vm7 =	veq.f32 v16, $+Inf;
	v22 =	vmul.f32 v3, v45;
	v7 =	vmul.f32 v3, v7;
	v4 =	vpop (erf)  }
0x470: {  	v15 =	vld.idx.msk [tilespmem:v15+s6+$0x0], $0xffff;
	vm8 =	veq.f32 v16, $0.0e+00;
	v8 =	vmul.f32 v3, v29;
	v3 =	vmul.f32 v4, v16  }
0x471: {  	v19 =	vld.idx.msk [tilespmem:v19+s6+$0x0], $0xffff;
	v58 =	vmul.f32 v7, v60;
	v23 =	vmul.f32 v22, v60;
	v5 =	vpop (erf);
	v4 =	vand.u32 $0x80000000, v16  }
0x472: {  	v61 =	vld.idx.msk [tilespmem:v61+s6+$0x0], $0xffff;
	v31 =	vmul.f32 v5, v32;
	v16 =	vor.u32 v4, v38;
	v20 =	vsel vm7, $0x7F800000, v3  }
0x473: {  	[tilespmem:$0x1FBC0] =	vst v42;
	v10 =	vpop (erf);
	v4 =	vmul.f32 v5, v27;
	v3 =	vmul.f32 v5, v21;
	v5 =	vsel vm8, v16, v20  }
0x474: {  	[tilespmem:$0x1FBE0] =	vst v1;
	v1 =	vmul.f32 v8, v18;
	v32 =	vmul.f32 v10, v52;
	v5 =	vadd.f32 $9.999999970e-07, v5  }
0x475: {  	v15 =	vsub.f32 v15, v54;
	v42 =	vmovc v24;
	v29 =	vmul.f32 v10, v47;
	v27 =	vmul.f32 v10, v9  }
0x476: {  	v17 =	vsub.f32 v19, v42;
	v10 =	vpop (erf);
	v16 =	vmul.f32 v8, v12;
	(erf) = vrcp.f32 v5  }
0x477: {  	v19 =	vsub.f32 v61, v37;
	v12 =	vmul.f32 v22, v12;
	v59 =	vmul.f32 v4, v15  }
0x478: {  	v15 =	vmul.f32 v31, v15;
	v33 =	vmul.f32 v31, v14  }
0x479: {  	v24 =	vmov v37;
	v37 =	vmul.f32 v4, v19;
	v61 =	vmul.f32 v3, v19  }
0x47a: {  	v63 =	vmul.f32 v29, v17;
	v52 =	vsub.f32 v16, v58;
	v16 =	vmul.f32 v3, v14  }
0x47b: {  	[tilespmem:$0x1FB50] =	vst v35;
	v13 =	vadd.f32 $9.999999970e-07, v13;
	v17 =	vmul.f32 v32, v17;
	v5 =	vmul.f32 v7, v18  }
0x47c: {  	v35 =	vmovc v40;
	v50 =	vsub.f32 v59, v16;
	v16 =	vmul.f32 v27, v6;
	v6 =	vmul.f32 v32, v6  }
0x47d: {  	v20 =	vpop (erf);
	v5 =	vsub.f32 v5, v12;
	v12 =	vsub.f32 v61, v15;
	v15 =	vmul.f32 v27, v0  }
0x47e: {  	v21 =	vpop (erf);
	v0 =	vmul.f32 v29, v0;
	v59 =	vsub.f32 v63, v16;
	v16 =	vmul.f32 v52, v52  }
0x47f: {  	v40 =	vmul.f32 v50, v50;
	v15 =	vsub.f32 v15, v17;
	v17 =	vmul.f32 v5, v5;
	v18 =	vpop (erf)  }
0x480: {  	v57 =	vsub.f32 v6, v0;
	v47 =	vmul.f32 v18, v13;
	v45 =	vmul.f32 v18, v11  }
0x481: {  	v0 =	vadd.f32 v17, v16;
	v16 =	vmul.f32 v12, v12;
	v58 =	vmul.f32 v18, v2  }
0x482: {  	v63 =	vsub.f32 v23, v1;
	v6 =	vmul.f32 v47, v28;
	v55 =	vmul.f32 v45, v30  }
0x483: {  	v61 =	vsub.f32 v33, v37;
	v60 =	vmul.f32 v45, v34;
	v33 =	vmul.f32 v58, v28  }
0x484: {  	v11 =	vadd.f32 v16, v40;
	v16 =	vmul.f32 v63, v63;
	v37 =	vmul.f32 v58, v30  }
0x485: {  	v9 =	vsub.f32 v6, v55;
	v55 =	vsub.f32 v60, v33;
	v6 =	vmul.f32 v47, v34  }
0x486: {  	v17 =	vmul.f32 v61, v61;
	v0 =	vadd.f32 v0, v16  }
0x487: {  	v16 =	vld [tilespmem:$0x1FB30];
	v60 =	vsub.f32 v37, v6;
	v6 =	vmul.f32 v9, v9;
	v37 =	vmul.f32 v55, v55  }
0x488: {  	v1 =	vmul.f32 v10, v56;
	v40 =	vmul.f32 v59, v59  }
0x489: {  	s21 =	sld [smem:$0x7DB];
	v11 =	vadd.f32 v11, v17;
	v33 =	vmul.f32 v15, v15;
	v6 =	vadd.f32 v37, v6;
	v37 =	vld [tilespmem:$0x1F9D0];
	_ =	sdelay $0x1  }
0x48a: {  	[tilespmem:s1+$0x11080] =	vst v1;
	v17 =	vld [tilespmem:$0x1FA10];
	v1 =	vand.u32 $0x80000000, v11;
	v13 =	vadd.f32 v33, v40  }
0x48b: {  	[tilespmem:s21+$0x0] =	vst v16;
	v16 =	vmov v53;
	v53 =	vor.u32 v1, v38;
	v1 =	vld [tilespmem:$0x1F9E0];
	v33 =	vmul.f32 v60, v60  }
0x48c: {  	v39 =	vld [tilespmem:s26+$0xDC00];
	s26 =	sld [smem:$0x7DC];
	v40 =	vmul.f32 v57, v57  }
0x48d: {  	s28 =	sld [smem:$0x7DD];
	v2 =	vadd.f32 $9.999999970e-07, v12;
	v6 =	vadd.f32 v6, v33;
	v33 =	vld [tilespmem:$0x1FB40];
	v12 =	vmul.f32 v10, v37  }
0x48e: {  	s2 =	sld [smem:$0x7DE];
	v13 =	vadd.f32 v13, v40;
	v40 =	vand.u32 $0x80000000, v0  }
0x48f: {  	s3 =	sld [smem:$0x7DF];
	[tilespmem:s26+$0x0] =	vst v12;
	v12 =	vor.u32 v40, v38;
	v40 =	vmul.f32 v20, v44;
	v44 =	vmul.f32 v21, v17;
	v17 =	vld [tilespmem:$0x1FA20]  }
0x490: {  	s4 =	sld [smem:$0x7E0];
	(erf) = vrsqrt.f32 v0;
	[tilespmem:s28+$0x0] =	vst v1  }
0x491: {  	s8 =	smov.u32 s5;
	s5 =	sld [smem:$0x7E1];
	v56 =	vmul.f32 v10, v43;
	(erf) = vrsqrt.f32 v6;
	[tilespmem:s2+$0x0] =	vst v36  }
0x492: {  	(erf) = vrsqrt.f32 v11;
	[tilespmem:s3+$0x0] =	vst v33  }
0x493: {  	v1 =	vadd.f32 $9.999999970e-07, v15;
	v15 =	vld [tilespmem:$0x1FA00];
	[tilespmem:s4+$0x0] =	vst v56  }
0x494: {  	[tilespmem:s5+$0x0] =	vst v17;
	v17 =	vld [tilespmem:$0x1FA30]  }
0x495: {  	v36 =	vmov v39;
	v39 =	vld [tilespmem:$0x1F9F0];
	_ =	sdelay $0x2  }
0x496: {  	vm2 =	veq.f32 v0, $+Inf;
	(erf) = vrsqrt.f32 v13  }
0x497: {  	vm9 =	veq.f32 v11, $+Inf;
	vm11 =	veq.f32 v0, $0.0e+00;
	v56 =	vmul.f32 v21, v17;
	v17 =	vpop (erf)  }
0x498: {  	v15 =	vmul.f32 v20, v15;
	v10 =	vmul.f32 v20, v39;
	v20 =	vmov v7;
	v7 =	vpop (erf)  }
0x499: {  	vm12 =	veq.f32 v11, $0.0e+00;
	v0 =	vmul.f32 v17, v0;
	v7 =	vmul.f32 v7, v6;
	v17 =	vpop (erf)  }
0x49a: {  	v18 =	vld [tilespmem:$0x1FA50];
	vm14 =	veq.f32 v6, $+Inf;
	v11 =	vmul.f32 v17, v11;
	v17 =	vand.u32 $0x80000000, v6  }
0x49b: {  	[dreg:$0xc] =	wrdreg s23;
	vm15 =	veq.f32 v6, $0.0e+00;
	v7 =	vsel vm14, $0x7F800000, v7;
	v6 =	vor.u32 v17, v38  }
0x49c: {  	s23 =	smov.u32 s7;
	s7 =	sld [smem:$0x7E2];
	v0 =	vsel vm2, $0x7F800000, v0;
	v6 =	vsel vm15, v6, v7  }
0x49d: {  	v43 =	vld [tilespmem:$0x1FB70];
	v0 =	vsel vm11, v12, v0;
	v6 =	vadd.f32 $9.999999970e-07, v6  }
0x49e: {  	v0 =	vadd.f32 $9.999999970e-07, v0  }
0x49f: {  	[tilespmem:s7+$0x0] =	vst v18;
	v18 =	vpop (erf);
	(erf) = vrcp.f32 v6;
	v6 =	vld [tilespmem:$0x1FA70]  }
0x4a0: {  	(erf) = vrcp.f32 v0;
	v0 =	vld [tilespmem:$0x1FA80]  }
0x4a1: {  	v62 =	vld [tilespmem:s13+$0xDC00];
	s9 =	rddreg [dreg:$0x1f];
	[tilespmem:s31+$0x11080] =	vst v10  }
0x4a2: {  	s11 =	rddreg [dreg:$0x1c];
	[tilespmem:s9+$0x0] =	vst v43  }
0x4a3: {  	s12 =	rddreg [dreg:$0x14];
	[tilespmem:s11+$0x0] =	vst v15  }
0x4a4: {  	s13 =	rddreg [dreg:$0x1d];
	[tilespmem:s12+$0x0] =	vst v6  }
0x4a5: {  	[tilespmem:s13+$0x0] =	vst v0;
	v0 =	vld [tilespmem:$0x1FB80]  }
0x4a6: {  	[tilespmem:$0x1FB30] =	vst v16;
	v37 =	vmov v49  }
0x4a7: {  	v49 =	vmul.f32 v21, v46;
	v46 =	vmov v51;
	[tilespmem:$0x1FB40] =	vst v37  }
0x4a8: {  	[tilespmem:$0x1FB70] =	vst v46  }
0x4a9: {  	s14 =	rddreg [dreg:$0x16];
	[tilespmem:s1+$0x15000] =	vst v25  }
0x4aa: {  	[tilespmem:s14+$0x0] =	vst v0;
	v0 =	vmov v54  }
0x4ab: {  	[tilespmem:$0x1FB80] =	vst v0;
	v0 =	vld [tilespmem:$0x1FA90]  }
0x4ac: {  	[tilespmem:s1+$0x15080] =	vst v25  }
0x4ad: {  	s18 =	rddreg [dreg:$0x12];
	[tilespmem:s1+$0x15100] =	vst v25  }
0x4ae: {  	s20 =	rddreg [dreg:$0x19];
	vm10 =	veq.f32 v13, $+Inf;
	[tilespmem:s1+$0x15180] =	vst v25;
	v21 =	vld [tilespmem:$0x1FA40]  }
0x4af: {  	v16 =	vand.u32 $0x80000000, v13;
	vm13 =	veq.f32 v13, $0.0e+00;
	s26 =	rddreg [dreg:$0xe];
	v13 =	vmul.f32 v18, v13;
	[tilespmem:s18+$0x0] =	vst v40  }
0x4b0: {  	s21 =	rddreg [dreg:$0x17];
	v17 =	vld [tilespmem:$0x1FA60];
	v7 =	vsel vm9, $0x7F800000, v11;
	s13 =	sshll.u32 s26, $0x9;
	[tilespmem:s20+$0x0] =	vst v0  }
.Ltmp1:
0x4b1: {  	v16 =	vor.u32 v16, v38;
	s28 =	rddreg [dreg:$0x10];
	v7 =	vsel vm12, v53, v7;
	v53 =	vsel vm10, $0x7F800000, v13;
	s20 =	sor.u32 s13, s15;
	[tilespmem:s21+$0x0] =	vst v48;
	(pc) =	sbr.rel @p0 .LBB2_5-.Ltmp1, $4  }
0x4b2: {  	v7 =	vadd.f32 $9.999999970e-07, v7;
	v10 =	vsel vm13, v16, v53;
	v48 =	vld [tilespmem:s28+$0xDC00];
	[tilespmem:s20+$0x11000] =	vst v41  }
0x4b3: {  	v6 =	vadd.f32 $9.999999970e-07, v10;
	[tilespmem:s31+$0x15000] =	vst v21  }
0x4b4: {  	v19 =	vmovc v8;
	v5 =	vadd.f32 $9.999999970e-07, v5;
	s9 =	smov.u32 s25;
	v18 =	vmovc v3;
	v3 =	vadd.f32 $9.999999970e-07, v9;
	(erf) = vrcp.f32 v7;
	[tilespmem:s31+$0x15080] =	vst v21  }
0x4b5: {  	v16 =	vmov v4;
	v37 =	vmov v17;
	(erf) = vrcp.f32 v6;
	s1 =	sor.u32 s19, s13;
	v39 =	vpop (erf);
	s18 =	sor.u32 s13, s29;
	s21 =	sor.u32 s13, s25;
	[tilespmem:s31+$0x15100] =	vst v21  }
0x4b6: {  	v3 =	vmul.f32 v39, v3;
	[tilespmem:s20+$0x11180] =	vst v34  }
0x4b7: {  	[tilespmem:s20+$0x11100] =	vst v58  }
0x4b8: {  	[tilespmem:s20+$0x11080] =	vst v3  }
0x4b9: {  	v43 =	vld [tilespmem:$0x1FB00];
	_ =	sdelay $0x2  }
0x4ba: {  	v0 =	vpop (erf);
	s0 =	sadd.s32 $0x12000, s13;
	v41 =	vmul.f32 v39, v55;
	[tilespmem:s31+$0x15180] =	vst v21  }
0x4bb: {  	s2 =	sadd.s32 $0x12080, s13;
	v8 =	vmul.f32 v0, v5;
	v7 =	vmul.f32 v0, v63;
	s3 =	sor.u32 s15, s0;
	[tilespmem:s10+$0x11080] =	vst v44  }
0x4bc: {  	s4 =	sadd.s32 $0x12100, s13;
	v0 =	vmul.f32 v0, v52;
	s24 =	sor.u32 s15, s2;
	[tilespmem:s3+$0x0] =	vst v43  }
0x4bd: {  	s11 =	sadd.s32 $0x12180, s13;
	s25 =	sor.u32 s15, s4;
	v4 =	vmul.f32 v8, v20;
	v15 =	vmul.f32 v7, v19;
	[tilespmem:s24+$0x0] =	vst v41  }
0x4be: {  	s5 =	sadd.s32 $0x13000, s13;
	s26 =	sor.u32 s15, s11;
	v6 =	vmul.f32 v7, v22;
	v9 =	vmul.f32 v0, v20;
	[tilespmem:s25+$0x0] =	vst v47  }
0x4bf: {  	v46 =	vmul.f32 v39, v60;
	s12 =	sadd.s32 $0x13080, s13;
	s28 =	sor.u32 s15, s5;
	v17 =	vmul.f32 v0, v19;
	[tilespmem:s26+$0x0] =	vst v30  }
0x4c0: {  	s14 =	sadd.s32 $0x13100, s13;
	s30 =	sor.u32 s15, s12;
	v23 =	vmul.f32 v8, v22;
	v10 =	vsub.f32 v4, v15;
	v6 =	vsub.f32 v6, v9;
	[tilespmem:s28+$0x0] =	vst v35  }
0x4c1: {  	s13 =	sadd.s32 $0x13180, s13;
	s7 =	sor.u32 s15, s14;
	[tilespmem:s30+$0x0] =	vst v46  }
0x4c2: {  	s15 =	sor.u32 s15, s13;
	v33 =	vsub.f32 v17, v23;
	v25 =	vmul.f32 v10, v10;
	v38 =	vmul.f32 v6, v6;
	v11 =	vpop (erf);
	[tilespmem:s7+$0x0] =	vst v45  }
0x4c3: {  	v5 =	vmul.f32 v11, v2;
	v4 =	vmul.f32 v11, v61;
	[tilespmem:s15+$0x0] =	vst v28  }
0x4c4: {  	v13 =	vmul.f32 v33, v33;
	v9 =	vmul.f32 v11, v50;
	v23 =	vld [tilespmem:$0x1FAA0]  }
0x4c5: {  	v12 =	vadd.f32 v38, v25;
	v50 =	vmul.f32 v5, v18;
	v14 =	vmul.f32 v4, v16  }
0x4c6: {  	v15 =	vmul.f32 v4, v31;
	v51 =	vmul.f32 v9, v18  }
0x4c7: {  	v12 =	vadd.f32 v12, v13  }
0x4c8: {  	v30 =	vmov v16;
	v13 =	vsub.f32 v50, v14;
	v16 =	vsub.f32 v15, v51;
	s3 =	rddreg [dreg:$0xa]  }
0x4c9: {  	[tilespmem:s3+$0x0] =	vst v23  }
0x4ca: {  	v61 =	vmul.f32 v13, v13;
	v25 =	vmul.f32 v16, v16;
	s3 =	rddreg [dreg:$0xb]  }
0x4cb: {  	v40 =	vpop (erf);
	[tilespmem:s3+$0x0] =	vst v56  }
0x4cc: {  	v2 =	vmul.f32 v40, v1;
	v1 =	vmul.f32 v40, v57;
	v57 =	vmovc v19;
	v19 =	vadd.f32 v25, v61;
	v25 =	vld [tilespmem:$0x1FAF0];
	_ =	sdelay $0x3  }
0x4cd: {  	s3 =	rddreg [dreg:$0xc]  }
0x4ce: {  	[tilespmem:s3+$0x0] =	vst v25  }
0x4cf: {  	v25 =	vld [tilespmem:$0x1FAE0]  }
0x4d0: {  	(erf) = vrsqrt.f32 v12;
	_ =	sdelay $0x3  }
0x4d1: {  	[tilespmem:s17+$0x0] =	vst v25  }
0x4d2: {  	v46 =	vld [tilespmem:$0x1FAB0];
	_ =	sdelay $0x1  }
0x4d3: {  	v3 =	vmul.f32 v40, v59;
	v58 =	vmul.f32 v5, v31  }
0x4d4: {  	v17 =	vmul.f32 v2, v27;
	v52 =	vmul.f32 v1, v29  }
0x4d5: {  	v53 =	vmul.f32 v1, v32;
	v54 =	vmul.f32 v3, v27;
	v41 =	vpop (erf)  }
0x4d6: {  	v63 =	vmov v20;
	v59 =	vmul.f32 v3, v29;
	v20 =	vmul.f32 v41, v12;
	v25 =	vld [tilespmem:$0x1FFF0];
	[tilespmem:s16+$0x0] =	vst v46  }
0x4d7: {  	v60 =	vmul.f32 v2, v32;
	v55 =	vmul.f32 v9, v30;
	vm0 =	veq.f32 v12, $+Inf;
	[tilespmem:s22+$0x0] =	vst v49  }
0x4d8: {  	v14 =	vsub.f32 v17, v52;
	v17 =	vsub.f32 v53, v54;
	v45 =	vsel vm0, $0x7F800000, v20;
	v20 =	vld [tilespmem:$0x1FAC0]  }
0x4d9: {  	v34 =	vmov v18;
	v18 =	vsub.f32 v55, v58  }
0x4da: {  	v15 =	vsub.f32 v59, v60;
	v38 =	vmul.f32 v14, v14;
	v39 =	vmul.f32 v17, v17  }
0x4db: {  	v40 =	vmul.f32 v18, v18  }
0x4dc: {  	v44 =	vand.u32 $0x80000000, v12;
	v43 =	vmul.f32 v15, v15;
	v11 =	vadd.f32 v39, v38  }
0x4dd: {  	vm1 =	veq.f32 v12, $0.0e+00;
	v19 =	vadd.f32 v19, v40;
	v23 =	vor.u32 v44, v25;
	[tilespmem:s23+$0x0] =	vst v20  }
0x4de: {  	v11 =	vadd.f32 v11, v43;
	v12 =	vsel vm1, v23, v45;
	v20 =	vld [tilespmem:$0x1FAD0];
	[tilespmem:s20+$0x15180] =	vst v48  }
0x4df: {  	(erf) = vrsqrt.f32 v19;
	v12 =	vadd.f32 $9.999999970e-07, v12;
	[tilespmem:s1+$0x11100] =	vst v0  }
0x4e0: {  	(erf) = vrsqrt.f32 v11;
	[tilespmem:s20+$0x15000] =	vst v48  }
0x4e1: {  	(erf) = vrcp.f32 v12;
	[tilespmem:s20+$0x15080] =	vst v48  }
0x4e2: {  	[tilespmem:s20+$0x15100] =	vst v48  }
0x4e3: {  	[tilespmem:s1+$0x11180] =	vst v22  }
0x4e4: {  	[tilespmem:s8+$0x0] =	vst v20  }
0x4e5: {  	[tilespmem:s10+$0x15000] =	vst v26  }
0x4e6: {  	[tilespmem:s10+$0x15080] =	vst v26  }
0x4e7: {  	[tilespmem:s10+$0x15100] =	vst v26  }
0x4e8: {  	v47 =	vpop (erf);
	[tilespmem:s10+$0x15180] =	vst v26  }
0x4e9: {  	v10 =	vadd.f32 $9.999999970e-07, v10;
	v49 =	vpop (erf);
	v22 =	vld [tilespmem:$0x1FB50]  }
0x4ea: {  	v0 =	vmul.f32 v47, v19;
	v50 =	vpop (erf)  }
0x4eb: {  	v51 =	vand.u32 $0x80000000, v19;
	vm12 =	veq.f32 v19, $+Inf;
	v10 =	vmul.f32 v50, v10  }
0x4ec: {  	vm13 =	veq.f32 v19, $0.0e+00;
	v21 =	vor.u32 v51, v25;
	v0 =	vsel vm12, $0x7F800000, v0  }
0x4ed: {  	v0 =	vsel vm13, v21, v0;
	[tilespmem:s1+$0x11080] =	vst v10  }
0x4ee: {  	v0 =	vadd.f32 $9.999999970e-07, v0;
	[tilespmem:s1+$0x11000] =	vst v22  }
0x4ef: {  	v10 =	vld [tilespmem:$0x1FB30]  }
0x4f0: {  	(erf) = vrcp.f32 v0;
	_ =	sdelay $0x2  }
0x4f1: {  	s16 =	sor.u32 s19, s0;
	v6 =	vmul.f32 v50, v6  }
0x4f2: {  	s17 =	sor.u32 s19, s2;
	[tilespmem:s16+$0x0] =	vst v10  }
0x4f3: {  	s20 =	sor.u32 s19, s4;
	[tilespmem:s17+$0x0] =	vst v6  }
0x4f4: {  	s22 =	sor.u32 s19, s11;
	[tilespmem:s20+$0x0] =	vst v8  }
0x4f5: {  	[tilespmem:s22+$0x0] =	vst v57  }
0x4f6: {  	v53 =	vadd.f32 $9.999999970e-07, v13;
	v6 =	vld [tilespmem:$0x1FB40]  }
0x4f7: {  	v54 =	vpop (erf);
	[tilespmem:s18+$0x11100] =	vst v9  }
0x4f8: {  	v0 =	vmul.f32 v54, v53;
	[tilespmem:s18+$0x11180] =	vst v31  }
0x4f9: {  	[tilespmem:s18+$0x11000] =	vst v24  }
0x4fa: {  	s23 =	sor.u32 s19, s5;
	v52 =	vmul.f32 v50, v33;
	[tilespmem:s18+$0x11080] =	vst v0  }
0x4fb: {  	s24 =	sor.u32 s19, s12;
	[tilespmem:s23+$0x0] =	vst v6  }
0x4fc: {  	s25 =	sor.u32 s19, s14;
	[tilespmem:s24+$0x0] =	vst v52  }
0x4fd: {  	s26 =	sor.u32 s19, s13;
	[tilespmem:s25+$0x0] =	vst v7  }
0x4fe: {  	[tilespmem:s26+$0x0] =	vst v63  }
0x4ff: {  	[tilespmem:s1+$0x15000] =	vst v37  }
0x500: {  	[tilespmem:s1+$0x15080] =	vst v37  }
0x501: {  	[tilespmem:s1+$0x15100] =	vst v37  }
0x502: {  	[tilespmem:s1+$0x15180] =	vst v37  }
0x503: {  	v0 =	vld [tilespmem:$0x1FB70];
	_ =	sdelay $0x3  }
0x504: {  	s28 =	sor.u32 s29, s0;
	v57 =	vmul.f32 v54, v16  }
0x505: {  	s30 =	sor.u32 s29, s2;
	[tilespmem:s28+$0x0] =	vst v0  }
0x506: {  	s31 =	sor.u32 s29, s4;
	[tilespmem:s30+$0x0] =	vst v57  }
0x507: {  	s3 =	sor.u32 s29, s11;
	[tilespmem:s31+$0x0] =	vst v5  }
0x508: {  	v56 =	vmul.f32 v49, v11;
	[tilespmem:s3+$0x0] =	vst v30  }
0x509: {  	v55 =	vand.u32 $0x80000000, v11;
	vm14 =	veq.f32 v11, $+Inf;
	v5 =	vld [tilespmem:$0x1FB80]  }
0x50a: {  	vm15 =	veq.f32 v11, $0.0e+00;
	v8 =	vsel vm14, $0x7F800000, v56;
	v7 =	vor.u32 v55, v25  }
0x50b: {  	v58 =	vsel vm15, v7, v8  }
0x50c: {  	v0 =	vadd.f32 $9.999999970e-07, v58;
	[tilespmem:s21+$0x11100] =	vst v3  }
0x50d: {  	s7 =	sor.u32 s29, s5;
	v59 =	vmul.f32 v54, v18;
	[tilespmem:s21+$0x11180] =	vst v32  }
0x50e: {  	s8 =	sor.u32 s29, s12;
	(erf) = vrcp.f32 v0;
	[tilespmem:s7+$0x0] =	vst v5  }
0x50f: {  	s10 =	sor.u32 s29, s14;
	[tilespmem:s8+$0x0] =	vst v59  }
0x510: {  	s15 =	sor.u32 s29, s13;
	[tilespmem:s10+$0x0] =	vst v4  }
0x511: {  	[tilespmem:s15+$0x0] =	vst v34  }
0x512: {  	[tilespmem:s18+$0x15000] =	vst v62  }
0x513: {  	[tilespmem:s18+$0x15080] =	vst v62  }
0x514: {  	[tilespmem:s18+$0x15100] =	vst v62  }
0x515: {  	[tilespmem:s18+$0x15180] =	vst v62  }
0x516: {  	v60 =	vadd.f32 $9.999999970e-07, v14;
	v4 =	vld [tilespmem:$0x1FBE0]  }
0x517: {  	v61 =	vpop (erf)  }
0x518: {  	v0 =	vmul.f32 v61, v60;
	_ =	sdelay $0x1  }
0x519: {  	[tilespmem:s21+$0x11080] =	vst v0  }
0x51a: {  	[tilespmem:s21+$0x11000] =	vst v4  }
0x51b: {  	v0 =	vld [tilespmem:$0x1FBC0];
	_ =	sdelay $0x3  }
0x51c: {  	s0 =	sor.u32 s9, s0;
	v62 =	vmul.f32 v61, v17  }
0x51d: {  	s16 =	sor.u32 s9, s2;
	[tilespmem:s0+$0x0] =	vst v0  }
0x51e: {  	s17 =	sor.u32 s9, s4;
	[tilespmem:s16+$0x0] =	vst v62  }
0x51f: {  	s18 =	sor.u32 s9, s11;
	[tilespmem:s17+$0x0] =	vst v2  }
0x520: {  	s19 =	sor.u32 s9, s5;
	v63 =	vmul.f32 v61, v15;
	[tilespmem:s18+$0x0] =	vst v29  }
0x521: {  	s20 =	sor.u32 s9, s12;
	[tilespmem:s19+$0x0] =	vst v42  }
0x522: {  	s22 =	sor.u32 s9, s14;
	[tilespmem:s20+$0x0] =	vst v63  }
0x523: {  	s23 =	sor.u32 s9, s13;
	[tilespmem:s22+$0x0] =	vst v1  }
0x524: {  	[tilespmem:s23+$0x0] =	vst v27  }
0x525: {  	[tilespmem:s21+$0x15000] =	vst v36  }
0x526: {  	s0 =	sld [smem:$0x7EF];
	[tilespmem:s21+$0x15080] =	vst v36  }
0x527: {  	s1 =	sld [smem:$0x7F3];
	[tilespmem:s21+$0x15100] =	vst v36  }
0x528: {  	[tilespmem:s21+$0x15180] =	vst v36  }
0x529: {  	s7 =	sld [smem:$0x7F0]  }
0x52a: {  	s24 =	rddreg [dreg:$0x3]  }
0x52b: {  	s25 =	simm.s32 $0x1000;
	s29 =	sld [smem:$0x7F4]  }
0x52c: {  	s26 =	simm.s32 $0x10000;
	s0 =	sshll.u32 s0, $0xC;
	s7 =	sadd.s32 $0x1, s7  }
0x52d: {  	s28 =	simm.s32 $0x11000;
	s1 =	sor.u32 s1, s0;
	p0 =	sne.s32 s7, $0x8  }
.Ltmp2:
0x52e: {  	s1 =	sshrl.u32 s1, $0x3;
	s0 =	sor.u32 s29, s0;
	(pc) =	sbr.rel @p0 .LBB2_2-.Ltmp2, $4  }
0x52f: {  	s30 =	rddreg [dreg:$0x4];
	s1 =	sadd.s32 s24, s1;
	s0 =	sshrl.u32 s0, $0x3  }
0x530: {  	[hbm4b:s1+s25] =	stream.strided.scatter [tilespmem:s28], [sflag:$0x4], $0x3000, s26, s25, $0x38;
	[tilespmem:$0x16000] =	vst v63  }
0x531: {  	s31 =	simm.s32 $0x15000;
	s0 =	sadd.s32 s30, s0  }
0x532: {  	[hbm4b:s0+s6] =	stream.linear.scatter [tilespmem:s31], [sflag:$0x4], $0x1000, $0x38;
	[tilespmem:$0x16000] =	vst v63  }
0x533: {  	s0 =	simm.s32 $0x3  }
0x534: {  	_ =	swait.ge [sflag:s0], $0x3000  }
0x535: {  	[sflag:s0] =	ssyncset.done $0x0  }
0x536: {  	[sflag:s0] =	ssyncadd.s32 $0xFFFFD000  }
0x537: {  	_ =	swait.ge [sflag:s0], $0x1000  }
0x538: {  	[sflag:s0] =	ssyncset.done $0x0  }
0x539: {  	s1 =	simm.s32 $0x4;
	[sflag:s0] =	ssyncadd.s32 $0xFFFFF000  }
0x53a: {  	_ =	swait.ge [sflag:s1], $0x3000  }
0x53b: {  	[sflag:s1] =	ssyncset.done $0x0  }
0x53c: {  	[sflag:s1] =	ssyncadd.s32 $0xFFFFD000  }
0x53d: {  	_ =	swait.ge [sflag:s1], $0x1000  }
0x53e: {  	s2 =	sld [smem:$0x7F1]  }
0x53f: {  	s31 =	sld [smem:$0x7F7];
	_ =	sdelay $0x1  }
0x540: {  	s2 =	sadd.s32 $0x1, s2  }
0x541: {  	p0 =	sne.s32 s2, s31  }
.Ltmp3:
0x542: {  	_ = 	snop;
	(pc) =	sbr.rel @p0 .LBB2_1-.Ltmp3, $3  }
0x543: {  	_ =	sdelay $0x1  }
0x544: {  	[sflag:s1] =	ssyncset.done $0x0  }
0x545: {  	[sflag:s1] =	ssyncadd.s32 $0xFFFFF000  }
0x546: {  	_ =	sfence.sel $0x180000  }
0x547: {  	[bflag:$0x0] =	sbarrier.arrive $0xFFFF  }
0x548: {  	_ =	strace $0x90000047  }
0x549: {  	s0 =	stileid.u32;
	[bflag:$0x2] =	sbarrier.arrive $0xFFFF  }
0x54a: {  	p0 =	sne.s32 s0, $0x0;
	s0 =	rddreg [dreg:$0x5]  }
0x54b: {  	s0 =	sadd.s32 @!p0 $0x100000, s0  }
0x54c: {  	[sflag:s0] =	ssyncadd.tile.s32 @!p0 $0x1;
	_ =	shalt  }
.Lfunc_end2:
_tile_overlayer_lowered:
.L_overlay_start_2:
0x54d: {  	(tag) =	ssettag $0x2  }
0x54e: {  	s0 =	rddreg [dreg:$0x0];
	s2 =	stileid.u32  }
0x54f: {  	s1 =	rddreg [dreg:$0x1];
	p0 =	sne.s32 s2, $0x0  }
0x550: {  	s3 =	rddreg [dreg:$0x2];
	[bflag:$0x3] =	sbarrier.arrive $0xFFFF;
	s2 =	simm.s32 @!p0 $0x1C05  }
0x551: {  	[timem:s3], [sflag:s2] =	dma.local @!p0 [hbm:s0], s1  }
0x552: {  	s0 =	simm.s32 @!p0 $0x5  }
0x553: {  	_ =	swait.ge @!p0 [sflag:s0], s1  }
0x554: {  	s1 =	ssub.s32 @!p0 $0x0, s1;
	[sflag:s0] =	ssyncset.done @!p0 $0x0  }
0x555: {  	[sflag:s0] =	ssyncadd.s32 @!p0 s1  }
0x556: {  	[bflag:$0x3] =	sbarrier.arrive $0xFFFF  }
0x557: {  	_ =	shalt  }

</sc_bundles>
